<compile_context>
chip_gen: v7x
topology: tpu7x:2x2x1
jax: 0.10.2.dev20260603
libtpu: 0.0.44.dev20260713+nightly
codegen_flags: <defaults>
</compile_context>

<pallas_src>
import functools

import jax
import jax.numpy as jnp
from jax import lax
from jax.experimental import pallas as pl
from jax.experimental.pallas import tpu as pltpu
from jax.experimental.pallas import tpu_sc as plsc

_H = 128
_NB = 256
_EB = 512
_CH = 1024
_SC_CH = 128
_NC = 2
_NS = 16


def _rup(n, m):
    return (n + m - 1) // m * m


def _ln(h, g, be):
    mu = jnp.mean(h, axis=1, keepdims=True)
    xc = h - mu
    var = jnp.mean(xc * xc, axis=1, keepdims=True)
    return xc * lax.rsqrt(var + 1e-5) * g + be


def _dot(a, b):
    return jnp.dot(a, b, preferred_element_type=jnp.float32)


def _make_gather(B, H):
    NW = _NC * _NS
    rows_pw = B // NW
    nch = rows_pw // _SC_CH
    assert rows_pw * NW == B and nch * _SC_CH == rows_pw and nch % 2 == 0
    mesh = plsc.VectorSubcoreMesh(core_axis_name="c", subcore_axis_name="s")

    @functools.partial(
        pl.kernel,
        out_type=jax.ShapeDtypeStruct((B, H), jnp.float32),
        mesh=mesh,
        scratch_types=[
            pltpu.VMEM((rows_pw,), jnp.int32),
            pltpu.VMEM((_SC_CH, H), jnp.float32),
            pltpu.VMEM((_SC_CH, H), jnp.float32),
            pltpu.SemaphoreType.DMA,
            pltpu.SemaphoreType.DMA,
            pltpu.SemaphoreType.DMA,
        ],
    )
    def gat(table_hbm, idx_hbm, out_hbm, idx_v, rows0, rows1, sem_g,
            sem_o0, sem_o1):
        wid = lax.axis_index("s") * _NC + lax.axis_index("c")
        wbase = pl.multiple_of(wid * rows_pw, _SC_CH)
        pltpu.sync_copy(idx_hbm.at[pl.ds(wbase, rows_pw)], idx_v)
        bufs = ((rows0, sem_o0), (rows1, sem_o1))

        def body(j, carry):
            for b in range(2):
                c = j * 2 + b
                off = c * _SC_CH
                rows_v, sem_o = bufs[b]
                dst = out_hbm.at[pl.ds(wbase + off, _SC_CH)]

                @pl.when(j > 0)
                def _drain():
                    pltpu.make_async_copy(rows_v, dst, sem_o).wait()

                g = pltpu.make_async_copy(
                    table_hbm.at[idx_v.at[pl.ds(off, _SC_CH)]], rows_v, sem_g)
                g.start()
                g.wait()
                pltpu.make_async_copy(rows_v, dst, sem_o).start()
            return carry

        lax.fori_loop(0, nch // 2, body, 0)
        for b in range(2):
            rows_v, sem_o = bufs[b]
            pltpu.make_async_copy(
                rows_v, out_hbm.at[pl.ds(wbase, _SC_CH)], sem_o).wait()

    return gat


def _enc_body(x_ref, w1_ref, b1_ref, w2_ref, b2_ref, w3_ref, b3_ref,
              g_ref, be_ref, o_ref):
    h = jnp.maximum(_dot(x_ref[...], w1_ref[...]) + b1_ref[...], 0.0)
    h = jnp.maximum(_dot(h, w2_ref[...]) + b2_ref[...], 0.0)
    h = _dot(h, w3_ref[...]) + b3_ref[...]
    o_ref[...] = _ln(h, g_ref[...], be_ref[...])


def _mp_body(offs_ref, nh_ref, eh_any, gs_any, dst_any,
             ew1_ref, eb1_ref, ew2_ref, eb2_ref, ew3_ref, eb3_ref,
             eg_ref, ebe_ref,
             nw1_ref, nb1_ref, nw2_ref, nb2_ref, nw3_ref, nb3_ref,
             ng_ref, nbe_ref,
             o_node_ref, o_edge_any,
             ebuf, sbuf, dbuf, obuf, sem_in0, sem_in1, sem_o0, sem_o1):
    i = pl.program_id(0)
    start = offs_ref[i]
    end = offs_ref[i + 1]
    nck = (end - start + (_CH - 1)) // _CH
    npair = (nck + 1) // 2
    ntot = 2 * npair
    nh = nh_ref[...]
    cols = i * _NB + lax.broadcasted_iota(jnp.int32, (1, _NB), 1)
    sem_in = (sem_in0, sem_in1)
    sem_o = (sem_o0, sem_o1)
    ew1 = ew1_ref[...]

    def in_copies(c, b):
        base = start + c * _CH
        return (pltpu.make_async_copy(eh_any.at[pl.ds(base, _CH), :],
                                      ebuf.at[b], sem_in[b]),
                pltpu.make_async_copy(gs_any.at[pl.ds(base, _CH), :],
                                      sbuf.at[b], sem_in[b]),
                pltpu.make_async_copy(dst_any.at[pl.ds(base, _CH), :],
                                      dbuf.at[b], sem_in[b]))

    def prefetch(c, b):
        for cp in in_copies(c, b):
            cp.start()

    @pl.when(nck > 0)
    def _prime():
        prefetch(0, 0)
        prefetch(1, 1)

    def chunk(c, b, agg):
        base = start + c * _CH
        for cp in in_copies(c, b):
            cp.wait()
        e = ebuf[b]
        s = sbuf[b]
        dv = dbuf[b]

        @pl.when(c + 2 < ntot)
        def _next():
            prefetch(c + 2, b)

        ids = base + lax.broadcasted_iota(jnp.int32, (_CH, 1), 0)
        oh = jnp.where((dv == cols) & (ids < end), 1.0, 0.0)
        nd = _dot(oh, nh)
        h = (_dot(e, ew1[0:_H]) + _dot(s, ew1[_H:2 * _H])
             + _dot(nd, ew1[2 * _H:]) + eb1_ref[...])
        h = jnp.maximum(h, 0.0)
        h = jnp.maximum(_dot(h, ew2_ref[...]) + eb2_ref[...], 0.0)
        h = _dot(h, ew3_ref[...]) + eb3_ref[...]
        enew = _ln(h, eg_ref[...], ebe_ref[...]) + e
        out_cp = pltpu.make_async_copy(
            obuf.at[b], o_edge_any.at[pl.ds(base, _CH), :], sem_o[b])

        @pl.when(c >= 2)
        def _drain():
            out_cp.wait()

        obuf[b] = enew
        out_cp.start()
        return agg + lax.dot_general(oh, enew, (((0,), (0,)), ((), ())),
                                     preferred_element_type=jnp.float32)

    def pair(j, agg):
        agg = chunk(2 * j, 0, agg)
        return chunk(2 * j + 1, 1, agg)

    agg = lax.fori_loop(0, npair, pair, jnp.zeros((_NB, _H), jnp.float32))

    @pl.when(nck > 0)
    def _final_drain():
        for b in range(2):
            pltpu.make_async_copy(
                obuf.at[b], o_edge_any.at[pl.ds(start, _CH), :],
                sem_o[b]).wait()

    nw1 = nw1_ref[...]
    h = jnp.maximum(_dot(nh, nw1[:_H]) + _dot(agg, nw1[_H:]) + nb1_ref[...],
                    0.0)
    h = jnp.maximum(_dot(h, nw2_ref[...]) + nb2_ref[...], 0.0)
    h = _dot(h, nw3_ref[...]) + nb3_ref[...]
    o_node_ref[...] = _ln(h, ng_ref[...], nbe_ref[...]) + nh


def _dec_body(nh_ref, w1_ref, b1_ref, w2_ref, b2_ref, w3_ref, b3_ref,
              xr_ref, o_ref):
    h = jnp.maximum(_dot(nh_ref[...], w1_ref[...]) + b1_ref[...], 0.0)
    h = jnp.maximum(_dot(h, w2_ref[...]) + b2_ref[...], 0.0)
    o_ref[...] = _dot(h, w3_ref[...]) + b3_ref[...] + xr_ref[...]


def _wspec(shape):
    return pl.BlockSpec(shape, lambda i: tuple(0 for _ in shape))


def _enc_call(xin, W1, b1, W2, b2, W3, b3, g, be, blk):
    R = xin.shape[0]
    return pl.pallas_call(
        _enc_body,
        grid=(R // blk,),
        in_specs=[pl.BlockSpec((blk, xin.shape[1]), lambda i: (i, 0)),
                  _wspec(W1.shape), _wspec((1, _H)), _wspec(W2.shape),
                  _wspec((1, _H)), _wspec(W3.shape), _wspec((1, _H)),
                  _wspec((1, _H)), _wspec((1, _H))],
        out_specs=pl.BlockSpec((blk, _H), lambda i: (i, 0)),
        out_shape=jax.ShapeDtypeStruct((R, _H), jnp.float32),
    )(xin, W1, b1, W2, b2, W3, b3, g, be)


def _mp_call(node_h, offs, edge_h, g_src, dst2d, ew, nw):
    N_pad = node_h.shape[0]
    E_pad = edge_h.shape[0]
    return pl.pallas_call(
        _mp_body,
        grid=(N_pad // _NB,),
        in_specs=[pl.BlockSpec(memory_space=pltpu.SMEM),
                  pl.BlockSpec((_NB, _H), lambda i: (i, 0)),
                  pl.BlockSpec(memory_space=pl.ANY),
                  pl.BlockSpec(memory_space=pl.ANY),
                  pl.BlockSpec(memory_space=pl.ANY),
                  _wspec(ew[0].shape), _wspec((1, _H)), _wspec(ew[2].shape),
                  _wspec((1, _H)), _wspec(ew[4].shape), _wspec((1, _H)),
                  _wspec((1, _H)), _wspec((1, _H)),
                  _wspec(nw[0].shape), _wspec((1, _H)), _wspec(nw[2].shape),
                  _wspec((1, _H)), _wspec(nw[4].shape), _wspec((1, _H)),
                  _wspec((1, _H)), _wspec((1, _H))],
        out_specs=[pl.BlockSpec((_NB, _H), lambda i: (i, 0)),
                   pl.BlockSpec(memory_space=pl.ANY)],
        out_shape=[jax.ShapeDtypeStruct((N_pad, _H), jnp.float32),
                   jax.ShapeDtypeStruct((E_pad, _H), jnp.float32)],
        scratch_shapes=[pltpu.VMEM((2, _CH, _H), jnp.float32),
                        pltpu.VMEM((2, _CH, _H), jnp.float32),
                        pltpu.VMEM((2, _CH, 1), jnp.int32),
                        pltpu.VMEM((2, _CH, _H), jnp.float32),
                        pltpu.SemaphoreType.DMA,
                        pltpu.SemaphoreType.DMA,
                        pltpu.SemaphoreType.DMA,
                        pltpu.SemaphoreType.DMA],
    )(offs, node_h, edge_h, g_src, dst2d, *ew, *nw)


def _dec_call(node_h, W1, b1, W2, b2, W3, b3, xres):
    N_pad = node_h.shape[0]
    return pl.pallas_call(
        _dec_body,
        grid=(N_pad // _NB,),
        in_specs=[pl.BlockSpec((_NB, _H), lambda i: (i, 0)),
                  _wspec(W1.shape), _wspec((1, _H)), _wspec(W2.shape),
                  _wspec((1, _H)), _wspec(W3.shape), _wspec((1, _H)),
                  pl.BlockSpec((_NB, _H), lambda i: (i, 0))],
        out_specs=pl.BlockSpec((_NB, _H), lambda i: (i, 0)),
        out_shape=jax.ShapeDtypeStruct((N_pad, _H), jnp.float32),
    )(node_h, W1, b1, W2, b2, W3, b3, xres)


def _prep3(p, in_pad=None, out_pad=None):
    (W1, b1), (W2, b2), (W3, b3) = p["lin"]
    if in_pad is not None and W1.shape[0] < in_pad:
        W1 = jnp.zeros((in_pad, W1.shape[1]), jnp.float32).at[:W1.shape[0]].set(W1)
    if out_pad is not None and W3.shape[1] < out_pad:
        W3 = jnp.zeros((W3.shape[0], out_pad), jnp.float32).at[:, :W3.shape[1]].set(W3)
        b3 = jnp.zeros((out_pad,), jnp.float32).at[:b3.shape[0]].set(b3)
    ws = [W1, b1.reshape(1, -1), W2, b2.reshape(1, -1), W3, b3.reshape(1, -1)]
    if "ln" in p:
        g, be = p["ln"]
        ws += [g.reshape(1, -1), be.reshape(1, -1)]
    return ws


def kernel(x, edge_index, edge_attr, node_type, params):
    N, ndim = x.shape
    E, e_in = edge_attr.shape
    N_pad = _rup(N, _NB)
    E_pad = _rup(E + 2 * _CH, 2 * _NC * _NS * _SC_CH)
    nblk = N_pad // _NB

    src = edge_index[0].astype(jnp.int32)
    dst = edge_index[1].astype(jnp.int32)
    perm = jnp.argsort(dst)
    dst_s = dst[perm]
    src_s = src[perm]
    pad_e = E_pad - E
    dst_sp = jnp.concatenate([dst_s, jnp.full((pad_e,), N_pad - 1, jnp.int32)])
    src_sp = jnp.concatenate([src_s, jnp.zeros((pad_e,), jnp.int32)])
    offs = jnp.searchsorted(
        dst_s, jnp.arange(nblk + 1, dtype=jnp.int32) * _NB).astype(jnp.int32)
    dst2d = dst_sp.reshape(E_pad, 1)

    nt = jnp.squeeze(node_type).astype(jnp.int32)
    onehot = jax.nn.one_hot(nt, 2, dtype=jnp.float32)
    xin = (jnp.zeros((N_pad, _H), jnp.float32)
           .at[:N, :ndim].set(x).at[:N, ndim:ndim + 2].set(onehot))
    ein = jnp.zeros((E_pad, _H), jnp.float32).at[:E, :e_in].set(edge_attr[perm])
    xres = jnp.zeros((N_pad, _H), jnp.float32).at[:N, :ndim].set(x)

    enc_n = _prep3(params["node_enc"], in_pad=_H)
    enc_e = _prep3(params["edge_enc"], in_pad=_H)
    dec_w = _prep3(params["dec"], out_pad=_H)

    node_h = _enc_call(xin, *enc_n, blk=_NB)
    edge_h = _enc_call(ein, *enc_e, blk=_EB)

    gat_E = _make_gather(E_pad, _H)

    for blk in params["mp"]:
        g_src = gat_E(node_h, src_sp)
        node_h, edge_h = _mp_call(node_h, offs, edge_h, g_src, dst2d,
                                  _prep3(blk["edge"]), _prep3(blk["node"]))

    out = _dec_call(node_h, *dec_w, xres)
    return out[:N, :ndim]

# --- scband reference (transcript-rebuilt; emitter-appended) ---
"""Pipeline reference for scband-simulator-66924180406933 (READ-ONLY COPY).

The authoritative reference and input builder live on the scoring server;
editing this copy changes nothing except your own understanding.
"""

import jax, jax.numpy as jnp
import numpy as np

N_NODES = 50000
N_EDGES = 800000
HIDDEN = 128
N_MP = 5
NODE_IN = 4
EDGE_IN = 4
NDIM = 2


def make_mlp(key, sizes, ln=True):
    keys = jax.random.split(key, len(sizes) - 1)
    lin = []
    for k, (i, o) in zip(keys, zip(sizes[:-1], sizes[1:])):
        W = jax.random.normal(k, (i, o), jnp.float32) * (1.0 / np.sqrt(i))
        b = jnp.zeros((o,), jnp.float32)
        lin.append([W, b])
    p = {"lin": lin}
    if ln:
        p["ln"] = [jnp.ones((sizes[-1],), jnp.float32), jnp.zeros((sizes[-1],), jnp.float32)]
    return p


def mlp_apply(p, x):
    for W, b in p["lin"][:-1]:
        x = jax.nn.relu(x @ W + b)
    W, b = p["lin"][-1]
    x = x @ W + b
    if "ln" in p:
        g, be = p["ln"]
        mu = jnp.mean(x, axis=-1, keepdims=True)
        var = jnp.var(x, axis=-1, keepdims=True)
        x = (x - mu) / jnp.sqrt(var + 1e-5) * g + be
    return x


def setup_inputs(seed: int = 0) -> dict:
    key = jax.random.key(seed)
    k_x, k_ei, k_ea, k_nt, k_p = jax.random.split(key, 5)
    x = jax.random.normal(k_x, (N_NODES, NDIM), jnp.float32)
    edge_index = jax.random.randint(k_ei, (2, N_EDGES), 0, N_NODES, dtype=jnp.int64)
    edge_attr = jax.random.normal(k_ea, (N_EDGES, EDGE_IN), jnp.float32)
    node_type = jax.random.randint(k_nt, (N_NODES,), 0, 2, dtype=jnp.int64)
    pk = jax.random.split(k_p, 3 + 2 * N_MP)
    params = {
        "node_enc": make_mlp(pk[0], [NODE_IN, HIDDEN, HIDDEN, HIDDEN], ln=True),
        "edge_enc": make_mlp(pk[1], [EDGE_IN, HIDDEN, HIDDEN, HIDDEN], ln=True),
        "mp": [
            {
                "edge": make_mlp(pk[2 + 2 * i], [3 * HIDDEN, HIDDEN, HIDDEN, HIDDEN], ln=True),
                "node": make_mlp(pk[3 + 2 * i], [2 * HIDDEN, HIDDEN, HIDDEN, HIDDEN], ln=True),
            }
            for i in range(N_MP)
        ],
        "dec": make_mlp(pk[2 + 2 * N_MP], [HIDDEN, HIDDEN, HIDDEN, NDIM], ln=False),
    }
    return {"x": x, "edge_index": edge_index, "edge_attr": edge_attr, "node_type": node_type, "params": params}


def reference(x, edge_index, edge_attr, node_type, params):
    # Simulator.forward: concat one-hot(node_type, 2) onto x, run EncoderProcesserDecoder,
    # then integrate: v = predicted[:, :ndim] + x_last[:, :ndim]
    node_type = jnp.squeeze(node_type)
    one_hot = jax.nn.one_hot(node_type, 2, dtype=x.dtype)
    h_in = jnp.concatenate([x, one_hot], axis=-1)
    # Encoder
    node_h = mlp_apply(params["node_enc"], h_in)
    edge_h = mlp_apply(params["edge_enc"], edge_attr)
    src = edge_index[0]
    dst = edge_index[1]
    # Processor: GraphNet blocks with residuals, scatter-add aggregation
    for blk in params["mp"]:
        e_cat = jnp.concatenate([edge_h, node_h[src], node_h[dst]], axis=-1)
        edge_new = mlp_apply(blk["edge"], e_cat) + edge_h
        agg = jax.ops.segment_sum(edge_new, dst, num_segments=N_NODES)
        n_cat = jnp.concatenate([node_h, agg], axis=-1)
        node_new = mlp_apply(blk["node"], n_cat) + node_h
        edge_h, node_h = edge_new, node_new
    # Decoder
    predicted = mlp_apply(params["dec"], node_h)
    v = predicted[:, :NDIM] + x[:, :NDIM]
    return v

if __name__ == "__main__":
    import jax
    _d = setup_inputs()
    print(jax.jit(kernel)(*tuple(_d.values())))

</pallas_src>

<mosaic_0001>
#map = affine_map<(d0, d1) -> (0, 0)>
#map1 = affine_map<(d0, d1) -> (0)>
module attributes {stable_mosaic.version = 14 : i64} {
  func.func @gat(%arg0: i32, %arg1: i32, %arg2: memref<50176x128xf32, #tpu.memory_space<hbm>>, %arg3: memref<802816xi32, #tpu.memory_space<hbm>>, %arg4: memref<802816x128xf32, #tpu.memory_space<hbm>>, %arg5: memref<25088xi32, #tpu.memory_space<vmem>>, %arg6: memref<128x128xf32, #tpu.memory_space<vmem>>, %arg7: memref<128x128xf32, #tpu.memory_space<vmem>>, %arg8: memref<!tpu.dma_semaphore, #tpu.memory_space<semaphore_mem>>, %arg9: memref<!tpu.dma_semaphore, #tpu.memory_space<semaphore_mem>>, %arg10: memref<!tpu.dma_semaphore, #tpu.memory_space<semaphore_mem>>) attributes {dimension_semantics = [#tpu.dimension_semantics<core_parallel>, #tpu.dimension_semantics<subcore_parallel>], iteration_bounds = array<i64: 2, 16>, scalar_prefetch = 0 : i64, scratch_operands = 6 : i64, tpu.core_type = #tpu.core_type<sc_vector_subcore>, window_params = [{transform_indices = #map}, {transform_indices = #map1}, {transform_indices = #map}]} {
    %mul3A = arith.constant 2 : i32
    %mul3A_0 = arith.muli %arg1, %mul3A : i32
    %add3A = arith.addi %mul3A_0, %arg0 : i32
    %mul3A_1 = arith.constant 25088 : i32
    %mul3A_2 = arith.muli %add3A, %mul3A_1 : i32
    %multiple_of3A = tpu.assume_multiple %mul3A_2, 128 : i32
    "tpu.region"() ({
      %run_scoped3A = tpu.sem_alloc : memref<!tpu.dma_semaphore, #tpu.memory_space<semaphore_mem>>
      %dma_start3A = tpu.memref_slice %arg3[%multiple_of3A] : memref<802816xi32, #tpu.memory_space<hbm>> -> memref<25088xi32, #tpu.memory_space<hbm>>
      %dma_start3A_15 = tpu.memref_slice %arg3[%multiple_of3A] : memref<802816xi32, #tpu.memory_space<hbm>> -> memref<25088xi32, #tpu.memory_space<hbm>>
      tpu.enqueue_dma source(%dma_start3A_15 : memref<25088xi32, #tpu.memory_space<hbm>>) target(%arg5 : memref<25088xi32, #tpu.memory_space<vmem>>) target_semaphore(%run_scoped3A : memref<!tpu.dma_semaphore, #tpu.memory_space<semaphore_mem>>)
      %dma_wait3A_16 = tpu.memref_slice %arg3[%multiple_of3A] : memref<802816xi32, #tpu.memory_space<hbm>> -> memref<25088xi32, #tpu.memory_space<hbm>>
      %dma_wait3A_17 = tpu.memref_slice %arg3[%multiple_of3A] : memref<802816xi32, #tpu.memory_space<hbm>> -> memref<25088xi32, #tpu.memory_space<hbm>>
      tpu.wait_dma2 semaphore(%run_scoped3A : memref<!tpu.dma_semaphore, #tpu.memory_space<semaphore_mem>>) src(%dma_wait3A_17 : memref<25088xi32, #tpu.memory_space<hbm>>) dst(%arg5 : memref<25088xi32, #tpu.memory_space<vmem>>)
      tpu.yield
    }) : () -> ()
    %scan3A = arith.constant 0 : i32
    %scan3A_3 = arith.constant 0 : i32
    %scan3A_4 = arith.constant 98 : i32
    %scan3A_5 = arith.addi %scan3A_3, %scan3A_4 : i32
    %scan3A_6 = arith.constant 1 : i32
    scf.for %scan3A_15 = %scan3A_3 to %scan3A_5 step %scan3A_6  : i32 {
      %mul3A_16 = arith.constant 2 : i32
      %mul3A_17 = arith.muli %scan3A_15, %mul3A_16 : i32
      %add3A_18 = arith.constant 0 : i32
      %add3A_19 = arith.addi %mul3A_17, %add3A_18 : i32
      %mul3A_20 = arith.constant 128 : i32
      %mul3A_21 = arith.muli %add3A_19, %mul3A_20 : i32
      %add3A_22 = arith.addi %multiple_of3A, %mul3A_21 : i32
      %gt3A = arith.constant 0 : i32
      %gt3A_23 = arith.cmpi sgt, %scan3A_15, %gt3A : i32
      %convert_element_type3A = arith.extui %gt3A_23 : i1 to i32
      %cond3A = arith.constant 0 : i32
      %cond3A_24 = arith.cmpi ne, %convert_element_type3A, %cond3A : i32
      scf.if %cond3A_24 {
        %dma_wait3A_60 = arith.constant 0 : i32
        %dma_wait3A_61 = tpu.memref_slice %arg4[%add3A_22, %dma_wait3A_60] : memref<802816x128xf32, #tpu.memory_space<hbm>> -> memref<128x128xf32, #tpu.memory_space<hbm>>
        %dma_wait3A_62 = arith.constant 0 : i32
        %dma_wait3A_63 = tpu.memref_slice %arg4[%add3A_22, %dma_wait3A_62] : memref<802816x128xf32, #tpu.memory_space<hbm>> -> memref<128x128xf32, #tpu.memory_space<hbm>>
        tpu.wait_dma2 semaphore(%arg9 : memref<!tpu.dma_semaphore, #tpu.memory_space<semaphore_mem>>) src(%arg6 : memref<128x128xf32, #tpu.memory_space<vmem>>) dst(%dma_wait3A_63 : memref<128x128xf32, #tpu.memory_space<hbm>>)
      } else {
      }
      %dma_start3A = tpu.memref_slice %arg5[%mul3A_21] : memref<25088xi32, #tpu.memory_space<vmem>> -> memref<128xi32, #tpu.memory_space<vmem>>
      %dma_start3A_25 = arith.constant 0 : i32
      %dma_start3A_26 = arith.constant 0 : i32
      %dma_start3A_27 = tpu.memref_slice %arg2[%dma_start3A_25, %dma_start3A_26] : memref<50176x128xf32, #tpu.memory_space<hbm>> -> memref<50176x128xf32, #tpu.memory_space<hbm>>
      tpu.enqueue_indirect_dma source(%dma_start3A_27 : memref<50176x128xf32, #tpu.memory_space<hbm>>) target(%arg6 : memref<128x128xf32, #tpu.memory_space<vmem>>) offsets(%dma_start3A : memref<128xi32, #tpu.memory_space<vmem>>) semaphore(%arg8 : memref<!tpu.dma_semaphore, #tpu.memory_space<semaphore_mem>>)
      %dma_wait3A_28 = tpu.memref_slice %arg5[%mul3A_21] : memref<25088xi32, #tpu.memory_space<vmem>> -> memref<128xi32, #tpu.memory_space<vmem>>
      %dma_wait3A_29 = arith.constant 0 : i32
      %dma_wait3A_30 = arith.constant 0 : i32
      %dma_wait3A_31 = tpu.memref_slice %arg2[%dma_wait3A_29, %dma_wait3A_30] : memref<50176x128xf32, #tpu.memory_space<hbm>> -> memref<50176x128xf32, #tpu.memory_space<hbm>>
      tpu.wait_indirect_dma semaphore(%arg8 : memref<!tpu.dma_semaphore, #tpu.memory_space<semaphore_mem>>) src(%dma_wait3A_31 : memref<50176x128xf32, #tpu.memory_space<hbm>>) dst(%arg6 : memref<128x128xf32, #tpu.memory_space<vmem>>)
      %dma_start3A_32 = arith.constant 0 : i32
      %dma_start3A_33 = tpu.memref_slice %arg4[%add3A_22, %dma_start3A_32] : memref<802816x128xf32, #tpu.memory_space<hbm>> -> memref<128x128xf32, #tpu.memory_space<hbm>>
      %dma_start3A_34 = arith.constant 0 : i32
      %dma_start3A_35 = tpu.memref_slice %arg4[%add3A_22, %dma_start3A_34] : memref<802816x128xf32, #tpu.memory_space<hbm>> -> memref<128x128xf32, #tpu.memory_space<hbm>>
      tpu.enqueue_dma source(%arg6 : memref<128x128xf32, #tpu.memory_space<vmem>>) target(%dma_start3A_35 : memref<128x128xf32, #tpu.memory_space<hbm>>) target_semaphore(%arg9 : memref<!tpu.dma_semaphore, #tpu.memory_space<semaphore_mem>>)
      %mul3A_36 = arith.constant 2 : i32
      %mul3A_37 = arith.muli %scan3A_15, %mul3A_36 : i32
      %add3A_38 = arith.constant 1 : i32
      %add3A_39 = arith.addi %mul3A_37, %add3A_38 : i32
      %mul3A_40 = arith.constant 128 : i32
      %mul3A_41 = arith.muli %add3A_39, %mul3A_40 : i32
      %add3A_42 = arith.addi %multiple_of3A, %mul3A_41 : i32
      %gt3A_43 = arith.constant 0 : i32
      %gt3A_44 = arith.cmpi sgt, %scan3A_15, %gt3A_43 : i32
      %convert_element_type3A_45 = arith.extui %gt3A_44 : i1 to i32
      %cond3A_46 = arith.constant 0 : i32
      %cond3A_47 = arith.cmpi ne, %convert_element_type3A_45, %cond3A_46 : i32
      scf.if %cond3A_47 {
        %dma_wait3A_60 = arith.constant 0 : i32
        %dma_wait3A_61 = tpu.memref_slice %arg4[%add3A_42, %dma_wait3A_60] : memref<802816x128xf32, #tpu.memory_space<hbm>> -> memref<128x128xf32, #tpu.memory_space<hbm>>
        %dma_wait3A_62 = arith.constant 0 : i32
        %dma_wait3A_63 = tpu.memref_slice %arg4[%add3A_42, %dma_wait3A_62] : memref<802816x128xf32, #tpu.memory_space<hbm>> -> memref<128x128xf32, #tpu.memory_space<hbm>>
        tpu.wait_dma2 semaphore(%arg10 : memref<!tpu.dma_semaphore, #tpu.memory_space<semaphore_mem>>) src(%arg7 : memref<128x128xf32, #tpu.memory_space<vmem>>) dst(%dma_wait3A_63 : memref<128x128xf32, #tpu.memory_space<hbm>>)
      } else {
      }
      %dma_start3A_48 = tpu.memref_slice %arg5[%mul3A_41] : memref<25088xi32, #tpu.memory_space<vmem>> -> memref<128xi32, #tpu.memory_space<vmem>>
      %dma_start3A_49 = arith.constant 0 : i32
      %dma_start3A_50 = arith.constant 0 : i32
      %dma_start3A_51 = tpu.memref_slice %arg2[%dma_start3A_49, %dma_start3A_50] : memref<50176x128xf32, #tpu.memory_space<hbm>> -> memref<50176x128xf32, #tpu.memory_space<hbm>>
      tpu.enqueue_indirect_dma source(%dma_start3A_51 : memref<50176x128xf32, #tpu.memory_space<hbm>>) target(%arg7 : memref<128x128xf32, #tpu.memory_space<vmem>>) offsets(%dma_start3A_48 : memref<128xi32, #tpu.memory_space<vmem>>) semaphore(%arg8 : memref<!tpu.dma_semaphore, #tpu.memory_space<semaphore_mem>>)
      %dma_wait3A_52 = tpu.memref_slice %arg5[%mul3A_41] : memref<25088xi32, #tpu.memory_space<vmem>> -> memref<128xi32, #tpu.memory_space<vmem>>
      %dma_wait3A_53 = arith.constant 0 : i32
      %dma_wait3A_54 = arith.constant 0 : i32
      %dma_wait3A_55 = tpu.memref_slice %arg2[%dma_wait3A_53, %dma_wait3A_54] : memref<50176x128xf32, #tpu.memory_space<hbm>> -> memref<50176x128xf32, #tpu.memory_space<hbm>>
      tpu.wait_indirect_dma semaphore(%arg8 : memref<!tpu.dma_semaphore, #tpu.memory_space<semaphore_mem>>) src(%dma_wait3A_55 : memref<50176x128xf32, #tpu.memory_space<hbm>>) dst(%arg7 : memref<128x128xf32, #tpu.memory_space<vmem>>)
      %dma_start3A_56 = arith.constant 0 : i32
      %dma_start3A_57 = tpu.memref_slice %arg4[%add3A_42, %dma_start3A_56] : memref<802816x128xf32, #tpu.memory_space<hbm>> -> memref<128x128xf32, #tpu.memory_space<hbm>>
      %dma_start3A_58 = arith.constant 0 : i32
      %dma_start3A_59 = tpu.memref_slice %arg4[%add3A_42, %dma_start3A_58] : memref<802816x128xf32, #tpu.memory_space<hbm>> -> memref<128x128xf32, #tpu.memory_space<hbm>>
      tpu.enqueue_dma source(%arg7 : memref<128x128xf32, #tpu.memory_space<vmem>>) target(%dma_start3A_59 : memref<128x128xf32, #tpu.memory_space<hbm>>) target_semaphore(%arg10 : memref<!tpu.dma_semaphore, #tpu.memory_space<semaphore_mem>>)
    }
    %scan3A_7 = arith.constant 98 : i32
    %dma_wait3A = arith.constant 0 : i32
    %dma_wait3A_8 = tpu.memref_slice %arg4[%multiple_of3A, %dma_wait3A] : memref<802816x128xf32, #tpu.memory_space<hbm>> -> memref<128x128xf32, #tpu.memory_space<hbm>>
    %dma_wait3A_9 = arith.constant 0 : i32
    %dma_wait3A_10 = tpu.memref_slice %arg4[%multiple_of3A, %dma_wait3A_9] : memref<802816x128xf32, #tpu.memory_space<hbm>> -> memref<128x128xf32, #tpu.memory_space<hbm>>
    tpu.wait_dma2 semaphore(%arg9 : memref<!tpu.dma_semaphore, #tpu.memory_space<semaphore_mem>>) src(%arg6 : memref<128x128xf32, #tpu.memory_space<vmem>>) dst(%dma_wait3A_10 : memref<128x128xf32, #tpu.memory_space<hbm>>)
    %dma_wait3A_11 = arith.constant 0 : i32
    %dma_wait3A_12 = tpu.memref_slice %arg4[%multiple_of3A, %dma_wait3A_11] : memref<802816x128xf32, #tpu.memory_space<hbm>> -> memref<128x128xf32, #tpu.memory_space<hbm>>
    %dma_wait3A_13 = arith.constant 0 : i32
    %dma_wait3A_14 = tpu.memref_slice %arg4[%multiple_of3A, %dma_wait3A_13] : memref<802816x128xf32, #tpu.memory_space<hbm>> -> memref<128x128xf32, #tpu.memory_space<hbm>>
    tpu.wait_dma2 semaphore(%arg10 : memref<!tpu.dma_semaphore, #tpu.memory_space<semaphore_mem>>) src(%arg7 : memref<128x128xf32, #tpu.memory_space<vmem>>) dst(%dma_wait3A_14 : memref<128x128xf32, #tpu.memory_space<hbm>>)
    return
  }
}

#map = affine_map<(d0, d1) -> (0, 0)>
#map1 = affine_map<(d0, d1) -> (0)>
module attributes {stable_mosaic.version = 14 : i64} {
  func.func @gat(%arg0: i32, %arg1: i32, %arg2: memref<50176x128xf32, #tpu.memory_space<hbm>>, %arg3: memref<802816xi32, #tpu.memory_space<hbm>>, %arg4: memref<802816x128xf32, #tpu.memory_space<hbm>>, %arg5: memref<25088xi32, #tpu.memory_space<vmem>>, %arg6: memref<128x128xf32, #tpu.memory_space<vmem>>, %arg7: memref<128x128xf32, #tpu.memory_space<vmem>>, %arg8: memref<!tpu.dma_semaphore, #tpu.memory_space<semaphore_mem>>, %arg9: memref<!tpu.dma_semaphore, #tpu.memory_space<semaphore_mem>>, %arg10: memref<!tpu.dma_semaphore, #tpu.memory_space<semaphore_mem>>) attributes {dimension_semantics = [#tpu.dimension_semantics<core_parallel>, #tpu.dimension_semantics<subcore_parallel>], iteration_bounds = array<i64: 2, 16>, scalar_prefetch = 0 : i64, scratch_operands = 6 : i64, tpu.core_type = #tpu.core_type<sc_vector_subcore>, window_params = [{transform_indices = #map}, {transform_indices = #map1}, {transform_indices = #map}]} {
    %mul3A = arith.constant 2 : i32
    %mul3A_0 = arith.muli %arg1, %mul3A : i32
    %add3A = arith.addi %mul3A_0, %arg0 : i32
    %mul3A_1 = arith.constant 25088 : i32
    %mul3A_2 = arith.muli %add3A, %mul3A_1 : i32
    %multiple_of3A = tpu.assume_multiple %mul3A_2, 128 : i32
    "tpu.region"() ({
      %run_scoped3A = tpu.sem_alloc : memref<!tpu.dma_semaphore, #tpu.memory_space<semaphore_mem>>
      %dma_start3A = tpu.memref_slice %arg3[%multiple_of3A] : memref<802816xi32, #tpu.memory_space<hbm>> -> memref<25088xi32, #tpu.memory_space<hbm>>
      %dma_start3A_15 = tpu.memref_slice %arg3[%multiple_of3A] : memref<802816xi32, #tpu.memory_space<hbm>> -> memref<25088xi32, #tpu.memory_space<hbm>>
      tpu.enqueue_dma source(%dma_start3A_15 : memref<25088xi32, #tpu.memory_space<hbm>>) target(%arg5 : memref<25088xi32, #tpu.memory_space<vmem>>) target_semaphore(%run_scoped3A : memref<!tpu.dma_semaphore, #tpu.memory_space<semaphore_mem>>)
      %dma_wait3A_16 = tpu.memref_slice %arg3[%multiple_of3A] : memref<802816xi32, #tpu.memory_space<hbm>> -> memref<25088xi32, #tpu.memory_space<hbm>>
      %dma_wait3A_17 = tpu.memref_slice %arg3[%multiple_of3A] : memref<802816xi32, #tpu.memory_space<hbm>> -> memref<25088xi32, #tpu.memory_space<hbm>>
      tpu.wait_dma2 semaphore(%run_scoped3A : memref<!tpu.dma_semaphore, #tpu.memory_space<semaphore_mem>>) src(%dma_wait3A_17 : memref<25088xi32, #tpu.memory_space<hbm>>) dst(%arg5 : memref<25088xi32, #tpu.memory_space<vmem>>)
      tpu.yield
    }) : () -> ()
    %scan3A = arith.constant 0 : i32
    %scan3A_3 = arith.constant 0 : i32
    %scan3A_4 = arith.constant 98 : i32
    %scan3A_5 = arith.addi %scan3A_3, %scan3A_4 : i32
    %scan3A_6 = arith.constant 1 : i32
    scf.for %scan3A_15 = %scan3A_3 to %scan3A_5 step %scan3A_6  : i32 {
      %mul3A_16 = arith.constant 2 : i32
      %mul3A_17 = arith.muli %scan3A_15, %mul3A_16 : i32
      %add3A_18 = arith.constant 0 : i32
      %add3A_19 = arith.addi %mul3A_17, %add3A_18 : i32
      %mul3A_20 = arith.constant 128 : i32
      %mul3A_21 = arith.muli %add3A_19, %mul3A_20 : i32
      %add3A_22 = arith.addi %multiple_of3A, %mul3A_21 : i32
      %gt3A = arith.constant 0 : i32
      %gt3A_23 = arith.cmpi sgt, %scan3A_15, %gt3A : i32
      %convert_element_type3A = arith.extui %gt3A_23 : i1 to i32
      %cond3A = arith.constant 0 : i32
      %cond3A_24 = arith.cmpi ne, %convert_element_type3A, %cond3A : i32
      scf.if %cond3A_24 {
        %dma_wait3A_60 = arith.constant 0 : i32
        %dma_wait3A_61 = tpu.memref_slice %arg4[%add3A_22, %dma_wait3A_60] : memref<802816x128xf32, #tpu.memory_space<hbm>> -> memref<128x128xf32, #tpu.memory_space<hbm>>
        %dma_wait3A_62 = arith.constant 0 : i32
        %dma_wait3A_63 = tpu.memref_slice %arg4[%add3A_22, %dma_wait3A_62] : memref<802816x128xf32, #tpu.memory_space<hbm>> -> memref<128x128xf32, #tpu.memory_space<hbm>>
        tpu.wait_dma2 semaphore(%arg9 : memref<!tpu.dma_semaphore, #tpu.memory_space<semaphore_mem>>) src(%arg6 : memref<128x128xf32, #tpu.memory_space<vmem>>) dst(%dma_wait3A_63 : memref<128x128xf32, #tpu.memory_space<hbm>>)
      } else {
      }
      %dma_start3A = tpu.memref_slice %arg5[%mul3A_21] : memref<25088xi32, #tpu.memory_space<vmem>> -> memref<128xi32, #tpu.memory_space<vmem>>
      %dma_start3A_25 = arith.constant 0 : i32
      %dma_start3A_26 = arith.constant 0 : i32
      %dma_start3A_27 = tpu.memref_slice %arg2[%dma_start3A_25, %dma_start3A_26] : memref<50176x128xf32, #tpu.memory_space<hbm>> -> memref<50176x128xf32, #tpu.memory_space<hbm>>
      tpu.enqueue_indirect_dma source(%dma_start3A_27 : memref<50176x128xf32, #tpu.memory_space<hbm>>) target(%arg6 : memref<128x128xf32, #tpu.memory_space<vmem>>) offsets(%dma_start3A : memref<128xi32, #tpu.memory_space<vmem>>) semaphore(%arg8 : memref<!tpu.dma_semaphore, #tpu.memory_space<semaphore_mem>>)
      %dma_wait3A_28 = tpu.memref_slice %arg5[%mul3A_21] : memref<25088xi32, #tpu.memory_space<vmem>> -> memref<128xi32, #tpu.memory_space<vmem>>
      %dma_wait3A_29 = arith.constant 0 : i32
      %dma_wait3A_30 = arith.constant 0 : i32
      %dma_wait3A_31 = tpu.memref_slice %arg2[%dma_wait3A_29, %dma_wait3A_30] : memref<50176x128xf32, #tpu.memory_space<hbm>> -> memref<50176x128xf32, #tpu.memory_space<hbm>>
      tpu.wait_indirect_dma semaphore(%arg8 : memref<!tpu.dma_semaphore, #tpu.memory_space<semaphore_mem>>) src(%dma_wait3A_31 : memref<50176x128xf32, #tpu.memory_space<hbm>>) dst(%arg6 : memref<128x128xf32, #tpu.memory_space<vmem>>)
      %dma_start3A_32 = arith.constant 0 : i32
      %dma_start3A_33 = tpu.memref_slice %arg4[%add3A_22, %dma_start3A_32] : memref<802816x128xf32, #tpu.memory_space<hbm>> -> memref<128x128xf32, #tpu.memory_space<hbm>>
      %dma_start3A_34 = arith.constant 0 : i32
      %dma_start3A_35 = tpu.memref_slice %arg4[%add3A_22, %dma_start3A_34] : memref<802816x128xf32, #tpu.memory_space<hbm>> -> memref<128x128xf32, #tpu.memory_space<hbm>>
      tpu.enqueue_dma source(%arg6 : memref<128x128xf32, #tpu.memory_space<vmem>>) target(%dma_start3A_35 : memref<128x128xf32, #tpu.memory_space<hbm>>) target_semaphore(%arg9 : memref<!tpu.dma_semaphore, #tpu.memory_space<semaphore_mem>>)
      %mul3A_36 = arith.constant 2 : i32
      %mul3A_37 = arith.muli %scan3A_15, %mul3A_36 : i32
      %add3A_38 = arith.constant 1 : i32
      %add3A_39 = arith.addi %mul3A_37, %add3A_38 : i32
      %mul3A_40 = arith.constant 128 : i32
      %mul3A_41 = arith.muli %add3A_39, %mul3A_40 : i32
      %add3A_42 = arith.addi %multiple_of3A, %mul3A_41 : i32
      %gt3A_43 = arith.constant 0 : i32
      %gt3A_44 = arith.cmpi sgt, %scan3A_15, %gt3A_43 : i32
      %convert_element_type3A_45 = arith.extui %gt3A_44 : i1 to i32
      %cond3A_46 = arith.constant 0 : i32
      %cond3A_47 = arith.cmpi ne, %convert_element_type3A_45, %cond3A_46 : i32
      scf.if %cond3A_47 {
        %dma_wait3A_60 = arith.constant 0 : i32
        %dma_wait3A_61 = tpu.memref_slice %arg4[%add3A_42, %dma_wait3A_60] : memref<802816x128xf32, #tpu.memory_space<hbm>> -> memref<128x128xf32, #tpu.memory_space<hbm>>
        %dma_wait3A_62 = arith.constant 0 : i32
        %dma_wait3A_63 = tpu.memref_slice %arg4[%add3A_42, %dma_wait3A_62] : memref<802816x128xf32, #tpu.memory_space<hbm>> -> memref<128x128xf32, #tpu.memory_space<hbm>>
        tpu.wait_dma2 semaphore(%arg10 : memref<!tpu.dma_semaphore, #tpu.memory_space<semaphore_mem>>) src(%arg7 : memref<128x128xf32, #tpu.memory_space<vmem>>) dst(%dma_wait3A_63 : memref<128x128xf32, #tpu.memory_space<hbm>>)
      } else {
      }
      %dma_start3A_48 = tpu.memref_slice %arg5[%mul3A_41] : memref<25088xi32, #tpu.memory_space<vmem>> -> memref<128xi32, #tpu.memory_space<vmem>>
      %dma_start3A_49 = arith.constant 0 : i32
      %dma_start3A_50 = arith.constant 0 : i32
      %dma_start3A_51 = tpu.memref_slice %arg2[%dma_start3A_49, %dma_start3A_50] : memref<50176x128xf32, #tpu.memory_space<hbm>> -> memref<50176x128xf32, #tpu.memory_space<hbm>>
      tpu.enqueue_indirect_dma source(%dma_start3A_51 : memref<50176x128xf32, #tpu.memory_space<hbm>>) target(%arg7 : memref<128x128xf32, #tpu.memory_space<vmem>>) offsets(%dma_start3A_48 : memref<128xi32, #tpu.memory_space<vmem>>) semaphore(%arg8 : memref<!tpu.dma_semaphore, #tpu.memory_space<semaphore_mem>>)
      %dma_wait3A_52 = tpu.memref_slice %arg5[%mul3A_41] : memref<25088xi32, #tpu.memory_space<vmem>> -> memref<128xi32, #tpu.memory_space<vmem>>
      %dma_wait3A_53 = arith.constant 0 : i32
      %dma_wait3A_54 = arith.constant 0 : i32
      %dma_wait3A_55 = tpu.memref_slice %arg2[%dma_wait3A_53, %dma_wait3A_54] : memref<50176x128xf32, #tpu.memory_space<hbm>> -> memref<50176x128xf32, #tpu.memory_space<hbm>>
      tpu.wait_indirect_dma semaphore(%arg8 : memref<!tpu.dma_semaphore, #tpu.memory_space<semaphore_mem>>) src(%dma_wait3A_55 : memref<50176x128xf32, #tpu.memory_space<hbm>>) dst(%arg7 : memref<128x128xf32, #tpu.memory_space<vmem>>)
      %dma_start3A_56 = arith.constant 0 : i32
      %dma_start3A_57 = tpu.memref_slice %arg4[%add3A_42, %dma_start3A_56] : memref<802816x128xf32, #tpu.memory_space<hbm>> -> memref<128x128xf32, #tpu.memory_space<hbm>>
      %dma_start3A_58 = arith.constant 0 : i32
      %dma_start3A_59 = tpu.memref_slice %arg4[%add3A_42, %dma_start3A_58] : memref<802816x128xf32, #tpu.memory_space<hbm>> -> memref<128x128xf32, #tpu.memory_space<hbm>>
      tpu.enqueue_dma source(%arg7 : memref<128x128xf32, #tpu.memory_space<vmem>>) target(%dma_start3A_59 : memref<128x128xf32, #tpu.memory_space<hbm>>) target_semaphore(%arg10 : memref<!tpu.dma_semaphore, #tpu.memory_space<semaphore_mem>>)
    }
    %scan3A_7 = arith.constant 98 : i32
    %dma_wait3A = arith.constant 0 : i32
    %dma_wait3A_8 = tpu.memref_slice %arg4[%multiple_of3A, %dma_wait3A] : memref<802816x128xf32, #tpu.memory_space<hbm>> -> memref<128x128xf32, #tpu.memory_space<hbm>>
    %dma_wait3A_9 = arith.constant 0 : i32
    %dma_wait3A_10 = tpu.memref_slice %arg4[%multiple_of3A, %dma_wait3A_9] : memref<802816x128xf32, #tpu.memory_space<hbm>> -> memref<128x128xf32, #tpu.memory_space<hbm>>
    tpu.wait_dma2 semaphore(%arg9 : memref<!tpu.dma_semaphore, #tpu.memory_space<semaphore_mem>>) src(%arg6 : memref<128x128xf32, #tpu.memory_space<vmem>>) dst(%dma_wait3A_10 : memref<128x128xf32, #tpu.memory_space<hbm>>)
    %dma_wait3A_11 = arith.constant 0 : i32
    %dma_wait3A_12 = tpu.memref_slice %arg4[%multiple_of3A, %dma_wait3A_11] : memref<802816x128xf32, #tpu.memory_space<hbm>> -> memref<128x128xf32, #tpu.memory_space<hbm>>
    %dma_wait3A_13 = arith.constant 0 : i32
    %dma_wait3A_14 = tpu.memref_slice %arg4[%multiple_of3A, %dma_wait3A_13] : memref<802816x128xf32, #tpu.memory_space<hbm>> -> memref<128x128xf32, #tpu.memory_space<hbm>>
    tpu.wait_dma2 semaphore(%arg10 : memref<!tpu.dma_semaphore, #tpu.memory_space<semaphore_mem>>) src(%arg7 : memref<128x128xf32, #tpu.memory_space<vmem>>) dst(%dma_wait3A_14 : memref<128x128xf32, #tpu.memory_space<hbm>>)
    return
  }
}

#map = affine_map<(d0, d1) -> (0, 0)>
#map1 = affine_map<(d0, d1) -> (0)>
module attributes {stable_mosaic.version = 14 : i64} {
  func.func @gat(%arg0: i32, %arg1: i32, %arg2: memref<50176x128xf32, #tpu.memory_space<hbm>>, %arg3: memref<802816xi32, #tpu.memory_space<hbm>>, %arg4: memref<802816x128xf32, #tpu.memory_space<hbm>>, %arg5: memref<25088xi32, #tpu.memory_space<vmem>>, %arg6: memref<128x128xf32, #tpu.memory_space<vmem>>, %arg7: memref<128x128xf32, #tpu.memory_space<vmem>>, %arg8: memref<!tpu.dma_semaphore, #tpu.memory_space<semaphore_mem>>, %arg9: memref<!tpu.dma_semaphore, #tpu.memory_space<semaphore_mem>>, %arg10: memref<!tpu.dma_semaphore, #tpu.memory_space<semaphore_mem>>) attributes {dimension_semantics = [#tpu.dimension_semantics<core_parallel>, #tpu.dimension_semantics<subcore_parallel>], iteration_bounds = array<i64: 2, 16>, scalar_prefetch = 0 : i64, scratch_operands = 6 : i64, tpu.core_type = #tpu.core_type<sc_vector_subcore>, window_params = [{transform_indices = #map}, {transform_indices = #map1}, {transform_indices = #map}]} {
    %mul3A = arith.constant 2 : i32
    %mul3A_0 = arith.muli %arg1, %mul3A : i32
    %add3A = arith.addi %mul3A_0, %arg0 : i32
    %mul3A_1 = arith.constant 25088 : i32
    %mul3A_2 = arith.muli %add3A, %mul3A_1 : i32
    %multiple_of3A = tpu.assume_multiple %mul3A_2, 128 : i32
    "tpu.region"() ({
      %run_scoped3A = tpu.sem_alloc : memref<!tpu.dma_semaphore, #tpu.memory_space<semaphore_mem>>
      %dma_start3A = tpu.memref_slice %arg3[%multiple_of3A] : memref<802816xi32, #tpu.memory_space<hbm>> -> memref<25088xi32, #tpu.memory_space<hbm>>
      %dma_start3A_15 = tpu.memref_slice %arg3[%multiple_of3A] : memref<802816xi32, #tpu.memory_space<hbm>> -> memref<25088xi32, #tpu.memory_space<hbm>>
      tpu.enqueue_dma source(%dma_start3A_15 : memref<25088xi32, #tpu.memory_space<hbm>>) target(%arg5 : memref<25088xi32, #tpu.memory_space<vmem>>) target_semaphore(%run_scoped3A : memref<!tpu.dma_semaphore, #tpu.memory_space<semaphore_mem>>)
      %dma_wait3A_16 = tpu.memref_slice %arg3[%multiple_of3A] : memref<802816xi32, #tpu.memory_space<hbm>> -> memref<25088xi32, #tpu.memory_space<hbm>>
      %dma_wait3A_17 = tpu.memref_slice %arg3[%multiple_of3A] : memref<802816xi32, #tpu.memory_space<hbm>> -> memref<25088xi32, #tpu.memory_space<hbm>>
      tpu.wait_dma2 semaphore(%run_scoped3A : memref<!tpu.dma_semaphore, #tpu.memory_space<semaphore_mem>>) src(%dma_wait3A_17 : memref<25088xi32, #tpu.memory_space<hbm>>) dst(%arg5 : memref<25088xi32, #tpu.memory_space<vmem>>)
      tpu.yield
    }) : () -> ()
    %scan3A = arith.constant 0 : i32
    %scan3A_3 = arith.constant 0 : i32
    %scan3A_4 = arith.constant 98 : i32
    %scan3A_5 = arith.addi %scan3A_3, %scan3A_4 : i32
    %scan3A_6 = arith.constant 1 : i32
    scf.for %scan3A_15 = %scan3A_3 to %scan3A_5 step %scan3A_6  : i32 {
      %mul3A_16 = arith.constant 2 : i32
      %mul3A_17 = arith.muli %scan3A_15, %mul3A_16 : i32
      %add3A_18 = arith.constant 0 : i32
      %add3A_19 = arith.addi %mul3A_17, %add3A_18 : i32
      %mul3A_20 = arith.constant 128 : i32
      %mul3A_21 = arith.muli %add3A_19, %mul3A_20 : i32
      %add3A_22 = arith.addi %multiple_of3A, %mul3A_21 : i32
      %gt3A = arith.constant 0 : i32
      %gt3A_23 = arith.cmpi sgt, %scan3A_15, %gt3A : i32
      %convert_element_type3A = arith.extui %gt3A_23 : i1 to i32
      %cond3A = arith.constant 0 : i32
      %cond3A_24 = arith.cmpi ne, %convert_element_type3A, %cond3A : i32
      scf.if %cond3A_24 {
        %dma_wait3A_60 = arith.constant 0 : i32
        %dma_wait3A_61 = tpu.memref_slice %arg4[%add3A_22, %dma_wait3A_60] : memref<802816x128xf32, #tpu.memory_space<hbm>> -> memref<128x128xf32, #tpu.memory_space<hbm>>
        %dma_wait3A_62 = arith.constant 0 : i32
        %dma_wait3A_63 = tpu.memref_slice %arg4[%add3A_22, %dma_wait3A_62] : memref<802816x128xf32, #tpu.memory_space<hbm>> -> memref<128x128xf32, #tpu.memory_space<hbm>>
        tpu.wait_dma2 semaphore(%arg9 : memref<!tpu.dma_semaphore, #tpu.memory_space<semaphore_mem>>) src(%arg6 : memref<128x128xf32, #tpu.memory_space<vmem>>) dst(%dma_wait3A_63 : memref<128x128xf32, #tpu.memory_space<hbm>>)
      } else {
      }
      %dma_start3A = tpu.memref_slice %arg5[%mul3A_21] : memref<25088xi32, #tpu.memory_space<vmem>> -> memref<128xi32, #tpu.memory_space<vmem>>
      %dma_start3A_25 = arith.constant 0 : i32
      %dma_start3A_26 = arith.constant 0 : i32
      %dma_start3A_27 = tpu.memref_slice %arg2[%dma_start3A_25, %dma_start3A_26] : memref<50176x128xf32, #tpu.memory_space<hbm>> -> memref<50176x128xf32, #tpu.memory_space<hbm>>
      tpu.enqueue_indirect_dma source(%dma_start3A_27 : memref<50176x128xf32, #tpu.memory_space<hbm>>) target(%arg6 : memref<128x128xf32, #tpu.memory_space<vmem>>) offsets(%dma_start3A : memref<128xi32, #tpu.memory_space<vmem>>) semaphore(%arg8 : memref<!tpu.dma_semaphore, #tpu.memory_space<semaphore_mem>>)
      %dma_wait3A_28 = tpu.memref_slice %arg5[%mul3A_21] : memref<25088xi32, #tpu.memory_space<vmem>> -> memref<128xi32, #tpu.memory_space<vmem>>
      %dma_wait3A_29 = arith.constant 0 : i32
      %dma_wait3A_30 = arith.constant 0 : i32
      %dma_wait3A_31 = tpu.memref_slice %arg2[%dma_wait3A_29, %dma_wait3A_30] : memref<50176x128xf32, #tpu.memory_space<hbm>> -> memref<50176x128xf32, #tpu.memory_space<hbm>>
      tpu.wait_indirect_dma semaphore(%arg8 : memref<!tpu.dma_semaphore, #tpu.memory_space<semaphore_mem>>) src(%dma_wait3A_31 : memref<50176x128xf32, #tpu.memory_space<hbm>>) dst(%arg6 : memref<128x128xf32, #tpu.memory_space<vmem>>)
      %dma_start3A_32 = arith.constant 0 : i32
      %dma_start3A_33 = tpu.memref_slice %arg4[%add3A_22, %dma_start3A_32] : memref<802816x128xf32, #tpu.memory_space<hbm>> -> memref<128x128xf32, #tpu.memory_space<hbm>>
      %dma_start3A_34 = arith.constant 0 : i32
      %dma_start3A_35 = tpu.memref_slice %arg4[%add3A_22, %dma_start3A_34] : memref<802816x128xf32, #tpu.memory_space<hbm>> -> memref<128x128xf32, #tpu.memory_space<hbm>>
      tpu.enqueue_dma source(%arg6 : memref<128x128xf32, #tpu.memory_space<vmem>>) target(%dma_start3A_35 : memref<128x128xf32, #tpu.memory_space<hbm>>) target_semaphore(%arg9 : memref<!tpu.dma_semaphore, #tpu.memory_space<semaphore_mem>>)
      %mul3A_36 = arith.constant 2 : i32
      %mul3A_37 = arith.muli %scan3A_15, %mul3A_36 : i32
      %add3A_38 = arith.constant 1 : i32
      %add3A_39 = arith.addi %mul3A_37, %add3A_38 : i32
      %mul3A_40 = arith.constant 128 : i32
      %mul3A_41 = arith.muli %add3A_39, %mul3A_40 : i32
      %add3A_42 = arith.addi %multiple_of3A, %mul3A_41 : i32
      %gt3A_43 = arith.constant 0 : i32
      %gt3A_44 = arith.cmpi sgt, %scan3A_15, %gt3A_43 : i32
      %convert_element_type3A_45 = arith.extui %gt3A_44 : i1 to i32
      %cond3A_46 = arith.constant 0 : i32
      %cond3A_47 = arith.cmpi ne, %convert_element_type3A_45, %cond3A_46 : i32
      scf.if %cond3A_47 {
        %dma_wait3A_60 = arith.constant 0 : i32
        %dma_wait3A_61 = tpu.memref_slice %arg4[%add3A_42, %dma_wait3A_60] : memref<802816x128xf32, #tpu.memory_space<hbm>> -> memref<128x128xf32, #tpu.memory_space<hbm>>
        %dma_wait3A_62 = arith.constant 0 : i32
        %dma_wait3A_63 = tpu.memref_slice %arg4[%add3A_42, %dma_wait3A_62] : memref<802816x128xf32, #tpu.memory_space<hbm>> -> memref<128x128xf32, #tpu.memory_space<hbm>>
        tpu.wait_dma2 semaphore(%arg10 : memref<!tpu.dma_semaphore, #tpu.memory_space<semaphore_mem>>) src(%arg7 : memref<128x128xf32, #tpu.memory_space<vmem>>) dst(%dma_wait3A_63 : memref<128x128xf32, #tpu.memory_space<hbm>>)
      } else {
      }
      %dma_start3A_48 = tpu.memref_slice %arg5[%mul3A_41] : memref<25088xi32, #tpu.memory_space<vmem>> -> memref<128xi32, #tpu.memory_space<vmem>>
      %dma_start3A_49 = arith.constant 0 : i32
      %dma_start3A_50 = arith.constant 0 : i32
      %dma_start3A_51 = tpu.memref_slice %arg2[%dma_start3A_49, %dma_start3A_50] : memref<50176x128xf32, #tpu.memory_space<hbm>> -> memref<50176x128xf32, #tpu.memory_space<hbm>>
      tpu.enqueue_indirect_dma source(%dma_start3A_51 : memref<50176x128xf32, #tpu.memory_space<hbm>>) target(%arg7 : memref<128x128xf32, #tpu.memory_space<vmem>>) offsets(%dma_start3A_48 : memref<128xi32, #tpu.memory_space<vmem>>) semaphore(%arg8 : memref<!tpu.dma_semaphore, #tpu.memory_space<semaphore_mem>>)
      %dma_wait3A_52 = tpu.memref_slice %arg5[%mul3A_41] : memref<25088xi32, #tpu.memory_space<vmem>> -> memref<128xi32, #tpu.memory_space<vmem>>
      %dma_wait3A_53 = arith.constant 0 : i32
      %dma_wait3A_54 = arith.constant 0 : i32
      %dma_wait3A_55 = tpu.memref_slice %arg2[%dma_wait3A_53, %dma_wait3A_54] : memref<50176x128xf32, #tpu.memory_space<hbm>> -> memref<50176x128xf32, #tpu.memory_space<hbm>>
      tpu.wait_indirect_dma semaphore(%arg8 : memref<!tpu.dma_semaphore, #tpu.memory_space<semaphore_mem>>) src(%dma_wait3A_55 : memref<50176x128xf32, #tpu.memory_space<hbm>>) dst(%arg7 : memref<128x128xf32, #tpu.memory_space<vmem>>)
      %dma_start3A_56 = arith.constant 0 : i32
      %dma_start3A_57 = tpu.memref_slice %arg4[%add3A_42, %dma_start3A_56] : memref<802816x128xf32, #tpu.memory_space<hbm>> -> memref<128x128xf32, #tpu.memory_space<hbm>>
      %dma_start3A_58 = arith.constant 0 : i32
      %dma_start3A_59 = tpu.memref_slice %arg4[%add3A_42, %dma_start3A_58] : memref<802816x128xf32, #tpu.memory_space<hbm>> -> memref<128x128xf32, #tpu.memory_space<hbm>>
      tpu.enqueue_dma source(%arg7 : memref<128x128xf32, #tpu.memory_space<vmem>>) target(%dma_start3A_59 : memref<128x128xf32, #tpu.memory_space<hbm>>) target_semaphore(%arg10 : memref<!tpu.dma_semaphore, #tpu.memory_space<semaphore_mem>>)
    }
    %scan3A_7 = arith.constant 98 : i32
    %dma_wait3A = arith.constant 0 : i32
    %dma_wait3A_8 = tpu.memref_slice %arg4[%multiple_of3A, %dma_wait3A] : memref<802816x128xf32, #tpu.memory_space<hbm>> -> memref<128x128xf32, #tpu.memory_space<hbm>>
    %dma_wait3A_9 = arith.constant 0 : i32
    %dma_wait3A_10 = tpu.memref_slice %arg4[%multiple_of3A, %dma_wait3A_9] : memref<802816x128xf32, #tpu.memory_space<hbm>> -> memref<128x128xf32, #tpu.memory_space<hbm>>
    tpu.wait_dma2 semaphore(%arg9 : memref<!tpu.dma_semaphore, #tpu.memory_space<semaphore_mem>>) src(%arg6 : memref<128x128xf32, #tpu.memory_space<vmem>>) dst(%dma_wait3A_10 : memref<128x128xf32, #tpu.memory_space<hbm>>)
    %dma_wait3A_11 = arith.constant 0 : i32
    %dma_wait3A_12 = tpu.memref_slice %arg4[%multiple_of3A, %dma_wait3A_11] : memref<802816x128xf32, #tpu.memory_space<hbm>> -> memref<128x128xf32, #tpu.memory_space<hbm>>
    %dma_wait3A_13 = arith.constant 0 : i32
    %dma_wait3A_14 = tpu.memref_slice %arg4[%multiple_of3A, %dma_wait3A_13] : memref<802816x128xf32, #tpu.memory_space<hbm>> -> memref<128x128xf32, #tpu.memory_space<hbm>>
    tpu.wait_dma2 semaphore(%arg10 : memref<!tpu.dma_semaphore, #tpu.memory_space<semaphore_mem>>) src(%arg7 : memref<128x128xf32, #tpu.memory_space<vmem>>) dst(%dma_wait3A_14 : memref<128x128xf32, #tpu.memory_space<hbm>>)
    return
  }
}

#map = affine_map<(d0, d1) -> (0, 0)>
#map1 = affine_map<(d0, d1) -> (0)>
module attributes {stable_mosaic.version = 14 : i64} {
  func.func @gat(%arg0: i32, %arg1: i32, %arg2: memref<50176x128xf32, #tpu.memory_space<hbm>>, %arg3: memref<802816xi32, #tpu.memory_space<hbm>>, %arg4: memref<802816x128xf32, #tpu.memory_space<hbm>>, %arg5: memref<25088xi32, #tpu.memory_space<vmem>>, %arg6: memref<128x128xf32, #tpu.memory_space<vmem>>, %arg7: memref<128x128xf32, #tpu.memory_space<vmem>>, %arg8: memref<!tpu.dma_semaphore, #tpu.memory_space<semaphore_mem>>, %arg9: memref<!tpu.dma_semaphore, #tpu.memory_space<semaphore_mem>>, %arg10: memref<!tpu.dma_semaphore, #tpu.memory_space<semaphore_mem>>) attributes {dimension_semantics = [#tpu.dimension_semantics<core_parallel>, #tpu.dimension_semantics<subcore_parallel>], iteration_bounds = array<i64: 2, 16>, scalar_prefetch = 0 : i64, scratch_operands = 6 : i64, tpu.core_type = #tpu.core_type<sc_vector_subcore>, window_params = [{transform_indices = #map}, {transform_indices = #map1}, {transform_indices = #map}]} {
    %mul3A = arith.constant 2 : i32
    %mul3A_0 = arith.muli %arg1, %mul3A : i32
    %add3A = arith.addi %mul3A_0, %arg0 : i32
    %mul3A_1 = arith.constant 25088 : i32
    %mul3A_2 = arith.muli %add3A, %mul3A_1 : i32
    %multiple_of3A = tpu.assume_multiple %mul3A_2, 128 : i32
    "tpu.region"() ({
      %run_scoped3A = tpu.sem_alloc : memref<!tpu.dma_semaphore, #tpu.memory_space<semaphore_mem>>
      %dma_start3A = tpu.memref_slice %arg3[%multiple_of3A] : memref<802816xi32, #tpu.memory_space<hbm>> -> memref<25088xi32, #tpu.memory_space<hbm>>
      %dma_start3A_15 = tpu.memref_slice %arg3[%multiple_of3A] : memref<802816xi32, #tpu.memory_space<hbm>> -> memref<25088xi32, #tpu.memory_space<hbm>>
      tpu.enqueue_dma source(%dma_start3A_15 : memref<25088xi32, #tpu.memory_space<hbm>>) target(%arg5 : memref<25088xi32, #tpu.memory_space<vmem>>) target_semaphore(%run_scoped3A : memref<!tpu.dma_semaphore, #tpu.memory_space<semaphore_mem>>)
      %dma_wait3A_16 = tpu.memref_slice %arg3[%multiple_of3A] : memref<802816xi32, #tpu.memory_space<hbm>> -> memref<25088xi32, #tpu.memory_space<hbm>>
      %dma_wait3A_17 = tpu.memref_slice %arg3[%multiple_of3A] : memref<802816xi32, #tpu.memory_space<hbm>> -> memref<25088xi32, #tpu.memory_space<hbm>>
      tpu.wait_dma2 semaphore(%run_scoped3A : memref<!tpu.dma_semaphore, #tpu.memory_space<semaphore_mem>>) src(%dma_wait3A_17 : memref<25088xi32, #tpu.memory_space<hbm>>) dst(%arg5 : memref<25088xi32, #tpu.memory_space<vmem>>)
      tpu.yield
    }) : () -> ()
    %scan3A = arith.constant 0 : i32
    %scan3A_3 = arith.constant 0 : i32
    %scan3A_4 = arith.constant 98 : i32
    %scan3A_5 = arith.addi %scan3A_3, %scan3A_4 : i32
    %scan3A_6 = arith.constant 1 : i32
    scf.for %scan3A_15 = %scan3A_3 to %scan3A_5 step %scan3A_6  : i32 {
      %mul3A_16 = arith.constant 2 : i32
      %mul3A_17 = arith.muli %scan3A_15, %mul3A_16 : i32
      %add3A_18 = arith.constant 0 : i32
      %add3A_19 = arith.addi %mul3A_17, %add3A_18 : i32
      %mul3A_20 = arith.constant 128 : i32
      %mul3A_21 = arith.muli %add3A_19, %mul3A_20 : i32
      %add3A_22 = arith.addi %multiple_of3A, %mul3A_21 : i32
      %gt3A = arith.constant 0 : i32
      %gt3A_23 = arith.cmpi sgt, %scan3A_15, %gt3A : i32
      %convert_element_type3A = arith.extui %gt3A_23 : i1 to i32
      %cond3A = arith.constant 0 : i32
      %cond3A_24 = arith.cmpi ne, %convert_element_type3A, %cond3A : i32
      scf.if %cond3A_24 {
        %dma_wait3A_60 = arith.constant 0 : i32
        %dma_wait3A_61 = tpu.memref_slice %arg4[%add3A_22, %dma_wait3A_60] : memref<802816x128xf32, #tpu.memory_space<hbm>> -> memref<128x128xf32, #tpu.memory_space<hbm>>
        %dma_wait3A_62 = arith.constant 0 : i32
        %dma_wait3A_63 = tpu.memref_slice %arg4[%add3A_22, %dma_wait3A_62] : memref<802816x128xf32, #tpu.memory_space<hbm>> -> memref<128x128xf32, #tpu.memory_space<hbm>>
        tpu.wait_dma2 semaphore(%arg9 : memref<!tpu.dma_semaphore, #tpu.memory_space<semaphore_mem>>) src(%arg6 : memref<128x128xf32, #tpu.memory_space<vmem>>) dst(%dma_wait3A_63 : memref<128x128xf32, #tpu.memory_space<hbm>>)
      } else {
      }
      %dma_start3A = tpu.memref_slice %arg5[%mul3A_21] : memref<25088xi32, #tpu.memory_space<vmem>> -> memref<128xi32, #tpu.memory_space<vmem>>
      %dma_start3A_25 = arith.constant 0 : i32
      %dma_start3A_26 = arith.constant 0 : i32
      %dma_start3A_27 = tpu.memref_slice %arg2[%dma_start3A_25, %dma_start3A_26] : memref<50176x128xf32, #tpu.memory_space<hbm>> -> memref<50176x128xf32, #tpu.memory_space<hbm>>
      tpu.enqueue_indirect_dma source(%dma_start3A_27 : memref<50176x128xf32, #tpu.memory_space<hbm>>) target(%arg6 : memref<128x128xf32, #tpu.memory_space<vmem>>) offsets(%dma_start3A : memref<128xi32, #tpu.memory_space<vmem>>) semaphore(%arg8 : memref<!tpu.dma_semaphore, #tpu.memory_space<semaphore_mem>>)
      %dma_wait3A_28 = tpu.memref_slice %arg5[%mul3A_21] : memref<25088xi32, #tpu.memory_space<vmem>> -> memref<128xi32, #tpu.memory_space<vmem>>
      %dma_wait3A_29 = arith.constant 0 : i32
      %dma_wait3A_30 = arith.constant 0 : i32
      %dma_wait3A_31 = tpu.memref_slice %arg2[%dma_wait3A_29, %dma_wait3A_30] : memref<50176x128xf32, #tpu.memory_space<hbm>> -> memref<50176x128xf32, #tpu.memory_space<hbm>>
      tpu.wait_indirect_dma semaphore(%arg8 : memref<!tpu.dma_semaphore, #tpu.memory_space<semaphore_mem>>) src(%dma_wait3A_31 : memref<50176x128xf32, #tpu.memory_space<hbm>>) dst(%arg6 : memref<128x128xf32, #tpu.memory_space<vmem>>)
      %dma_start3A_32 = arith.constant 0 : i32
      %dma_start3A_33 = tpu.memref_slice %arg4[%add3A_22, %dma_start3A_32] : memref<802816x128xf32, #tpu.memory_space<hbm>> -> memref<128x128xf32, #tpu.memory_space<hbm>>
      %dma_start3A_34 = arith.constant 0 : i32
      %dma_start3A_35 = tpu.memref_slice %arg4[%add3A_22, %dma_start3A_34] : memref<802816x128xf32, #tpu.memory_space<hbm>> -> memref<128x128xf32, #tpu.memory_space<hbm>>
      tpu.enqueue_dma source(%arg6 : memref<128x128xf32, #tpu.memory_space<vmem>>) target(%dma_start3A_35 : memref<128x128xf32, #tpu.memory_space<hbm>>) target_semaphore(%arg9 : memref<!tpu.dma_semaphore, #tpu.memory_space<semaphore_mem>>)
      %mul3A_36 = arith.constant 2 : i32
      %mul3A_37 = arith.muli %scan3A_15, %mul3A_36 : i32
      %add3A_38 = arith.constant 1 : i32
      %add3A_39 = arith.addi %mul3A_37, %add3A_38 : i32
      %mul3A_40 = arith.constant 128 : i32
      %mul3A_41 = arith.muli %add3A_39, %mul3A_40 : i32
      %add3A_42 = arith.addi %multiple_of3A, %mul3A_41 : i32
      %gt3A_43 = arith.constant 0 : i32
      %gt3A_44 = arith.cmpi sgt, %scan3A_15, %gt3A_43 : i32
      %convert_element_type3A_45 = arith.extui %gt3A_44 : i1 to i32
      %cond3A_46 = arith.constant 0 : i32
      %cond3A_47 = arith.cmpi ne, %convert_element_type3A_45, %cond3A_46 : i32
      scf.if %cond3A_47 {
        %dma_wait3A_60 = arith.constant 0 : i32
        %dma_wait3A_61 = tpu.memref_slice %arg4[%add3A_42, %dma_wait3A_60] : memref<802816x128xf32, #tpu.memory_space<hbm>> -> memref<128x128xf32, #tpu.memory_space<hbm>>
        %dma_wait3A_62 = arith.constant 0 : i32
        %dma_wait3A_63 = tpu.memref_slice %arg4[%add3A_42, %dma_wait3A_62] : memref<802816x128xf32, #tpu.memory_space<hbm>> -> memref<128x128xf32, #tpu.memory_space<hbm>>
        tpu.wait_dma2 semaphore(%arg10 : memref<!tpu.dma_semaphore, #tpu.memory_space<semaphore_mem>>) src(%arg7 : memref<128x128xf32, #tpu.memory_space<vmem>>) dst(%dma_wait3A_63 : memref<128x128xf32, #tpu.memory_space<hbm>>)
      } else {
      }
      %dma_start3A_48 = tpu.memref_slice %arg5[%mul3A_41] : memref<25088xi32, #tpu.memory_space<vmem>> -> memref<128xi32, #tpu.memory_space<vmem>>
      %dma_start3A_49 = arith.constant 0 : i32
      %dma_start3A_50 = arith.constant 0 : i32
      %dma_start3A_51 = tpu.memref_slice %arg2[%dma_start3A_49, %dma_start3A_50] : memref<50176x128xf32, #tpu.memory_space<hbm>> -> memref<50176x128xf32, #tpu.memory_space<hbm>>
      tpu.enqueue_indirect_dma source(%dma_start3A_51 : memref<50176x128xf32, #tpu.memory_space<hbm>>) target(%arg7 : memref<128x128xf32, #tpu.memory_space<vmem>>) offsets(%dma_start3A_48 : memref<128xi32, #tpu.memory_space<vmem>>) semaphore(%arg8 : memref<!tpu.dma_semaphore, #tpu.memory_space<semaphore_mem>>)
      %dma_wait3A_52 = tpu.memref_slice %arg5[%mul3A_41] : memref<25088xi32, #tpu.memory_space<vmem>> -> memref<128xi32, #tpu.memory_space<vmem>>
      %dma_wait3A_53 = arith.constant 0 : i32
      %dma_wait3A_54 = arith.constant 0 : i32
      %dma_wait3A_55 = tpu.memref_slice %arg2[%dma_wait3A_53, %dma_wait3A_54] : memref<50176x128xf32, #tpu.memory_space<hbm>> -> memref<50176x128xf32, #tpu.memory_space<hbm>>
      tpu.wait_indirect_dma semaphore(%arg8 : memref<!tpu.dma_semaphore, #tpu.memory_space<semaphore_mem>>) src(%dma_wait3A_55 : memref<50176x128xf32, #tpu.memory_space<hbm>>) dst(%arg7 : memref<128x128xf32, #tpu.memory_space<vmem>>)
      %dma_start3A_56 = arith.constant 0 : i32
      %dma_start3A_57 = tpu.memref_slice %arg4[%add3A_42, %dma_start3A_56] : memref<802816x128xf32, #tpu.memory_space<hbm>> -> memref<128x128xf32, #tpu.memory_space<hbm>>
      %dma_start3A_58 = arith.constant 0 : i32
      %dma_start3A_59 = tpu.memref_slice %arg4[%add3A_42, %dma_start3A_58] : memref<802816x128xf32, #tpu.memory_space<hbm>> -> memref<128x128xf32, #tpu.memory_space<hbm>>
      tpu.enqueue_dma source(%arg7 : memref<128x128xf32, #tpu.memory_space<vmem>>) target(%dma_start3A_59 : memref<128x128xf32, #tpu.memory_space<hbm>>) target_semaphore(%arg10 : memref<!tpu.dma_semaphore, #tpu.memory_space<semaphore_mem>>)
    }
    %scan3A_7 = arith.constant 98 : i32
    %dma_wait3A = arith.constant 0 : i32
    %dma_wait3A_8 = tpu.memref_slice %arg4[%multiple_of3A, %dma_wait3A] : memref<802816x128xf32, #tpu.memory_space<hbm>> -> memref<128x128xf32, #tpu.memory_space<hbm>>
    %dma_wait3A_9 = arith.constant 0 : i32
    %dma_wait3A_10 = tpu.memref_slice %arg4[%multiple_of3A, %dma_wait3A_9] : memref<802816x128xf32, #tpu.memory_space<hbm>> -> memref<128x128xf32, #tpu.memory_space<hbm>>
    tpu.wait_dma2 semaphore(%arg9 : memref<!tpu.dma_semaphore, #tpu.memory_space<semaphore_mem>>) src(%arg6 : memref<128x128xf32, #tpu.memory_space<vmem>>) dst(%dma_wait3A_10 : memref<128x128xf32, #tpu.memory_space<hbm>>)
    %dma_wait3A_11 = arith.constant 0 : i32
    %dma_wait3A_12 = tpu.memref_slice %arg4[%multiple_of3A, %dma_wait3A_11] : memref<802816x128xf32, #tpu.memory_space<hbm>> -> memref<128x128xf32, #tpu.memory_space<hbm>>
    %dma_wait3A_13 = arith.constant 0 : i32
    %dma_wait3A_14 = tpu.memref_slice %arg4[%multiple_of3A, %dma_wait3A_13] : memref<802816x128xf32, #tpu.memory_space<hbm>> -> memref<128x128xf32, #tpu.memory_space<hbm>>
    tpu.wait_dma2 semaphore(%arg10 : memref<!tpu.dma_semaphore, #tpu.memory_space<semaphore_mem>>) src(%arg7 : memref<128x128xf32, #tpu.memory_space<vmem>>) dst(%dma_wait3A_14 : memref<128x128xf32, #tpu.memory_space<hbm>>)
    return
  }
}

#map = affine_map<(d0, d1) -> (0, 0)>
#map1 = affine_map<(d0, d1) -> (0)>
module attributes {stable_mosaic.version = 14 : i64} {
  func.func @gat(%arg0: i32, %arg1: i32, %arg2: memref<50176x128xf32, #tpu.memory_space<hbm>>, %arg3: memref<802816xi32, #tpu.memory_space<hbm>>, %arg4: memref<802816x128xf32, #tpu.memory_space<hbm>>, %arg5: memref<25088xi32, #tpu.memory_space<vmem>>, %arg6: memref<128x128xf32, #tpu.memory_space<vmem>>, %arg7: memref<128x128xf32, #tpu.memory_space<vmem>>, %arg8: memref<!tpu.dma_semaphore, #tpu.memory_space<semaphore_mem>>, %arg9: memref<!tpu.dma_semaphore, #tpu.memory_space<semaphore_mem>>, %arg10: memref<!tpu.dma_semaphore, #tpu.memory_space<semaphore_mem>>) attributes {dimension_semantics = [#tpu.dimension_semantics<core_parallel>, #tpu.dimension_semantics<subcore_parallel>], iteration_bounds = array<i64: 2, 16>, scalar_prefetch = 0 : i64, scratch_operands = 6 : i64, tpu.core_type = #tpu.core_type<sc_vector_subcore>, window_params = [{transform_indices = #map}, {transform_indices = #map1}, {transform_indices = #map}]} {
    %mul3A = arith.constant 2 : i32
    %mul3A_0 = arith.muli %arg1, %mul3A : i32
    %add3A = arith.addi %mul3A_0, %arg0 : i32
    %mul3A_1 = arith.constant 25088 : i32
    %mul3A_2 = arith.muli %add3A, %mul3A_1 : i32
    %multiple_of3A = tpu.assume_multiple %mul3A_2, 128 : i32
    "tpu.region"() ({
      %run_scoped3A = tpu.sem_alloc : memref<!tpu.dma_semaphore, #tpu.memory_space<semaphore_mem>>
      %dma_start3A = tpu.memref_slice %arg3[%multiple_of3A] : memref<802816xi32, #tpu.memory_space<hbm>> -> memref<25088xi32, #tpu.memory_space<hbm>>
      %dma_start3A_15 = tpu.memref_slice %arg3[%multiple_of3A] : memref<802816xi32, #tpu.memory_space<hbm>> -> memref<25088xi32, #tpu.memory_space<hbm>>
      tpu.enqueue_dma source(%dma_start3A_15 : memref<25088xi32, #tpu.memory_space<hbm>>) target(%arg5 : memref<25088xi32, #tpu.memory_space<vmem>>) target_semaphore(%run_scoped3A : memref<!tpu.dma_semaphore, #tpu.memory_space<semaphore_mem>>)
      %dma_wait3A_16 = tpu.memref_slice %arg3[%multiple_of3A] : memref<802816xi32, #tpu.memory_space<hbm>> -> memref<25088xi32, #tpu.memory_space<hbm>>
      %dma_wait3A_17 = tpu.memref_slice %arg3[%multiple_of3A] : memref<802816xi32, #tpu.memory_space<hbm>> -> memref<25088xi32, #tpu.memory_space<hbm>>
      tpu.wait_dma2 semaphore(%run_scoped3A : memref<!tpu.dma_semaphore, #tpu.memory_space<semaphore_mem>>) src(%dma_wait3A_17 : memref<25088xi32, #tpu.memory_space<hbm>>) dst(%arg5 : memref<25088xi32, #tpu.memory_space<vmem>>)
      tpu.yield
    }) : () -> ()
    %scan3A = arith.constant 0 : i32
    %scan3A_3 = arith.constant 0 : i32
    %scan3A_4 = arith.constant 98 : i32
    %scan3A_5 = arith.addi %scan3A_3, %scan3A_4 : i32
    %scan3A_6 = arith.constant 1 : i32
    scf.for %scan3A_15 = %scan3A_3 to %scan3A_5 step %scan3A_6  : i32 {
      %mul3A_16 = arith.constant 2 : i32
      %mul3A_17 = arith.muli %scan3A_15, %mul3A_16 : i32
      %add3A_18 = arith.constant 0 : i32
      %add3A_19 = arith.addi %mul3A_17, %add3A_18 : i32
      %mul3A_20 = arith.constant 128 : i32
      %mul3A_21 = arith.muli %add3A_19, %mul3A_20 : i32
      %add3A_22 = arith.addi %multiple_of3A, %mul3A_21 : i32
      %gt3A = arith.constant 0 : i32
      %gt3A_23 = arith.cmpi sgt, %scan3A_15, %gt3A : i32
      %convert_element_type3A = arith.extui %gt3A_23 : i1 to i32
      %cond3A = arith.constant 0 : i32
      %cond3A_24 = arith.cmpi ne, %convert_element_type3A, %cond3A : i32
      scf.if %cond3A_24 {
        %dma_wait3A_60 = arith.constant 0 : i32
        %dma_wait3A_61 = tpu.memref_slice %arg4[%add3A_22, %dma_wait3A_60] : memref<802816x128xf32, #tpu.memory_space<hbm>> -> memref<128x128xf32, #tpu.memory_space<hbm>>
        %dma_wait3A_62 = arith.constant 0 : i32
        %dma_wait3A_63 = tpu.memref_slice %arg4[%add3A_22, %dma_wait3A_62] : memref<802816x128xf32, #tpu.memory_space<hbm>> -> memref<128x128xf32, #tpu.memory_space<hbm>>
        tpu.wait_dma2 semaphore(%arg9 : memref<!tpu.dma_semaphore, #tpu.memory_space<semaphore_mem>>) src(%arg6 : memref<128x128xf32, #tpu.memory_space<vmem>>) dst(%dma_wait3A_63 : memref<128x128xf32, #tpu.memory_space<hbm>>)
      } else {
      }
      %dma_start3A = tpu.memref_slice %arg5[%mul3A_21] : memref<25088xi32, #tpu.memory_space<vmem>> -> memref<128xi32, #tpu.memory_space<vmem>>
      %dma_start3A_25 = arith.constant 0 : i32
      %dma_start3A_26 = arith.constant 0 : i32
      %dma_start3A_27 = tpu.memref_slice %arg2[%dma_start3A_25, %dma_start3A_26] : memref<50176x128xf32, #tpu.memory_space<hbm>> -> memref<50176x128xf32, #tpu.memory_space<hbm>>
      tpu.enqueue_indirect_dma source(%dma_start3A_27 : memref<50176x128xf32, #tpu.memory_space<hbm>>) target(%arg6 : memref<128x128xf32, #tpu.memory_space<vmem>>) offsets(%dma_start3A : memref<128xi32, #tpu.memory_space<vmem>>) semaphore(%arg8 : memref<!tpu.dma_semaphore, #tpu.memory_space<semaphore_mem>>)
      %dma_wait3A_28 = tpu.memref_slice %arg5[%mul3A_21] : memref<25088xi32, #tpu.memory_space<vmem>> -> memref<128xi32, #tpu.memory_space<vmem>>
      %dma_wait3A_29 = arith.constant 0 : i32
      %dma_wait3A_30 = arith.constant 0 : i32
      %dma_wait3A_31 = tpu.memref_slice %arg2[%dma_wait3A_29, %dma_wait3A_30] : memref<50176x128xf32, #tpu.memory_space<hbm>> -> memref<50176x128xf32, #tpu.memory_space<hbm>>
      tpu.wait_indirect_dma semaphore(%arg8 : memref<!tpu.dma_semaphore, #tpu.memory_space<semaphore_mem>>) src(%dma_wait3A_31 : memref<50176x128xf32, #tpu.memory_space<hbm>>) dst(%arg6 : memref<128x128xf32, #tpu.memory_space<vmem>>)
      %dma_start3A_32 = arith.constant 0 : i32
      %dma_start3A_33 = tpu.memref_slice %arg4[%add3A_22, %dma_start3A_32] : memref<802816x128xf32, #tpu.memory_space<hbm>> -> memref<128x128xf32, #tpu.memory_space<hbm>>
      %dma_start3A_34 = arith.constant 0 : i32
      %dma_start3A_35 = tpu.memref_slice %arg4[%add3A_22, %dma_start3A_34] : memref<802816x128xf32, #tpu.memory_space<hbm>> -> memref<128x128xf32, #tpu.memory_space<hbm>>
      tpu.enqueue_dma source(%arg6 : memref<128x128xf32, #tpu.memory_space<vmem>>) target(%dma_start3A_35 : memref<128x128xf32, #tpu.memory_space<hbm>>) target_semaphore(%arg9 : memref<!tpu.dma_semaphore, #tpu.memory_space<semaphore_mem>>)
      %mul3A_36 = arith.constant 2 : i32
      %mul3A_37 = arith.muli %scan3A_15, %mul3A_36 : i32
      %add3A_38 = arith.constant 1 : i32
      %add3A_39 = arith.addi %mul3A_37, %add3A_38 : i32
      %mul3A_40 = arith.constant 128 : i32
      %mul3A_41 = arith.muli %add3A_39, %mul3A_40 : i32
      %add3A_42 = arith.addi %multiple_of3A, %mul3A_41 : i32
      %gt3A_43 = arith.constant 0 : i32
      %gt3A_44 = arith.cmpi sgt, %scan3A_15, %gt3A_43 : i32
      %convert_element_type3A_45 = arith.extui %gt3A_44 : i1 to i32
      %cond3A_46 = arith.constant 0 : i32
      %cond3A_47 = arith.cmpi ne, %convert_element_type3A_45, %cond3A_46 : i32
      scf.if %cond3A_47 {
        %dma_wait3A_60 = arith.constant 0 : i32
        %dma_wait3A_61 = tpu.memref_slice %arg4[%add3A_42, %dma_wait3A_60] : memref<802816x128xf32, #tpu.memory_space<hbm>> -> memref<128x128xf32, #tpu.memory_space<hbm>>
        %dma_wait3A_62 = arith.constant 0 : i32
        %dma_wait3A_63 = tpu.memref_slice %arg4[%add3A_42, %dma_wait3A_62] : memref<802816x128xf32, #tpu.memory_space<hbm>> -> memref<128x128xf32, #tpu.memory_space<hbm>>
        tpu.wait_dma2 semaphore(%arg10 : memref<!tpu.dma_semaphore, #tpu.memory_space<semaphore_mem>>) src(%arg7 : memref<128x128xf32, #tpu.memory_space<vmem>>) dst(%dma_wait3A_63 : memref<128x128xf32, #tpu.memory_space<hbm>>)
      } else {
      }
      %dma_start3A_48 = tpu.memref_slice %arg5[%mul3A_41] : memref<25088xi32, #tpu.memory_space<vmem>> -> memref<128xi32, #tpu.memory_space<vmem>>
      %dma_start3A_49 = arith.constant 0 : i32
      %dma_start3A_50 = arith.constant 0 : i32
      %dma_start3A_51 = tpu.memref_slice %arg2[%dma_start3A_49, %dma_start3A_50] : memref<50176x128xf32, #tpu.memory_space<hbm>> -> memref<50176x128xf32, #tpu.memory_space<hbm>>
      tpu.enqueue_indirect_dma source(%dma_start3A_51 : memref<50176x128xf32, #tpu.memory_space<hbm>>) target(%arg7 : memref<128x128xf32, #tpu.memory_space<vmem>>) offsets(%dma_start3A_48 : memref<128xi32, #tpu.memory_space<vmem>>) semaphore(%arg8 : memref<!tpu.dma_semaphore, #tpu.memory_space<semaphore_mem>>)
      %dma_wait3A_52 = tpu.memref_slice %arg5[%mul3A_41] : memref<25088xi32, #tpu.memory_space<vmem>> -> memref<128xi32, #tpu.memory_space<vmem>>
      %dma_wait3A_53 = arith.constant 0 : i32
      %dma_wait3A_54 = arith.constant 0 : i32
      %dma_wait3A_55 = tpu.memref_slice %arg2[%dma_wait3A_53, %dma_wait3A_54] : memref<50176x128xf32, #tpu.memory_space<hbm>> -> memref<50176x128xf32, #tpu.memory_space<hbm>>
      tpu.wait_indirect_dma semaphore(%arg8 : memref<!tpu.dma_semaphore, #tpu.memory_space<semaphore_mem>>) src(%dma_wait3A_55 : memref<50176x128xf32, #tpu.memory_space<hbm>>) dst(%arg7 : memref<128x128xf32, #tpu.memory_space<vmem>>)
      %dma_start3A_56 = arith.constant 0 : i32
      %dma_start3A_57 = tpu.memref_slice %arg4[%add3A_42, %dma_start3A_56] : memref<802816x128xf32, #tpu.memory_space<hbm>> -> memref<128x128xf32, #tpu.memory_space<hbm>>
      %dma_start3A_58 = arith.constant 0 : i32
      %dma_start3A_59 = tpu.memref_slice %arg4[%add3A_42, %dma_start3A_58] : memref<802816x128xf32, #tpu.memory_space<hbm>> -> memref<128x128xf32, #tpu.memory_space<hbm>>
      tpu.enqueue_dma source(%arg7 : memref<128x128xf32, #tpu.memory_space<vmem>>) target(%dma_start3A_59 : memref<128x128xf32, #tpu.memory_space<hbm>>) target_semaphore(%arg10 : memref<!tpu.dma_semaphore, #tpu.memory_space<semaphore_mem>>)
    }
    %scan3A_7 = arith.constant 98 : i32
    %dma_wait3A = arith.constant 0 : i32
    %dma_wait3A_8 = tpu.memref_slice %arg4[%multiple_of3A, %dma_wait3A] : memref<802816x128xf32, #tpu.memory_space<hbm>> -> memref<128x128xf32, #tpu.memory_space<hbm>>
    %dma_wait3A_9 = arith.constant 0 : i32
    %dma_wait3A_10 = tpu.memref_slice %arg4[%multiple_of3A, %dma_wait3A_9] : memref<802816x128xf32, #tpu.memory_space<hbm>> -> memref<128x128xf32, #tpu.memory_space<hbm>>
    tpu.wait_dma2 semaphore(%arg9 : memref<!tpu.dma_semaphore, #tpu.memory_space<semaphore_mem>>) src(%arg6 : memref<128x128xf32, #tpu.memory_space<vmem>>) dst(%dma_wait3A_10 : memref<128x128xf32, #tpu.memory_space<hbm>>)
    %dma_wait3A_11 = arith.constant 0 : i32
    %dma_wait3A_12 = tpu.memref_slice %arg4[%multiple_of3A, %dma_wait3A_11] : memref<802816x128xf32, #tpu.memory_space<hbm>> -> memref<128x128xf32, #tpu.memory_space<hbm>>
    %dma_wait3A_13 = arith.constant 0 : i32
    %dma_wait3A_14 = tpu.memref_slice %arg4[%multiple_of3A, %dma_wait3A_13] : memref<802816x128xf32, #tpu.memory_space<hbm>> -> memref<128x128xf32, #tpu.memory_space<hbm>>
    tpu.wait_dma2 semaphore(%arg10 : memref<!tpu.dma_semaphore, #tpu.memory_space<semaphore_mem>>) src(%arg7 : memref<128x128xf32, #tpu.memory_space<vmem>>) dst(%dma_wait3A_14 : memref<128x128xf32, #tpu.memory_space<hbm>>)
    return
  }
}

module attributes {stable_mosaic.version = 14 : i64} {
  func.func @_enc_body(%arg0: i32, %arg1: memref<256x128xf32, #tpu.memory_space<vmem>>, %arg2: memref<128x128xf32, #tpu.memory_space<vmem>>, %arg3: memref<1x128xf32, #tpu.memory_space<vmem>>, %arg4: memref<128x128xf32, #tpu.memory_space<vmem>>, %arg5: memref<1x128xf32, #tpu.memory_space<vmem>>, %arg6: memref<128x128xf32, #tpu.memory_space<vmem>>, %arg7: memref<1x128xf32, #tpu.memory_space<vmem>>, %arg8: memref<1x128xf32, #tpu.memory_space<vmem>>, %arg9: memref<1x128xf32, #tpu.memory_space<vmem>>, %arg10: memref<256x128xf32, #tpu.memory_space<vmem>>) attributes {dimension_semantics = [#tpu.dimension_semantics<arbitrary>], iteration_bounds = array<i64: 196>, scalar_prefetch = 0 : i64, scratch_operands = 0 : i64, tpu.core_type = #tpu.core_type<tc>, window_params = [{transform_indices = @transform_0, window_bounds = array<i64: 256, 128>}, {pipeline_mode = #tpu.pipeline_mode<synchronous>, transform_indices = @transform_1, window_bounds = array<i64: 128, 128>}, {pipeline_mode = #tpu.pipeline_mode<synchronous>, transform_indices = @transform_2, window_bounds = array<i64: 1, 128>}, {pipeline_mode = #tpu.pipeline_mode<synchronous>, transform_indices = @transform_3, window_bounds = array<i64: 128, 128>}, {pipeline_mode = #tpu.pipeline_mode<synchronous>, transform_indices = @transform_4, window_bounds = array<i64: 1, 128>}, {pipeline_mode = #tpu.pipeline_mode<synchronous>, transform_indices = @transform_5, window_bounds = array<i64: 128, 128>}, {pipeline_mode = #tpu.pipeline_mode<synchronous>, transform_indices = @transform_6, window_bounds = array<i64: 1, 128>}, {pipeline_mode = #tpu.pipeline_mode<synchronous>, transform_indices = @transform_7, window_bounds = array<i64: 1, 128>}, {pipeline_mode = #tpu.pipeline_mode<synchronous>, transform_indices = @transform_8, window_bounds = array<i64: 1, 128>}, {transform_indices = @transform_9, window_bounds = array<i64: 256, 128>}]} {
    %get3A = arith.constant 0 : index
    %get3A_0 = arith.constant 0 : index
    %get3A_1 = vector.load %arg1[%get3A, %get3A_0] : memref<256x128xf32, #tpu.memory_space<vmem>>, vector<256x128xf32>
    %get3A_2 = arith.constant 0 : index
    %get3A_3 = arith.constant 0 : index
    %get3A_4 = vector.load %arg2[%get3A_2, %get3A_3] : memref<128x128xf32, #tpu.memory_space<vmem>>, vector<128x128xf32>
    %dot_general3A = arith.constant dense<0.000000e+00> : vector<256x128xf32>
    %dot_general3A_5 = tpu.matmul %get3A_1, %get3A_4, %dot_general3A {dimension_numbers = #tpu.dot_dimension_numbers<[1], [0], [0], [1], [0, 0, 1, 1], [], []>, transpose_lhs_hint = false} : vector<256x128xf32>, vector<128x128xf32>, vector<256x128xf32> -> vector<256x128xf32>
    %get3A_6 = arith.constant 0 : index
    %get3A_7 = arith.constant 0 : index
    %get3A_8 = vector.load %arg3[%get3A_6, %get3A_7] : memref<1x128xf32, #tpu.memory_space<vmem>>, vector<1x128xf32>
    %add3A = vector.broadcast %get3A_8 : vector<1x128xf32> to vector<256x128xf32>
    %add3A_9 = arith.addf %dot_general3A_5, %add3A : vector<256x128xf32>
    %max3A = arith.constant 0.000000e+00 : f32
    %max3A_10 = vector.broadcast %max3A : f32 to vector<256x128xf32>
    %max3A_11 = arith.maximumf %add3A_9, %max3A_10 : vector<256x128xf32>
    %get3A_12 = arith.constant 0 : index
    %get3A_13 = arith.constant 0 : index
    %get3A_14 = vector.load %arg4[%get3A_12, %get3A_13] : memref<128x128xf32, #tpu.memory_space<vmem>>, vector<128x128xf32>
    %dot_general3A_15 = arith.constant dense<0.000000e+00> : vector<256x128xf32>
    %dot_general3A_16 = tpu.matmul %max3A_11, %get3A_14, %dot_general3A_15 {dimension_numbers = #tpu.dot_dimension_numbers<[1], [0], [0], [1], [0, 0, 1, 1], [], []>, transpose_lhs_hint = false} : vector<256x128xf32>, vector<128x128xf32>, vector<256x128xf32> -> vector<256x128xf32>
    %get3A_17 = arith.constant 0 : index
    %get3A_18 = arith.constant 0 : index
    %get3A_19 = vector.load %arg5[%get3A_17, %get3A_18] : memref<1x128xf32, #tpu.memory_space<vmem>>, vector<1x128xf32>
    %add3A_20 = vector.broadcast %get3A_19 : vector<1x128xf32> to vector<256x128xf32>
    %add3A_21 = arith.addf %dot_general3A_16, %add3A_20 : vector<256x128xf32>
    %max3A_22 = arith.constant 0.000000e+00 : f32
    %max3A_23 = vector.broadcast %max3A_22 : f32 to vector<256x128xf32>
    %max3A_24 = arith.maximumf %add3A_21, %max3A_23 : vector<256x128xf32>
    %get3A_25 = arith.constant 0 : index
    %get3A_26 = arith.constant 0 : index
    %get3A_27 = vector.load %arg6[%get3A_25, %get3A_26] : memref<128x128xf32, #tpu.memory_space<vmem>>, vector<128x128xf32>
    %dot_general3A_28 = arith.constant dense<0.000000e+00> : vector<256x128xf32>
    %dot_general3A_29 = tpu.matmul %max3A_24, %get3A_27, %dot_general3A_28 {dimension_numbers = #tpu.dot_dimension_numbers<[1], [0], [0], [1], [0, 0, 1, 1], [], []>, transpose_lhs_hint = false} : vector<256x128xf32>, vector<128x128xf32>, vector<256x128xf32> -> vector<256x128xf32>
    %get3A_30 = arith.constant 0 : index
    %get3A_31 = arith.constant 0 : index
    %get3A_32 = vector.load %arg7[%get3A_30, %get3A_31] : memref<1x128xf32, #tpu.memory_space<vmem>>, vector<1x128xf32>
    %add3A_33 = vector.broadcast %get3A_32 : vector<1x128xf32> to vector<256x128xf32>
    %add3A_34 = arith.addf %dot_general3A_29, %add3A_33 : vector<256x128xf32>
    %get3A_35 = arith.constant 0 : index
    %get3A_36 = arith.constant 0 : index
    %get3A_37 = vector.load %arg8[%get3A_35, %get3A_36] : memref<1x128xf32, #tpu.memory_space<vmem>>, vector<1x128xf32>
    %get3A_38 = arith.constant 0 : index
    %get3A_39 = arith.constant 0 : index
    %get3A_40 = vector.load %arg9[%get3A_38, %get3A_39] : memref<1x128xf32, #tpu.memory_space<vmem>>, vector<1x128xf32>
    %reduce_sum3A = arith.constant dense<0.000000e+00> : vector<256xf32>
    %reduce_sum3A_41 = vector.multi_reduction <add>, %add3A_34, %reduce_sum3A [1] : vector<256x128xf32> to vector<256xf32>
    %broadcast_in_dim3A = vector.shape_cast %reduce_sum3A_41 : vector<256xf32> to vector<256x1xf32>
    %div3A = arith.constant 1.280000e+02 : f32
    %div3A_42 = vector.broadcast %div3A : f32 to vector<256x1xf32>
    %div3A_43 = arith.divf %broadcast_in_dim3A, %div3A_42 : vector<256x1xf32>
    %sub3A = vector.broadcast %div3A_43 : vector<256x1xf32> to vector<256x128xf32>
    %sub3A_44 = arith.subf %add3A_34, %sub3A : vector<256x128xf32>
    %mul3A = arith.mulf %sub3A_44, %sub3A_44 : vector<256x128xf32>
    %reduce_sum3A_45 = arith.constant dense<0.000000e+00> : vector<256xf32>
    %reduce_sum3A_46 = vector.multi_reduction <add>, %mul3A, %reduce_sum3A_45 [1] : vector<256x128xf32> to vector<256xf32>
    %broadcast_in_dim3A_47 = vector.shape_cast %reduce_sum3A_46 : vector<256xf32> to vector<256x1xf32>
    %div3A_48 = arith.constant 1.280000e+02 : f32
    %div3A_49 = vector.broadcast %div3A_48 : f32 to vector<256x1xf32>
    %div3A_50 = arith.divf %broadcast_in_dim3A_47, %div3A_49 : vector<256x1xf32>
    %add3A_51 = arith.constant 9.99999974E-6 : f32
    %add3A_52 = vector.broadcast %add3A_51 : f32 to vector<256x1xf32>
    %add3A_53 = arith.addf %div3A_50, %add3A_52 : vector<256x1xf32>
    %rsqrt3A = math.rsqrt %add3A_53 : vector<256x1xf32>
    %mul3A_54 = vector.broadcast %rsqrt3A : vector<256x1xf32> to vector<256x128xf32>
    %mul3A_55 = arith.mulf %sub3A_44, %mul3A_54 : vector<256x128xf32>
    %mul3A_56 = vector.broadcast %get3A_37 : vector<1x128xf32> to vector<256x128xf32>
    %mul3A_57 = arith.mulf %mul3A_55, %mul3A_56 : vector<256x128xf32>
    %add3A_58 = vector.broadcast %get3A_40 : vector<1x128xf32> to vector<256x128xf32>
    %add3A_59 = arith.addf %mul3A_57, %add3A_58 : vector<256x128xf32>
    %swap3A = arith.constant 0 : index
    %swap3A_60 = arith.constant 0 : index
    %swap3A_61 = vector.load %arg10[%swap3A, %swap3A_60] : memref<256x128xf32, #tpu.memory_space<vmem>>, vector<256x128xf32>
    tpu.vector_store %arg10[%swap3A, %swap3A_60], %add3A_59 {strides = array<i32>} : memref<256x128xf32, #tpu.memory_space<vmem>>, vector<256x128xf32>,
    return
  }
  func.func @transform_0(%arg0: i32) -> (i32, i32) {
    %c0_i32 = arith.constant 0 : i32
    %c0_i32_0 = arith.constant 0 : i32
    return %arg0, %c0_i32 : i32, i32
  }
  func.func @transform_1(%arg0: i32) -> (i32, i32) {
    %c0_i32 = arith.constant 0 : i32
    %c0_i32_0 = arith.constant 0 : i32
    %c0_i32_1 = arith.constant 0 : i32
    return %c0_i32, %c0_i32_0 : i32, i32
  }
  func.func @transform_2(%arg0: i32) -> (i32, i32) {
    %c0_i32 = arith.constant 0 : i32
    %c0_i32_0 = arith.constant 0 : i32
    %c0_i32_1 = arith.constant 0 : i32
    return %c0_i32, %c0_i32_0 : i32, i32
  }
  func.func @transform_3(%arg0: i32) -> (i32, i32) {
    %c0_i32 = arith.constant 0 : i32
    %c0_i32_0 = arith.constant 0 : i32
    %c0_i32_1 = arith.constant 0 : i32
    return %c0_i32, %c0_i32_0 : i32, i32
  }
  func.func @transform_4(%arg0: i32) -> (i32, i32) {
    %c0_i32 = arith.constant 0 : i32
    %c0_i32_0 = arith.constant 0 : i32
    %c0_i32_1 = arith.constant 0 : i32
    return %c0_i32, %c0_i32_0 : i32, i32
  }
  func.func @transform_5(%arg0: i32) -> (i32, i32) {
    %c0_i32 = arith.constant 0 : i32
    %c0_i32_0 = arith.constant 0 : i32
    %c0_i32_1 = arith.constant 0 : i32
    return %c0_i32, %c0_i32_0 : i32, i32
  }
  func.func @transform_6(%arg0: i32) -> (i32, i32) {
    %c0_i32 = arith.constant 0 : i32
    %c0_i32_0 = arith.constant 0 : i32
    %c0_i32_1 = arith.constant 0 : i32
    return %c0_i32, %c0_i32_0 : i32, i32
  }
  func.func @transform_7(%arg0: i32) -> (i32, i32) {
    %c0_i32 = arith.constant 0 : i32
    %c0_i32_0 = arith.constant 0 : i32
    %c0_i32_1 = arith.constant 0 : i32
    return %c0_i32, %c0_i32_0 : i32, i32
  }
  func.func @transform_8(%arg0: i32) -> (i32, i32) {
    %c0_i32 = arith.constant 0 : i32
    %c0_i32_0 = arith.constant 0 : i32
    %c0_i32_1 = arith.constant 0 : i32
    return %c0_i32, %c0_i32_0 : i32, i32
  }
  func.func @transform_9(%arg0: i32) -> (i32, i32) {
    %c0_i32 = arith.constant 0 : i32
    %c0_i32_0 = arith.constant 0 : i32
    return %arg0, %c0_i32 : i32, i32
  }
}

module attributes {stable_mosaic.version = 14 : i64} {
  func.func @_enc_body(%arg0: i32, %arg1: memref<512x128xf32, #tpu.memory_space<vmem>>, %arg2: memref<128x128xf32, #tpu.memory_space<vmem>>, %arg3: memref<1x128xf32, #tpu.memory_space<vmem>>, %arg4: memref<128x128xf32, #tpu.memory_space<vmem>>, %arg5: memref<1x128xf32, #tpu.memory_space<vmem>>, %arg6: memref<128x128xf32, #tpu.memory_space<vmem>>, %arg7: memref<1x128xf32, #tpu.memory_space<vmem>>, %arg8: memref<1x128xf32, #tpu.memory_space<vmem>>, %arg9: memref<1x128xf32, #tpu.memory_space<vmem>>, %arg10: memref<512x128xf32, #tpu.memory_space<vmem>>) attributes {dimension_semantics = [#tpu.dimension_semantics<arbitrary>], iteration_bounds = array<i64: 1568>, scalar_prefetch = 0 : i64, scratch_operands = 0 : i64, tpu.core_type = #tpu.core_type<tc>, window_params = [{transform_indices = @transform_0, window_bounds = array<i64: 512, 128>}, {pipeline_mode = #tpu.pipeline_mode<synchronous>, transform_indices = @transform_1, window_bounds = array<i64: 128, 128>}, {pipeline_mode = #tpu.pipeline_mode<synchronous>, transform_indices = @transform_2, window_bounds = array<i64: 1, 128>}, {pipeline_mode = #tpu.pipeline_mode<synchronous>, transform_indices = @transform_3, window_bounds = array<i64: 128, 128>}, {pipeline_mode = #tpu.pipeline_mode<synchronous>, transform_indices = @transform_4, window_bounds = array<i64: 1, 128>}, {pipeline_mode = #tpu.pipeline_mode<synchronous>, transform_indices = @transform_5, window_bounds = array<i64: 128, 128>}, {pipeline_mode = #tpu.pipeline_mode<synchronous>, transform_indices = @transform_6, window_bounds = array<i64: 1, 128>}, {pipeline_mode = #tpu.pipeline_mode<synchronous>, transform_indices = @transform_7, window_bounds = array<i64: 1, 128>}, {pipeline_mode = #tpu.pipeline_mode<synchronous>, transform_indices = @transform_8, window_bounds = array<i64: 1, 128>}, {transform_indices = @transform_9, window_bounds = array<i64: 512, 128>}]} {
    %get3A = arith.constant 0 : index
    %get3A_0 = arith.constant 0 : index
    %get3A_1 = vector.load %arg1[%get3A, %get3A_0] : memref<512x128xf32, #tpu.memory_space<vmem>>, vector<512x128xf32>
    %get3A_2 = arith.constant 0 : index
    %get3A_3 = arith.constant 0 : index
    %get3A_4 = vector.load %arg2[%get3A_2, %get3A_3] : memref<128x128xf32, #tpu.memory_space<vmem>>, vector<128x128xf32>
    %dot_general3A = arith.constant dense<0.000000e+00> : vector<512x128xf32>
    %dot_general3A_5 = tpu.matmul %get3A_1, %get3A_4, %dot_general3A {dimension_numbers = #tpu.dot_dimension_numbers<[1], [0], [0], [1], [0, 0, 1, 1], [], []>, transpose_lhs_hint = false} : vector<512x128xf32>, vector<128x128xf32>, vector<512x128xf32> -> vector<512x128xf32>
    %get3A_6 = arith.constant 0 : index
    %get3A_7 = arith.constant 0 : index
    %get3A_8 = vector.load %arg3[%get3A_6, %get3A_7] : memref<1x128xf32, #tpu.memory_space<vmem>>, vector<1x128xf32>
    %add3A = vector.broadcast %get3A_8 : vector<1x128xf32> to vector<512x128xf32>
    %add3A_9 = arith.addf %dot_general3A_5, %add3A : vector<512x128xf32>
    %max3A = arith.constant 0.000000e+00 : f32
    %max3A_10 = vector.broadcast %max3A : f32 to vector<512x128xf32>
    %max3A_11 = arith.maximumf %add3A_9, %max3A_10 : vector<512x128xf32>
    %get3A_12 = arith.constant 0 : index
    %get3A_13 = arith.constant 0 : index
    %get3A_14 = vector.load %arg4[%get3A_12, %get3A_13] : memref<128x128xf32, #tpu.memory_space<vmem>>, vector<128x128xf32>
    %dot_general3A_15 = arith.constant dense<0.000000e+00> : vector<512x128xf32>
    %dot_general3A_16 = tpu.matmul %max3A_11, %get3A_14, %dot_general3A_15 {dimension_numbers = #tpu.dot_dimension_numbers<[1], [0], [0], [1], [0, 0, 1, 1], [], []>, transpose_lhs_hint = false} : vector<512x128xf32>, vector<128x128xf32>, vector<512x128xf32> -> vector<512x128xf32>
    %get3A_17 = arith.constant 0 : index
    %get3A_18 = arith.constant 0 : index
    %get3A_19 = vector.load %arg5[%get3A_17, %get3A_18] : memref<1x128xf32, #tpu.memory_space<vmem>>, vector<1x128xf32>
    %add3A_20 = vector.broadcast %get3A_19 : vector<1x128xf32> to vector<512x128xf32>
    %add3A_21 = arith.addf %dot_general3A_16, %add3A_20 : vector<512x128xf32>
    %max3A_22 = arith.constant 0.000000e+00 : f32
    %max3A_23 = vector.broadcast %max3A_22 : f32 to vector<512x128xf32>
    %max3A_24 = arith.maximumf %add3A_21, %max3A_23 : vector<512x128xf32>
    %get3A_25 = arith.constant 0 : index
    %get3A_26 = arith.constant 0 : index
    %get3A_27 = vector.load %arg6[%get3A_25, %get3A_26] : memref<128x128xf32, #tpu.memory_space<vmem>>, vector<128x128xf32>
    %dot_general3A_28 = arith.constant dense<0.000000e+00> : vector<512x128xf32>
    %dot_general3A_29 = tpu.matmul %max3A_24, %get3A_27, %dot_general3A_28 {dimension_numbers = #tpu.dot_dimension_numbers<[1], [0], [0], [1], [0, 0, 1, 1], [], []>, transpose_lhs_hint = false} : vector<512x128xf32>, vector<128x128xf32>, vector<512x128xf32> -> vector<512x128xf32>
    %get3A_30 = arith.constant 0 : index
    %get3A_31 = arith.constant 0 : index
    %get3A_32 = vector.load %arg7[%get3A_30, %get3A_31] : memref<1x128xf32, #tpu.memory_space<vmem>>, vector<1x128xf32>
    %add3A_33 = vector.broadcast %get3A_32 : vector<1x128xf32> to vector<512x128xf32>
    %add3A_34 = arith.addf %dot_general3A_29, %add3A_33 : vector<512x128xf32>
    %get3A_35 = arith.constant 0 : index
    %get3A_36 = arith.constant 0 : index
    %get3A_37 = vector.load %arg8[%get3A_35, %get3A_36] : memref<1x128xf32, #tpu.memory_space<vmem>>, vector<1x128xf32>
    %get3A_38 = arith.constant 0 : index
    %get3A_39 = arith.constant 0 : index
    %get3A_40 = vector.load %arg9[%get3A_38, %get3A_39] : memref<1x128xf32, #tpu.memory_space<vmem>>, vector<1x128xf32>
    %reduce_sum3A = arith.constant dense<0.000000e+00> : vector<512xf32>
    %reduce_sum3A_41 = vector.multi_reduction <add>, %add3A_34, %reduce_sum3A [1] : vector<512x128xf32> to vector<512xf32>
    %broadcast_in_dim3A = vector.shape_cast %reduce_sum3A_41 : vector<512xf32> to vector<512x1xf32>
    %div3A = arith.constant 1.280000e+02 : f32
    %div3A_42 = vector.broadcast %div3A : f32 to vector<512x1xf32>
    %div3A_43 = arith.divf %broadcast_in_dim3A, %div3A_42 : vector<512x1xf32>
    %sub3A = vector.broadcast %div3A_43 : vector<512x1xf32> to vector<512x128xf32>
    %sub3A_44 = arith.subf %add3A_34, %sub3A : vector<512x128xf32>
    %mul3A = arith.mulf %sub3A_44, %sub3A_44 : vector<512x128xf32>
    %reduce_sum3A_45 = arith.constant dense<0.000000e+00> : vector<512xf32>
    %reduce_sum3A_46 = vector.multi_reduction <add>, %mul3A, %reduce_sum3A_45 [1] : vector<512x128xf32> to vector<512xf32>
    %broadcast_in_dim3A_47 = vector.shape_cast %reduce_sum3A_46 : vector<512xf32> to vector<512x1xf32>
    %div3A_48 = arith.constant 1.280000e+02 : f32
    %div3A_49 = vector.broadcast %div3A_48 : f32 to vector<512x1xf32>
    %div3A_50 = arith.divf %broadcast_in_dim3A_47, %div3A_49 : vector<512x1xf32>
    %add3A_51 = arith.constant 9.99999974E-6 : f32
    %add3A_52 = vector.broadcast %add3A_51 : f32 to vector<512x1xf32>
    %add3A_53 = arith.addf %div3A_50, %add3A_52 : vector<512x1xf32>
    %rsqrt3A = math.rsqrt %add3A_53 : vector<512x1xf32>
    %mul3A_54 = vector.broadcast %rsqrt3A : vector<512x1xf32> to vector<512x128xf32>
    %mul3A_55 = arith.mulf %sub3A_44, %mul3A_54 : vector<512x128xf32>
    %mul3A_56 = vector.broadcast %get3A_37 : vector<1x128xf32> to vector<512x128xf32>
    %mul3A_57 = arith.mulf %mul3A_55, %mul3A_56 : vector<512x128xf32>
    %add3A_58 = vector.broadcast %get3A_40 : vector<1x128xf32> to vector<512x128xf32>
    %add3A_59 = arith.addf %mul3A_57, %add3A_58 : vector<512x128xf32>
    %swap3A = arith.constant 0 : index
    %swap3A_60 = arith.constant 0 : index
    %swap3A_61 = vector.load %arg10[%swap3A, %swap3A_60] : memref<512x128xf32, #tpu.memory_space<vmem>>, vector<512x128xf32>
    tpu.vector_store %arg10[%swap3A, %swap3A_60], %add3A_59 {strides = array<i32>} : memref<512x128xf32, #tpu.memory_space<vmem>>, vector<512x128xf32>,
    return
  }
  func.func @transform_0(%arg0: i32) -> (i32, i32) {
    %c0_i32 = arith.constant 0 : i32
    %c0_i32_0 = arith.constant 0 : i32
    return %arg0, %c0_i32 : i32, i32
  }
  func.func @transform_1(%arg0: i32) -> (i32, i32) {
    %c0_i32 = arith.constant 0 : i32
    %c0_i32_0 = arith.constant 0 : i32
    %c0_i32_1 = arith.constant 0 : i32
    return %c0_i32, %c0_i32_0 : i32, i32
  }
  func.func @transform_2(%arg0: i32) -> (i32, i32) {
    %c0_i32 = arith.constant 0 : i32
    %c0_i32_0 = arith.constant 0 : i32
    %c0_i32_1 = arith.constant 0 : i32
    return %c0_i32, %c0_i32_0 : i32, i32
  }
  func.func @transform_3(%arg0: i32) -> (i32, i32) {
    %c0_i32 = arith.constant 0 : i32
    %c0_i32_0 = arith.constant 0 : i32
    %c0_i32_1 = arith.constant 0 : i32
    return %c0_i32, %c0_i32_0 : i32, i32
  }
  func.func @transform_4(%arg0: i32) -> (i32, i32) {
    %c0_i32 = arith.constant 0 : i32
    %c0_i32_0 = arith.constant 0 : i32
    %c0_i32_1 = arith.constant 0 : i32
    return %c0_i32, %c0_i32_0 : i32, i32
  }
  func.func @transform_5(%arg0: i32) -> (i32, i32) {
    %c0_i32 = arith.constant 0 : i32
    %c0_i32_0 = arith.constant 0 : i32
    %c0_i32_1 = arith.constant 0 : i32
    return %c0_i32, %c0_i32_0 : i32, i32
  }
  func.func @transform_6(%arg0: i32) -> (i32, i32) {
    %c0_i32 = arith.constant 0 : i32
    %c0_i32_0 = arith.constant 0 : i32
    %c0_i32_1 = arith.constant 0 : i32
    return %c0_i32, %c0_i32_0 : i32, i32
  }
  func.func @transform_7(%arg0: i32) -> (i32, i32) {
    %c0_i32 = arith.constant 0 : i32
    %c0_i32_0 = arith.constant 0 : i32
    %c0_i32_1 = arith.constant 0 : i32
    return %c0_i32, %c0_i32_0 : i32, i32
  }
  func.func @transform_8(%arg0: i32) -> (i32, i32) {
    %c0_i32 = arith.constant 0 : i32
    %c0_i32_0 = arith.constant 0 : i32
    %c0_i32_1 = arith.constant 0 : i32
    return %c0_i32, %c0_i32_0 : i32, i32
  }
  func.func @transform_9(%arg0: i32) -> (i32, i32) {
    %c0_i32 = arith.constant 0 : i32
    %c0_i32_0 = arith.constant 0 : i32
    return %arg0, %c0_i32 : i32, i32
  }
}

module attributes {stable_mosaic.version = 14 : i64} {
  func.func @_mp_body(%arg0: i32, %arg1: memref<197xi32, #tpu.memory_space<smem>>, %arg2: memref<256x128xf32, #tpu.memory_space<vmem>>, %arg3: memref<802816x128xf32, #tpu.memory_space<any>>, %arg4: memref<802816x128xf32, #tpu.memory_space<any>>, %arg5: memref<802816x1xi32, #tpu.memory_space<any>>, %arg6: memref<384x128xf32, #tpu.memory_space<vmem>>, %arg7: memref<1x128xf32, #tpu.memory_space<vmem>>, %arg8: memref<128x128xf32, #tpu.memory_space<vmem>>, %arg9: memref<1x128xf32, #tpu.memory_space<vmem>>, %arg10: memref<128x128xf32, #tpu.memory_space<vmem>>, %arg11: memref<1x128xf32, #tpu.memory_space<vmem>>, %arg12: memref<1x128xf32, #tpu.memory_space<vmem>>, %arg13: memref<1x128xf32, #tpu.memory_space<vmem>>, %arg14: memref<256x128xf32, #tpu.memory_space<vmem>>, %arg15: memref<1x128xf32, #tpu.memory_space<vmem>>, %arg16: memref<128x128xf32, #tpu.memory_space<vmem>>, %arg17: memref<1x128xf32, #tpu.memory_space<vmem>>, %arg18: memref<128x128xf32, #tpu.memory_space<vmem>>, %arg19: memref<1x128xf32, #tpu.memory_space<vmem>>, %arg20: memref<1x128xf32, #tpu.memory_space<vmem>>, %arg21: memref<1x128xf32, #tpu.memory_space<vmem>>, %arg22: memref<256x128xf32, #tpu.memory_space<vmem>>, %arg23: memref<802816x128xf32, #tpu.memory_space<any>>, %arg24: memref<2x1024x128xf32, #tpu.memory_space<vmem>>, %arg25: memref<2x1024x128xf32, #tpu.memory_space<vmem>>, %arg26: memref<2x1024x1xi32, #tpu.memory_space<vmem>>, %arg27: memref<2x1024x128xf32, #tpu.memory_space<vmem>>, %arg28: memref<!tpu.dma_semaphore, #tpu.memory_space<semaphore_mem>>, %arg29: memref<!tpu.dma_semaphore, #tpu.memory_space<semaphore_mem>>, %arg30: memref<!tpu.dma_semaphore, #tpu.memory_space<semaphore_mem>>, %arg31: memref<!tpu.dma_semaphore, #tpu.memory_space<semaphore_mem>>) attributes {dimension_semantics = [#tpu.dimension_semantics<arbitrary>], iteration_bounds = array<i64: 196>, scalar_prefetch = 0 : i64, scratch_operands = 8 : i64, tpu.core_type = #tpu.core_type<tc>, window_params = [{transform_indices = @transform_0, window_bounds = array<i64: 197>}, {transform_indices = @transform_1, window_bounds = array<i64: 256, 128>}, {}, {}, {}, {pipeline_mode = #tpu.pipeline_mode<synchronous>, transform_indices = @transform_5, window_bounds = array<i64: 384, 128>}, {pipeline_mode = #tpu.pipeline_mode<synchronous>, transform_indices = @transform_6, window_bounds = array<i64: 1, 128>}, {pipeline_mode = #tpu.pipeline_mode<synchronous>, transform_indices = @transform_7, window_bounds = array<i64: 128, 128>}, {pipeline_mode = #tpu.pipeline_mode<synchronous>, transform_indices = @transform_8, window_bounds = array<i64: 1, 128>}, {pipeline_mode = #tpu.pipeline_mode<synchronous>, transform_indices = @transform_9, window_bounds = array<i64: 128, 128>}, {pipeline_mode = #tpu.pipeline_mode<synchronous>, transform_indices = @transform_10, window_bounds = array<i64: 1, 128>}, {pipeline_mode = #tpu.pipeline_mode<synchronous>, transform_indices = @transform_11, window_bounds = array<i64: 1, 128>}, {pipeline_mode = #tpu.pipeline_mode<synchronous>, transform_indices = @transform_12, window_bounds = array<i64: 1, 128>}, {pipeline_mode = #tpu.pipeline_mode<synchronous>, transform_indices = @transform_13, window_bounds = array<i64: 256, 128>}, {pipeline_mode = #tpu.pipeline_mode<synchronous>, transform_indices = @transform_14, window_bounds = array<i64: 1, 128>}, {pipeline_mode = #tpu.pipeline_mode<synchronous>, transform_indices = @transform_15, window_bounds = array<i64: 128, 128>}, {pipeline_mode = #tpu.pipeline_mode<synchronous>, transform_indices = @transform_16, window_bounds = array<i64: 1, 128>}, {pipeline_mode = #tpu.pipeline_mode<synchronous>, transform_indices = @transform_17, window_bounds = array<i64: 128, 128>}, {pipeline_mode = #tpu.pipeline_mode<synchronous>, transform_indices = @transform_18, window_bounds = array<i64: 1, 128>}, {pipeline_mode = #tpu.pipeline_mode<synchronous>, transform_indices = @transform_19, window_bounds = array<i64: 1, 128>}, {pipeline_mode = #tpu.pipeline_mode<synchronous>, transform_indices = @transform_20, window_bounds = array<i64: 1, 128>}, {transform_indices = @transform_21, window_bounds = array<i64: 256, 128>}, {}]} {
    %get3A = arith.index_cast %arg0 : i32 to index
    %get3A_0 = memref.load %arg1[%get3A] : memref<197xi32, #tpu.memory_space<smem>>
    %add3A = arith.constant 1 : i32
    %add3A_1 = arith.addi %arg0, %add3A : i32
    %get3A_2 = arith.index_cast %add3A_1 : i32 to index
    %get3A_3 = memref.load %arg1[%get3A_2] : memref<197xi32, #tpu.memory_space<smem>>
    %sub3A = arith.subi %get3A_3, %get3A_0 : i32
    %add3A_4 = arith.constant 1023 : i32
    %add3A_5 = arith.addi %sub3A, %add3A_4 : i32
    %jit3A = arith.constant 1024 : i32
    %div3A = arith.divsi %add3A_5, %jit3A : i32
    %sign3A = arith.constant 0 : i32
    %sign3A_6 = arith.cmpi sgt, %add3A_5, %sign3A : i32
    %sign3A_7 = arith.extui %sign3A_6 : i1 to i32
    %sign3A_8 = arith.constant 0 : i32
    %sign3A_9 = arith.cmpi slt, %add3A_5, %sign3A_8 : i32
    %sign3A_10 = arith.extui %sign3A_9 : i1 to i32
    %sign3A_11 = arith.subi %sign3A_7, %sign3A_10 : i32
    %sign3A_12 = arith.constant 0 : i32
    %sign3A_13 = arith.cmpi sgt, %jit3A, %sign3A_12 : i32
    %sign3A_14 = arith.extui %sign3A_13 : i1 to i32
    %sign3A_15 = arith.constant 0 : i32
    %sign3A_16 = arith.cmpi slt, %jit3A, %sign3A_15 : i32
    %sign3A_17 = arith.extui %sign3A_16 : i1 to i32
    %sign3A_18 = arith.subi %sign3A_14, %sign3A_17 : i32
    %ne3A = arith.cmpi ne, %sign3A_11, %sign3A_18 : i32
    %rem3A = arith.remsi %add3A_5, %jit3A : i32
    %ne3A_19 = arith.constant 0 : i32
    %ne3A_20 = arith.cmpi ne, %rem3A, %ne3A_19 : i32
    %and3A = arith.andi %ne3A, %ne3A_20 : i1
    %sub3A_21 = arith.constant 1 : i32
    %sub3A_22 = arith.subi %div3A, %sub3A_21 : i32
    %select_n3A = arith.select %and3A, %sub3A_22, %div3A : i32
    %add3A_23 = arith.constant 1 : i32
    %add3A_24 = arith.addi %select_n3A, %add3A_23 : i32
    %jit3A_25 = arith.constant 2 : i32
    %div3A_26 = arith.divsi %add3A_24, %jit3A_25 : i32
    %sign3A_27 = arith.constant 0 : i32
    %sign3A_28 = arith.cmpi sgt, %add3A_24, %sign3A_27 : i32
    %sign3A_29 = arith.extui %sign3A_28 : i1 to i32
    %sign3A_30 = arith.constant 0 : i32
    %sign3A_31 = arith.cmpi slt, %add3A_24, %sign3A_30 : i32
    %sign3A_32 = arith.extui %sign3A_31 : i1 to i32
    %sign3A_33 = arith.subi %sign3A_29, %sign3A_32 : i32
    %sign3A_34 = arith.constant 0 : i32
    %sign3A_35 = arith.cmpi sgt, %jit3A_25, %sign3A_34 : i32
    %sign3A_36 = arith.extui %sign3A_35 : i1 to i32
    %sign3A_37 = arith.constant 0 : i32
    %sign3A_38 = arith.cmpi slt, %jit3A_25, %sign3A_37 : i32
    %sign3A_39 = arith.extui %sign3A_38 : i1 to i32
    %sign3A_40 = arith.subi %sign3A_36, %sign3A_39 : i32
    %ne3A_41 = arith.cmpi ne, %sign3A_33, %sign3A_40 : i32
    %rem3A_42 = arith.remsi %add3A_24, %jit3A_25 : i32
    %ne3A_43 = arith.constant 0 : i32
    %ne3A_44 = arith.cmpi ne, %rem3A_42, %ne3A_43 : i32
    %and3A_45 = arith.andi %ne3A_41, %ne3A_44 : i1
    %sub3A_46 = arith.constant 1 : i32
    %sub3A_47 = arith.subi %div3A_26, %sub3A_46 : i32
    %select_n3A_48 = arith.select %and3A_45, %sub3A_47, %div3A_26 : i32
    %mul3A = arith.constant 2 : i32
    %mul3A_49 = arith.muli %mul3A, %select_n3A_48 : i32
    %get3A_50 = arith.constant 0 : index
    %get3A_51 = arith.constant 0 : index
    %get3A_52 = vector.load %arg2[%get3A_50, %get3A_51] : memref<256x128xf32, #tpu.memory_space<vmem>>, vector<256x128xf32>
    %mul3A_53 = arith.constant 256 : i32
    %mul3A_54 = arith.muli %arg0, %mul3A_53 : i32
    %iota3A = tpu.iota {dimensions = array<i32: 1>} : vector<1x256xi32>
    %add3A_55 = vector.broadcast %mul3A_54 : i32 to vector<1x256xi32>
    %add3A_56 = arith.addi %add3A_55, %iota3A : vector<1x256xi32>
    %get3A_57 = arith.constant 0 : index
    %get3A_58 = arith.constant 0 : index
    %get3A_59 = vector.load %arg6[%get3A_57, %get3A_58] : memref<384x128xf32, #tpu.memory_space<vmem>>, vector<384x128xf32>
    %gt3A = arith.constant 0 : i32
    %gt3A_60 = arith.cmpi sgt, %select_n3A, %gt3A : i32
    %convert_element_type3A = arith.extui %gt3A_60 : i1 to i32
    %cond3A = arith.constant 0 : i32
    %cond3A_61 = arith.cmpi ne, %convert_element_type3A, %cond3A : i32
    scf.if %cond3A_61 {
      %add3A_148 = arith.constant 0 : i32
      %add3A_149 = arith.addi %get3A_0, %add3A_148 : i32
      %dma_start3A = arith.constant 0 : i32
      %dma_start3A_150 = arith.constant 0 : i32
      %dma_start3A_151 = arith.constant 0 : i32
      %dma_start3A_152 = tpu.memref_slice %arg24[%dma_start3A, %dma_start3A_150, %dma_start3A_151] : memref<2x1024x128xf32, #tpu.memory_space<vmem>> -> memref<1x1024x128xf32, #tpu.memory_space<vmem>>
      %dma_start3A_153 = tpu.memref_squeeze %dma_start3A_152 : memref<1x1024x128xf32, #tpu.memory_space<vmem>> -> memref<1024x128xf32, #tpu.memory_space<vmem>>
      %dma_start3A_154 = arith.constant 0 : i32
      %dma_start3A_155 = tpu.memref_slice %arg3[%add3A_149, %dma_start3A_154] : memref<802816x128xf32, #tpu.memory_space<any>> -> memref<1024x128xf32, #tpu.memory_space<any>>
      tpu.enqueue_dma source(%dma_start3A_155 : memref<1024x128xf32, #tpu.memory_space<any>>) target(%dma_start3A_153 : memref<1024x128xf32, #tpu.memory_space<vmem>>) target_semaphore(%arg28 : memref<!tpu.dma_semaphore, #tpu.memory_space<semaphore_mem>>)
      %dma_start3A_156 = arith.constant 0 : i32
      %dma_start3A_157 = arith.constant 0 : i32
      %dma_start3A_158 = arith.constant 0 : i32
      %dma_start3A_159 = tpu.memref_slice %arg25[%dma_start3A_156, %dma_start3A_157, %dma_start3A_158] : memref<2x1024x128xf32, #tpu.memory_space<vmem>> -> memref<1x1024x128xf32, #tpu.memory_space<vmem>>
      %dma_start3A_160 = tpu.memref_squeeze %dma_start3A_159 : memref<1x1024x128xf32, #tpu.memory_space<vmem>> -> memref<1024x128xf32, #tpu.memory_space<vmem>>
      %dma_start3A_161 = arith.constant 0 : i32
      %dma_start3A_162 = tpu.memref_slice %arg4[%add3A_149, %dma_start3A_161] : memref<802816x128xf32, #tpu.memory_space<any>> -> memref<1024x128xf32, #tpu.memory_space<any>>
      tpu.enqueue_dma source(%dma_start3A_162 : memref<1024x128xf32, #tpu.memory_space<any>>) target(%dma_start3A_160 : memref<1024x128xf32, #tpu.memory_space<vmem>>) target_semaphore(%arg28 : memref<!tpu.dma_semaphore, #tpu.memory_space<semaphore_mem>>)
      %dma_start3A_163 = arith.constant 0 : i32
      %dma_start3A_164 = arith.constant 0 : i32
      %dma_start3A_165 = arith.constant 0 : i32
      %dma_start3A_166 = tpu.memref_slice %arg26[%dma_start3A_163, %dma_start3A_164, %dma_start3A_165] : memref<2x1024x1xi32, #tpu.memory_space<vmem>> -> memref<1x1024x1xi32, #tpu.memory_space<vmem>>
      %dma_start3A_167 = tpu.memref_squeeze %dma_start3A_166 : memref<1x1024x1xi32, #tpu.memory_space<vmem>> -> memref<1024x1xi32, #tpu.memory_space<vmem>>
      %dma_start3A_168 = arith.constant 0 : i32
      %dma_start3A_169 = tpu.memref_slice %arg5[%add3A_149, %dma_start3A_168] : memref<802816x1xi32, #tpu.memory_space<any>> -> memref<1024x1xi32, #tpu.memory_space<any>>
      tpu.enqueue_dma source(%dma_start3A_169 : memref<1024x1xi32, #tpu.memory_space<any>>) target(%dma_start3A_167 : memref<1024x1xi32, #tpu.memory_space<vmem>>) target_semaphore(%arg28 : memref<!tpu.dma_semaphore, #tpu.memory_space<semaphore_mem>>)
      %add3A_170 = arith.constant 1024 : i32
      %add3A_171 = arith.addi %get3A_0, %add3A_170 : i32
      %dma_start3A_172 = arith.constant 1 : i32
      %dma_start3A_173 = arith.constant 0 : i32
      %dma_start3A_174 = arith.constant 0 : i32
      %dma_start3A_175 = tpu.memref_slice %arg24[%dma_start3A_172, %dma_start3A_173, %dma_start3A_174] : memref<2x1024x128xf32, #tpu.memory_space<vmem>> -> memref<1x1024x128xf32, #tpu.memory_space<vmem>>
      %dma_start3A_176 = tpu.memref_squeeze %dma_start3A_175 : memref<1x1024x128xf32, #tpu.memory_space<vmem>> -> memref<1024x128xf32, #tpu.memory_space<vmem>>
      %dma_start3A_177 = arith.constant 0 : i32
      %dma_start3A_178 = tpu.memref_slice %arg3[%add3A_171, %dma_start3A_177] : memref<802816x128xf32, #tpu.memory_space<any>> -> memref<1024x128xf32, #tpu.memory_space<any>>
      tpu.enqueue_dma source(%dma_start3A_178 : memref<1024x128xf32, #tpu.memory_space<any>>) target(%dma_start3A_176 : memref<1024x128xf32, #tpu.memory_space<vmem>>) target_semaphore(%arg29 : memref<!tpu.dma_semaphore, #tpu.memory_space<semaphore_mem>>)
      %dma_start3A_179 = arith.constant 1 : i32
      %dma_start3A_180 = arith.constant 0 : i32
      %dma_start3A_181 = arith.constant 0 : i32
      %dma_start3A_182 = tpu.memref_slice %arg25[%dma_start3A_179, %dma_start3A_180, %dma_start3A_181] : memref<2x1024x128xf32, #tpu.memory_space<vmem>> -> memref<1x1024x128xf32, #tpu.memory_space<vmem>>
      %dma_start3A_183 = tpu.memref_squeeze %dma_start3A_182 : memref<1x1024x128xf32, #tpu.memory_space<vmem>> -> memref<1024x128xf32, #tpu.memory_space<vmem>>
      %dma_start3A_184 = arith.constant 0 : i32
      %dma_start3A_185 = tpu.memref_slice %arg4[%add3A_171, %dma_start3A_184] : memref<802816x128xf32, #tpu.memory_space<any>> -> memref<1024x128xf32, #tpu.memory_space<any>>
      tpu.enqueue_dma source(%dma_start3A_185 : memref<1024x128xf32, #tpu.memory_space<any>>) target(%dma_start3A_183 : memref<1024x128xf32, #tpu.memory_space<vmem>>) target_semaphore(%arg29 : memref<!tpu.dma_semaphore, #tpu.memory_space<semaphore_mem>>)
      %dma_start3A_186 = arith.constant 1 : i32
      %dma_start3A_187 = arith.constant 0 : i32
      %dma_start3A_188 = arith.constant 0 : i32
      %dma_start3A_189 = tpu.memref_slice %arg26[%dma_start3A_186, %dma_start3A_187, %dma_start3A_188] : memref<2x1024x1xi32, #tpu.memory_space<vmem>> -> memref<1x1024x1xi32, #tpu.memory_space<vmem>>
      %dma_start3A_190 = tpu.memref_squeeze %dma_start3A_189 : memref<1x1024x1xi32, #tpu.memory_space<vmem>> -> memref<1024x1xi32, #tpu.memory_space<vmem>>
      %dma_start3A_191 = arith.constant 0 : i32
      %dma_start3A_192 = tpu.memref_slice %arg5[%add3A_171, %dma_start3A_191] : memref<802816x1xi32, #tpu.memory_space<any>> -> memref<1024x1xi32, #tpu.memory_space<any>>
      tpu.enqueue_dma source(%dma_start3A_192 : memref<1024x1xi32, #tpu.memory_space<any>>) target(%dma_start3A_190 : memref<1024x1xi32, #tpu.memory_space<vmem>>) target_semaphore(%arg29 : memref<!tpu.dma_semaphore, #tpu.memory_space<semaphore_mem>>)
    } else {
    }
    %broadcast_in_dim3A = arith.constant 0.000000e+00 : f32
    %broadcast_in_dim3A_62 = vector.broadcast %broadcast_in_dim3A : f32 to vector<256x128xf32>
    %while3A = arith.constant 0 : i32
    %while3A_63 = arith.subi %select_n3A_48, %while3A : i32
    %while3A_64 = arith.addi %while3A, %while3A_63 : i32
    %while3A_65 = arith.constant 1 : i32
    %while3A_66 = arith.divsi %while3A_63, %while3A_65 : i32
    %while3A_67 = arith.muli %while3A_66, %while3A_65 : i32
    %while3A_68 = arith.addi %while3A, %while3A_67 : i32
    %while3A_69 = arith.constant 1 : i32
    %while3A_70 = scf.for %while3A_148 = %while3A to %while3A_68 step %while3A_69 iter_args(%while3A_149 = %broadcast_in_dim3A_62) -> (vector<256x128xf32>)  : i32 {
      %mul3A_150 = arith.constant 2 : i32
      %mul3A_151 = arith.muli %mul3A_150, %while3A_148 : i32
      %mul3A_152 = arith.constant 1024 : i32
      %mul3A_153 = arith.muli %mul3A_151, %mul3A_152 : i32
      %add3A_154 = arith.addi %get3A_0, %mul3A_153 : i32
      %mul3A_155 = arith.constant 1024 : i32
      %mul3A_156 = arith.muli %mul3A_151, %mul3A_155 : i32
      %add3A_157 = arith.addi %get3A_0, %mul3A_156 : i32
      %dma_wait3A = arith.constant 0 : i32
      %dma_wait3A_158 = arith.constant 0 : i32
      %dma_wait3A_159 = arith.constant 0 : i32
      %dma_wait3A_160 = tpu.memref_slice %arg24[%dma_wait3A, %dma_wait3A_158, %dma_wait3A_159] : memref<2x1024x128xf32, #tpu.memory_space<vmem>> -> memref<1x1024x128xf32, #tpu.memory_space<vmem>>
      %dma_wait3A_161 = tpu.memref_squeeze %dma_wait3A_160 : memref<1x1024x128xf32, #tpu.memory_space<vmem>> -> memref<1024x128xf32, #tpu.memory_space<vmem>>
      %dma_wait3A_162 = arith.constant 0 : i32
      %dma_wait3A_163 = tpu.memref_slice %arg3[%add3A_157, %dma_wait3A_162] : memref<802816x128xf32, #tpu.memory_space<any>> -> memref<1024x128xf32, #tpu.memory_space<any>>
      tpu.wait_dma2 semaphore(%arg28 : memref<!tpu.dma_semaphore, #tpu.memory_space<semaphore_mem>>) src(%dma_wait3A_163 : memref<1024x128xf32, #tpu.memory_space<any>>) dst(%dma_wait3A_161 : memref<1024x128xf32, #tpu.memory_space<vmem>>)
      %dma_wait3A_164 = arith.constant 0 : i32
      %dma_wait3A_165 = arith.constant 0 : i32
      %dma_wait3A_166 = arith.constant 0 : i32
      %dma_wait3A_167 = tpu.memref_slice %arg25[%dma_wait3A_164, %dma_wait3A_165, %dma_wait3A_166] : memref<2x1024x128xf32, #tpu.memory_space<vmem>> -> memref<1x1024x128xf32, #tpu.memory_space<vmem>>
      %dma_wait3A_168 = tpu.memref_squeeze %dma_wait3A_167 : memref<1x1024x128xf32, #tpu.memory_space<vmem>> -> memref<1024x128xf32, #tpu.memory_space<vmem>>
      %dma_wait3A_169 = arith.constant 0 : i32
      %dma_wait3A_170 = tpu.memref_slice %arg4[%add3A_157, %dma_wait3A_169] : memref<802816x128xf32, #tpu.memory_space<any>> -> memref<1024x128xf32, #tpu.memory_space<any>>
      tpu.wait_dma2 semaphore(%arg28 : memref<!tpu.dma_semaphore, #tpu.memory_space<semaphore_mem>>) src(%dma_wait3A_170 : memref<1024x128xf32, #tpu.memory_space<any>>) dst(%dma_wait3A_168 : memref<1024x128xf32, #tpu.memory_space<vmem>>)
      %dma_wait3A_171 = arith.constant 0 : i32
      %dma_wait3A_172 = arith.constant 0 : i32
      %dma_wait3A_173 = arith.constant 0 : i32
      %dma_wait3A_174 = tpu.memref_slice %arg26[%dma_wait3A_171, %dma_wait3A_172, %dma_wait3A_173] : memref<2x1024x1xi32, #tpu.memory_space<vmem>> -> memref<1x1024x1xi32, #tpu.memory_space<vmem>>
      %dma_wait3A_175 = tpu.memref_squeeze %dma_wait3A_174 : memref<1x1024x1xi32, #tpu.memory_space<vmem>> -> memref<1024x1xi32, #tpu.memory_space<vmem>>
      %dma_wait3A_176 = arith.constant 0 : i32
      %dma_wait3A_177 = tpu.memref_slice %arg5[%add3A_157, %dma_wait3A_176] : memref<802816x1xi32, #tpu.memory_space<any>> -> memref<1024x1xi32, #tpu.memory_space<any>>
      tpu.wait_dma2 semaphore(%arg28 : memref<!tpu.dma_semaphore, #tpu.memory_space<semaphore_mem>>) src(%dma_wait3A_177 : memref<1024x1xi32, #tpu.memory_space<any>>) dst(%dma_wait3A_175 : memref<1024x1xi32, #tpu.memory_space<vmem>>)
      %get3A_178 = arith.constant 0 : index
      %get3A_179 = arith.constant 0 : index
      %get3A_180 = arith.constant 0 : index
      %get3A_181 = vector.load %arg24[%get3A_178, %get3A_179, %get3A_180] : memref<2x1024x128xf32, #tpu.memory_space<vmem>>, vector<1x1024x128xf32>
      %get3A_182 = vector.shape_cast %get3A_181 : vector<1x1024x128xf32> to vector<1024x128xf32>
      %get3A_183 = arith.constant 0 : index
      %get3A_184 = arith.constant 0 : index
      %get3A_185 = arith.constant 0 : index
      %get3A_186 = vector.load %arg25[%get3A_183, %get3A_184, %get3A_185] : memref<2x1024x128xf32, #tpu.memory_space<vmem>>, vector<1x1024x128xf32>
      %get3A_187 = vector.shape_cast %get3A_186 : vector<1x1024x128xf32> to vector<1024x128xf32>
      %get3A_188 = arith.constant 0 : index
      %get3A_189 = arith.constant 0 : index
      %get3A_190 = arith.constant 0 : index
      %get3A_191 = vector.load %arg26[%get3A_188, %get3A_189, %get3A_190] : memref<2x1024x1xi32, #tpu.memory_space<vmem>>, vector<1x1024x1xi32>
      %get3A_192 = vector.shape_cast %get3A_191 : vector<1x1024x1xi32> to vector<1024x1xi32>
      %add3A_193 = arith.constant 2 : i32
      %add3A_194 = arith.addi %mul3A_151, %add3A_193 : i32
      %lt3A = arith.cmpi slt, %add3A_194, %mul3A_49 : i32
      %convert_element_type3A_195 = arith.extui %lt3A : i1 to i32
      %cond3A_196 = arith.constant 0 : i32
      %cond3A_197 = arith.cmpi ne, %convert_element_type3A_195, %cond3A_196 : i32
      scf.if %cond3A_197 {
        %add3A_473 = arith.constant 2 : i32
        %add3A_474 = arith.addi %mul3A_151, %add3A_473 : i32
        %mul3A_475 = arith.constant 1024 : i32
        %mul3A_476 = arith.muli %add3A_474, %mul3A_475 : i32
        %add3A_477 = arith.addi %get3A_0, %mul3A_476 : i32
        %dma_start3A_478 = arith.constant 0 : i32
        %dma_start3A_479 = arith.constant 0 : i32
        %dma_start3A_480 = arith.constant 0 : i32
        %dma_start3A_481 = tpu.memref_slice %arg24[%dma_start3A_478, %dma_start3A_479, %dma_start3A_480] : memref<2x1024x128xf32, #tpu.memory_space<vmem>> -> memref<1x1024x128xf32, #tpu.memory_space<vmem>>
        %dma_start3A_482 = tpu.memref_squeeze %dma_start3A_481 : memref<1x1024x128xf32, #tpu.memory_space<vmem>> -> memref<1024x128xf32, #tpu.memory_space<vmem>>
        %dma_start3A_483 = arith.constant 0 : i32
        %dma_start3A_484 = tpu.memref_slice %arg3[%add3A_477, %dma_start3A_483] : memref<802816x128xf32, #tpu.memory_space<any>> -> memref<1024x128xf32, #tpu.memory_space<any>>
        tpu.enqueue_dma source(%dma_start3A_484 : memref<1024x128xf32, #tpu.memory_space<any>>) target(%dma_start3A_482 : memref<1024x128xf32, #tpu.memory_space<vmem>>) target_semaphore(%arg28 : memref<!tpu.dma_semaphore, #tpu.memory_space<semaphore_mem>>)
        %dma_start3A_485 = arith.constant 0 : i32
        %dma_start3A_486 = arith.constant 0 : i32
        %dma_start3A_487 = arith.constant 0 : i32
        %dma_start3A_488 = tpu.memref_slice %arg25[%dma_start3A_485, %dma_start3A_486, %dma_start3A_487] : memref<2x1024x128xf32, #tpu.memory_space<vmem>> -> memref<1x1024x128xf32, #tpu.memory_space<vmem>>
        %dma_start3A_489 = tpu.memref_squeeze %dma_start3A_488 : memref<1x1024x128xf32, #tpu.memory_space<vmem>> -> memref<1024x128xf32, #tpu.memory_space<vmem>>
        %dma_start3A_490 = arith.constant 0 : i32
        %dma_start3A_491 = tpu.memref_slice %arg4[%add3A_477, %dma_start3A_490] : memref<802816x128xf32, #tpu.memory_space<any>> -> memref<1024x128xf32, #tpu.memory_space<any>>
        tpu.enqueue_dma source(%dma_start3A_491 : memref<1024x128xf32, #tpu.memory_space<any>>) target(%dma_start3A_489 : memref<1024x128xf32, #tpu.memory_space<vmem>>) target_semaphore(%arg28 : memref<!tpu.dma_semaphore, #tpu.memory_space<semaphore_mem>>)
        %dma_start3A_492 = arith.constant 0 : i32
        %dma_start3A_493 = arith.constant 0 : i32
        %dma_start3A_494 = arith.constant 0 : i32
        %dma_start3A_495 = tpu.memref_slice %arg26[%dma_start3A_492, %dma_start3A_493, %dma_start3A_494] : memref<2x1024x1xi32, #tpu.memory_space<vmem>> -> memref<1x1024x1xi32, #tpu.memory_space<vmem>>
        %dma_start3A_496 = tpu.memref_squeeze %dma_start3A_495 : memref<1x1024x1xi32, #tpu.memory_space<vmem>> -> memref<1024x1xi32, #tpu.memory_space<vmem>>
        %dma_start3A_497 = arith.constant 0 : i32
        %dma_start3A_498 = tpu.memref_slice %arg5[%add3A_477, %dma_start3A_497] : memref<802816x1xi32, #tpu.memory_space<any>> -> memref<1024x1xi32, #tpu.memory_space<any>>
        tpu.enqueue_dma source(%dma_start3A_498 : memref<1024x1xi32, #tpu.memory_space<any>>) target(%dma_start3A_496 : memref<1024x1xi32, #tpu.memory_space<vmem>>) target_semaphore(%arg28 : memref<!tpu.dma_semaphore, #tpu.memory_space<semaphore_mem>>)
      } else {
      }
      %iota3A_198 = tpu.iota {dimensions = array<i32: 0>} : vector<1024x1xi32>
      %add3A_199 = vector.broadcast %add3A_154 : i32 to vector<1024x1xi32>
      %add3A_200 = arith.addi %add3A_199, %iota3A_198 : vector<1024x1xi32>
      %eq3A = vector.broadcast %get3A_192 : vector<1024x1xi32> to vector<1024x256xi32>
      %eq3A_201 = vector.broadcast %add3A_56 : vector<1x256xi32> to vector<1024x256xi32>
      %eq3A_202 = arith.cmpi eq, %eq3A, %eq3A_201 : vector<1024x256xi32>
      %lt3A_203 = vector.broadcast %get3A_3 : i32 to vector<1024x1xi32>
      %lt3A_204 = arith.cmpi slt, %add3A_200, %lt3A_203 : vector<1024x1xi32>
      %and3A_205 = vector.broadcast %lt3A_204 : vector<1024x1xi1> to vector<1024x256xi1>
      %and3A_206 = arith.andi %eq3A_202, %and3A_205 : vector<1024x256xi1>
      %jit3A_207 = arith.constant 1.000000e+00 : f32
      %jit3A_208 = arith.constant 0.000000e+00 : f32
      %broadcast_in_dim3A_209 = vector.broadcast %jit3A_207 : f32 to vector<1024x256xf32>
      %broadcast_in_dim3A_210 = vector.broadcast %jit3A_208 : f32 to vector<1024x256xf32>
      %select_n3A_211 = arith.select %and3A_206, %broadcast_in_dim3A_209, %broadcast_in_dim3A_210 : vector<1024x256xi1>, vector<1024x256xf32>
      %dot_general3A_212 = arith.constant dense<0.000000e+00> : vector<1024x128xf32>
      %dot_general3A_213 = tpu.matmul %select_n3A_211, %get3A_52, %dot_general3A_212 {dimension_numbers = #tpu.dot_dimension_numbers<[1], [0], [0], [1], [0, 0, 1, 1], [], []>, transpose_lhs_hint = false} : vector<1024x256xf32>, vector<256x128xf32>, vector<1024x128xf32> -> vector<1024x128xf32>
      %slice3A_214 = vector.extract_strided_slice %get3A_59 {offsets = [0, 0], sizes = [128, 128], strides = [1, 1]} : vector<384x128xf32> to vector<128x128xf32>
      %dot_general3A_215 = arith.constant dense<0.000000e+00> : vector<1024x128xf32>
      %dot_general3A_216 = tpu.matmul %get3A_182, %slice3A_214, %dot_general3A_215 {dimension_numbers = #tpu.dot_dimension_numbers<[1], [0], [0], [1], [0, 0, 1, 1], [], []>, transpose_lhs_hint = false} : vector<1024x128xf32>, vector<128x128xf32>, vector<1024x128xf32> -> vector<1024x128xf32>
      %slice3A_217 = vector.extract_strided_slice %get3A_59 {offsets = [128, 0], sizes = [128, 128], strides = [1, 1]} : vector<384x128xf32> to vector<128x128xf32>
      %dot_general3A_218 = arith.constant dense<0.000000e+00> : vector<1024x128xf32>
      %dot_general3A_219 = tpu.matmul %get3A_187, %slice3A_217, %dot_general3A_218 {dimension_numbers = #tpu.dot_dimension_numbers<[1], [0], [0], [1], [0, 0, 1, 1], [], []>, transpose_lhs_hint = false} : vector<1024x128xf32>, vector<128x128xf32>, vector<1024x128xf32> -> vector<1024x128xf32>
      %add3A_220 = arith.addf %dot_general3A_216, %dot_general3A_219 : vector<1024x128xf32>
      %slice3A_221 = vector.extract_strided_slice %get3A_59 {offsets = [256, 0], sizes = [128, 128], strides = [1, 1]} : vector<384x128xf32> to vector<128x128xf32>
      %dot_general3A_222 = arith.constant dense<0.000000e+00> : vector<1024x128xf32>
      %dot_general3A_223 = tpu.matmul %dot_general3A_213, %slice3A_221, %dot_general3A_222 {dimension_numbers = #tpu.dot_dimension_numbers<[1], [0], [0], [1], [0, 0, 1, 1], [], []>, transpose_lhs_hint = false} : vector<1024x128xf32>, vector<128x128xf32>, vector<1024x128xf32> -> vector<1024x128xf32>
      %add3A_224 = arith.addf %add3A_220, %dot_general3A_223 : vector<1024x128xf32>
      %get3A_225 = arith.constant 0 : index
      %get3A_226 = arith.constant 0 : index
      %get3A_227 = vector.load %arg7[%get3A_225, %get3A_226] : memref<1x128xf32, #tpu.memory_space<vmem>>, vector<1x128xf32>
      %add3A_228 = vector.broadcast %get3A_227 : vector<1x128xf32> to vector<1024x128xf32>
      %add3A_229 = arith.addf %add3A_224, %add3A_228 : vector<1024x128xf32>
      %max3A_230 = arith.constant 0.000000e+00 : f32
      %max3A_231 = vector.broadcast %max3A_230 : f32 to vector<1024x128xf32>
      %max3A_232 = arith.maximumf %add3A_229, %max3A_231 : vector<1024x128xf32>
      %get3A_233 = arith.constant 0 : index
      %get3A_234 = arith.constant 0 : index
      %get3A_235 = vector.load %arg8[%get3A_233, %get3A_234] : memref<128x128xf32, #tpu.memory_space<vmem>>, vector<128x128xf32>
      %dot_general3A_236 = arith.constant dense<0.000000e+00> : vector<1024x128xf32>
      %dot_general3A_237 = tpu.matmul %max3A_232, %get3A_235, %dot_general3A_236 {dimension_numbers = #tpu.dot_dimension_numbers<[1], [0], [0], [1], [0, 0, 1, 1], [], []>, transpose_lhs_hint = false} : vector<1024x128xf32>, vector<128x128xf32>, vector<1024x128xf32> -> vector<1024x128xf32>
      %get3A_238 = arith.constant 0 : index
      %get3A_239 = arith.constant 0 : index
      %get3A_240 = vector.load %arg9[%get3A_238, %get3A_239] : memref<1x128xf32, #tpu.memory_space<vmem>>, vector<1x128xf32>
      %add3A_241 = vector.broadcast %get3A_240 : vector<1x128xf32> to vector<1024x128xf32>
      %add3A_242 = arith.addf %dot_general3A_237, %add3A_241 : vector<1024x128xf32>
      %max3A_243 = arith.constant 0.000000e+00 : f32
      %max3A_244 = vector.broadcast %max3A_243 : f32 to vector<1024x128xf32>
      %max3A_245 = arith.maximumf %add3A_242, %max3A_244 : vector<1024x128xf32>
      %get3A_246 = arith.constant 0 : index
      %get3A_247 = arith.constant 0 : index
      %get3A_248 = vector.load %arg10[%get3A_246, %get3A_247] : memref<128x128xf32, #tpu.memory_space<vmem>>, vector<128x128xf32>
      %dot_general3A_249 = arith.constant dense<0.000000e+00> : vector<1024x128xf32>
      %dot_general3A_250 = tpu.matmul %max3A_245, %get3A_248, %dot_general3A_249 {dimension_numbers = #tpu.dot_dimension_numbers<[1], [0], [0], [1], [0, 0, 1, 1], [], []>, transpose_lhs_hint = false} : vector<1024x128xf32>, vector<128x128xf32>, vector<1024x128xf32> -> vector<1024x128xf32>
      %get3A_251 = arith.constant 0 : index
      %get3A_252 = arith.constant 0 : index
      %get3A_253 = vector.load %arg11[%get3A_251, %get3A_252] : memref<1x128xf32, #tpu.memory_space<vmem>>, vector<1x128xf32>
      %add3A_254 = vector.broadcast %get3A_253 : vector<1x128xf32> to vector<1024x128xf32>
      %add3A_255 = arith.addf %dot_general3A_250, %add3A_254 : vector<1024x128xf32>
      %get3A_256 = arith.constant 0 : index
      %get3A_257 = arith.constant 0 : index
      %get3A_258 = vector.load %arg12[%get3A_256, %get3A_257] : memref<1x128xf32, #tpu.memory_space<vmem>>, vector<1x128xf32>
      %get3A_259 = arith.constant 0 : index
      %get3A_260 = arith.constant 0 : index
      %get3A_261 = vector.load %arg13[%get3A_259, %get3A_260] : memref<1x128xf32, #tpu.memory_space<vmem>>, vector<1x128xf32>
      %reduce_sum3A_262 = arith.constant dense<0.000000e+00> : vector<1024xf32>
      %reduce_sum3A_263 = vector.multi_reduction <add>, %add3A_255, %reduce_sum3A_262 [1] : vector<1024x128xf32> to vector<1024xf32>
      %broadcast_in_dim3A_264 = vector.shape_cast %reduce_sum3A_263 : vector<1024xf32> to vector<1024x1xf32>
      %div3A_265 = arith.constant 1.280000e+02 : f32
      %div3A_266 = vector.broadcast %div3A_265 : f32 to vector<1024x1xf32>
      %div3A_267 = arith.divf %broadcast_in_dim3A_264, %div3A_266 : vector<1024x1xf32>
      %sub3A_268 = vector.broadcast %div3A_267 : vector<1024x1xf32> to vector<1024x128xf32>
      %sub3A_269 = arith.subf %add3A_255, %sub3A_268 : vector<1024x128xf32>
      %mul3A_270 = arith.mulf %sub3A_269, %sub3A_269 : vector<1024x128xf32>
      %reduce_sum3A_271 = arith.constant dense<0.000000e+00> : vector<1024xf32>
      %reduce_sum3A_272 = vector.multi_reduction <add>, %mul3A_270, %reduce_sum3A_271 [1] : vector<1024x128xf32> to vector<1024xf32>
      %broadcast_in_dim3A_273 = vector.shape_cast %reduce_sum3A_272 : vector<1024xf32> to vector<1024x1xf32>
      %div3A_274 = arith.constant 1.280000e+02 : f32
      %div3A_275 = vector.broadcast %div3A_274 : f32 to vector<1024x1xf32>
      %div3A_276 = arith.divf %broadcast_in_dim3A_273, %div3A_275 : vector<1024x1xf32>
      %add3A_277 = arith.constant 9.99999974E-6 : f32
      %add3A_278 = vector.broadcast %add3A_277 : f32 to vector<1024x1xf32>
      %add3A_279 = arith.addf %div3A_276, %add3A_278 : vector<1024x1xf32>
      %rsqrt3A_280 = math.rsqrt %add3A_279 : vector<1024x1xf32>
      %mul3A_281 = vector.broadcast %rsqrt3A_280 : vector<1024x1xf32> to vector<1024x128xf32>
      %mul3A_282 = arith.mulf %sub3A_269, %mul3A_281 : vector<1024x128xf32>
      %mul3A_283 = vector.broadcast %get3A_258 : vector<1x128xf32> to vector<1024x128xf32>
      %mul3A_284 = arith.mulf %mul3A_282, %mul3A_283 : vector<1024x128xf32>
      %add3A_285 = vector.broadcast %get3A_261 : vector<1x128xf32> to vector<1024x128xf32>
      %add3A_286 = arith.addf %mul3A_284, %add3A_285 : vector<1024x128xf32>
      %add3A_287 = arith.addf %add3A_286, %get3A_182 : vector<1024x128xf32>
      %ge3A = arith.constant 2 : i32
      %ge3A_288 = arith.cmpi sge, %mul3A_151, %ge3A : i32
      %convert_element_type3A_289 = arith.extui %ge3A_288 : i1 to i32
      %cond3A_290 = arith.constant 0 : i32
      %cond3A_291 = arith.constant 0 : i32
      %cond3A_292 = arith.cmpi ne, %convert_element_type3A_289, %cond3A_291 : i32
      scf.if %cond3A_292 {
        %dma_wait3A_473 = arith.constant 0 : i32
        %dma_wait3A_474 = tpu.memref_slice %arg23[%add3A_154, %dma_wait3A_473] : memref<802816x128xf32, #tpu.memory_space<any>> -> memref<1024x128xf32, #tpu.memory_space<any>>
        %dma_wait3A_475 = arith.constant 0 : i32
        %dma_wait3A_476 = arith.constant 0 : i32
        %dma_wait3A_477 = tpu.memref_slice %arg27[%cond3A_290, %dma_wait3A_475, %dma_wait3A_476] : memref<2x1024x128xf32, #tpu.memory_space<vmem>> -> memref<1x1024x128xf32, #tpu.memory_space<vmem>>
        %dma_wait3A_478 = tpu.memref_squeeze %dma_wait3A_477 : memref<1x1024x128xf32, #tpu.memory_space<vmem>> -> memref<1024x128xf32, #tpu.memory_space<vmem>>
        tpu.wait_dma2 semaphore(%arg30 : memref<!tpu.dma_semaphore, #tpu.memory_space<semaphore_mem>>) src(%dma_wait3A_478 : memref<1024x128xf32, #tpu.memory_space<vmem>>) dst(%dma_wait3A_474 : memref<1024x128xf32, #tpu.memory_space<any>>)
      } else {
      }
      %swap3A_293 = arith.constant 0 : index
      %swap3A_294 = arith.constant 0 : index
      %swap3A_295 = arith.constant 0 : index
      %swap3A_296 = vector.load %arg27[%swap3A_293, %swap3A_294, %swap3A_295] : memref<2x1024x128xf32, #tpu.memory_space<vmem>>, vector<1x1024x128xf32>
      %swap3A_297 = vector.shape_cast %swap3A_296 : vector<1x1024x128xf32> to vector<1024x128xf32>
      %swap3A_298 = vector.shape_cast %add3A_287 : vector<1024x128xf32> to vector<1x1024x128xf32>
      tpu.vector_store %arg27[%swap3A_293, %swap3A_294, %swap3A_295], %swap3A_298 {strides = array<i32>} : memref<2x1024x128xf32, #tpu.memory_space<vmem>>, vector<1x1024x128xf32>,
      %dma_start3A = arith.constant 0 : i32
      %dma_start3A_299 = arith.constant 0 : i32
      %dma_start3A_300 = tpu.memref_slice %arg23[%add3A_154, %dma_start3A_299] : memref<802816x128xf32, #tpu.memory_space<any>> -> memref<1024x128xf32, #tpu.memory_space<any>>
      %dma_start3A_301 = arith.constant 0 : i32
      %dma_start3A_302 = arith.constant 0 : i32
      %dma_start3A_303 = tpu.memref_slice %arg27[%dma_start3A, %dma_start3A_301, %dma_start3A_302] : memref<2x1024x128xf32, #tpu.memory_space<vmem>> -> memref<1x1024x128xf32, #tpu.memory_space<vmem>>
      %dma_start3A_304 = tpu.memref_squeeze %dma_start3A_303 : memref<1x1024x128xf32, #tpu.memory_space<vmem>> -> memref<1024x128xf32, #tpu.memory_space<vmem>>
      tpu.enqueue_dma source(%dma_start3A_304 : memref<1024x128xf32, #tpu.memory_space<vmem>>) target(%dma_start3A_300 : memref<1024x128xf32, #tpu.memory_space<any>>) target_semaphore(%arg30 : memref<!tpu.dma_semaphore, #tpu.memory_space<semaphore_mem>>)
      %dot_general3A_305 = arith.constant dense<0.000000e+00> : vector<256x128xf32>
      %dot_general3A_306 = tpu.matmul %select_n3A_211, %add3A_287, %dot_general3A_305 {dimension_numbers = #tpu.dot_dimension_numbers<[0], [0], [1], [1], [0, 1, 1, 1], [], []>, transpose_lhs_hint = false} : vector<1024x256xf32>, vector<1024x128xf32>, vector<256x128xf32> -> vector<256x128xf32>
      %add3A_307 = arith.addf %while3A_149, %dot_general3A_306 : vector<256x128xf32>
      %mul3A_308 = arith.constant 2 : i32
      %mul3A_309 = arith.muli %mul3A_308, %while3A_148 : i32
      %add3A_310 = arith.constant 1 : i32
      %add3A_311 = arith.addi %mul3A_309, %add3A_310 : i32
      %mul3A_312 = arith.constant 1024 : i32
      %mul3A_313 = arith.muli %add3A_311, %mul3A_312 : i32
      %add3A_314 = arith.addi %get3A_0, %mul3A_313 : i32
      %mul3A_315 = arith.constant 1024 : i32
      %mul3A_316 = arith.muli %add3A_311, %mul3A_315 : i32
      %add3A_317 = arith.addi %get3A_0, %mul3A_316 : i32
      %dma_wait3A_318 = arith.constant 1 : i32
      %dma_wait3A_319 = arith.constant 0 : i32
      %dma_wait3A_320 = arith.constant 0 : i32
      %dma_wait3A_321 = tpu.memref_slice %arg24[%dma_wait3A_318, %dma_wait3A_319, %dma_wait3A_320] : memref<2x1024x128xf32, #tpu.memory_space<vmem>> -> memref<1x1024x128xf32, #tpu.memory_space<vmem>>
      %dma_wait3A_322 = tpu.memref_squeeze %dma_wait3A_321 : memref<1x1024x128xf32, #tpu.memory_space<vmem>> -> memref<1024x128xf32, #tpu.memory_space<vmem>>
      %dma_wait3A_323 = arith.constant 0 : i32
      %dma_wait3A_324 = tpu.memref_slice %arg3[%add3A_317, %dma_wait3A_323] : memref<802816x128xf32, #tpu.memory_space<any>> -> memref<1024x128xf32, #tpu.memory_space<any>>
      tpu.wait_dma2 semaphore(%arg29 : memref<!tpu.dma_semaphore, #tpu.memory_space<semaphore_mem>>) src(%dma_wait3A_324 : memref<1024x128xf32, #tpu.memory_space<any>>) dst(%dma_wait3A_322 : memref<1024x128xf32, #tpu.memory_space<vmem>>)
      %dma_wait3A_325 = arith.constant 1 : i32
      %dma_wait3A_326 = arith.constant 0 : i32
      %dma_wait3A_327 = arith.constant 0 : i32
      %dma_wait3A_328 = tpu.memref_slice %arg25[%dma_wait3A_325, %dma_wait3A_326, %dma_wait3A_327] : memref<2x1024x128xf32, #tpu.memory_space<vmem>> -> memref<1x1024x128xf32, #tpu.memory_space<vmem>>
      %dma_wait3A_329 = tpu.memref_squeeze %dma_wait3A_328 : memref<1x1024x128xf32, #tpu.memory_space<vmem>> -> memref<1024x128xf32, #tpu.memory_space<vmem>>
      %dma_wait3A_330 = arith.constant 0 : i32
      %dma_wait3A_331 = tpu.memref_slice %arg4[%add3A_317, %dma_wait3A_330] : memref<802816x128xf32, #tpu.memory_space<any>> -> memref<1024x128xf32, #tpu.memory_space<any>>
      tpu.wait_dma2 semaphore(%arg29 : memref<!tpu.dma_semaphore, #tpu.memory_space<semaphore_mem>>) src(%dma_wait3A_331 : memref<1024x128xf32, #tpu.memory_space<any>>) dst(%dma_wait3A_329 : memref<1024x128xf32, #tpu.memory_space<vmem>>)
      %dma_wait3A_332 = arith.constant 1 : i32
      %dma_wait3A_333 = arith.constant 0 : i32
      %dma_wait3A_334 = arith.constant 0 : i32
      %dma_wait3A_335 = tpu.memref_slice %arg26[%dma_wait3A_332, %dma_wait3A_333, %dma_wait3A_334] : memref<2x1024x1xi32, #tpu.memory_space<vmem>> -> memref<1x1024x1xi32, #tpu.memory_space<vmem>>
      %dma_wait3A_336 = tpu.memref_squeeze %dma_wait3A_335 : memref<1x1024x1xi32, #tpu.memory_space<vmem>> -> memref<1024x1xi32, #tpu.memory_space<vmem>>
      %dma_wait3A_337 = arith.constant 0 : i32
      %dma_wait3A_338 = tpu.memref_slice %arg5[%add3A_317, %dma_wait3A_337] : memref<802816x1xi32, #tpu.memory_space<any>> -> memref<1024x1xi32, #tpu.memory_space<any>>
      tpu.wait_dma2 semaphore(%arg29 : memref<!tpu.dma_semaphore, #tpu.memory_space<semaphore_mem>>) src(%dma_wait3A_338 : memref<1024x1xi32, #tpu.memory_space<any>>) dst(%dma_wait3A_336 : memref<1024x1xi32, #tpu.memory_space<vmem>>)
      %get3A_339 = arith.constant 1 : index
      %get3A_340 = arith.constant 0 : index
      %get3A_341 = arith.constant 0 : index
      %get3A_342 = vector.load %arg24[%get3A_339, %get3A_340, %get3A_341] : memref<2x1024x128xf32, #tpu.memory_space<vmem>>, vector<1x1024x128xf32>
      %get3A_343 = vector.shape_cast %get3A_342 : vector<1x1024x128xf32> to vector<1024x128xf32>
      %get3A_344 = arith.constant 1 : index
      %get3A_345 = arith.constant 0 : index
      %get3A_346 = arith.constant 0 : index
      %get3A_347 = vector.load %arg25[%get3A_344, %get3A_345, %get3A_346] : memref<2x1024x128xf32, #tpu.memory_space<vmem>>, vector<1x1024x128xf32>
      %get3A_348 = vector.shape_cast %get3A_347 : vector<1x1024x128xf32> to vector<1024x128xf32>
      %get3A_349 = arith.constant 1 : index
      %get3A_350 = arith.constant 0 : index
      %get3A_351 = arith.constant 0 : index
      %get3A_352 = vector.load %arg26[%get3A_349, %get3A_350, %get3A_351] : memref<2x1024x1xi32, #tpu.memory_space<vmem>>, vector<1x1024x1xi32>
      %get3A_353 = vector.shape_cast %get3A_352 : vector<1x1024x1xi32> to vector<1024x1xi32>
      %add3A_354 = arith.constant 2 : i32
      %add3A_355 = arith.addi %add3A_311, %add3A_354 : i32
      %lt3A_356 = arith.cmpi slt, %add3A_355, %mul3A_49 : i32
      %convert_element_type3A_357 = arith.extui %lt3A_356 : i1 to i32
      %cond3A_358 = arith.constant 0 : i32
      %cond3A_359 = arith.cmpi ne, %convert_element_type3A_357, %cond3A_358 : i32
      scf.if %cond3A_359 {
        %add3A_473 = arith.constant 2 : i32
        %add3A_474 = arith.addi %add3A_311, %add3A_473 : i32
        %mul3A_475 = arith.constant 1024 : i32
        %mul3A_476 = arith.muli %add3A_474, %mul3A_475 : i32
        %add3A_477 = arith.addi %get3A_0, %mul3A_476 : i32
        %dma_start3A_478 = arith.constant 1 : i32
        %dma_start3A_479 = arith.constant 0 : i32
        %dma_start3A_480 = arith.constant 0 : i32
        %dma_start3A_481 = tpu.memref_slice %arg24[%dma_start3A_478, %dma_start3A_479, %dma_start3A_480] : memref<2x1024x128xf32, #tpu.memory_space<vmem>> -> memref<1x1024x128xf32, #tpu.memory_space<vmem>>
        %dma_start3A_482 = tpu.memref_squeeze %dma_start3A_481 : memref<1x1024x128xf32, #tpu.memory_space<vmem>> -> memref<1024x128xf32, #tpu.memory_space<vmem>>
        %dma_start3A_483 = arith.constant 0 : i32
        %dma_start3A_484 = tpu.memref_slice %arg3[%add3A_477, %dma_start3A_483] : memref<802816x128xf32, #tpu.memory_space<any>> -> memref<1024x128xf32, #tpu.memory_space<any>>
        tpu.enqueue_dma source(%dma_start3A_484 : memref<1024x128xf32, #tpu.memory_space<any>>) target(%dma_start3A_482 : memref<1024x128xf32, #tpu.memory_space<vmem>>) target_semaphore(%arg29 : memref<!tpu.dma_semaphore, #tpu.memory_space<semaphore_mem>>)
        %dma_start3A_485 = arith.constant 1 : i32
        %dma_start3A_486 = arith.constant 0 : i32
        %dma_start3A_487 = arith.constant 0 : i32
        %dma_start3A_488 = tpu.memref_slice %arg25[%dma_start3A_485, %dma_start3A_486, %dma_start3A_487] : memref<2x1024x128xf32, #tpu.memory_space<vmem>> -> memref<1x1024x128xf32, #tpu.memory_space<vmem>>
        %dma_start3A_489 = tpu.memref_squeeze %dma_start3A_488 : memref<1x1024x128xf32, #tpu.memory_space<vmem>> -> memref<1024x128xf32, #tpu.memory_space<vmem>>
        %dma_start3A_490 = arith.constant 0 : i32
        %dma_start3A_491 = tpu.memref_slice %arg4[%add3A_477, %dma_start3A_490] : memref<802816x128xf32, #tpu.memory_space<any>> -> memref<1024x128xf32, #tpu.memory_space<any>>
        tpu.enqueue_dma source(%dma_start3A_491 : memref<1024x128xf32, #tpu.memory_space<any>>) target(%dma_start3A_489 : memref<1024x128xf32, #tpu.memory_space<vmem>>) target_semaphore(%arg29 : memref<!tpu.dma_semaphore, #tpu.memory_space<semaphore_mem>>)
        %dma_start3A_492 = arith.constant 1 : i32
        %dma_start3A_493 = arith.constant 0 : i32
        %dma_start3A_494 = arith.constant 0 : i32
        %dma_start3A_495 = tpu.memref_slice %arg26[%dma_start3A_492, %dma_start3A_493, %dma_start3A_494] : memref<2x1024x1xi32, #tpu.memory_space<vmem>> -> memref<1x1024x1xi32, #tpu.memory_space<vmem>>
        %dma_start3A_496 = tpu.memref_squeeze %dma_start3A_495 : memref<1x1024x1xi32, #tpu.memory_space<vmem>> -> memref<1024x1xi32, #tpu.memory_space<vmem>>
        %dma_start3A_497 = arith.constant 0 : i32
        %dma_start3A_498 = tpu.memref_slice %arg5[%add3A_477, %dma_start3A_497] : memref<802816x1xi32, #tpu.memory_space<any>> -> memref<1024x1xi32, #tpu.memory_space<any>>
        tpu.enqueue_dma source(%dma_start3A_498 : memref<1024x1xi32, #tpu.memory_space<any>>) target(%dma_start3A_496 : memref<1024x1xi32, #tpu.memory_space<vmem>>) target_semaphore(%arg29 : memref<!tpu.dma_semaphore, #tpu.memory_space<semaphore_mem>>)
      } else {
      }
      %iota3A_360 = tpu.iota {dimensions = array<i32: 0>} : vector<1024x1xi32>
      %add3A_361 = vector.broadcast %add3A_314 : i32 to vector<1024x1xi32>
      %add3A_362 = arith.addi %add3A_361, %iota3A_360 : vector<1024x1xi32>
      %eq3A_363 = vector.broadcast %get3A_353 : vector<1024x1xi32> to vector<1024x256xi32>
      %eq3A_364 = vector.broadcast %add3A_56 : vector<1x256xi32> to vector<1024x256xi32>
      %eq3A_365 = arith.cmpi eq, %eq3A_363, %eq3A_364 : vector<1024x256xi32>
      %lt3A_366 = vector.broadcast %get3A_3 : i32 to vector<1024x1xi32>
      %lt3A_367 = arith.cmpi slt, %add3A_362, %lt3A_366 : vector<1024x1xi32>
      %and3A_368 = vector.broadcast %lt3A_367 : vector<1024x1xi1> to vector<1024x256xi1>
      %and3A_369 = arith.andi %eq3A_365, %and3A_368 : vector<1024x256xi1>
      %jit3A_370 = arith.constant 1.000000e+00 : f32
      %jit3A_371 = arith.constant 0.000000e+00 : f32
      %broadcast_in_dim3A_372 = vector.broadcast %jit3A_370 : f32 to vector<1024x256xf32>
      %broadcast_in_dim3A_373 = vector.broadcast %jit3A_371 : f32 to vector<1024x256xf32>
      %select_n3A_374 = arith.select %and3A_369, %broadcast_in_dim3A_372, %broadcast_in_dim3A_373 : vector<1024x256xi1>, vector<1024x256xf32>
      %dot_general3A_375 = arith.constant dense<0.000000e+00> : vector<1024x128xf32>
      %dot_general3A_376 = tpu.matmul %select_n3A_374, %get3A_52, %dot_general3A_375 {dimension_numbers = #tpu.dot_dimension_numbers<[1], [0], [0], [1], [0, 0, 1, 1], [], []>, transpose_lhs_hint = false} : vector<1024x256xf32>, vector<256x128xf32>, vector<1024x128xf32> -> vector<1024x128xf32>
      %slice3A_377 = vector.extract_strided_slice %get3A_59 {offsets = [0, 0], sizes = [128, 128], strides = [1, 1]} : vector<384x128xf32> to vector<128x128xf32>
      %dot_general3A_378 = arith.constant dense<0.000000e+00> : vector<1024x128xf32>
      %dot_general3A_379 = tpu.matmul %get3A_343, %slice3A_377, %dot_general3A_378 {dimension_numbers = #tpu.dot_dimension_numbers<[1], [0], [0], [1], [0, 0, 1, 1], [], []>, transpose_lhs_hint = false} : vector<1024x128xf32>, vector<128x128xf32>, vector<1024x128xf32> -> vector<1024x128xf32>
      %slice3A_380 = vector.extract_strided_slice %get3A_59 {offsets = [128, 0], sizes = [128, 128], strides = [1, 1]} : vector<384x128xf32> to vector<128x128xf32>
      %dot_general3A_381 = arith.constant dense<0.000000e+00> : vector<1024x128xf32>
      %dot_general3A_382 = tpu.matmul %get3A_348, %slice3A_380, %dot_general3A_381 {dimension_numbers = #tpu.dot_dimension_numbers<[1], [0], [0], [1], [0, 0, 1, 1], [], []>, transpose_lhs_hint = false} : vector<1024x128xf32>, vector<128x128xf32>, vector<1024x128xf32> -> vector<1024x128xf32>
      %add3A_383 = arith.addf %dot_general3A_379, %dot_general3A_382 : vector<1024x128xf32>
      %slice3A_384 = vector.extract_strided_slice %get3A_59 {offsets = [256, 0], sizes = [128, 128], strides = [1, 1]} : vector<384x128xf32> to vector<128x128xf32>
      %dot_general3A_385 = arith.constant dense<0.000000e+00> : vector<1024x128xf32>
      %dot_general3A_386 = tpu.matmul %dot_general3A_376, %slice3A_384, %dot_general3A_385 {dimension_numbers = #tpu.dot_dimension_numbers<[1], [0], [0], [1], [0, 0, 1, 1], [], []>, transpose_lhs_hint = false} : vector<1024x128xf32>, vector<128x128xf32>, vector<1024x128xf32> -> vector<1024x128xf32>
      %add3A_387 = arith.addf %add3A_383, %dot_general3A_386 : vector<1024x128xf32>
      %get3A_388 = arith.constant 0 : index
      %get3A_389 = arith.constant 0 : index
      %get3A_390 = vector.load %arg7[%get3A_388, %get3A_389] : memref<1x128xf32, #tpu.memory_space<vmem>>, vector<1x128xf32>
      %add3A_391 = vector.broadcast %get3A_390 : vector<1x128xf32> to vector<1024x128xf32>
      %add3A_392 = arith.addf %add3A_387, %add3A_391 : vector<1024x128xf32>
      %max3A_393 = arith.constant 0.000000e+00 : f32
      %max3A_394 = vector.broadcast %max3A_393 : f32 to vector<1024x128xf32>
      %max3A_395 = arith.maximumf %add3A_392, %max3A_394 : vector<1024x128xf32>
      %get3A_396 = arith.constant 0 : index
      %get3A_397 = arith.constant 0 : index
      %get3A_398 = vector.load %arg8[%get3A_396, %get3A_397] : memref<128x128xf32, #tpu.memory_space<vmem>>, vector<128x128xf32>
      %dot_general3A_399 = arith.constant dense<0.000000e+00> : vector<1024x128xf32>
      %dot_general3A_400 = tpu.matmul %max3A_395, %get3A_398, %dot_general3A_399 {dimension_numbers = #tpu.dot_dimension_numbers<[1], [0], [0], [1], [0, 0, 1, 1], [], []>, transpose_lhs_hint = false} : vector<1024x128xf32>, vector<128x128xf32>, vector<1024x128xf32> -> vector<1024x128xf32>
      %get3A_401 = arith.constant 0 : index
      %get3A_402 = arith.constant 0 : index
      %get3A_403 = vector.load %arg9[%get3A_401, %get3A_402] : memref<1x128xf32, #tpu.memory_space<vmem>>, vector<1x128xf32>
      %add3A_404 = vector.broadcast %get3A_403 : vector<1x128xf32> to vector<1024x128xf32>
      %add3A_405 = arith.addf %dot_general3A_400, %add3A_404 : vector<1024x128xf32>
      %max3A_406 = arith.constant 0.000000e+00 : f32
      %max3A_407 = vector.broadcast %max3A_406 : f32 to vector<1024x128xf32>
      %max3A_408 = arith.maximumf %add3A_405, %max3A_407 : vector<1024x128xf32>
      %get3A_409 = arith.constant 0 : index
      %get3A_410 = arith.constant 0 : index
      %get3A_411 = vector.load %arg10[%get3A_409, %get3A_410] : memref<128x128xf32, #tpu.memory_space<vmem>>, vector<128x128xf32>
      %dot_general3A_412 = arith.constant dense<0.000000e+00> : vector<1024x128xf32>
      %dot_general3A_413 = tpu.matmul %max3A_408, %get3A_411, %dot_general3A_412 {dimension_numbers = #tpu.dot_dimension_numbers<[1], [0], [0], [1], [0, 0, 1, 1], [], []>, transpose_lhs_hint = false} : vector<1024x128xf32>, vector<128x128xf32>, vector<1024x128xf32> -> vector<1024x128xf32>
      %get3A_414 = arith.constant 0 : index
      %get3A_415 = arith.constant 0 : index
      %get3A_416 = vector.load %arg11[%get3A_414, %get3A_415] : memref<1x128xf32, #tpu.memory_space<vmem>>, vector<1x128xf32>
      %add3A_417 = vector.broadcast %get3A_416 : vector<1x128xf32> to vector<1024x128xf32>
      %add3A_418 = arith.addf %dot_general3A_413, %add3A_417 : vector<1024x128xf32>
      %get3A_419 = arith.constant 0 : index
      %get3A_420 = arith.constant 0 : index
      %get3A_421 = vector.load %arg12[%get3A_419, %get3A_420] : memref<1x128xf32, #tpu.memory_space<vmem>>, vector<1x128xf32>
      %get3A_422 = arith.constant 0 : index
      %get3A_423 = arith.constant 0 : index
      %get3A_424 = vector.load %arg13[%get3A_422, %get3A_423] : memref<1x128xf32, #tpu.memory_space<vmem>>, vector<1x128xf32>
      %reduce_sum3A_425 = arith.constant dense<0.000000e+00> : vector<1024xf32>
      %reduce_sum3A_426 = vector.multi_reduction <add>, %add3A_418, %reduce_sum3A_425 [1] : vector<1024x128xf32> to vector<1024xf32>
      %broadcast_in_dim3A_427 = vector.shape_cast %reduce_sum3A_426 : vector<1024xf32> to vector<1024x1xf32>
      %div3A_428 = arith.constant 1.280000e+02 : f32
      %div3A_429 = vector.broadcast %div3A_428 : f32 to vector<1024x1xf32>
      %div3A_430 = arith.divf %broadcast_in_dim3A_427, %div3A_429 : vector<1024x1xf32>
      %sub3A_431 = vector.broadcast %div3A_430 : vector<1024x1xf32> to vector<1024x128xf32>
      %sub3A_432 = arith.subf %add3A_418, %sub3A_431 : vector<1024x128xf32>
      %mul3A_433 = arith.mulf %sub3A_432, %sub3A_432 : vector<1024x128xf32>
      %reduce_sum3A_434 = arith.constant dense<0.000000e+00> : vector<1024xf32>
      %reduce_sum3A_435 = vector.multi_reduction <add>, %mul3A_433, %reduce_sum3A_434 [1] : vector<1024x128xf32> to vector<1024xf32>
      %broadcast_in_dim3A_436 = vector.shape_cast %reduce_sum3A_435 : vector<1024xf32> to vector<1024x1xf32>
      %div3A_437 = arith.constant 1.280000e+02 : f32
      %div3A_438 = vector.broadcast %div3A_437 : f32 to vector<1024x1xf32>
      %div3A_439 = arith.divf %broadcast_in_dim3A_436, %div3A_438 : vector<1024x1xf32>
      %add3A_440 = arith.constant 9.99999974E-6 : f32
      %add3A_441 = vector.broadcast %add3A_440 : f32 to vector<1024x1xf32>
      %add3A_442 = arith.addf %div3A_439, %add3A_441 : vector<1024x1xf32>
      %rsqrt3A_443 = math.rsqrt %add3A_442 : vector<1024x1xf32>
      %mul3A_444 = vector.broadcast %rsqrt3A_443 : vector<1024x1xf32> to vector<1024x128xf32>
      %mul3A_445 = arith.mulf %sub3A_432, %mul3A_444 : vector<1024x128xf32>
      %mul3A_446 = vector.broadcast %get3A_421 : vector<1x128xf32> to vector<1024x128xf32>
      %mul3A_447 = arith.mulf %mul3A_445, %mul3A_446 : vector<1024x128xf32>
      %add3A_448 = vector.broadcast %get3A_424 : vector<1x128xf32> to vector<1024x128xf32>
      %add3A_449 = arith.addf %mul3A_447, %add3A_448 : vector<1024x128xf32>
      %add3A_450 = arith.addf %add3A_449, %get3A_343 : vector<1024x128xf32>
      %ge3A_451 = arith.constant 2 : i32
      %ge3A_452 = arith.cmpi sge, %add3A_311, %ge3A_451 : i32
      %convert_element_type3A_453 = arith.extui %ge3A_452 : i1 to i32
      %cond3A_454 = arith.constant 1 : i32
      %cond3A_455 = arith.constant 0 : i32
      %cond3A_456 = arith.cmpi ne, %convert_element_type3A_453, %cond3A_455 : i32
      scf.if %cond3A_456 {
        %dma_wait3A_473 = arith.constant 0 : i32
        %dma_wait3A_474 = tpu.memref_slice %arg23[%add3A_314, %dma_wait3A_473] : memref<802816x128xf32, #tpu.memory_space<any>> -> memref<1024x128xf32, #tpu.memory_space<any>>
        %dma_wait3A_475 = arith.constant 0 : i32
        %dma_wait3A_476 = arith.constant 0 : i32
        %dma_wait3A_477 = tpu.memref_slice %arg27[%cond3A_454, %dma_wait3A_475, %dma_wait3A_476] : memref<2x1024x128xf32, #tpu.memory_space<vmem>> -> memref<1x1024x128xf32, #tpu.memory_space<vmem>>
        %dma_wait3A_478 = tpu.memref_squeeze %dma_wait3A_477 : memref<1x1024x128xf32, #tpu.memory_space<vmem>> -> memref<1024x128xf32, #tpu.memory_space<vmem>>
        tpu.wait_dma2 semaphore(%arg31 : memref<!tpu.dma_semaphore, #tpu.memory_space<semaphore_mem>>) src(%dma_wait3A_478 : memref<1024x128xf32, #tpu.memory_space<vmem>>) dst(%dma_wait3A_474 : memref<1024x128xf32, #tpu.memory_space<any>>)
      } else {
      }
      %swap3A_457 = arith.constant 1 : index
      %swap3A_458 = arith.constant 0 : index
      %swap3A_459 = arith.constant 0 : index
      %swap3A_460 = vector.load %arg27[%swap3A_457, %swap3A_458, %swap3A_459] : memref<2x1024x128xf32, #tpu.memory_space<vmem>>, vector<1x1024x128xf32>
      %swap3A_461 = vector.shape_cast %swap3A_460 : vector<1x1024x128xf32> to vector<1024x128xf32>
      %swap3A_462 = vector.shape_cast %add3A_450 : vector<1024x128xf32> to vector<1x1024x128xf32>
      tpu.vector_store %arg27[%swap3A_457, %swap3A_458, %swap3A_459], %swap3A_462 {strides = array<i32>} : memref<2x1024x128xf32, #tpu.memory_space<vmem>>, vector<1x1024x128xf32>,
      %dma_start3A_463 = arith.constant 1 : i32
      %dma_start3A_464 = arith.constant 0 : i32
      %dma_start3A_465 = tpu.memref_slice %arg23[%add3A_314, %dma_start3A_464] : memref<802816x128xf32, #tpu.memory_space<any>> -> memref<1024x128xf32, #tpu.memory_space<any>>
      %dma_start3A_466 = arith.constant 0 : i32
      %dma_start3A_467 = arith.constant 0 : i32
      %dma_start3A_468 = tpu.memref_slice %arg27[%dma_start3A_463, %dma_start3A_466, %dma_start3A_467] : memref<2x1024x128xf32, #tpu.memory_space<vmem>> -> memref<1x1024x128xf32, #tpu.memory_space<vmem>>
      %dma_start3A_469 = tpu.memref_squeeze %dma_start3A_468 : memref<1x1024x128xf32, #tpu.memory_space<vmem>> -> memref<1024x128xf32, #tpu.memory_space<vmem>>
      tpu.enqueue_dma source(%dma_start3A_469 : memref<1024x128xf32, #tpu.memory_space<vmem>>) target(%dma_start3A_465 : memref<1024x128xf32, #tpu.memory_space<any>>) target_semaphore(%arg31 : memref<!tpu.dma_semaphore, #tpu.memory_space<semaphore_mem>>)
      %dot_general3A_470 = arith.constant dense<0.000000e+00> : vector<256x128xf32>
      %dot_general3A_471 = tpu.matmul %select_n3A_374, %add3A_450, %dot_general3A_470 {dimension_numbers = #tpu.dot_dimension_numbers<[0], [0], [1], [1], [0, 1, 1, 1], [], []>, transpose_lhs_hint = false} : vector<1024x256xf32>, vector<1024x128xf32>, vector<256x128xf32> -> vector<256x128xf32>
      %add3A_472 = arith.addf %add3A_307, %dot_general3A_471 : vector<256x128xf32>
      scf.yield %add3A_472 : vector<256x128xf32>
    }
    %while3A_71 = arith.constant 1 : i32
    %while3A_72 = scf.for %while3A_148 = %while3A_68 to %while3A_64 step %while3A_71 iter_args(%while3A_149 = %while3A_70) -> (vector<256x128xf32>)  : i32 {
      %mul3A_150 = arith.constant 2 : i32
      %mul3A_151 = arith.muli %mul3A_150, %while3A_148 : i32
      %mul3A_152 = arith.constant 1024 : i32
      %mul3A_153 = arith.muli %mul3A_151, %mul3A_152 : i32
      %add3A_154 = arith.addi %get3A_0, %mul3A_153 : i32
      %mul3A_155 = arith.constant 1024 : i32
      %mul3A_156 = arith.muli %mul3A_151, %mul3A_155 : i32
      %add3A_157 = arith.addi %get3A_0, %mul3A_156 : i32
      %dma_wait3A = arith.constant 0 : i32
      %dma_wait3A_158 = arith.constant 0 : i32
      %dma_wait3A_159 = arith.constant 0 : i32
      %dma_wait3A_160 = tpu.memref_slice %arg24[%dma_wait3A, %dma_wait3A_158, %dma_wait3A_159] : memref<2x1024x128xf32, #tpu.memory_space<vmem>> -> memref<1x1024x128xf32, #tpu.memory_space<vmem>>
      %dma_wait3A_161 = tpu.memref_squeeze %dma_wait3A_160 : memref<1x1024x128xf32, #tpu.memory_space<vmem>> -> memref<1024x128xf32, #tpu.memory_space<vmem>>
      %dma_wait3A_162 = arith.constant 0 : i32
      %dma_wait3A_163 = tpu.memref_slice %arg3[%add3A_157, %dma_wait3A_162] : memref<802816x128xf32, #tpu.memory_space<any>> -> memref<1024x128xf32, #tpu.memory_space<any>>
      tpu.wait_dma2 semaphore(%arg28 : memref<!tpu.dma_semaphore, #tpu.memory_space<semaphore_mem>>) src(%dma_wait3A_163 : memref<1024x128xf32, #tpu.memory_space<any>>) dst(%dma_wait3A_161 : memref<1024x128xf32, #tpu.memory_space<vmem>>)
      %dma_wait3A_164 = arith.constant 0 : i32
      %dma_wait3A_165 = arith.constant 0 : i32
      %dma_wait3A_166 = arith.constant 0 : i32
      %dma_wait3A_167 = tpu.memref_slice %arg25[%dma_wait3A_164, %dma_wait3A_165, %dma_wait3A_166] : memref<2x1024x128xf32, #tpu.memory_space<vmem>> -> memref<1x1024x128xf32, #tpu.memory_space<vmem>>
      %dma_wait3A_168 = tpu.memref_squeeze %dma_wait3A_167 : memref<1x1024x128xf32, #tpu.memory_space<vmem>> -> memref<1024x128xf32, #tpu.memory_space<vmem>>
      %dma_wait3A_169 = arith.constant 0 : i32
      %dma_wait3A_170 = tpu.memref_slice %arg4[%add3A_157, %dma_wait3A_169] : memref<802816x128xf32, #tpu.memory_space<any>> -> memref<1024x128xf32, #tpu.memory_space<any>>
      tpu.wait_dma2 semaphore(%arg28 : memref<!tpu.dma_semaphore, #tpu.memory_space<semaphore_mem>>) src(%dma_wait3A_170 : memref<1024x128xf32, #tpu.memory_space<any>>) dst(%dma_wait3A_168 : memref<1024x128xf32, #tpu.memory_space<vmem>>)
      %dma_wait3A_171 = arith.constant 0 : i32
      %dma_wait3A_172 = arith.constant 0 : i32
      %dma_wait3A_173 = arith.constant 0 : i32
      %dma_wait3A_174 = tpu.memref_slice %arg26[%dma_wait3A_171, %dma_wait3A_172, %dma_wait3A_173] : memref<2x1024x1xi32, #tpu.memory_space<vmem>> -> memref<1x1024x1xi32, #tpu.memory_space<vmem>>
      %dma_wait3A_175 = tpu.memref_squeeze %dma_wait3A_174 : memref<1x1024x1xi32, #tpu.memory_space<vmem>> -> memref<1024x1xi32, #tpu.memory_space<vmem>>
      %dma_wait3A_176 = arith.constant 0 : i32
      %dma_wait3A_177 = tpu.memref_slice %arg5[%add3A_157, %dma_wait3A_176] : memref<802816x1xi32, #tpu.memory_space<any>> -> memref<1024x1xi32, #tpu.memory_space<any>>
      tpu.wait_dma2 semaphore(%arg28 : memref<!tpu.dma_semaphore, #tpu.memory_space<semaphore_mem>>) src(%dma_wait3A_177 : memref<1024x1xi32, #tpu.memory_space<any>>) dst(%dma_wait3A_175 : memref<1024x1xi32, #tpu.memory_space<vmem>>)
      %get3A_178 = arith.constant 0 : index
      %get3A_179 = arith.constant 0 : index
      %get3A_180 = arith.constant 0 : index
      %get3A_181 = vector.load %arg24[%get3A_178, %get3A_179, %get3A_180] : memref<2x1024x128xf32, #tpu.memory_space<vmem>>, vector<1x1024x128xf32>
      %get3A_182 = vector.shape_cast %get3A_181 : vector<1x1024x128xf32> to vector<1024x128xf32>
      %get3A_183 = arith.constant 0 : index
      %get3A_184 = arith.constant 0 : index
      %get3A_185 = arith.constant 0 : index
      %get3A_186 = vector.load %arg25[%get3A_183, %get3A_184, %get3A_185] : memref<2x1024x128xf32, #tpu.memory_space<vmem>>, vector<1x1024x128xf32>
      %get3A_187 = vector.shape_cast %get3A_186 : vector<1x1024x128xf32> to vector<1024x128xf32>
      %get3A_188 = arith.constant 0 : index
      %get3A_189 = arith.constant 0 : index
      %get3A_190 = arith.constant 0 : index
      %get3A_191 = vector.load %arg26[%get3A_188, %get3A_189, %get3A_190] : memref<2x1024x1xi32, #tpu.memory_space<vmem>>, vector<1x1024x1xi32>
      %get3A_192 = vector.shape_cast %get3A_191 : vector<1x1024x1xi32> to vector<1024x1xi32>
      %add3A_193 = arith.constant 2 : i32
      %add3A_194 = arith.addi %mul3A_151, %add3A_193 : i32
      %lt3A = arith.cmpi slt, %add3A_194, %mul3A_49 : i32
      %convert_element_type3A_195 = arith.extui %lt3A : i1 to i32
      %cond3A_196 = arith.constant 0 : i32
      %cond3A_197 = arith.cmpi ne, %convert_element_type3A_195, %cond3A_196 : i32
      scf.if %cond3A_197 {
        %add3A_473 = arith.constant 2 : i32
        %add3A_474 = arith.addi %mul3A_151, %add3A_473 : i32
        %mul3A_475 = arith.constant 1024 : i32
        %mul3A_476 = arith.muli %add3A_474, %mul3A_475 : i32
        %add3A_477 = arith.addi %get3A_0, %mul3A_476 : i32
        %dma_start3A_478 = arith.constant 0 : i32
        %dma_start3A_479 = arith.constant 0 : i32
        %dma_start3A_480 = arith.constant 0 : i32
        %dma_start3A_481 = tpu.memref_slice %arg24[%dma_start3A_478, %dma_start3A_479, %dma_start3A_480] : memref<2x1024x128xf32, #tpu.memory_space<vmem>> -> memref<1x1024x128xf32, #tpu.memory_space<vmem>>
        %dma_start3A_482 = tpu.memref_squeeze %dma_start3A_481 : memref<1x1024x128xf32, #tpu.memory_space<vmem>> -> memref<1024x128xf32, #tpu.memory_space<vmem>>
        %dma_start3A_483 = arith.constant 0 : i32
        %dma_start3A_484 = tpu.memref_slice %arg3[%add3A_477, %dma_start3A_483] : memref<802816x128xf32, #tpu.memory_space<any>> -> memref<1024x128xf32, #tpu.memory_space<any>>
        tpu.enqueue_dma source(%dma_start3A_484 : memref<1024x128xf32, #tpu.memory_space<any>>) target(%dma_start3A_482 : memref<1024x128xf32, #tpu.memory_space<vmem>>) target_semaphore(%arg28 : memref<!tpu.dma_semaphore, #tpu.memory_space<semaphore_mem>>)
        %dma_start3A_485 = arith.constant 0 : i32
        %dma_start3A_486 = arith.constant 0 : i32
        %dma_start3A_487 = arith.constant 0 : i32
        %dma_start3A_488 = tpu.memref_slice %arg25[%dma_start3A_485, %dma_start3A_486, %dma_start3A_487] : memref<2x1024x128xf32, #tpu.memory_space<vmem>> -> memref<1x1024x128xf32, #tpu.memory_space<vmem>>
        %dma_start3A_489 = tpu.memref_squeeze %dma_start3A_488 : memref<1x1024x128xf32, #tpu.memory_space<vmem>> -> memref<1024x128xf32, #tpu.memory_space<vmem>>
        %dma_start3A_490 = arith.constant 0 : i32
        %dma_start3A_491 = tpu.memref_slice %arg4[%add3A_477, %dma_start3A_490] : memref<802816x128xf32, #tpu.memory_space<any>> -> memref<1024x128xf32, #tpu.memory_space<any>>
        tpu.enqueue_dma source(%dma_start3A_491 : memref<1024x128xf32, #tpu.memory_space<any>>) target(%dma_start3A_489 : memref<1024x128xf32, #tpu.memory_space<vmem>>) target_semaphore(%arg28 : memref<!tpu.dma_semaphore, #tpu.memory_space<semaphore_mem>>)
        %dma_start3A_492 = arith.constant 0 : i32
        %dma_start3A_493 = arith.constant 0 : i32
        %dma_start3A_494 = arith.constant 0 : i32
        %dma_start3A_495 = tpu.memref_slice %arg26[%dma_start3A_492, %dma_start3A_493, %dma_start3A_494] : memref<2x1024x1xi32, #tpu.memory_space<vmem>> -> memref<1x1024x1xi32, #tpu.memory_space<vmem>>
        %dma_start3A_496 = tpu.memref_squeeze %dma_start3A_495 : memref<1x1024x1xi32, #tpu.memory_space<vmem>> -> memref<1024x1xi32, #tpu.memory_space<vmem>>
        %dma_start3A_497 = arith.constant 0 : i32
        %dma_start3A_498 = tpu.memref_slice %arg5[%add3A_477, %dma_start3A_497] : memref<802816x1xi32, #tpu.memory_space<any>> -> memref<1024x1xi32, #tpu.memory_space<any>>
        tpu.enqueue_dma source(%dma_start3A_498 : memref<1024x1xi32, #tpu.memory_space<any>>) target(%dma_start3A_496 : memref<1024x1xi32, #tpu.memory_space<vmem>>) target_semaphore(%arg28 : memref<!tpu.dma_semaphore, #tpu.memory_space<semaphore_mem>>)
      } else {
      }
      %iota3A_198 = tpu.iota {dimensions = array<i32: 0>} : vector<1024x1xi32>
      %add3A_199 = vector.broadcast %add3A_154 : i32 to vector<1024x1xi32>
      %add3A_200 = arith.addi %add3A_199, %iota3A_198 : vector<1024x1xi32>
      %eq3A = vector.broadcast %get3A_192 : vector<1024x1xi32> to vector<1024x256xi32>
      %eq3A_201 = vector.broadcast %add3A_56 : vector<1x256xi32> to vector<1024x256xi32>
      %eq3A_202 = arith.cmpi eq, %eq3A, %eq3A_201 : vector<1024x256xi32>
      %lt3A_203 = vector.broadcast %get3A_3 : i32 to vector<1024x1xi32>
      %lt3A_204 = arith.cmpi slt, %add3A_200, %lt3A_203 : vector<1024x1xi32>
      %and3A_205 = vector.broadcast %lt3A_204 : vector<1024x1xi1> to vector<1024x256xi1>
      %and3A_206 = arith.andi %eq3A_202, %and3A_205 : vector<1024x256xi1>
      %jit3A_207 = arith.constant 1.000000e+00 : f32
      %jit3A_208 = arith.constant 0.000000e+00 : f32
      %broadcast_in_dim3A_209 = vector.broadcast %jit3A_207 : f32 to vector<1024x256xf32>
      %broadcast_in_dim3A_210 = vector.broadcast %jit3A_208 : f32 to vector<1024x256xf32>
      %select_n3A_211 = arith.select %and3A_206, %broadcast_in_dim3A_209, %broadcast_in_dim3A_210 : vector<1024x256xi1>, vector<1024x256xf32>
      %dot_general3A_212 = arith.constant dense<0.000000e+00> : vector<1024x128xf32>
      %dot_general3A_213 = tpu.matmul %select_n3A_211, %get3A_52, %dot_general3A_212 {dimension_numbers = #tpu.dot_dimension_numbers<[1], [0], [0], [1], [0, 0, 1, 1], [], []>, transpose_lhs_hint = false} : vector<1024x256xf32>, vector<256x128xf32>, vector<1024x128xf32> -> vector<1024x128xf32>
      %slice3A_214 = vector.extract_strided_slice %get3A_59 {offsets = [0, 0], sizes = [128, 128], strides = [1, 1]} : vector<384x128xf32> to vector<128x128xf32>
      %dot_general3A_215 = arith.constant dense<0.000000e+00> : vector<1024x128xf32>
      %dot_general3A_216 = tpu.matmul %get3A_182, %slice3A_214, %dot_general3A_215 {dimension_numbers = #tpu.dot_dimension_numbers<[1], [0], [0], [1], [0, 0, 1, 1], [], []>, transpose_lhs_hint = false} : vector<1024x128xf32>, vector<128x128xf32>, vector<1024x128xf32> -> vector<1024x128xf32>
      %slice3A_217 = vector.extract_strided_slice %get3A_59 {offsets = [128, 0], sizes = [128, 128], strides = [1, 1]} : vector<384x128xf32> to vector<128x128xf32>
      %dot_general3A_218 = arith.constant dense<0.000000e+00> : vector<1024x128xf32>
      %dot_general3A_219 = tpu.matmul %get3A_187, %slice3A_217, %dot_general3A_218 {dimension_numbers = #tpu.dot_dimension_numbers<[1], [0], [0], [1], [0, 0, 1, 1], [], []>, transpose_lhs_hint = false} : vector<1024x128xf32>, vector<128x128xf32>, vector<1024x128xf32> -> vector<1024x128xf32>
      %add3A_220 = arith.addf %dot_general3A_216, %dot_general3A_219 : vector<1024x128xf32>
      %slice3A_221 = vector.extract_strided_slice %get3A_59 {offsets = [256, 0], sizes = [128, 128], strides = [1, 1]} : vector<384x128xf32> to vector<128x128xf32>
      %dot_general3A_222 = arith.constant dense<0.000000e+00> : vector<1024x128xf32>
      %dot_general3A_223 = tpu.matmul %dot_general3A_213, %slice3A_221, %dot_general3A_222 {dimension_numbers = #tpu.dot_dimension_numbers<[1], [0], [0], [1], [0, 0, 1, 1], [], []>, transpose_lhs_hint = false} : vector<1024x128xf32>, vector<128x128xf32>, vector<1024x128xf32> -> vector<1024x128xf32>
      %add3A_224 = arith.addf %add3A_220, %dot_general3A_223 : vector<1024x128xf32>
      %get3A_225 = arith.constant 0 : index
      %get3A_226 = arith.constant 0 : index
      %get3A_227 = vector.load %arg7[%get3A_225, %get3A_226] : memref<1x128xf32, #tpu.memory_space<vmem>>, vector<1x128xf32>
      %add3A_228 = vector.broadcast %get3A_227 : vector<1x128xf32> to vector<1024x128xf32>
      %add3A_229 = arith.addf %add3A_224, %add3A_228 : vector<1024x128xf32>
      %max3A_230 = arith.constant 0.000000e+00 : f32
      %max3A_231 = vector.broadcast %max3A_230 : f32 to vector<1024x128xf32>
      %max3A_232 = arith.maximumf %add3A_229, %max3A_231 : vector<1024x128xf32>
      %get3A_233 = arith.constant 0 : index
      %get3A_234 = arith.constant 0 : index
      %get3A_235 = vector.load %arg8[%get3A_233, %get3A_234] : memref<128x128xf32, #tpu.memory_space<vmem>>, vector<128x128xf32>
      %dot_general3A_236 = arith.constant dense<0.000000e+00> : vector<1024x128xf32>
      %dot_general3A_237 = tpu.matmul %max3A_232, %get3A_235, %dot_general3A_236 {dimension_numbers = #tpu.dot_dimension_numbers<[1], [0], [0], [1], [0, 0, 1, 1], [], []>, transpose_lhs_hint = false} : vector<1024x128xf32>, vector<128x128xf32>, vector<1024x128xf32> -> vector<1024x128xf32>
      %get3A_238 = arith.constant 0 : index
      %get3A_239 = arith.constant 0 : index
      %get3A_240 = vector.load %arg9[%get3A_238, %get3A_239] : memref<1x128xf32, #tpu.memory_space<vmem>>, vector<1x128xf32>
      %add3A_241 = vector.broadcast %get3A_240 : vector<1x128xf32> to vector<1024x128xf32>
      %add3A_242 = arith.addf %dot_general3A_237, %add3A_241 : vector<1024x128xf32>
      %max3A_243 = arith.constant 0.000000e+00 : f32
      %max3A_244 = vector.broadcast %max3A_243 : f32 to vector<1024x128xf32>
      %max3A_245 = arith.maximumf %add3A_242, %max3A_244 : vector<1024x128xf32>
      %get3A_246 = arith.constant 0 : index
      %get3A_247 = arith.constant 0 : index
      %get3A_248 = vector.load %arg10[%get3A_246, %get3A_247] : memref<128x128xf32, #tpu.memory_space<vmem>>, vector<128x128xf32>
      %dot_general3A_249 = arith.constant dense<0.000000e+00> : vector<1024x128xf32>
      %dot_general3A_250 = tpu.matmul %max3A_245, %get3A_248, %dot_general3A_249 {dimension_numbers = #tpu.dot_dimension_numbers<[1], [0], [0], [1], [0, 0, 1, 1], [], []>, transpose_lhs_hint = false} : vector<1024x128xf32>, vector<128x128xf32>, vector<1024x128xf32> -> vector<1024x128xf32>
      %get3A_251 = arith.constant 0 : index
      %get3A_252 = arith.constant 0 : index
      %get3A_253 = vector.load %arg11[%get3A_251, %get3A_252] : memref<1x128xf32, #tpu.memory_space<vmem>>, vector<1x128xf32>
      %add3A_254 = vector.broadcast %get3A_253 : vector<1x128xf32> to vector<1024x128xf32>
      %add3A_255 = arith.addf %dot_general3A_250, %add3A_254 : vector<1024x128xf32>
      %get3A_256 = arith.constant 0 : index
      %get3A_257 = arith.constant 0 : index
      %get3A_258 = vector.load %arg12[%get3A_256, %get3A_257] : memref<1x128xf32, #tpu.memory_space<vmem>>, vector<1x128xf32>
      %get3A_259 = arith.constant 0 : index
      %get3A_260 = arith.constant 0 : index
      %get3A_261 = vector.load %arg13[%get3A_259, %get3A_260] : memref<1x128xf32, #tpu.memory_space<vmem>>, vector<1x128xf32>
      %reduce_sum3A_262 = arith.constant dense<0.000000e+00> : vector<1024xf32>
      %reduce_sum3A_263 = vector.multi_reduction <add>, %add3A_255, %reduce_sum3A_262 [1] : vector<1024x128xf32> to vector<1024xf32>
      %broadcast_in_dim3A_264 = vector.shape_cast %reduce_sum3A_263 : vector<1024xf32> to vector<1024x1xf32>
      %div3A_265 = arith.constant 1.280000e+02 : f32
      %div3A_266 = vector.broadcast %div3A_265 : f32 to vector<1024x1xf32>
      %div3A_267 = arith.divf %broadcast_in_dim3A_264, %div3A_266 : vector<1024x1xf32>
      %sub3A_268 = vector.broadcast %div3A_267 : vector<1024x1xf32> to vector<1024x128xf32>
      %sub3A_269 = arith.subf %add3A_255, %sub3A_268 : vector<1024x128xf32>
      %mul3A_270 = arith.mulf %sub3A_269, %sub3A_269 : vector<1024x128xf32>
      %reduce_sum3A_271 = arith.constant dense<0.000000e+00> : vector<1024xf32>
      %reduce_sum3A_272 = vector.multi_reduction <add>, %mul3A_270, %reduce_sum3A_271 [1] : vector<1024x128xf32> to vector<1024xf32>
      %broadcast_in_dim3A_273 = vector.shape_cast %reduce_sum3A_272 : vector<1024xf32> to vector<1024x1xf32>
      %div3A_274 = arith.constant 1.280000e+02 : f32
      %div3A_275 = vector.broadcast %div3A_274 : f32 to vector<1024x1xf32>
      %div3A_276 = arith.divf %broadcast_in_dim3A_273, %div3A_275 : vector<1024x1xf32>
      %add3A_277 = arith.constant 9.99999974E-6 : f32
      %add3A_278 = vector.broadcast %add3A_277 : f32 to vector<1024x1xf32>
      %add3A_279 = arith.addf %div3A_276, %add3A_278 : vector<1024x1xf32>
      %rsqrt3A_280 = math.rsqrt %add3A_279 : vector<1024x1xf32>
      %mul3A_281 = vector.broadcast %rsqrt3A_280 : vector<1024x1xf32> to vector<1024x128xf32>
      %mul3A_282 = arith.mulf %sub3A_269, %mul3A_281 : vector<1024x128xf32>
      %mul3A_283 = vector.broadcast %get3A_258 : vector<1x128xf32> to vector<1024x128xf32>
      %mul3A_284 = arith.mulf %mul3A_282, %mul3A_283 : vector<1024x128xf32>
      %add3A_285 = vector.broadcast %get3A_261 : vector<1x128xf32> to vector<1024x128xf32>
      %add3A_286 = arith.addf %mul3A_284, %add3A_285 : vector<1024x128xf32>
      %add3A_287 = arith.addf %add3A_286, %get3A_182 : vector<1024x128xf32>
      %ge3A = arith.constant 2 : i32
      %ge3A_288 = arith.cmpi sge, %mul3A_151, %ge3A : i32
      %convert_element_type3A_289 = arith.extui %ge3A_288 : i1 to i32
      %cond3A_290 = arith.constant 0 : i32
      %cond3A_291 = arith.constant 0 : i32
      %cond3A_292 = arith.cmpi ne, %convert_element_type3A_289, %cond3A_291 : i32
      scf.if %cond3A_292 {
        %dma_wait3A_473 = arith.constant 0 : i32
        %dma_wait3A_474 = tpu.memref_slice %arg23[%add3A_154, %dma_wait3A_473] : memref<802816x128xf32, #tpu.memory_space<any>> -> memref<1024x128xf32, #tpu.memory_space<any>>
        %dma_wait3A_475 = arith.constant 0 : i32
        %dma_wait3A_476 = arith.constant 0 : i32
        %dma_wait3A_477 = tpu.memref_slice %arg27[%cond3A_290, %dma_wait3A_475, %dma_wait3A_476] : memref<2x1024x128xf32, #tpu.memory_space<vmem>> -> memref<1x1024x128xf32, #tpu.memory_space<vmem>>
        %dma_wait3A_478 = tpu.memref_squeeze %dma_wait3A_477 : memref<1x1024x128xf32, #tpu.memory_space<vmem>> -> memref<1024x128xf32, #tpu.memory_space<vmem>>
        tpu.wait_dma2 semaphore(%arg30 : memref<!tpu.dma_semaphore, #tpu.memory_space<semaphore_mem>>) src(%dma_wait3A_478 : memref<1024x128xf32, #tpu.memory_space<vmem>>) dst(%dma_wait3A_474 : memref<1024x128xf32, #tpu.memory_space<any>>)
      } else {
      }
      %swap3A_293 = arith.constant 0 : index
      %swap3A_294 = arith.constant 0 : index
      %swap3A_295 = arith.constant 0 : index
      %swap3A_296 = vector.load %arg27[%swap3A_293, %swap3A_294, %swap3A_295] : memref<2x1024x128xf32, #tpu.memory_space<vmem>>, vector<1x1024x128xf32>
      %swap3A_297 = vector.shape_cast %swap3A_296 : vector<1x1024x128xf32> to vector<1024x128xf32>
      %swap3A_298 = vector.shape_cast %add3A_287 : vector<1024x128xf32> to vector<1x1024x128xf32>
      tpu.vector_store %arg27[%swap3A_293, %swap3A_294, %swap3A_295], %swap3A_298 {strides = array<i32>} : memref<2x1024x128xf32, #tpu.memory_space<vmem>>, vector<1x1024x128xf32>,
      %dma_start3A = arith.constant 0 : i32
      %dma_start3A_299 = arith.constant 0 : i32
      %dma_start3A_300 = tpu.memref_slice %arg23[%add3A_154, %dma_start3A_299] : memref<802816x128xf32, #tpu.memory_space<any>> -> memref<1024x128xf32, #tpu.memory_space<any>>
      %dma_start3A_301 = arith.constant 0 : i32
      %dma_start3A_302 = arith.constant 0 : i32
      %dma_start3A_303 = tpu.memref_slice %arg27[%dma_start3A, %dma_start3A_301, %dma_start3A_302] : memref<2x1024x128xf32, #tpu.memory_space<vmem>> -> memref<1x1024x128xf32, #tpu.memory_space<vmem>>
      %dma_start3A_304 = tpu.memref_squeeze %dma_start3A_303 : memref<1x1024x128xf32, #tpu.memory_space<vmem>> -> memref<1024x128xf32, #tpu.memory_space<vmem>>
      tpu.enqueue_dma source(%dma_start3A_304 : memref<1024x128xf32, #tpu.memory_space<vmem>>) target(%dma_start3A_300 : memref<1024x128xf32, #tpu.memory_space<any>>) target_semaphore(%arg30 : memref<!tpu.dma_semaphore, #tpu.memory_space<semaphore_mem>>)
      %dot_general3A_305 = arith.constant dense<0.000000e+00> : vector<256x128xf32>
      %dot_general3A_306 = tpu.matmul %select_n3A_211, %add3A_287, %dot_general3A_305 {dimension_numbers = #tpu.dot_dimension_numbers<[0], [0], [1], [1], [0, 1, 1, 1], [], []>, transpose_lhs_hint = false} : vector<1024x256xf32>, vector<1024x128xf32>, vector<256x128xf32> -> vector<256x128xf32>
      %add3A_307 = arith.addf %while3A_149, %dot_general3A_306 : vector<256x128xf32>
      %mul3A_308 = arith.constant 2 : i32
      %mul3A_309 = arith.muli %mul3A_308, %while3A_148 : i32
      %add3A_310 = arith.constant 1 : i32
      %add3A_311 = arith.addi %mul3A_309, %add3A_310 : i32
      %mul3A_312 = arith.constant 1024 : i32
      %mul3A_313 = arith.muli %add3A_311, %mul3A_312 : i32
      %add3A_314 = arith.addi %get3A_0, %mul3A_313 : i32
      %mul3A_315 = arith.constant 1024 : i32
      %mul3A_316 = arith.muli %add3A_311, %mul3A_315 : i32
      %add3A_317 = arith.addi %get3A_0, %mul3A_316 : i32
      %dma_wait3A_318 = arith.constant 1 : i32
      %dma_wait3A_319 = arith.constant 0 : i32
      %dma_wait3A_320 = arith.constant 0 : i32
      %dma_wait3A_321 = tpu.memref_slice %arg24[%dma_wait3A_318, %dma_wait3A_319, %dma_wait3A_320] : memref<2x1024x128xf32, #tpu.memory_space<vmem>> -> memref<1x1024x128xf32, #tpu.memory_space<vmem>>
      %dma_wait3A_322 = tpu.memref_squeeze %dma_wait3A_321 : memref<1x1024x128xf32, #tpu.memory_space<vmem>> -> memref<1024x128xf32, #tpu.memory_space<vmem>>
      %dma_wait3A_323 = arith.constant 0 : i32
      %dma_wait3A_324 = tpu.memref_slice %arg3[%add3A_317, %dma_wait3A_323] : memref<802816x128xf32, #tpu.memory_space<any>> -> memref<1024x128xf32, #tpu.memory_space<any>>
      tpu.wait_dma2 semaphore(%arg29 : memref<!tpu.dma_semaphore, #tpu.memory_space<semaphore_mem>>) src(%dma_wait3A_324 : memref<1024x128xf32, #tpu.memory_space<any>>) dst(%dma_wait3A_322 : memref<1024x128xf32, #tpu.memory_space<vmem>>)
      %dma_wait3A_325 = arith.constant 1 : i32
      %dma_wait3A_326 = arith.constant 0 : i32
      %dma_wait3A_327 = arith.constant 0 : i32
      %dma_wait3A_328 = tpu.memref_slice %arg25[%dma_wait3A_325, %dma_wait3A_326, %dma_wait3A_327] : memref<2x1024x128xf32, #tpu.memory_space<vmem>> -> memref<1x1024x128xf32, #tpu.memory_space<vmem>>
      %dma_wait3A_329 = tpu.memref_squeeze %dma_wait3A_328 : memref<1x1024x128xf32, #tpu.memory_space<vmem>> -> memref<1024x128xf32, #tpu.memory_space<vmem>>
      %dma_wait3A_330 = arith.constant 0 : i32
      %dma_wait3A_331 = tpu.memref_slice %arg4[%add3A_317, %dma_wait3A_330] : memref<802816x128xf32, #tpu.memory_space<any>> -> memref<1024x128xf32, #tpu.memory_space<any>>
      tpu.wait_dma2 semaphore(%arg29 : memref<!tpu.dma_semaphore, #tpu.memory_space<semaphore_mem>>) src(%dma_wait3A_331 : memref<1024x128xf32, #tpu.memory_space<any>>) dst(%dma_wait3A_329 : memref<1024x128xf32, #tpu.memory_space<vmem>>)
      %dma_wait3A_332 = arith.constant 1 : i32
      %dma_wait3A_333 = arith.constant 0 : i32
      %dma_wait3A_334 = arith.constant 0 : i32
      %dma_wait3A_335 = tpu.memref_slice %arg26[%dma_wait3A_332, %dma_wait3A_333, %dma_wait3A_334] : memref<2x1024x1xi32, #tpu.memory_space<vmem>> -> memref<1x1024x1xi32, #tpu.memory_space<vmem>>
      %dma_wait3A_336 = tpu.memref_squeeze %dma_wait3A_335 : memref<1x1024x1xi32, #tpu.memory_space<vmem>> -> memref<1024x1xi32, #tpu.memory_space<vmem>>
      %dma_wait3A_337 = arith.constant 0 : i32
      %dma_wait3A_338 = tpu.memref_slice %arg5[%add3A_317, %dma_wait3A_337] : memref<802816x1xi32, #tpu.memory_space<any>> -> memref<1024x1xi32, #tpu.memory_space<any>>
      tpu.wait_dma2 semaphore(%arg29 : memref<!tpu.dma_semaphore, #tpu.memory_space<semaphore_mem>>) src(%dma_wait3A_338 : memref<1024x1xi32, #tpu.memory_space<any>>) dst(%dma_wait3A_336 : memref<1024x1xi32, #tpu.memory_space<vmem>>)
      %get3A_339 = arith.constant 1 : index
      %get3A_340 = arith.constant 0 : index
      %get3A_341 = arith.constant 0 : index
      %get3A_342 = vector.load %arg24[%get3A_339, %get3A_340, %get3A_341] : memref<2x1024x128xf32, #tpu.memory_space<vmem>>, vector<1x1024x128xf32>
      %get3A_343 = vector.shape_cast %get3A_342 : vector<1x1024x128xf32> to vector<1024x128xf32>
      %get3A_344 = arith.constant 1 : index
      %get3A_345 = arith.constant 0 : index
      %get3A_346 = arith.constant 0 : index
      %get3A_347 = vector.load %arg25[%get3A_344, %get3A_345, %get3A_346] : memref<2x1024x128xf32, #tpu.memory_space<vmem>>, vector<1x1024x128xf32>
      %get3A_348 = vector.shape_cast %get3A_347 : vector<1x1024x128xf32> to vector<1024x128xf32>
      %get3A_349 = arith.constant 1 : index
      %get3A_350 = arith.constant 0 : index
      %get3A_351 = arith.constant 0 : index
      %get3A_352 = vector.load %arg26[%get3A_349, %get3A_350, %get3A_351] : memref<2x1024x1xi32, #tpu.memory_space<vmem>>, vector<1x1024x1xi32>
      %get3A_353 = vector.shape_cast %get3A_352 : vector<1x1024x1xi32> to vector<1024x1xi32>
      %add3A_354 = arith.constant 2 : i32
      %add3A_355 = arith.addi %add3A_311, %add3A_354 : i32
      %lt3A_356 = arith.cmpi slt, %add3A_355, %mul3A_49 : i32
      %convert_element_type3A_357 = arith.extui %lt3A_356 : i1 to i32
      %cond3A_358 = arith.constant 0 : i32
      %cond3A_359 = arith.cmpi ne, %convert_element_type3A_357, %cond3A_358 : i32
      scf.if %cond3A_359 {
        %add3A_473 = arith.constant 2 : i32
        %add3A_474 = arith.addi %add3A_311, %add3A_473 : i32
        %mul3A_475 = arith.constant 1024 : i32
        %mul3A_476 = arith.muli %add3A_474, %mul3A_475 : i32
        %add3A_477 = arith.addi %get3A_0, %mul3A_476 : i32
        %dma_start3A_478 = arith.constant 1 : i32
        %dma_start3A_479 = arith.constant 0 : i32
        %dma_start3A_480 = arith.constant 0 : i32
        %dma_start3A_481 = tpu.memref_slice %arg24[%dma_start3A_478, %dma_start3A_479, %dma_start3A_480] : memref<2x1024x128xf32, #tpu.memory_space<vmem>> -> memref<1x1024x128xf32, #tpu.memory_space<vmem>>
        %dma_start3A_482 = tpu.memref_squeeze %dma_start3A_481 : memref<1x1024x128xf32, #tpu.memory_space<vmem>> -> memref<1024x128xf32, #tpu.memory_space<vmem>>
        %dma_start3A_483 = arith.constant 0 : i32
        %dma_start3A_484 = tpu.memref_slice %arg3[%add3A_477, %dma_start3A_483] : memref<802816x128xf32, #tpu.memory_space<any>> -> memref<1024x128xf32, #tpu.memory_space<any>>
        tpu.enqueue_dma source(%dma_start3A_484 : memref<1024x128xf32, #tpu.memory_space<any>>) target(%dma_start3A_482 : memref<1024x128xf32, #tpu.memory_space<vmem>>) target_semaphore(%arg29 : memref<!tpu.dma_semaphore, #tpu.memory_space<semaphore_mem>>)
        %dma_start3A_485 = arith.constant 1 : i32
        %dma_start3A_486 = arith.constant 0 : i32
        %dma_start3A_487 = arith.constant 0 : i32
        %dma_start3A_488 = tpu.memref_slice %arg25[%dma_start3A_485, %dma_start3A_486, %dma_start3A_487] : memref<2x1024x128xf32, #tpu.memory_space<vmem>> -> memref<1x1024x128xf32, #tpu.memory_space<vmem>>
        %dma_start3A_489 = tpu.memref_squeeze %dma_start3A_488 : memref<1x1024x128xf32, #tpu.memory_space<vmem>> -> memref<1024x128xf32, #tpu.memory_space<vmem>>
        %dma_start3A_490 = arith.constant 0 : i32
        %dma_start3A_491 = tpu.memref_slice %arg4[%add3A_477, %dma_start3A_490] : memref<802816x128xf32, #tpu.memory_space<any>> -> memref<1024x128xf32, #tpu.memory_space<any>>
        tpu.enqueue_dma source(%dma_start3A_491 : memref<1024x128xf32, #tpu.memory_space<any>>) target(%dma_start3A_489 : memref<1024x128xf32, #tpu.memory_space<vmem>>) target_semaphore(%arg29 : memref<!tpu.dma_semaphore, #tpu.memory_space<semaphore_mem>>)
        %dma_start3A_492 = arith.constant 1 : i32
        %dma_start3A_493 = arith.constant 0 : i32
        %dma_start3A_494 = arith.constant 0 : i32
        %dma_start3A_495 = tpu.memref_slice %arg26[%dma_start3A_492, %dma_start3A_493, %dma_start3A_494] : memref<2x1024x1xi32, #tpu.memory_space<vmem>> -> memref<1x1024x1xi32, #tpu.memory_space<vmem>>
        %dma_start3A_496 = tpu.memref_squeeze %dma_start3A_495 : memref<1x1024x1xi32, #tpu.memory_space<vmem>> -> memref<1024x1xi32, #tpu.memory_space<vmem>>
        %dma_start3A_497 = arith.constant 0 : i32
        %dma_start3A_498 = tpu.memref_slice %arg5[%add3A_477, %dma_start3A_497] : memref<802816x1xi32, #tpu.memory_space<any>> -> memref<1024x1xi32, #tpu.memory_space<any>>
        tpu.enqueue_dma source(%dma_start3A_498 : memref<1024x1xi32, #tpu.memory_space<any>>) target(%dma_start3A_496 : memref<1024x1xi32, #tpu.memory_space<vmem>>) target_semaphore(%arg29 : memref<!tpu.dma_semaphore, #tpu.memory_space<semaphore_mem>>)
      } else {
      }
      %iota3A_360 = tpu.iota {dimensions = array<i32: 0>} : vector<1024x1xi32>
      %add3A_361 = vector.broadcast %add3A_314 : i32 to vector<1024x1xi32>
      %add3A_362 = arith.addi %add3A_361, %iota3A_360 : vector<1024x1xi32>
      %eq3A_363 = vector.broadcast %get3A_353 : vector<1024x1xi32> to vector<1024x256xi32>
      %eq3A_364 = vector.broadcast %add3A_56 : vector<1x256xi32> to vector<1024x256xi32>
      %eq3A_365 = arith.cmpi eq, %eq3A_363, %eq3A_364 : vector<1024x256xi32>
      %lt3A_366 = vector.broadcast %get3A_3 : i32 to vector<1024x1xi32>
      %lt3A_367 = arith.cmpi slt, %add3A_362, %lt3A_366 : vector<1024x1xi32>
      %and3A_368 = vector.broadcast %lt3A_367 : vector<1024x1xi1> to vector<1024x256xi1>
      %and3A_369 = arith.andi %eq3A_365, %and3A_368 : vector<1024x256xi1>
      %jit3A_370 = arith.constant 1.000000e+00 : f32
      %jit3A_371 = arith.constant 0.000000e+00 : f32
      %broadcast_in_dim3A_372 = vector.broadcast %jit3A_370 : f32 to vector<1024x256xf32>
      %broadcast_in_dim3A_373 = vector.broadcast %jit3A_371 : f32 to vector<1024x256xf32>
      %select_n3A_374 = arith.select %and3A_369, %broadcast_in_dim3A_372, %broadcast_in_dim3A_373 : vector<1024x256xi1>, vector<1024x256xf32>
      %dot_general3A_375 = arith.constant dense<0.000000e+00> : vector<1024x128xf32>
      %dot_general3A_376 = tpu.matmul %select_n3A_374, %get3A_52, %dot_general3A_375 {dimension_numbers = #tpu.dot_dimension_numbers<[1], [0], [0], [1], [0, 0, 1, 1], [], []>, transpose_lhs_hint = false} : vector<1024x256xf32>, vector<256x128xf32>, vector<1024x128xf32> -> vector<1024x128xf32>
      %slice3A_377 = vector.extract_strided_slice %get3A_59 {offsets = [0, 0], sizes = [128, 128], strides = [1, 1]} : vector<384x128xf32> to vector<128x128xf32>
      %dot_general3A_378 = arith.constant dense<0.000000e+00> : vector<1024x128xf32>
      %dot_general3A_379 = tpu.matmul %get3A_343, %slice3A_377, %dot_general3A_378 {dimension_numbers = #tpu.dot_dimension_numbers<[1], [0], [0], [1], [0, 0, 1, 1], [], []>, transpose_lhs_hint = false} : vector<1024x128xf32>, vector<128x128xf32>, vector<1024x128xf32> -> vector<1024x128xf32>
      %slice3A_380 = vector.extract_strided_slice %get3A_59 {offsets = [128, 0], sizes = [128, 128], strides = [1, 1]} : vector<384x128xf32> to vector<128x128xf32>
      %dot_general3A_381 = arith.constant dense<0.000000e+00> : vector<1024x128xf32>
      %dot_general3A_382 = tpu.matmul %get3A_348, %slice3A_380, %dot_general3A_381 {dimension_numbers = #tpu.dot_dimension_numbers<[1], [0], [0], [1], [0, 0, 1, 1], [], []>, transpose_lhs_hint = false} : vector<1024x128xf32>, vector<128x128xf32>, vector<1024x128xf32> -> vector<1024x128xf32>
      %add3A_383 = arith.addf %dot_general3A_379, %dot_general3A_382 : vector<1024x128xf32>
      %slice3A_384 = vector.extract_strided_slice %get3A_59 {offsets = [256, 0], sizes = [128, 128], strides = [1, 1]} : vector<384x128xf32> to vector<128x128xf32>
      %dot_general3A_385 = arith.constant dense<0.000000e+00> : vector<1024x128xf32>
      %dot_general3A_386 = tpu.matmul %dot_general3A_376, %slice3A_384, %dot_general3A_385 {dimension_numbers = #tpu.dot_dimension_numbers<[1], [0], [0], [1], [0, 0, 1, 1], [], []>, transpose_lhs_hint = false} : vector<1024x128xf32>, vector<128x128xf32>, vector<1024x128xf32> -> vector<1024x128xf32>
      %add3A_387 = arith.addf %add3A_383, %dot_general3A_386 : vector<1024x128xf32>
      %get3A_388 = arith.constant 0 : index
      %get3A_389 = arith.constant 0 : index
      %get3A_390 = vector.load %arg7[%get3A_388, %get3A_389] : memref<1x128xf32, #tpu.memory_space<vmem>>, vector<1x128xf32>
      %add3A_391 = vector.broadcast %get3A_390 : vector<1x128xf32> to vector<1024x128xf32>
      %add3A_392 = arith.addf %add3A_387, %add3A_391 : vector<1024x128xf32>
      %max3A_393 = arith.constant 0.000000e+00 : f32
      %max3A_394 = vector.broadcast %max3A_393 : f32 to vector<1024x128xf32>
      %max3A_395 = arith.maximumf %add3A_392, %max3A_394 : vector<1024x128xf32>
      %get3A_396 = arith.constant 0 : index
      %get3A_397 = arith.constant 0 : index
      %get3A_398 = vector.load %arg8[%get3A_396, %get3A_397] : memref<128x128xf32, #tpu.memory_space<vmem>>, vector<128x128xf32>
      %dot_general3A_399 = arith.constant dense<0.000000e+00> : vector<1024x128xf32>
      %dot_general3A_400 = tpu.matmul %max3A_395, %get3A_398, %dot_general3A_399 {dimension_numbers = #tpu.dot_dimension_numbers<[1], [0], [0], [1], [0, 0, 1, 1], [], []>, transpose_lhs_hint = false} : vector<1024x128xf32>, vector<128x128xf32>, vector<1024x128xf32> -> vector<1024x128xf32>
      %get3A_401 = arith.constant 0 : index
      %get3A_402 = arith.constant 0 : index
      %get3A_403 = vector.load %arg9[%get3A_401, %get3A_402] : memref<1x128xf32, #tpu.memory_space<vmem>>, vector<1x128xf32>
      %add3A_404 = vector.broadcast %get3A_403 : vector<1x128xf32> to vector<1024x128xf32>
      %add3A_405 = arith.addf %dot_general3A_400, %add3A_404 : vector<1024x128xf32>
      %max3A_406 = arith.constant 0.000000e+00 : f32
      %max3A_407 = vector.broadcast %max3A_406 : f32 to vector<1024x128xf32>
      %max3A_408 = arith.maximumf %add3A_405, %max3A_407 : vector<1024x128xf32>
      %get3A_409 = arith.constant 0 : index
      %get3A_410 = arith.constant 0 : index
      %get3A_411 = vector.load %arg10[%get3A_409, %get3A_410] : memref<128x128xf32, #tpu.memory_space<vmem>>, vector<128x128xf32>
      %dot_general3A_412 = arith.constant dense<0.000000e+00> : vector<1024x128xf32>
      %dot_general3A_413 = tpu.matmul %max3A_408, %get3A_411, %dot_general3A_412 {dimension_numbers = #tpu.dot_dimension_numbers<[1], [0], [0], [1], [0, 0, 1, 1], [], []>, transpose_lhs_hint = false} : vector<1024x128xf32>, vector<128x128xf32>, vector<1024x128xf32> -> vector<1024x128xf32>
      %get3A_414 = arith.constant 0 : index
      %get3A_415 = arith.constant 0 : index
      %get3A_416 = vector.load %arg11[%get3A_414, %get3A_415] : memref<1x128xf32, #tpu.memory_space<vmem>>, vector<1x128xf32>
      %add3A_417 = vector.broadcast %get3A_416 : vector<1x128xf32> to vector<1024x128xf32>
      %add3A_418 = arith.addf %dot_general3A_413, %add3A_417 : vector<1024x128xf32>
      %get3A_419 = arith.constant 0 : index
      %get3A_420 = arith.constant 0 : index
      %get3A_421 = vector.load %arg12[%get3A_419, %get3A_420] : memref<1x128xf32, #tpu.memory_space<vmem>>, vector<1x128xf32>
      %get3A_422 = arith.constant 0 : index
      %get3A_423 = arith.constant 0 : index
      %get3A_424 = vector.load %arg13[%get3A_422, %get3A_423] : memref<1x128xf32, #tpu.memory_space<vmem>>, vector<1x128xf32>
      %reduce_sum3A_425 = arith.constant dense<0.000000e+00> : vector<1024xf32>
      %reduce_sum3A_426 = vector.multi_reduction <add>, %add3A_418, %reduce_sum3A_425 [1] : vector<1024x128xf32> to vector<1024xf32>
      %broadcast_in_dim3A_427 = vector.shape_cast %reduce_sum3A_426 : vector<1024xf32> to vector<1024x1xf32>
      %div3A_428 = arith.constant 1.280000e+02 : f32
      %div3A_429 = vector.broadcast %div3A_428 : f32 to vector<1024x1xf32>
      %div3A_430 = arith.divf %broadcast_in_dim3A_427, %div3A_429 : vector<1024x1xf32>
      %sub3A_431 = vector.broadcast %div3A_430 : vector<1024x1xf32> to vector<1024x128xf32>
      %sub3A_432 = arith.subf %add3A_418, %sub3A_431 : vector<1024x128xf32>
      %mul3A_433 = arith.mulf %sub3A_432, %sub3A_432 : vector<1024x128xf32>
      %reduce_sum3A_434 = arith.constant dense<0.000000e+00> : vector<1024xf32>
      %reduce_sum3A_435 = vector.multi_reduction <add>, %mul3A_433, %reduce_sum3A_434 [1] : vector<1024x128xf32> to vector<1024xf32>
      %broadcast_in_dim3A_436 = vector.shape_cast %reduce_sum3A_435 : vector<1024xf32> to vector<1024x1xf32>
      %div3A_437 = arith.constant 1.280000e+02 : f32
      %div3A_438 = vector.broadcast %div3A_437 : f32 to vector<1024x1xf32>
      %div3A_439 = arith.divf %broadcast_in_dim3A_436, %div3A_438 : vector<1024x1xf32>
      %add3A_440 = arith.constant 9.99999974E-6 : f32
      %add3A_441 = vector.broadcast %add3A_440 : f32 to vector<1024x1xf32>
      %add3A_442 = arith.addf %div3A_439, %add3A_441 : vector<1024x1xf32>
      %rsqrt3A_443 = math.rsqrt %add3A_442 : vector<1024x1xf32>
      %mul3A_444 = vector.broadcast %rsqrt3A_443 : vector<1024x1xf32> to vector<1024x128xf32>
      %mul3A_445 = arith.mulf %sub3A_432, %mul3A_444 : vector<1024x128xf32>
      %mul3A_446 = vector.broadcast %get3A_421 : vector<1x128xf32> to vector<1024x128xf32>
      %mul3A_447 = arith.mulf %mul3A_445, %mul3A_446 : vector<1024x128xf32>
      %add3A_448 = vector.broadcast %get3A_424 : vector<1x128xf32> to vector<1024x128xf32>
      %add3A_449 = arith.addf %mul3A_447, %add3A_448 : vector<1024x128xf32>
      %add3A_450 = arith.addf %add3A_449, %get3A_343 : vector<1024x128xf32>
      %ge3A_451 = arith.constant 2 : i32
      %ge3A_452 = arith.cmpi sge, %add3A_311, %ge3A_451 : i32
      %convert_element_type3A_453 = arith.extui %ge3A_452 : i1 to i32
      %cond3A_454 = arith.constant 1 : i32
      %cond3A_455 = arith.constant 0 : i32
      %cond3A_456 = arith.cmpi ne, %convert_element_type3A_453, %cond3A_455 : i32
      scf.if %cond3A_456 {
        %dma_wait3A_473 = arith.constant 0 : i32
        %dma_wait3A_474 = tpu.memref_slice %arg23[%add3A_314, %dma_wait3A_473] : memref<802816x128xf32, #tpu.memory_space<any>> -> memref<1024x128xf32, #tpu.memory_space<any>>
        %dma_wait3A_475 = arith.constant 0 : i32
        %dma_wait3A_476 = arith.constant 0 : i32
        %dma_wait3A_477 = tpu.memref_slice %arg27[%cond3A_454, %dma_wait3A_475, %dma_wait3A_476] : memref<2x1024x128xf32, #tpu.memory_space<vmem>> -> memref<1x1024x128xf32, #tpu.memory_space<vmem>>
        %dma_wait3A_478 = tpu.memref_squeeze %dma_wait3A_477 : memref<1x1024x128xf32, #tpu.memory_space<vmem>> -> memref<1024x128xf32, #tpu.memory_space<vmem>>
        tpu.wait_dma2 semaphore(%arg31 : memref<!tpu.dma_semaphore, #tpu.memory_space<semaphore_mem>>) src(%dma_wait3A_478 : memref<1024x128xf32, #tpu.memory_space<vmem>>) dst(%dma_wait3A_474 : memref<1024x128xf32, #tpu.memory_space<any>>)
      } else {
      }
      %swap3A_457 = arith.constant 1 : index
      %swap3A_458 = arith.constant 0 : index
      %swap3A_459 = arith.constant 0 : index
      %swap3A_460 = vector.load %arg27[%swap3A_457, %swap3A_458, %swap3A_459] : memref<2x1024x128xf32, #tpu.memory_space<vmem>>, vector<1x1024x128xf32>
      %swap3A_461 = vector.shape_cast %swap3A_460 : vector<1x1024x128xf32> to vector<1024x128xf32>
      %swap3A_462 = vector.shape_cast %add3A_450 : vector<1024x128xf32> to vector<1x1024x128xf32>
      tpu.vector_store %arg27[%swap3A_457, %swap3A_458, %swap3A_459], %swap3A_462 {strides = array<i32>} : memref<2x1024x128xf32, #tpu.memory_space<vmem>>, vector<1x1024x128xf32>,
      %dma_start3A_463 = arith.constant 1 : i32
      %dma_start3A_464 = arith.constant 0 : i32
      %dma_start3A_465 = tpu.memref_slice %arg23[%add3A_314, %dma_start3A_464] : memref<802816x128xf32, #tpu.memory_space<any>> -> memref<1024x128xf32, #tpu.memory_space<any>>
      %dma_start3A_466 = arith.constant 0 : i32
      %dma_start3A_467 = arith.constant 0 : i32
      %dma_start3A_468 = tpu.memref_slice %arg27[%dma_start3A_463, %dma_start3A_466, %dma_start3A_467] : memref<2x1024x128xf32, #tpu.memory_space<vmem>> -> memref<1x1024x128xf32, #tpu.memory_space<vmem>>
      %dma_start3A_469 = tpu.memref_squeeze %dma_start3A_468 : memref<1x1024x128xf32, #tpu.memory_space<vmem>> -> memref<1024x128xf32, #tpu.memory_space<vmem>>
      tpu.enqueue_dma source(%dma_start3A_469 : memref<1024x128xf32, #tpu.memory_space<vmem>>) target(%dma_start3A_465 : memref<1024x128xf32, #tpu.memory_space<any>>) target_semaphore(%arg31 : memref<!tpu.dma_semaphore, #tpu.memory_space<semaphore_mem>>)
      %dot_general3A_470 = arith.constant dense<0.000000e+00> : vector<256x128xf32>
      %dot_general3A_471 = tpu.matmul %select_n3A_374, %add3A_450, %dot_general3A_470 {dimension_numbers = #tpu.dot_dimension_numbers<[0], [0], [1], [1], [0, 1, 1, 1], [], []>, transpose_lhs_hint = false} : vector<1024x256xf32>, vector<1024x128xf32>, vector<256x128xf32> -> vector<256x128xf32>
      %add3A_472 = arith.addf %add3A_307, %dot_general3A_471 : vector<256x128xf32>
      scf.yield %add3A_472 : vector<256x128xf32>
    }
    %gt3A_73 = arith.constant 0 : i32
    %gt3A_74 = arith.cmpi sgt, %select_n3A, %gt3A_73 : i32
    %convert_element_type3A_75 = arith.extui %gt3A_74 : i1 to i32
    %cond3A_76 = arith.constant 0 : i32
    %cond3A_77 = arith.cmpi ne, %convert_element_type3A_75, %cond3A_76 : i32
    scf.if %cond3A_77 {
      %dma_wait3A = arith.constant 0 : i32
      %dma_wait3A_148 = arith.constant 0 : i32
      %dma_wait3A_149 = tpu.memref_slice %arg23[%get3A_0, %dma_wait3A_148] : memref<802816x128xf32, #tpu.memory_space<any>> -> memref<1024x128xf32, #tpu.memory_space<any>>
      %dma_wait3A_150 = arith.constant 0 : i32
      %dma_wait3A_151 = arith.constant 0 : i32
      %dma_wait3A_152 = tpu.memref_slice %arg27[%dma_wait3A, %dma_wait3A_150, %dma_wait3A_151] : memref<2x1024x128xf32, #tpu.memory_space<vmem>> -> memref<1x1024x128xf32, #tpu.memory_space<vmem>>
      %dma_wait3A_153 = tpu.memref_squeeze %dma_wait3A_152 : memref<1x1024x128xf32, #tpu.memory_space<vmem>> -> memref<1024x128xf32, #tpu.memory_space<vmem>>
      tpu.wait_dma2 semaphore(%arg30 : memref<!tpu.dma_semaphore, #tpu.memory_space<semaphore_mem>>) src(%dma_wait3A_153 : memref<1024x128xf32, #tpu.memory_space<vmem>>) dst(%dma_wait3A_149 : memref<1024x128xf32, #tpu.memory_space<any>>)
      %dma_wait3A_154 = arith.constant 1 : i32
      %dma_wait3A_155 = arith.constant 0 : i32
      %dma_wait3A_156 = tpu.memref_slice %arg23[%get3A_0, %dma_wait3A_155] : memref<802816x128xf32, #tpu.memory_space<any>> -> memref<1024x128xf32, #tpu.memory_space<any>>
      %dma_wait3A_157 = arith.constant 0 : i32
      %dma_wait3A_158 = arith.constant 0 : i32
      %dma_wait3A_159 = tpu.memref_slice %arg27[%dma_wait3A_154, %dma_wait3A_157, %dma_wait3A_158] : memref<2x1024x128xf32, #tpu.memory_space<vmem>> -> memref<1x1024x128xf32, #tpu.memory_space<vmem>>
      %dma_wait3A_160 = tpu.memref_squeeze %dma_wait3A_159 : memref<1x1024x128xf32, #tpu.memory_space<vmem>> -> memref<1024x128xf32, #tpu.memory_space<vmem>>
      tpu.wait_dma2 semaphore(%arg31 : memref<!tpu.dma_semaphore, #tpu.memory_space<semaphore_mem>>) src(%dma_wait3A_160 : memref<1024x128xf32, #tpu.memory_space<vmem>>) dst(%dma_wait3A_156 : memref<1024x128xf32, #tpu.memory_space<any>>)
    } else {
    }
    %get3A_78 = arith.constant 0 : index
    %get3A_79 = arith.constant 0 : index
    %get3A_80 = vector.load %arg14[%get3A_78, %get3A_79] : memref<256x128xf32, #tpu.memory_space<vmem>>, vector<256x128xf32>
    %slice3A = vector.extract_strided_slice %get3A_80 {offsets = [0, 0], sizes = [128, 128], strides = [1, 1]} : vector<256x128xf32> to vector<128x128xf32>
    %dot_general3A = arith.constant dense<0.000000e+00> : vector<256x128xf32>
    %dot_general3A_81 = tpu.matmul %get3A_52, %slice3A, %dot_general3A {dimension_numbers = #tpu.dot_dimension_numbers<[1], [0], [0], [1], [0, 0, 1, 1], [], []>, transpose_lhs_hint = false} : vector<256x128xf32>, vector<128x128xf32>, vector<256x128xf32> -> vector<256x128xf32>
    %slice3A_82 = vector.extract_strided_slice %get3A_80 {offsets = [128, 0], sizes = [128, 128], strides = [1, 1]} : vector<256x128xf32> to vector<128x128xf32>
    %dot_general3A_83 = arith.constant dense<0.000000e+00> : vector<256x128xf32>
    %dot_general3A_84 = tpu.matmul %while3A_72, %slice3A_82, %dot_general3A_83 {dimension_numbers = #tpu.dot_dimension_numbers<[1], [0], [0], [1], [0, 0, 1, 1], [], []>, transpose_lhs_hint = false} : vector<256x128xf32>, vector<128x128xf32>, vector<256x128xf32> -> vector<256x128xf32>
    %add3A_85 = arith.addf %dot_general3A_81, %dot_general3A_84 : vector<256x128xf32>
    %get3A_86 = arith.constant 0 : index
    %get3A_87 = arith.constant 0 : index
    %get3A_88 = vector.load %arg15[%get3A_86, %get3A_87] : memref<1x128xf32, #tpu.memory_space<vmem>>, vector<1x128xf32>
    %add3A_89 = vector.broadcast %get3A_88 : vector<1x128xf32> to vector<256x128xf32>
    %add3A_90 = arith.addf %add3A_85, %add3A_89 : vector<256x128xf32>
    %max3A = arith.constant 0.000000e+00 : f32
    %max3A_91 = vector.broadcast %max3A : f32 to vector<256x128xf32>
    %max3A_92 = arith.maximumf %add3A_90, %max3A_91 : vector<256x128xf32>
    %get3A_93 = arith.constant 0 : index
    %get3A_94 = arith.constant 0 : index
    %get3A_95 = vector.load %arg16[%get3A_93, %get3A_94] : memref<128x128xf32, #tpu.memory_space<vmem>>, vector<128x128xf32>
    %dot_general3A_96 = arith.constant dense<0.000000e+00> : vector<256x128xf32>
    %dot_general3A_97 = tpu.matmul %max3A_92, %get3A_95, %dot_general3A_96 {dimension_numbers = #tpu.dot_dimension_numbers<[1], [0], [0], [1], [0, 0, 1, 1], [], []>, transpose_lhs_hint = false} : vector<256x128xf32>, vector<128x128xf32>, vector<256x128xf32> -> vector<256x128xf32>
    %get3A_98 = arith.constant 0 : index
    %get3A_99 = arith.constant 0 : index
    %get3A_100 = vector.load %arg17[%get3A_98, %get3A_99] : memref<1x128xf32, #tpu.memory_space<vmem>>, vector<1x128xf32>
    %add3A_101 = vector.broadcast %get3A_100 : vector<1x128xf32> to vector<256x128xf32>
    %add3A_102 = arith.addf %dot_general3A_97, %add3A_101 : vector<256x128xf32>
    %max3A_103 = arith.constant 0.000000e+00 : f32
    %max3A_104 = vector.broadcast %max3A_103 : f32 to vector<256x128xf32>
    %max3A_105 = arith.maximumf %add3A_102, %max3A_104 : vector<256x128xf32>
    %get3A_106 = arith.constant 0 : index
    %get3A_107 = arith.constant 0 : index
    %get3A_108 = vector.load %arg18[%get3A_106, %get3A_107] : memref<128x128xf32, #tpu.memory_space<vmem>>, vector<128x128xf32>
    %dot_general3A_109 = arith.constant dense<0.000000e+00> : vector<256x128xf32>
    %dot_general3A_110 = tpu.matmul %max3A_105, %get3A_108, %dot_general3A_109 {dimension_numbers = #tpu.dot_dimension_numbers<[1], [0], [0], [1], [0, 0, 1, 1], [], []>, transpose_lhs_hint = false} : vector<256x128xf32>, vector<128x128xf32>, vector<256x128xf32> -> vector<256x128xf32>
    %get3A_111 = arith.constant 0 : index
    %get3A_112 = arith.constant 0 : index
    %get3A_113 = vector.load %arg19[%get3A_111, %get3A_112] : memref<1x128xf32, #tpu.memory_space<vmem>>, vector<1x128xf32>
    %add3A_114 = vector.broadcast %get3A_113 : vector<1x128xf32> to vector<256x128xf32>
    %add3A_115 = arith.addf %dot_general3A_110, %add3A_114 : vector<256x128xf32>
    %get3A_116 = arith.constant 0 : index
    %get3A_117 = arith.constant 0 : index
    %get3A_118 = vector.load %arg20[%get3A_116, %get3A_117] : memref<1x128xf32, #tpu.memory_space<vmem>>, vector<1x128xf32>
    %get3A_119 = arith.constant 0 : index
    %get3A_120 = arith.constant 0 : index
    %get3A_121 = vector.load %arg21[%get3A_119, %get3A_120] : memref<1x128xf32, #tpu.memory_space<vmem>>, vector<1x128xf32>
    %reduce_sum3A = arith.constant dense<0.000000e+00> : vector<256xf32>
    %reduce_sum3A_122 = vector.multi_reduction <add>, %add3A_115, %reduce_sum3A [1] : vector<256x128xf32> to vector<256xf32>
    %broadcast_in_dim3A_123 = vector.shape_cast %reduce_sum3A_122 : vector<256xf32> to vector<256x1xf32>
    %div3A_124 = arith.constant 1.280000e+02 : f32
    %div3A_125 = vector.broadcast %div3A_124 : f32 to vector<256x1xf32>
    %div3A_126 = arith.divf %broadcast_in_dim3A_123, %div3A_125 : vector<256x1xf32>
    %sub3A_127 = vector.broadcast %div3A_126 : vector<256x1xf32> to vector<256x128xf32>
    %sub3A_128 = arith.subf %add3A_115, %sub3A_127 : vector<256x128xf32>
    %mul3A_129 = arith.mulf %sub3A_128, %sub3A_128 : vector<256x128xf32>
    %reduce_sum3A_130 = arith.constant dense<0.000000e+00> : vector<256xf32>
    %reduce_sum3A_131 = vector.multi_reduction <add>, %mul3A_129, %reduce_sum3A_130 [1] : vector<256x128xf32> to vector<256xf32>
    %broadcast_in_dim3A_132 = vector.shape_cast %reduce_sum3A_131 : vector<256xf32> to vector<256x1xf32>
    %div3A_133 = arith.constant 1.280000e+02 : f32
    %div3A_134 = vector.broadcast %div3A_133 : f32 to vector<256x1xf32>
    %div3A_135 = arith.divf %broadcast_in_dim3A_132, %div3A_134 : vector<256x1xf32>
    %add3A_136 = arith.constant 9.99999974E-6 : f32
    %add3A_137 = vector.broadcast %add3A_136 : f32 to vector<256x1xf32>
    %add3A_138 = arith.addf %div3A_135, %add3A_137 : vector<256x1xf32>
    %rsqrt3A = math.rsqrt %add3A_138 : vector<256x1xf32>
    %mul3A_139 = vector.broadcast %rsqrt3A : vector<256x1xf32> to vector<256x128xf32>
    %mul3A_140 = arith.mulf %sub3A_128, %mul3A_139 : vector<256x128xf32>
    %mul3A_141 = vector.broadcast %get3A_118 : vector<1x128xf32> to vector<256x128xf32>
    %mul3A_142 = arith.mulf %mul3A_140, %mul3A_141 : vector<256x128xf32>
    %add3A_143 = vector.broadcast %get3A_121 : vector<1x128xf32> to vector<256x128xf32>
    %add3A_144 = arith.addf %mul3A_142, %add3A_143 : vector<256x128xf32>
    %add3A_145 = arith.addf %add3A_144, %get3A_52 : vector<256x128xf32>
    %swap3A = arith.constant 0 : index
    %swap3A_146 = arith.constant 0 : index
    %swap3A_147 = vector.load %arg22[%swap3A, %swap3A_146] : memref<256x128xf32, #tpu.memory_space<vmem>>, vector<256x128xf32>
    tpu.vector_store %arg22[%swap3A, %swap3A_146], %add3A_145 {strides = array<i32>} : memref<256x128xf32, #tpu.memory_space<vmem>>, vector<256x128xf32>,
    return
  }
  func.func @transform_0(%arg0: i32) -> i32 {
    %c0_i32 = arith.constant 0 : i32
    %c0_i32_0 = arith.constant 0 : i32
    return %c0_i32 : i32
  }
  func.func @transform_1(%arg0: i32) -> (i32, i32) {
    %c0_i32 = arith.constant 0 : i32
    %c0_i32_0 = arith.constant 0 : i32
    return %arg0, %c0_i32 : i32, i32
  }
  func.func @transform_5(%arg0: i32) -> (i32, i32) {
    %c0_i32 = arith.constant 0 : i32
    %c0_i32_0 = arith.constant 0 : i32
    %c0_i32_1 = arith.constant 0 : i32
    return %c0_i32, %c0_i32_0 : i32, i32
  }
  func.func @transform_6(%arg0: i32) -> (i32, i32) {
    %c0_i32 = arith.constant 0 : i32
    %c0_i32_0 = arith.constant 0 : i32
    %c0_i32_1 = arith.constant 0 : i32
    return %c0_i32, %c0_i32_0 : i32, i32
  }
  func.func @transform_7(%arg0: i32) -> (i32, i32) {
    %c0_i32 = arith.constant 0 : i32
    %c0_i32_0 = arith.constant 0 : i32
    %c0_i32_1 = arith.constant 0 : i32
    return %c0_i32, %c0_i32_0 : i32, i32
  }
  func.func @transform_8(%arg0: i32) -> (i32, i32) {
    %c0_i32 = arith.constant 0 : i32
    %c0_i32_0 = arith.constant 0 : i32
    %c0_i32_1 = arith.constant 0 : i32
    return %c0_i32, %c0_i32_0 : i32, i32
  }
  func.func @transform_9(%arg0: i32) -> (i32, i32) {
    %c0_i32 = arith.constant 0 : i32
    %c0_i32_0 = arith.constant 0 : i32
    %c0_i32_1 = arith.constant 0 : i32
    return %c0_i32, %c0_i32_0 : i32, i32
  }
  func.func @transform_10(%arg0: i32) -> (i32, i32) {
    %c0_i32 = arith.constant 0 : i32
    %c0_i32_0 = arith.constant 0 : i32
    %c0_i32_1 = arith.constant 0 : i32
    return %c0_i32, %c0_i32_0 : i32, i32
  }
  func.func @transform_11(%arg0: i32) -> (i32, i32) {
    %c0_i32 = arith.constant 0 : i32
    %c0_i32_0 = arith.constant 0 : i32
    %c0_i32_1 = arith.constant 0 : i32
    return %c0_i32, %c0_i32_0 : i32, i32
  }
  func.func @transform_12(%arg0: i32) -> (i32, i32) {
    %c0_i32 = arith.constant 0 : i32
    %c0_i32_0 = arith.constant 0 : i32
    %c0_i32_1 = arith.constant 0 : i32
    return %c0_i32, %c0_i32_0 : i32, i32
  }
  func.func @transform_13(%arg0: i32) -> (i32, i32) {
    %c0_i32 = arith.constant 0 : i32
    %c0_i32_0 = arith.constant 0 : i32
    %c0_i32_1 = arith.constant 0 : i32
    return %c0_i32, %c0_i32_0 : i32, i32
  }
  func.func @transform_14(%arg0: i32) -> (i32, i32) {
    %c0_i32 = arith.constant 0 : i32
    %c0_i32_0 = arith.constant 0 : i32
    %c0_i32_1 = arith.constant 0 : i32
    return %c0_i32, %c0_i32_0 : i32, i32
  }
  func.func @transform_15(%arg0: i32) -> (i32, i32) {
    %c0_i32 = arith.constant 0 : i32
    %c0_i32_0 = arith.constant 0 : i32
    %c0_i32_1 = arith.constant 0 : i32
    return %c0_i32, %c0_i32_0 : i32, i32
  }
  func.func @transform_16(%arg0: i32) -> (i32, i32) {
    %c0_i32 = arith.constant 0 : i32
    %c0_i32_0 = arith.constant 0 : i32
    %c0_i32_1 = arith.constant 0 : i32
    return %c0_i32, %c0_i32_0 : i32, i32
  }
  func.func @transform_17(%arg0: i32) -> (i32, i32) {
    %c0_i32 = arith.constant 0 : i32
    %c0_i32_0 = arith.constant 0 : i32
    %c0_i32_1 = arith.constant 0 : i32
    return %c0_i32, %c0_i32_0 : i32, i32
  }
  func.func @transform_18(%arg0: i32) -> (i32, i32) {
    %c0_i32 = arith.constant 0 : i32
    %c0_i32_0 = arith.constant 0 : i32
    %c0_i32_1 = arith.constant 0 : i32
    return %c0_i32, %c0_i32_0 : i32, i32
  }
  func.func @transform_19(%arg0: i32) -> (i32, i32) {
    %c0_i32 = arith.constant 0 : i32
    %c0_i32_0 = arith.constant 0 : i32
    %c0_i32_1 = arith.constant 0 : i32
    return %c0_i32, %c0_i32_0 : i32, i32
  }
  func.func @transform_20(%arg0: i32) -> (i32, i32) {
    %c0_i32 = arith.constant 0 : i32
    %c0_i32_0 = arith.constant 0 : i32
    %c0_i32_1 = arith.constant 0 : i32
    return %c0_i32, %c0_i32_0 : i32, i32
  }
  func.func @transform_21(%arg0: i32) -> (i32, i32) {
    %c0_i32 = arith.constant 0 : i32
    %c0_i32_0 = arith.constant 0 : i32
    return %arg0, %c0_i32 : i32, i32
  }
}

module attributes {stable_mosaic.version = 14 : i64} {
  func.func @_dec_body(%arg0: i32, %arg1: memref<256x128xf32, #tpu.memory_space<vmem>>, %arg2: memref<128x128xf32, #tpu.memory_space<vmem>>, %arg3: memref<1x128xf32, #tpu.memory_space<vmem>>, %arg4: memref<128x128xf32, #tpu.memory_space<vmem>>, %arg5: memref<1x128xf32, #tpu.memory_space<vmem>>, %arg6: memref<128x128xf32, #tpu.memory_space<vmem>>, %arg7: memref<1x128xf32, #tpu.memory_space<vmem>>, %arg8: memref<256x128xf32, #tpu.memory_space<vmem>>, %arg9: memref<256x128xf32, #tpu.memory_space<vmem>>) attributes {dimension_semantics = [#tpu.dimension_semantics<arbitrary>], iteration_bounds = array<i64: 196>, scalar_prefetch = 0 : i64, scratch_operands = 0 : i64, tpu.core_type = #tpu.core_type<tc>, window_params = [{transform_indices = @transform_0, window_bounds = array<i64: 256, 128>}, {pipeline_mode = #tpu.pipeline_mode<synchronous>, transform_indices = @transform_1, window_bounds = array<i64: 128, 128>}, {pipeline_mode = #tpu.pipeline_mode<synchronous>, transform_indices = @transform_2, window_bounds = array<i64: 1, 128>}, {pipeline_mode = #tpu.pipeline_mode<synchronous>, transform_indices = @transform_3, window_bounds = array<i64: 128, 128>}, {pipeline_mode = #tpu.pipeline_mode<synchronous>, transform_indices = @transform_4, window_bounds = array<i64: 1, 128>}, {pipeline_mode = #tpu.pipeline_mode<synchronous>, transform_indices = @transform_5, window_bounds = array<i64: 128, 128>}, {pipeline_mode = #tpu.pipeline_mode<synchronous>, transform_indices = @transform_6, window_bounds = array<i64: 1, 128>}, {transform_indices = @transform_7, window_bounds = array<i64: 256, 128>}, {transform_indices = @transform_8, window_bounds = array<i64: 256, 128>}]} {
    %get3A = arith.constant 0 : index
    %get3A_0 = arith.constant 0 : index
    %get3A_1 = vector.load %arg1[%get3A, %get3A_0] : memref<256x128xf32, #tpu.memory_space<vmem>>, vector<256x128xf32>
    %get3A_2 = arith.constant 0 : index
    %get3A_3 = arith.constant 0 : index
    %get3A_4 = vector.load %arg2[%get3A_2, %get3A_3] : memref<128x128xf32, #tpu.memory_space<vmem>>, vector<128x128xf32>
    %dot_general3A = arith.constant dense<0.000000e+00> : vector<256x128xf32>
    %dot_general3A_5 = tpu.matmul %get3A_1, %get3A_4, %dot_general3A {dimension_numbers = #tpu.dot_dimension_numbers<[1], [0], [0], [1], [0, 0, 1, 1], [], []>, transpose_lhs_hint = false} : vector<256x128xf32>, vector<128x128xf32>, vector<256x128xf32> -> vector<256x128xf32>
    %get3A_6 = arith.constant 0 : index
    %get3A_7 = arith.constant 0 : index
    %get3A_8 = vector.load %arg3[%get3A_6, %get3A_7] : memref<1x128xf32, #tpu.memory_space<vmem>>, vector<1x128xf32>
    %add3A = vector.broadcast %get3A_8 : vector<1x128xf32> to vector<256x128xf32>
    %add3A_9 = arith.addf %dot_general3A_5, %add3A : vector<256x128xf32>
    %max3A = arith.constant 0.000000e+00 : f32
    %max3A_10 = vector.broadcast %max3A : f32 to vector<256x128xf32>
    %max3A_11 = arith.maximumf %add3A_9, %max3A_10 : vector<256x128xf32>
    %get3A_12 = arith.constant 0 : index
    %get3A_13 = arith.constant 0 : index
    %get3A_14 = vector.load %arg4[%get3A_12, %get3A_13] : memref<128x128xf32, #tpu.memory_space<vmem>>, vector<128x128xf32>
    %dot_general3A_15 = arith.constant dense<0.000000e+00> : vector<256x128xf32>
    %dot_general3A_16 = tpu.matmul %max3A_11, %get3A_14, %dot_general3A_15 {dimension_numbers = #tpu.dot_dimension_numbers<[1], [0], [0], [1], [0, 0, 1, 1], [], []>, transpose_lhs_hint = false} : vector<256x128xf32>, vector<128x128xf32>, vector<256x128xf32> -> vector<256x128xf32>
    %get3A_17 = arith.constant 0 : index
    %get3A_18 = arith.constant 0 : index
    %get3A_19 = vector.load %arg5[%get3A_17, %get3A_18] : memref<1x128xf32, #tpu.memory_space<vmem>>, vector<1x128xf32>
    %add3A_20 = vector.broadcast %get3A_19 : vector<1x128xf32> to vector<256x128xf32>
    %add3A_21 = arith.addf %dot_general3A_16, %add3A_20 : vector<256x128xf32>
    %max3A_22 = arith.constant 0.000000e+00 : f32
    %max3A_23 = vector.broadcast %max3A_22 : f32 to vector<256x128xf32>
    %max3A_24 = arith.maximumf %add3A_21, %max3A_23 : vector<256x128xf32>
    %get3A_25 = arith.constant 0 : index
    %get3A_26 = arith.constant 0 : index
    %get3A_27 = vector.load %arg6[%get3A_25, %get3A_26] : memref<128x128xf32, #tpu.memory_space<vmem>>, vector<128x128xf32>
    %dot_general3A_28 = arith.constant dense<0.000000e+00> : vector<256x128xf32>
    %dot_general3A_29 = tpu.matmul %max3A_24, %get3A_27, %dot_general3A_28 {dimension_numbers = #tpu.dot_dimension_numbers<[1], [0], [0], [1], [0, 0, 1, 1], [], []>, transpose_lhs_hint = false} : vector<256x128xf32>, vector<128x128xf32>, vector<256x128xf32> -> vector<256x128xf32>
    %get3A_30 = arith.constant 0 : index
    %get3A_31 = arith.constant 0 : index
    %get3A_32 = vector.load %arg7[%get3A_30, %get3A_31] : memref<1x128xf32, #tpu.memory_space<vmem>>, vector<1x128xf32>
    %add3A_33 = vector.broadcast %get3A_32 : vector<1x128xf32> to vector<256x128xf32>
    %add3A_34 = arith.addf %dot_general3A_29, %add3A_33 : vector<256x128xf32>
    %get3A_35 = arith.constant 0 : index
    %get3A_36 = arith.constant 0 : index
    %get3A_37 = vector.load %arg8[%get3A_35, %get3A_36] : memref<256x128xf32, #tpu.memory_space<vmem>>, vector<256x128xf32>
    %add3A_38 = arith.addf %add3A_34, %get3A_37 : vector<256x128xf32>
    %swap3A = arith.constant 0 : index
    %swap3A_39 = arith.constant 0 : index
    %swap3A_40 = vector.load %arg9[%swap3A, %swap3A_39] : memref<256x128xf32, #tpu.memory_space<vmem>>, vector<256x128xf32>
    tpu.vector_store %arg9[%swap3A, %swap3A_39], %add3A_38 {strides = array<i32>} : memref<256x128xf32, #tpu.memory_space<vmem>>, vector<256x128xf32>,
    return
  }
  func.func @transform_0(%arg0: i32) -> (i32, i32) {
    %c0_i32 = arith.constant 0 : i32
    %c0_i32_0 = arith.constant 0 : i32
    return %arg0, %c0_i32 : i32, i32
  }
  func.func @transform_1(%arg0: i32) -> (i32, i32) {
    %c0_i32 = arith.constant 0 : i32
    %c0_i32_0 = arith.constant 0 : i32
    %c0_i32_1 = arith.constant 0 : i32
    return %c0_i32, %c0_i32_0 : i32, i32
  }
  func.func @transform_2(%arg0: i32) -> (i32, i32) {
    %c0_i32 = arith.constant 0 : i32
    %c0_i32_0 = arith.constant 0 : i32
    %c0_i32_1 = arith.constant 0 : i32
    return %c0_i32, %c0_i32_0 : i32, i32
  }
  func.func @transform_3(%arg0: i32) -> (i32, i32) {
    %c0_i32 = arith.constant 0 : i32
    %c0_i32_0 = arith.constant 0 : i32
    %c0_i32_1 = arith.constant 0 : i32
    return %c0_i32, %c0_i32_0 : i32, i32
  }
  func.func @transform_4(%arg0: i32) -> (i32, i32) {
    %c0_i32 = arith.constant 0 : i32
    %c0_i32_0 = arith.constant 0 : i32
    %c0_i32_1 = arith.constant 0 : i32
    return %c0_i32, %c0_i32_0 : i32, i32
  }
  func.func @transform_5(%arg0: i32) -> (i32, i32) {
    %c0_i32 = arith.constant 0 : i32
    %c0_i32_0 = arith.constant 0 : i32
    %c0_i32_1 = arith.constant 0 : i32
    return %c0_i32, %c0_i32_0 : i32, i32
  }
  func.func @transform_6(%arg0: i32) -> (i32, i32) {
    %c0_i32 = arith.constant 0 : i32
    %c0_i32_0 = arith.constant 0 : i32
    %c0_i32_1 = arith.constant 0 : i32
    return %c0_i32, %c0_i32_0 : i32, i32
  }
  func.func @transform_7(%arg0: i32) -> (i32, i32) {
    %c0_i32 = arith.constant 0 : i32
    %c0_i32_0 = arith.constant 0 : i32
    return %arg0, %c0_i32 : i32, i32
  }
  func.func @transform_8(%arg0: i32) -> (i32, i32) {
    %c0_i32 = arith.constant 0 : i32
    %c0_i32_0 = arith.constant 0 : i32
    return %arg0, %c0_i32 : i32, i32
  }
}

</mosaic_0001>

<sc_bundles>
// kernel: gather_offload_async_start.1
scs
__scs_entry_jumppad:
0x0: {  	(pc) =	sbr.rel $0x88, $3  }
0x1: {  	(tag) =	ssettag $0x0;
	lr =	simm.s32 $0x1  }
0x2: {  	[smem:$0x3F37] =	sst lr;
	_ =	strace $0xD0000000  }
0x3: {  	_ = 	snop  }
0x4: {  	_ = 	snop  }
0x5: {  	_ = 	snop  }
0x6: {  	_ = 	snop  }
0x7: {  	_ = 	snop  }
__scs_overlays_trampoline_lowered:
0x8: {  	[smem:$0x3F46] =	sst s0  }
0x9: {  	[smem:$0x3F47] =	sst s1  }
0xa: {  	[smem:$0x3F48] =	sst s2  }
0xb: {  	[smem:$0x3F49] =	sst s3  }
0xc: {  	[smem:$0x3F4A] =	sst s4  }
0xd: {  	[smem:$0x3F4B] =	sst s5  }
0xe: {  	[smem:$0x3F4C] =	sst s6  }
0xf: {  	[smem:$0x3F4D] =	sst s7  }
0x10: {  	[smem:$0x3F4E] =	sst s8  }
0x11: {  	[smem:$0x3F4F] =	sst s9;
	s0 =	simm.s32 @!p0 $0x0  }
0x12: {  	s1 =	sld [smem:$0x3F35];
	s0 =	simm.s32 @p0 $0x1  }
0x13: {  	[smem:$0x3F50] =	sst s0;
	s0 =	simm.s32 @!p1 $0x0  }
0x14: {  	s2 =	sld [smem:$0x3F34];
	s0 =	simm.s32 @p1 $0x1  }
0x15: {  	[smem:$0x3F51] =	sst s0;
	s0 =	simm.s32 @!p2 $0x0  }
0x16: {  	s3 =	sld [smem:$0x3FDB];
	s0 =	simm.s32 @p2 $0x1  }
0x17: {  	s4 =	simm.s32 $0x1BF5;
	[smem:$0x3F53] =	sst s0  }
0x18: {  	s0 =	sld [smem:$0x3F36];
	_ =	swait.ge [sflag:s4], $0x0  }
0x19: {  	s7 =	sld [smem:$0x3F37]  }
0x1a: {  	s8 =	sadd.s32 $0xFFFFE003, lr  }
0x1b: {  	s9 =	sadd.s32 $0xFFFFFEF7, lr;
	s5 =	simm.s32 $0xFFFFFFFF;
	p2 =	slt.u32 s8, $0xFFFFF086  }
0x1c: {  	p1 =	slt.u32 s9, $0xF7A;
	s5 =	simm.s32 @!p2 $0x0  }
0x1d: {  	s5 =	simm.s32 @p1 $0x1;
	p0 =	seq.s32 s7, s2  }
0x1e: {  	s7 =	smul.u32 @!p0 $0xF7A, s2;
	p2 =	seq.s32 @!p0 s5, $0x0  }
0x1f: {  	s9 =	smul.u32 $0xF7A, s1;
	s8 =	simm.s32 @!p0 $0x1BF5;
	p2 =	por !p2, p0  }
0x20: {  	[sflag:s8] =	ssyncset.s32 @!p0 $0xFFFFF086;
	s6 =	sadd.s32 @!p0 s3, s7;
	s7 =	simm.s32 @!p0 $0x108  }
0x21: {  	s3 =	sadd.s32 s3, s9;
	s6 =	sadd.s32 @!p0 $0x88, s6;
	s7 =	simm.s32 @p2 $0x1082  }
0x22: {  	[simem:s7], [sflag:s8] =	dma.local @!p0 [hbm:s6], $0xF7A  }
0x23: {  	s9 =	sor.u32 $0xD0000000, s2;
	s6 =	simm.s32 $0x108;
	_ =	swait.ge @!p0 [sflag:s8], $0x0  }
0x24: {  	s3 =	sadd.s32 $0x88, s3;
	s6 =	simm.s32 @!p1 $0x1082;
	[sflag:s4] =	ssyncset.s32 $0xFFFFF086  }
0x25: {  	[simem:s6], [sflag:s4] =	dma.local [hbm:s3], $0xF7A  }
0x26: {  	[smem:$0x3F37] =	sst s1;
	(tag) =	ssettag s2;
	_ =	strace s9  }
0x27: {  	s1 =	sld [smem:$0x3F47]  }
0x28: {  	s2 =	sld [smem:$0x3F48]  }
0x29: {  	s4 =	sld [smem:$0x3F4A]  }
0x2a: {  	p0 =	seq.s32 s5, $0x0;
	s5 =	sld [smem:$0x3F4B]  }
0x2b: {  	s6 =	sld [smem:$0x3F4C]  }
0x2c: {  	s7 =	sld [smem:$0x3F4D]  }
0x2d: {  	s3 =	simm.s32 $0x108;
	s8 =	sld [smem:$0x3F4E]  }
0x2e: {  	s3 =	simm.s32 @!p0 $0x1082;
	s9 =	sld [smem:$0x3F4F]  }
0x2f: {  	lr =	sadd.s32 s0, s3;
	s0 =	sld [smem:$0x3F46]  }
0x30: {  	s3 =	sld [smem:$0x3F49]  }
0x31: {  	[smem:$0x3F52] =	sst s10  }
0x32: {  	s10 =	sld [smem:$0x3F50];
	_ =	sdelay $0x3  }
0x33: {  	p0 =	seq.s32 s10, $0x1;
	s10 =	sld [smem:$0x3F52];
	_ =	sdelay $0x3  }
0x34: {  	[smem:$0x3F52] =	sst s10  }
0x35: {  	s10 =	sld [smem:$0x3F51];
	_ =	sdelay $0x3  }
0x36: {  	p1 =	seq.s32 s10, $0x1;
	s10 =	sld [smem:$0x3F52];
	_ =	sdelay $0x3  }
0x37: {  	[smem:$0x3F52] =	sst s10  }
0x38: {  	s10 =	sld [smem:$0x3F53]  }
0x39: {  	_ = 	snop;
	(pc) =	sbr.ind lr, $3  }
0x3a: {  	_ = 	snop  }
0x3b: {  	_ = 	snop  }
0x3c: {  	p2 =	seq.s32 s10, $0x1;
	s10 =	sld [smem:$0x3F52]  }
0x3d: {  	_ =	shalt  }
0x3e: {  	_ =	shalt  }
0x3f: {  	_ =	shalt  }
0x40: {  	_ =	shalt  }
0x41: {  	_ =	shalt  }
0x42: {  	_ =	shalt  }
0x43: {  	_ =	shalt  }
0x44: {  	_ =	shalt  }
0x45: {  	_ =	shalt  }
0x46: {  	_ =	shalt  }
0x47: {  	_ =	shalt  }
0x48: {  	_ =	shalt  }
0x49: {  	_ =	shalt  }
0x4a: {  	_ =	shalt  }
0x4b: {  	_ =	shalt  }
0x4c: {  	_ =	shalt  }
0x4d: {  	_ =	shalt  }
0x4e: {  	_ =	shalt  }
0x4f: {  	_ =	shalt  }
0x50: {  	_ =	shalt  }
0x51: {  	_ =	shalt  }
0x52: {  	_ =	shalt  }
0x53: {  	_ =	shalt  }
0x54: {  	_ =	shalt  }
0x55: {  	_ =	shalt  }
0x56: {  	_ =	shalt  }
0x57: {  	_ =	shalt  }
0x58: {  	_ =	shalt  }
0x59: {  	_ =	shalt  }
0x5a: {  	_ =	shalt  }
0x5b: {  	_ =	shalt  }
0x5c: {  	_ =	shalt  }
0x5d: {  	_ =	shalt  }
0x5e: {  	_ =	shalt  }
0x5f: {  	_ =	shalt  }
0x60: {  	_ =	shalt  }
0x61: {  	_ =	shalt  }
0x62: {  	_ =	shalt  }
0x63: {  	_ =	shalt  }
0x64: {  	_ =	shalt  }
0x65: {  	_ =	shalt  }
0x66: {  	_ =	shalt  }
0x67: {  	_ =	shalt  }
0x68: {  	_ =	shalt  }
0x69: {  	_ =	shalt  }
0x6a: {  	_ =	shalt  }
0x6b: {  	_ =	shalt  }
0x6c: {  	_ =	shalt  }
0x6d: {  	_ =	shalt  }
0x6e: {  	_ =	shalt  }
0x6f: {  	_ =	shalt  }
0x70: {  	_ =	shalt  }
0x71: {  	_ =	shalt  }
0x72: {  	_ =	shalt  }
0x73: {  	_ =	shalt  }
0x74: {  	_ =	shalt  }
0x75: {  	_ =	shalt  }
0x76: {  	_ =	shalt  }
0x77: {  	_ =	shalt  }
0x78: {  	_ =	shalt  }
0x79: {  	_ =	shalt  }
0x7a: {  	_ =	shalt  }
0x7b: {  	_ =	shalt  }
0x7c: {  	_ =	shalt  }
0x7d: {  	_ =	shalt  }
0x7e: {  	_ =	shalt  }
0x7f: {  	_ =	shalt  }
0x80: {  	_ =	shalt  }
0x81: {  	_ =	shalt  }
0x82: {  	_ =	shalt  }
0x83: {  	_ =	shalt  }
0x84: {  	_ =	shalt  }
0x85: {  	_ =	shalt  }
0x86: {  	_ =	shalt  }
0x87: {  	_ =	shalt  }
.Lfunc_end0:
.L_simem_size_0:
called_computation.1_lowered:
.L_overlay_start_0:
0x88: {  	s2 =	sld [smem:$0x3FD9]  }
0x89: {  	s3 =	sld [smem:$0x3FFE];
	_ =	sdelay $0x1  }
0x8a: {  	s1 =	srdreg.scid  }
0x8b: {  	s0 =	sand.u32 $0x1, s1  }
0x8c: {  	s16 =	sshll.u32 s0, $0xA;
	s2 =	sadd.s32 s3, s2  }
0x8d: {  	s2 =	sadd.s32 s2, s16  }
0x8e: {  	[smem:$0x3F5E] =	sst s2  }
0x8f: {  	_ = 	snop  }
0x90: {  	(tm) =	ssettm $0x1  }
0x91: {  	s17 =	sld [smem:$0x3FFB];
	_ =	sdelay $0x3  }
0x92: {  	_ =	strace s17  }
0x93: {  	s2 =	sld [smem:$0x3FFC];
	_ =	sdelay $0x3  }
0x94: {  	_ =	strace s2  }
0x95: {  	s2 =	sld [smem:$0x3FFD];
	_ =	sdelay $0x3  }
0x96: {  	_ =	strace s2  }
0x97: {  	_ =	strace $0x8FFFFFFF  }
0x98: {  	s18 =	sld [smem:$0x3FDB];
	_ =	sdelay $0x1  }
0x99: {  	s19 =	simm.s32 $_scs_section_size  }
0x9a: {  	s4 =	simm.s32 $_size__tile_overlayer_lowered;
	s5 =	simm.s32 $_tile_overlayer_lowered  }
0x9b: {  	s22 =	simm.s32 $0x1BFF;
	s21 =	sshll.u32 s5, $0x1;
	s2 =	sadd.s32 s19, s18  }
0x9c: {  	s6 =	simm.s32 $0x0;
	s20 =	sshll.u32 s4, $0x1;
	s4 =	sadd.s32 s21, s2  }
0x9d: {  	[timem:s6], [sflag:s22] =	dma.local [hbm:s4], s20  }
0x9e: {  	_ =	swait.ge [sflag:s22], s20  }
0x9f: {  	s3 =	ssub.s32 $0x0, s20;
	[sflag:s22] =	ssyncset.done $0x0  }
0xa0: {  	[sflag:s22] =	ssyncadd.s32 s3;
	_ =	sdelay $0x1  }
0xa1: {  	s23 =	simm.s32 $0x1B8B  }
0xa2: {  	_ =	swait.ge [sflag:s23], $0x1  }
0xa3: {  	[sflag:s23] =	ssyncset.done $0x0  }
0xa4: {  	s25 =	simm.s32 $0x1B8E;
	s24 =	sld [smem:$0x3FFE];
	[sflag:s23] =	ssyncadd.s32 $0xFFFFFFFF  }
0xa5: {  	s26 =	simm.s32 $execute0_lowered;
	[smem:$0x3FD2] =	sst s25  }
0xa6: {  	s4 =	sshll.u32 s26, $0x1;
	_ =	strace $0x80000046;
	[dreg:$0x1] =	wrdreg $0xFFFFFFFF  }
0xa7: {  	s28 =	simm.s32 $_size_execute0_lowered;
	s2 =	sadd.s32 s2, s4;
	[dreg:$0x0] =	wrdreg $0x0  }
0xa8: {  	s4 =	sshll.u32 s28, $0x1;
	[dreg:$0x2] =	wrdreg s2  }
0xa9: {  	[dreg:$0x3] =	wrdreg s4  }
0xaa: {  	[dreg:$0x4] =	wrdreg $0xC0  }
0xab: {  	_ =	task [dreg:s6], $0x5FFFF  }
0xac: {  	[dreg:$0x1] =	wrdreg $0xFFFFFFFF  }
0xad: {  	[dreg:$0x0] =	wrdreg $0x60  }
0xae: {  	[dreg:$0x2] =	wrdreg s24  }
0xaf: {  	[dreg:$0x3] =	wrdreg $0xB  }
0xb0: {  	_ =	task.clear_ibuf [dreg:s6], $0x4FFFF;
	_ =	strace $0x90000046  }
0xb1: {  	s29 =	simm.s32 $0xB;
	_ =	strace $0x80000048  }
0xb2: {  	_ =	swait.ge [sflag:s29], $0x1  }
0xb3: {  	[sflag:s29] =	ssyncadd.s32 $0xFFFFFFFF  }
0xb4: {  	_ =	strace $0x90000048  }
0xb5: {  	_ =	sfence  }
0xb6: {  	s30 =	sld [smem:$0x0];
	_ =	sdelay $0x2  }
0xb7: {  	s31 =	sshll.u32 s1, $0xD;
	s1 =	sshrl.u32 s1, $0x2  }
0xb8: {  	s3 =	sand.u32 $0x4000, s31;
	s1 =	sadd.s32 s1, s30  }
0xb9: {  	s0 =	sor.u32 s3, s0;
	s1 =	sshll.u32 s1, $0x11  }
0xba: {  	s0 =	sor.u32 s1, s0  }
0xbb: {  	s0 =	sadd.s32 $0x8F2B, s0  }
0xbc: {  	[sflag:s0] =	ssyncadd.remote.s32 $0x1  }
0xbd: {  	_ =	sfence.sel $0xFFFF  }
0xbe: {  	[dreg:$0x0] =	wrdreg $0xFFFFFFFF;
	(pc) =	sbr.abs _section_cstart, $3  }
0xbf: {  	[dreg:$0x1] =	wrdreg $0xFFFFFFFF  }
0xc0: {  	_ =	task.clear_ibuf [dreg:s6], $0x2FFFF;
	_ =	strace $0x9FFFFFFF  }
0xc1: {  	(tm) =	ssettm $0x7FFFFFFF  }
tec
execute0_lowered:
.L_overlay_start_1:
0x0: {  	(tag) =	ssettag $0x1  }
0x1: {  	s8 =	rddreg [dreg:$0x0];
	s1 =	stileid.u32  }
0x2: {  	s2 =	srdreg.scid;
	s0 =	rddreg [dreg:$0x1]  }
0x3: {  	_ =	strace $0x80000047;
	s5 =	simm.s32 $0x1;
	s9 =	simm.s32 $0x1  }
0x4: {  	s10 =	simm.s32 $0x3;
	s2 =	sand.u32 $0x1, s2;
	s3 =	sshll.u32 s1, $0x1  }
0x5: {  	s13 =	simm.s32 $0x0;
	s12 =	simm.s32 $0x0;
	s6 =	sor.u32 s3, s2  }
0x6: {  	[sflag:s5] =	ssyncpa.u1 $0x0;
	s2 =	sadd.s32 $0xD2A00, s8;
	s4 =	smul.u32 $0x4E20, s6  }
0x7: {  	s3 =	sadd.s32 $0x103A00, s8;
	p0 =	slt.u32 s6, $0x9;
	s6 =	simm.s32 $0x9C400  }
.Ltmp0:
0x8: {  	s6 =	simm.s32 @!p0 $0x0;
	s7 =	ssub.s32 $0xC3500, s4;
	(pc) =	sbr.rel .LBB2_1-.Ltmp0, $4  }
0x9: {  	s9 =	simm.s32 @!p0 $0x0;
	p0 =	sne.s32 s7, s6;
	s7 =	simm.s32 $0x1  }
0xa: {  	s8 =	sadd.s32 $0x11C200, s8;
	s6 =	simm.s32 $0x2;
	s7 =	simm.s32 @!p0 $0x0  }
0xb: {  	s11 =	smov.u32 s4;
	[sflag:s6] =	ssyncpa.u1 $0x0;
	s7 =	sadd.s32 s9, s7  }
0xc: {  	vm0 =	vmmov $0xffff;
	[sflag:s10] =	ssyncpa.u1 $0x0;
	s10 =	simm.s32 $0x0;
	s9 =	sadd.s32 $0x1, s7  }
.LBB2_4:
0xd: {  	v2 =	vnsel vm1, $0x0, v2  }
0xe: {  	vm1 =	vgt.s32 v0, $0x0;
	v2 =	vmin.u32 v2, $0xC34FF  }
0xf: {  	v0 =	vnsel vm1, $0x0, v0  }
0x10: {  	v0 =	vmin.u32 v0, $0xC34FF  }
0x11: {  	[tilespmem:s18], [sflag:$0x1] =	stream.indirect_vreg.gather [hbm4b:s2+s10], $0x1, v1, vm0, $0x4038;
	[tilespmem:$0x13880] =	vst v63  }
0x12: {  	(ifvalue) =	ssetifvalue $0x7FFFFFFF  }
0x13: {  	[tilespmem:s15], [sflag:$0x1] =	stream.indirect_vreg.gather [hbm4b:s2+s10], $0x1, v2, vm0, $0x4038;
	[tilespmem:$0x13880] =	vst v63  }
0x14: {  	s29 =	sadd.s32 $0x10, s15;
	(ifvalue) =	ssetifvalue $0x7FFFFFFF  }
0x15: {  	[tilespmem:s29], [sflag:$0x1] =	stream.indirect_vreg.gather [hbm4b:s2+s10], $0x1, v0, vm0, $0x4038;
	[tilespmem:$0x13880] =	vst v63  }
0x16: {  	_ =	swait.ge [sflag:s5], $0x4E20  }
0x17: {  	s30 =	sshrl.u32 s13, $0x3;
	[sflag:s5] =	ssyncset.done $0x0  }
0x18: {  	s31 =	sand.u32 $0x7, s13;
	s15 =	sadd.s32 s8, s30;
	[sflag:s5] =	ssyncadd.s32 $0xFFFFB1E0  }
0x19: {  	[hbm4b:s15+s31] =	stream.linear.scatter [tilespmem:s14], [sflag:$0x3], $0x4E20, $0x38;
	[tilespmem:$0x13880] =	vst v63  }
.LBB2_5:
0x1a: {  	s15 =	sadd.s32 $0x9C400, s11  }
0x1b: {  	p1 =	sgt.s32 s15, $0xC34FF  }
0x1c: {  	s15 =	smov.u32 @p1 s4;
	p1 =	sne.s32 s12, s9  }
.Ltmp1:
0x1d: {  	p0 =	slt.u32 s12, $0x2;
	(pc) =	sbr.rel @!p1 .LBB2_6-.Ltmp1, $4  }
0x1e: {  	s14 =	simm.s32 @!p0 $0x3  }
0x1f: {  	_ =	swait.ge @!p0 [sflag:s14], $0x4E20  }
0x20: {  	s16 =	sadd.s32 $0x1, s12;
	s13 =	smov.u32 s11;
	[sflag:s14] =	ssyncset.done @!p0 $0x0  }
0x21: {  	s12 =	smov.u32 s16;
	s11 =	smov.u32 s15;
	[sflag:s14] =	ssyncadd.s32 @!p0 $0xFFFFB1E0  }
.LBB2_1:
0x22: {  	p0 =	sge.u32 s12, s7  }
0x23: {  	s14 =	sxor.u32 @!p0 $0x1, s12  }
0x24: {  	s14 =	smul.u32 @!p0 $0x13880, s14  }
0x25: {  	s31 =	sadd.s32 $0xFFFFFFFF, s12;
	s15 =	sshrl.u32 @!p0 s11, $0x3  }
0x26: {  	s16 =	sand.u32 @!p0 $0x7, s11;
	s15 =	sadd.s32 @!p0 s3, s15;
	s14 =	sshra.s32 @!p0 s14, $0x2  }
0x27: {  	[tilespmem:s14], [sflag:$0x2] =	stream.linear.gather @!p0 [hbm4b:s15+s16], $0x4E20, $0x38;
	[tilespmem:$0x13880] =	vst v63  }
0x28: {  	p0 =	sge.u32 s31, s7  }
.Ltmp2:
0x29: {  	_ = 	snop;
	(pc) =	sbr.rel @p0 .LBB2_5-.Ltmp2, $1  }
0x2a: {  	_ =	sdelay $0x3  }
0x2b: {  	s14 =	sand.u32 $0x1, s12  }
0x2c: {  	_ =	swait.ge [sflag:s6], $0x4E20;
	p0 =	seq.s32 s14, $0x1;
	s14 =	simm.s32 $0x4E20  }
0x2d: {  	[sflag:s6] =	ssyncset.done $0x0;
	s14 =	simm.s32 @!p0 $0x0  }
0x2e: {  	[sflag:s6] =	ssyncadd.s32 $0xFFFFB1E0;
	(ifvalue) =	ssetifvalue $0x7FFFFFFF;
	v0 =	vld.msk [tilespmem:s14+$0x0 ss:$0x1], $0xffff;
	_ =	sdelay $0x4  }
0x2f: {  	s15 =	sadd.s32 $0x10, s14;
	vm1 =	vgt.s32 v0, $0x0  }
0x30: {  	v2 =	vld.msk [tilespmem:s15+$0x0 ss:$0x1], $0xffff;
	v1 =	vnsel vm1, $0x0, v0  }
0x31: {  	v1 =	vmin.u32 v1, $0xC34FF;
	_ =	sdelay $0x2  }
0x32: {  	s17 =	simm.s32 $0x20;
	s14 =	sadd.s32 $0x9C40, s14;
	s16 =	sadd.s32 $0x10, s15  }
0x33: {  	s15 =	sadd.s32 $0x10, s14;
	s18 =	smov.u32 s14;
	v0 =	vld.msk [tilespmem:s16+$0x0 ss:$0x1], $0xffff;
	vm1 =	vgt.s32 v2, $0x0;
	(ifvalue) =	ssetifvalue $0x7FFFFFFF  }
.LBB2_3:
0x34: {  	[tilespmem:s18], [sflag:$0x1] =	stream.indirect_vreg.gather [hbm4b:s2+s10], $0x1, v1, vm0, $0x4038;
	[tilespmem:$0x13880] =	vst v63  }
0x35: {  	s17 =	sadd.s32 $0x10, s17  }
0x36: {  	v2 =	vnsel vm1, $0x0, v2;
	p0 =	slt.u32 s17, $0x4E10  }
.Ltmp3:
0x37: {  	s18 =	smov.u32 s15;
	v1 =	vmin.u32 v2, $0xC34FF;
	(pc) =	sbr.rel @p0 .LBB2_3-.Ltmp3, $3  }
0x38: {  	_ =	sdelay $0x1  }
0x39: {  	s16 =	sadd.s32 $0x10, s16  }
0x3a: {  	vm1 =	vgt.s32 v0, $0x0;
	s15 =	sadd.s32 $0x10, s15;
	v2 =	vmov v0;
	(ifvalue) =	ssetifvalue $0x7FFFFFFF;
	v0 =	vld.msk [tilespmem:s16+$0x0 ss:$0x1], $0xffff  }
.Ltmp4:
0x3b: {  	_ = 	snop;
	(pc) =	sbr.rel .LBB2_4-.Ltmp4, $1  }
0x3c: {  	_ =	sdelay $0x3  }
.LBB2_6:
0x3d: {  	_ =	sfence.sel $0x180000  }
0x3e: {  	s2 =	simm.s32 $0x2;
	[bflag:$0x0] =	sbarrier.arrive $0xFFFF  }
0x3f: {  	s30 =	simm.s32 $0x3;
	[sflag:s2] =	ssyncpa.u1 $0x1  }
0x40: {  	s31 =	simm.s32 $0x1;
	[sflag:s30] =	ssyncpa.u1 $0x1  }
0x41: {  	[sflag:s31] =	ssyncpa.u1 $0x1  }
0x42: {  	p0 =	sne.s32 s1, $0x0;
	_ =	strace $0x90000047  }
0x43: {  	s0 =	sadd.s32 @!p0 $0x100000, s0;
	[bflag:$0x2] =	sbarrier.arrive $0xFFFF  }
0x44: {  	[sflag:s0] =	ssyncadd.tile.s32 @!p0 $0x1;
	_ =	shalt  }
.Lfunc_end2:
_tile_overlayer_lowered:
.L_overlay_start_2:
0x45: {  	(tag) =	ssettag $0x2  }
0x46: {  	s0 =	rddreg [dreg:$0x0];
	s2 =	stileid.u32  }
0x47: {  	s1 =	rddreg [dreg:$0x1];
	p0 =	sne.s32 s2, $0x0  }
0x48: {  	s3 =	rddreg [dreg:$0x2];
	[bflag:$0x3] =	sbarrier.arrive $0xFFFF;
	s2 =	simm.s32 @!p0 $0x1C01  }
0x49: {  	[timem:s3], [sflag:s2] =	dma.local @!p0 [hbm:s0], s1  }
0x4a: {  	s0 =	simm.s32 @!p0 $0x1  }
0x4b: {  	_ =	swait.ge @!p0 [sflag:s0], s1  }
0x4c: {  	s1 =	ssub.s32 @!p0 $0x0, s1;
	[sflag:s0] =	ssyncset.done @!p0 $0x0  }
0x4d: {  	[sflag:s0] =	ssyncadd.s32 @!p0 s1  }
0x4e: {  	[bflag:$0x3] =	sbarrier.arrive $0xFFFF  }
0x4f: {  	_ =	shalt  }

// kernel: gather_offload_async_start.2
scs
__scs_entry_jumppad:
0x0: {  	(pc) =	sbr.rel $0x88, $3  }
0x1: {  	(tag) =	ssettag $0x0;
	lr =	simm.s32 $0x1  }
0x2: {  	[smem:$0x3F37] =	sst lr;
	_ =	strace $0xD0000000  }
0x3: {  	_ = 	snop  }
0x4: {  	_ = 	snop  }
0x5: {  	_ = 	snop  }
0x6: {  	_ = 	snop  }
0x7: {  	_ = 	snop  }
__scs_overlays_trampoline_lowered:
0x8: {  	[smem:$0x3F46] =	sst s0  }
0x9: {  	[smem:$0x3F47] =	sst s1  }
0xa: {  	[smem:$0x3F48] =	sst s2  }
0xb: {  	[smem:$0x3F49] =	sst s3  }
0xc: {  	[smem:$0x3F4A] =	sst s4  }
0xd: {  	[smem:$0x3F4B] =	sst s5  }
0xe: {  	[smem:$0x3F4C] =	sst s6  }
0xf: {  	[smem:$0x3F4D] =	sst s7  }
0x10: {  	[smem:$0x3F4E] =	sst s8  }
0x11: {  	[smem:$0x3F4F] =	sst s9;
	s0 =	simm.s32 @!p0 $0x0  }
0x12: {  	s1 =	sld [smem:$0x3F35];
	s0 =	simm.s32 @p0 $0x1  }
0x13: {  	[smem:$0x3F50] =	sst s0;
	s0 =	simm.s32 @!p1 $0x0  }
0x14: {  	s2 =	sld [smem:$0x3F34];
	s0 =	simm.s32 @p1 $0x1  }
0x15: {  	[smem:$0x3F51] =	sst s0;
	s0 =	simm.s32 @!p2 $0x0  }
0x16: {  	s3 =	sld [smem:$0x3FDB];
	s0 =	simm.s32 @p2 $0x1  }
0x17: {  	s4 =	simm.s32 $0x1BF5;
	[smem:$0x3F53] =	sst s0  }
0x18: {  	s0 =	sld [smem:$0x3F36];
	_ =	swait.ge [sflag:s4], $0x0  }
0x19: {  	s7 =	sld [smem:$0x3F37]  }
0x1a: {  	s8 =	sadd.s32 $0xFFFFE003, lr  }
0x1b: {  	s9 =	sadd.s32 $0xFFFFFEF7, lr;
	s5 =	simm.s32 $0xFFFFFFFF;
	p2 =	slt.u32 s8, $0xFFFFF086  }
0x1c: {  	p1 =	slt.u32 s9, $0xF7A;
	s5 =	simm.s32 @!p2 $0x0  }
0x1d: {  	s5 =	simm.s32 @p1 $0x1;
	p0 =	seq.s32 s7, s2  }
0x1e: {  	s7 =	smul.u32 @!p0 $0xF7A, s2;
	p2 =	seq.s32 @!p0 s5, $0x0  }
0x1f: {  	s9 =	smul.u32 $0xF7A, s1;
	s8 =	simm.s32 @!p0 $0x1BF5;
	p2 =	por !p2, p0  }
0x20: {  	[sflag:s8] =	ssyncset.s32 @!p0 $0xFFFFF086;
	s6 =	sadd.s32 @!p0 s3, s7;
	s7 =	simm.s32 @!p0 $0x108  }
0x21: {  	s3 =	sadd.s32 s3, s9;
	s6 =	sadd.s32 @!p0 $0x88, s6;
	s7 =	simm.s32 @p2 $0x1082  }
0x22: {  	[simem:s7], [sflag:s8] =	dma.local @!p0 [hbm:s6], $0xF7A  }
0x23: {  	s9 =	sor.u32 $0xD0000000, s2;
	s6 =	simm.s32 $0x108;
	_ =	swait.ge @!p0 [sflag:s8], $0x0  }
0x24: {  	s3 =	sadd.s32 $0x88, s3;
	s6 =	simm.s32 @!p1 $0x1082;
	[sflag:s4] =	ssyncset.s32 $0xFFFFF086  }
0x25: {  	[simem:s6], [sflag:s4] =	dma.local [hbm:s3], $0xF7A  }
0x26: {  	[smem:$0x3F37] =	sst s1;
	(tag) =	ssettag s2;
	_ =	strace s9  }
0x27: {  	s1 =	sld [smem:$0x3F47]  }
0x28: {  	s2 =	sld [smem:$0x3F48]  }
0x29: {  	s4 =	sld [smem:$0x3F4A]  }
0x2a: {  	p0 =	seq.s32 s5, $0x0;
	s5 =	sld [smem:$0x3F4B]  }
0x2b: {  	s6 =	sld [smem:$0x3F4C]  }
0x2c: {  	s7 =	sld [smem:$0x3F4D]  }
0x2d: {  	s3 =	simm.s32 $0x108;
	s8 =	sld [smem:$0x3F4E]  }
0x2e: {  	s3 =	simm.s32 @!p0 $0x1082;
	s9 =	sld [smem:$0x3F4F]  }
0x2f: {  	lr =	sadd.s32 s0, s3;
	s0 =	sld [smem:$0x3F46]  }
0x30: {  	s3 =	sld [smem:$0x3F49]  }
0x31: {  	[smem:$0x3F52] =	sst s10  }
0x32: {  	s10 =	sld [smem:$0x3F50];
	_ =	sdelay $0x3  }
0x33: {  	p0 =	seq.s32 s10, $0x1;
	s10 =	sld [smem:$0x3F52];
	_ =	sdelay $0x3  }
0x34: {  	[smem:$0x3F52] =	sst s10  }
0x35: {  	s10 =	sld [smem:$0x3F51];
	_ =	sdelay $0x3  }
0x36: {  	p1 =	seq.s32 s10, $0x1;
	s10 =	sld [smem:$0x3F52];
	_ =	sdelay $0x3  }
0x37: {  	[smem:$0x3F52] =	sst s10  }
0x38: {  	s10 =	sld [smem:$0x3F53]  }
0x39: {  	_ = 	snop;
	(pc) =	sbr.ind lr, $3  }
0x3a: {  	_ = 	snop  }
0x3b: {  	_ = 	snop  }
0x3c: {  	p2 =	seq.s32 s10, $0x1;
	s10 =	sld [smem:$0x3F52]  }
0x3d: {  	_ =	shalt  }
0x3e: {  	_ =	shalt  }
0x3f: {  	_ =	shalt  }
0x40: {  	_ =	shalt  }
0x41: {  	_ =	shalt  }
0x42: {  	_ =	shalt  }
0x43: {  	_ =	shalt  }
0x44: {  	_ =	shalt  }
0x45: {  	_ =	shalt  }
0x46: {  	_ =	shalt  }
0x47: {  	_ =	shalt  }
0x48: {  	_ =	shalt  }
0x49: {  	_ =	shalt  }
0x4a: {  	_ =	shalt  }
0x4b: {  	_ =	shalt  }
0x4c: {  	_ =	shalt  }
0x4d: {  	_ =	shalt  }
0x4e: {  	_ =	shalt  }
0x4f: {  	_ =	shalt  }
0x50: {  	_ =	shalt  }
0x51: {  	_ =	shalt  }
0x52: {  	_ =	shalt  }
0x53: {  	_ =	shalt  }
0x54: {  	_ =	shalt  }
0x55: {  	_ =	shalt  }
0x56: {  	_ =	shalt  }
0x57: {  	_ =	shalt  }
0x58: {  	_ =	shalt  }
0x59: {  	_ =	shalt  }
0x5a: {  	_ =	shalt  }
0x5b: {  	_ =	shalt  }
0x5c: {  	_ =	shalt  }
0x5d: {  	_ =	shalt  }
0x5e: {  	_ =	shalt  }
0x5f: {  	_ =	shalt  }
0x60: {  	_ =	shalt  }
0x61: {  	_ =	shalt  }
0x62: {  	_ =	shalt  }
0x63: {  	_ =	shalt  }
0x64: {  	_ =	shalt  }
0x65: {  	_ =	shalt  }
0x66: {  	_ =	shalt  }
0x67: {  	_ =	shalt  }
0x68: {  	_ =	shalt  }
0x69: {  	_ =	shalt  }
0x6a: {  	_ =	shalt  }
0x6b: {  	_ =	shalt  }
0x6c: {  	_ =	shalt  }
0x6d: {  	_ =	shalt  }
0x6e: {  	_ =	shalt  }
0x6f: {  	_ =	shalt  }
0x70: {  	_ =	shalt  }
0x71: {  	_ =	shalt  }
0x72: {  	_ =	shalt  }
0x73: {  	_ =	shalt  }
0x74: {  	_ =	shalt  }
0x75: {  	_ =	shalt  }
0x76: {  	_ =	shalt  }
0x77: {  	_ =	shalt  }
0x78: {  	_ =	shalt  }
0x79: {  	_ =	shalt  }
0x7a: {  	_ =	shalt  }
0x7b: {  	_ =	shalt  }
0x7c: {  	_ =	shalt  }
0x7d: {  	_ =	shalt  }
0x7e: {  	_ =	shalt  }
0x7f: {  	_ =	shalt  }
0x80: {  	_ =	shalt  }
0x81: {  	_ =	shalt  }
0x82: {  	_ =	shalt  }
0x83: {  	_ =	shalt  }
0x84: {  	_ =	shalt  }
0x85: {  	_ =	shalt  }
0x86: {  	_ =	shalt  }
0x87: {  	_ =	shalt  }
.Lfunc_end0:
.L_simem_size_0:
called_computation.2_lowered:
.L_overlay_start_0:
0x88: {  	s2 =	sld [smem:$0x3FD9]  }
0x89: {  	s3 =	sld [smem:$0x3FFE];
	_ =	sdelay $0x1  }
0x8a: {  	s1 =	srdreg.scid  }
0x8b: {  	s0 =	sand.u32 $0x1, s1  }
0x8c: {  	s17 =	sshll.u32 s0, $0xA;
	s2 =	sadd.s32 s3, s2  }
0x8d: {  	s2 =	sadd.s32 s2, s17  }
0x8e: {  	[smem:$0x3F5E] =	sst s2  }
0x8f: {  	_ = 	snop  }
0x90: {  	s18 =	sld [smem:$0x3FC7];
	(tm) =	ssettm $0x1  }
0x91: {  	s19 =	sld [smem:$0x3FFB];
	_ =	sdelay $0x3  }
0x92: {  	_ =	strace s19  }
0x93: {  	s2 =	sld [smem:$0x3FFC];
	_ =	sdelay $0x3  }
0x94: {  	_ =	strace s2  }
0x95: {  	s2 =	sld [smem:$0x3FFD];
	_ =	sdelay $0x3  }
0x96: {  	_ =	strace s2  }
0x97: {  	_ =	strace $0x8FFFFFFF  }
0x98: {  	s20 =	sld [smem:$0x3FDB];
	_ =	sdelay $0x1  }
0x99: {  	s4 =	simm.s32 $_scs_section_size  }
0x9a: {  	s5 =	simm.s32 $_size__tile_overlayer_lowered;
	s6 =	simm.s32 $_tile_overlayer_lowered  }
0x9b: {  	s7 =	simm.s32 $0x1BFF;
	s21 =	sshll.u32 s6, $0x1;
	s4 =	sadd.s32 s4, s20  }
0x9c: {  	s22 =	simm.s32 $0x0;
	s5 =	sshll.u32 s5, $0x1;
	s6 =	sadd.s32 s21, s4  }
0x9d: {  	[timem:s22], [sflag:s7] =	dma.local [hbm:s6], s5  }
0x9e: {  	_ =	swait.ge [sflag:s7], s5  }
0x9f: {  	s5 =	ssub.s32 $0x0, s5;
	[sflag:s7] =	ssyncset.done $0x0  }
0xa0: {  	[sflag:s7] =	ssyncadd.s32 s5;
	_ =	sdelay $0x1  }
0xa1: {  	s23 =	simm.s32 $0x1B8B  }
0xa2: {  	_ =	swait.ge [sflag:s23], $0x1  }
0xa3: {  	[sflag:s23] =	ssyncset.done $0x0  }
0xa4: {  	[sflag:s23] =	ssyncadd.s32 $0xFFFFFFFF  }
0xa5: {  	s5 =	sld [smem:$0x0]  }
0xa6: {  	s6 =	sand.u32 $0xFFFFFFFE, s1  }
0xa7: {  	p0 =	sne.s32 s1, s6  }
0xa8: {  	s6 =	sshll.u32 @p0 s6, $0xE  }
0xa9: {  	s6 =	sadd.s32 @p0 $0x11B8D, s6;
	s7 =	sshll.u32 @p0 s5, $0x11  }
0xaa: {  	s6 =	sor.u32 @p0 s7, s6  }
0xab: {  	[sflag:s6] =	ssyncadd.remote.s32 @p0 $0x1;
	_ =	sdelay $0x1  }
0xac: {  	s6 =	simm.s32 @p0 $0x1B8D  }
0xad: {  	_ =	swait.eq @p0 [sflag:s6], $0x1  }
0xae: {  	[sflag:s6] =	ssyncadd.s32 @p0 $0xFFFFFFFF  }
0xaf: {  	s7 =	sshll.u32 @!p0 s1, $0xE  }
0xb0: {  	s7 =	sor.u32 @!p0 $0x4000, s7;
	s6 =	simm.s32 @!p0 $0x1B8D  }
0xb1: {  	s5 =	sshll.u32 @!p0 s5, $0x11;
	s7 =	sadd.s32 @!p0 $0x11B8D, s7;
	_ =	swait.eq @!p0 [sflag:s6], $0x1  }
0xb2: {  	s5 =	sor.u32 @!p0 s5, s7;
	[sflag:s6] =	ssyncadd.s32 @!p0 $0xFFFFFFFF  }
0xb3: {  	s25 =	simm.s32 $0x1B8E;
	s24 =	sld [smem:$0x3FFE];
	[sflag:s5] =	ssyncadd.remote.s32 @!p0 $0x1  }
0xb4: {  	s26 =	simm.s32 $execute0_lowered;
	[smem:$0x3FD2] =	sst s25  }
0xb5: {  	s6 =	sshll.u32 s26, $0x1;
	_ =	strace $0x8000004C;
	[dreg:$0x1] =	wrdreg $0xFFFFFFFF  }
0xb6: {  	s28 =	simm.s32 $_size_execute0_lowered;
	s4 =	sadd.s32 s4, s6;
	[dreg:$0x0] =	wrdreg $0x0  }
0xb7: {  	s6 =	sshll.u32 s28, $0x1;
	[dreg:$0x2] =	wrdreg s4  }
0xb8: {  	[dreg:$0x3] =	wrdreg s6  }
0xb9: {  	[dreg:$0x4] =	wrdreg $0xC0  }
0xba: {  	_ =	task [dreg:s22], $0x5FFFF  }
0xbb: {  	[dreg:$0x1] =	wrdreg $0xFFFFFFFF  }
0xbc: {  	[dreg:$0x0] =	wrdreg $0x60  }
0xbd: {  	[dreg:$0x2] =	wrdreg s18  }
0xbe: {  	[dreg:$0x3] =	wrdreg s24  }
0xbf: {  	[dreg:$0x4] =	wrdreg $0xA  }
0xc0: {  	_ =	task.clear_ibuf [dreg:s22], $0x5FFFF;
	_ =	strace $0x9000004C  }
0xc1: {  	s29 =	simm.s32 $0xA;
	_ =	strace $0x8000004E  }
0xc2: {  	_ =	swait.ge [sflag:s29], $0x1  }
0xc3: {  	[sflag:s29] =	ssyncadd.s32 $0xFFFFFFFF  }
0xc4: {  	_ =	strace $0x9000004E  }
0xc5: {  	_ =	sfence  }
0xc6: {  	s30 =	sld [smem:$0x0];
	_ =	sdelay $0x2  }
0xc7: {  	s31 =	sshll.u32 s1, $0xD;
	s1 =	sshrl.u32 s1, $0x2  }
0xc8: {  	s4 =	sand.u32 $0x4000, s31;
	s1 =	sadd.s32 s1, s30  }
0xc9: {  	s0 =	sor.u32 s4, s0;
	s1 =	sshll.u32 s1, $0x11  }
0xca: {  	s0 =	sor.u32 s1, s0  }
0xcb: {  	s0 =	sadd.s32 $0x8F2B, s0  }
0xcc: {  	[sflag:s0] =	ssyncadd.remote.s32 $0x1  }
0xcd: {  	_ =	sfence.sel $0xFFFF  }
0xce: {  	[dreg:$0x0] =	wrdreg $0xFFFFFFFF;
	(pc) =	sbr.abs _section_cstart, $3  }
0xcf: {  	[dreg:$0x1] =	wrdreg $0xFFFFFFFF  }
0xd0: {  	_ =	task.clear_ibuf [dreg:s22], $0x2FFFF;
	_ =	strace $0x9FFFFFFF  }
0xd1: {  	(tm) =	ssettm $0x7FFFFFFF  }
tec
execute0_lowered:
.L_overlay_start_1:
0x0: {  	(tag) =	ssettag $0x1  }
0x1: {  	s0 =	stileid.u32;
	s1 =	srdreg.scid  }
0x2: {  	s1 =	sand.u32 $0x1, s1;
	s2 =	sshll.u32 s0, $0x1  }
0x3: {  	s1 =	sor.u32 s2, s1  }
0x4: {  	s2 =	smul.u32 $0xC80, s1;
	_ =	sdelay $0x1  }
0x5: {  	s6 =	ssub.s32 $0xC3500, s2  }
0x6: {  	s3 =	rddreg [dreg:$0x0];
	s31 =	smulhi.u32 $0xA3D71, s6  }
0x7: {  	s8 =	rddreg [dreg:$0x1];
	s5 =	simm.s32 $0x1  }
0x8: {  	s10 =	simm.s32 $0x3;
	s13 =	simm.s32 $0x0;
	s7 =	sshrl.u32 s31, $0x4  }
0x9: {  	s12 =	simm.s32 $0x0;
	s4 =	sadd.s32 $0x103A00, s8;
	s9 =	smul.u32 $0x19000, s7  }
.Ltmp0:
0xa: {  	s8 =	sadd.s32 $0x14D400, s8;
	s1 =	rddreg [dreg:$0x2];
	(pc) =	sbr.rel .LBB2_1-.Ltmp0, $4  }
0xb: {  	_ =	strace $0x8000004D;
	p0 =	sne.s32 s6, s9;
	s9 =	simm.s32 $0x1  }
0xc: {  	[sflag:s5] =	ssyncpa.u1 $0x0;
	s6 =	simm.s32 $0x2;
	s9 =	simm.s32 @!p0 $0x0  }
0xd: {  	s11 =	smov.u32 s2;
	[sflag:s6] =	ssyncpa.u1 $0x0;
	s7 =	sadd.s32 s9, s7  }
0xe: {  	vm0 =	vmmov $0xffff;
	v0 =	vlaneseq.u32;
	[sflag:s10] =	ssyncpa.u1 $0x0;
	s10 =	simm.s32 $0x0;
	s9 =	sadd.s32 $0x1, s7  }
.LBB2_4:
0xf: {  	_ =	sdelay $0x3  }
0x10: {  	[tilespmem:s22], [sflag:$0x1] =	stream.indirect_vreg.gather [hbm4b:s3+s10], $0x1, v1, vm0, $0x4038;
	[tilespmem:$0x7D00] =	vst v63  }
0x11: {  	s15 =	sadd.s32 s19, s15  }
0x12: {  	v1 =	vld.msk [tilespmem:s15+$0x0 ss:$0x1], $0xffff;
	_ =	sdelay $0x4  }
0x13: {  	vm1 =	vgt.s32 v1, $0x0  }
0x14: {  	p0 =	sgt.s32 s18, $0x0;
	v1 =	vnsel vm1, $0x0, v1  }
0x15: {  	s18 =	simm.s32 @!p0 $0x0;
	v1 =	vmin.u32 v1, $0xC34FF  }
0x16: {  	s25 =	smin.u32 s18, $0x10;
	v2 =	vshll.u32 v1, $0x2  }
0x17: {  	v3 =	vmov s25;
	v1 =	vand.u32 $0x7F, v1;
	v2 =	vand.u32 $0x3FFE00, v2  }
0x18: {  	vm1 =	vgt.u32 v3, v0;
	v1 =	vor.u32 v1, v2  }
0x19: {  	v2 =	vnsel vm1, $0x7FFFFFFF, v1;
	_ =	sdelay $0x1  }
0x1a: {  	s26 =	sand.u32 $0x3E00, s16;
	v3 =	vor.u32 $0x80, v1  }
0x1b: {  	s28 =	sand.u32 $0x70, s17;
	(ifvalue) =	ssetifvalue $0x7FFFFFFF;
	s15 =	sadd.s32 s26, s14;
	v3 =	vnsel vm1, $0x7FFFFFFF, v3  }
0x1c: {  	s15 =	sadd.s32 s28, s15;
	(ifvalue) =	ssetifvalue $0x7FFFFFFF  }
0x1d: {  	v4 =	vor.u32 $0x100, v1;
	[tilespmem:s15], [sflag:$0x1] =	stream.indirect_vreg.gather [hbm4b:s3+s10], $0x1, v2, vm0, $0x4038;
	[tilespmem:$0x7D00] =	vst v63  }
0x1e: {  	(ifvalue) =	ssetifvalue $0x7FFFFFFF;
	v2 =	vnsel vm1, $0x7FFFFFFF, v4  }
0x1f: {  	s16 =	sadd.s32 $0x80, s15;
	(ifvalue) =	ssetifvalue $0x7FFFFFFF  }
0x20: {  	v1 =	vor.u32 $0x180, v1;
	[tilespmem:s16], [sflag:$0x1] =	stream.indirect_vreg.gather [hbm4b:s3+s10], $0x1, v3, vm0, $0x4038;
	[tilespmem:$0x7D00] =	vst v63  }
0x21: {  	v1 =	vnsel vm1, $0x7FFFFFFF, v1;
	(ifvalue) =	ssetifvalue $0x7FFFFFFF  }
0x22: {  	s29 =	sadd.s32 $0x100, s15;
	(ifvalue) =	ssetifvalue $0x7FFFFFFF  }
0x23: {  	[tilespmem:s29], [sflag:$0x1] =	stream.indirect_vreg.gather [hbm4b:s3+s10], $0x1, v2, vm0, $0x4038;
	[tilespmem:$0x7D00] =	vst v63  }
0x24: {  	(ifvalue) =	ssetifvalue $0x7FFFFFFF  }
0x25: {  	s30 =	sshll.u32 s13, $0x2;
	s15 =	sadd.s32 $0x180, s15;
	(ifvalue) =	ssetifvalue $0x7FFFFFFF  }
0x26: {  	[tilespmem:s15], [sflag:$0x1] =	stream.indirect_vreg.gather [hbm4b:s3+s10], $0x1, v1, vm0, $0x4038;
	[tilespmem:$0x7D00] =	vst v63  }
0x27: {  	s31 =	sand.u32 $0x78, s13;
	s15 =	sand.u32 $0xFFFFFE00, s30  }
0x28: {  	_ =	swait.ge [sflag:s5], $0x3200;
	s13 =	sor.u32 s31, s15  }
0x29: {  	[sflag:s5] =	ssyncset.done $0x0;
	s13 =	sshrl.u32 s13, $0x3  }
0x2a: {  	[sflag:s5] =	ssyncadd.s32 $0xFFFFCE00;
	s13 =	sadd.s32 s8, s13  }
0x2b: {  	[hbm:s13] =	stream.linear.scatter [tilespmem:s14], [sflag:$0x3], $0x3200, $0x38;
	[tilespmem:$0x7D00] =	vst v63  }
.LBB2_5:
0x2c: {  	s15 =	sadd.s32 $0x19000, s11  }
0x2d: {  	p1 =	sgt.s32 s15, $0xC34FF  }
0x2e: {  	s15 =	smov.u32 @p1 s2;
	p1 =	sne.s32 s12, s9  }
.Ltmp1:
0x2f: {  	p0 =	slt.u32 s12, $0x2;
	(pc) =	sbr.rel @!p1 .LBB2_6-.Ltmp1, $4  }
0x30: {  	s14 =	simm.s32 @!p0 $0x3  }
0x31: {  	_ =	swait.ge @!p0 [sflag:s14], $0x3200  }
0x32: {  	s16 =	sadd.s32 $0x1, s12;
	s13 =	smov.u32 s11;
	[sflag:s14] =	ssyncset.done @!p0 $0x0  }
0x33: {  	s12 =	smov.u32 s16;
	s11 =	smov.u32 s15;
	[sflag:s14] =	ssyncadd.s32 @!p0 $0xFFFFCE00  }
.LBB2_1:
0x34: {  	p0 =	sge.u32 s12, s7  }
0x35: {  	s14 =	sxor.u32 @!p0 $0xFFFFFFFF, s12  }
0x36: {  	s14 =	sand.u32 @!p0 $0x1, s14  }
0x37: {  	s14 =	smul.u32 @!p0 $0x3200, s14  }
0x38: {  	s31 =	sadd.s32 $0xFFFFFFFF, s12;
	s15 =	sshrl.u32 @!p0 s11, $0x3  }
0x39: {  	s16 =	sand.u32 @!p0 $0x7, s11;
	s15 =	sadd.s32 @!p0 s4, s15;
	s14 =	sshrl.u32 @!p0 s14, $0x2  }
0x3a: {  	[tilespmem:s14], [sflag:$0x2] =	stream.linear.gather @!p0 [hbm4b:s15+s16], $0xC80, $0x38;
	[tilespmem:$0x7D00] =	vst v63  }
0x3b: {  	p0 =	sge.u32 s31, s7  }
.Ltmp2:
0x3c: {  	_ = 	snop;
	(pc) =	sbr.rel @p0 .LBB2_5-.Ltmp2, $1  }
0x3d: {  	_ =	sdelay $0x3  }
0x3e: {  	s14 =	sand.u32 $0x1, s12  }
0x3f: {  	p0 =	seq.s32 s14, $0x1;
	s14 =	simm.s32 $0x3200  }
0x40: {  	_ =	swait.ge [sflag:s6], $0xC80;
	s14 =	simm.s32 @!p0 $0x0  }
0x41: {  	[sflag:s6] =	ssyncset.done $0x0;
	s15 =	sshrl.u32 s14, $0x2  }
0x42: {  	[sflag:s6] =	ssyncadd.s32 $0xFFFFF380;
	s16 =	sadd.s32 $0x0, s15  }
0x43: {  	v1 =	vld.msk [tilespmem:s16+$0x0 ss:$0x1], $0xffff;
	_ =	sdelay $0x2  }
0x44: {  	s17 =	ssub.s32 $0xC3500, s13  }
0x45: {  	p0 =	slt.s32 s17, $0xC80  }
0x46: {  	s17 =	simm.s32 @!p0 $0xC80;
	vm1 =	vgt.s32 v1, $0x0  }
0x47: {  	p0 =	sgt.s32 s17, $0x0;
	s16 =	smov.u32 s17;
	v1 =	vnsel vm1, $0x0, v1  }
0x48: {  	s16 =	simm.s32 @!p0 $0x0;
	v1 =	vmin.u32 v1, $0xC34FF  }
0x49: {  	s16 =	smin.u32 s16, $0x10;
	v2 =	vshll.u32 v1, $0x2  }
0x4a: {  	v3 =	vmov s16;
	v1 =	vand.u32 $0x7F, v1;
	v2 =	vand.u32 $0x3FFE00, v2  }
0x4b: {  	vm1 =	vgt.u32 v3, v0;
	v1 =	vor.u32 v1, v2  }
0x4c: {  	v2 =	vnsel vm1, $0x7FFFFFFF, v1  }
0x4d: {  	s31 =	simm.s32 $0x0  }
0x4e: {  	s18 =	sand.u32 $0x3E00, s31;
	s14 =	sadd.s32 $0x1900, s14;
	v3 =	vor.u32 $0x80, v1  }
0x4f: {  	s18 =	sadd.s32 s18, s14;
	(ifvalue) =	ssetifvalue $0x7FFFFFFF;
	s16 =	sand.u32 $0x70, s31;
	v3 =	vnsel vm1, $0x7FFFFFFF, v3  }
0x50: {  	(ifvalue) =	ssetifvalue $0x7FFFFFFF;
	s20 =	sadd.s32 s16, s18  }
0x51: {  	v4 =	vor.u32 $0x100, v1;
	[tilespmem:s20], [sflag:$0x1] =	stream.indirect_vreg.gather [hbm4b:s3+s10], $0x1, v2, vm0, $0x4038;
	[tilespmem:$0x7D00] =	vst v63  }
0x52: {  	(ifvalue) =	ssetifvalue $0x7FFFFFFF;
	v2 =	vnsel vm1, $0x7FFFFFFF, v4  }
0x53: {  	s16 =	sadd.s32 $0x80, s20;
	(ifvalue) =	ssetifvalue $0x7FFFFFFF  }
0x54: {  	v1 =	vor.u32 $0x180, v1;
	[tilespmem:s16], [sflag:$0x1] =	stream.indirect_vreg.gather [hbm4b:s3+s10], $0x1, v3, vm0, $0x4038;
	[tilespmem:$0x7D00] =	vst v63  }
0x55: {  	s19 =	simm.s32 $0x10;
	v1 =	vnsel vm1, $0x7FFFFFFF, v1;
	(ifvalue) =	ssetifvalue $0x7FFFFFFF  }
0x56: {  	s21 =	simm.s32 $0x80;
	s18 =	sadd.s32 $0x100, s20;
	(ifvalue) =	ssetifvalue $0x7FFFFFFF  }
0x57: {  	[tilespmem:s18], [sflag:$0x1] =	stream.indirect_vreg.gather [hbm4b:s3+s10], $0x1, v2, vm0, $0x4038;
	[tilespmem:$0x7D00] =	vst v63  }
0x58: {  	s22 =	sadd.s32 $0x180, s20;
	s16 =	simm.s32 $0x40;
	(ifvalue) =	ssetifvalue $0x7FFFFFFF  }
0x59: {  	s18 =	sadd.s32 $0xFFFFFFF0, s17;
	s17 =	simm.s32 $0x10;
	(ifvalue) =	ssetifvalue $0x7FFFFFFF  }
.LBB2_3:
0x5a: {  	[tilespmem:s22], [sflag:$0x1] =	stream.indirect_vreg.gather [hbm4b:s3+s10], $0x1, v1, vm0, $0x4038;
	[tilespmem:$0x7D00] =	vst v63  }
0x5b: {  	s22 =	smov.u32 s21  }
0x5c: {  	s20 =	sadd.s32 $0x40, s21;
	s23 =	sadd.s32 s19, s15;
	s19 =	sshra.s32 s22, $0x2  }
0x5d: {  	p0 =	sne.s32 s21, $0x31C0;
	v1 =	vld.msk [tilespmem:s23+$0x0 ss:$0x1], $0xffff  }
0x5e: {  	(ifvalue) =	ssetifvalue $0x7FFFFFFF;
	_ =	sdelay $0x4  }
0x5f: {  	vm1 =	vgt.s32 v1, $0x0  }
0x60: {  	p1 =	sgt.s32 s18, $0x0;
	s21 =	smov.u32 s18;
	v1 =	vnsel vm1, $0x0, v1  }
0x61: {  	s21 =	simm.s32 @!p1 $0x0;
	v1 =	vmin.u32 v1, $0xC34FF  }
0x62: {  	s21 =	smin.u32 s21, $0x10;
	v2 =	vshll.u32 v1, $0x2  }
0x63: {  	v3 =	vmov s21;
	v1 =	vand.u32 $0x7F, v1;
	v2 =	vand.u32 $0x3FFE00, v2  }
0x64: {  	vm1 =	vgt.u32 v3, v0;
	v1 =	vor.u32 v1, v2  }
0x65: {  	v2 =	vnsel vm1, $0x7FFFFFFF, v1;
	v3 =	vor.u32 $0x80, v1;
	v4 =	vor.u32 $0x100, v1  }
0x66: {  	v1 =	vor.u32 $0x180, v1  }
0x67: {  	s21 =	sand.u32 $0x3E00, s16;
	s16 =	smov.u32 s22  }
0x68: {  	s22 =	sand.u32 $0x70, s17;
	s21 =	sadd.s32 s21, s14;
	v3 =	vnsel vm1, $0x7FFFFFFF, v3  }
0x69: {  	s21 =	sadd.s32 s22, s21;
	(ifvalue) =	ssetifvalue $0x7FFFFFFF  }
0x6a: {  	[tilespmem:s21], [sflag:$0x1] =	stream.indirect_vreg.gather [hbm4b:s3+s10], $0x1, v2, vm0, $0x4038;
	[tilespmem:$0x7D00] =	vst v63  }
0x6b: {  	v2 =	vnsel vm1, $0x7FFFFFFF, v4;
	(ifvalue) =	ssetifvalue $0x7FFFFFFF  }
0x6c: {  	s22 =	sadd.s32 $0x80, s21;
	(ifvalue) =	ssetifvalue $0x7FFFFFFF  }
0x6d: {  	[tilespmem:s22], [sflag:$0x1] =	stream.indirect_vreg.gather [hbm4b:s3+s10], $0x1, v3, vm0, $0x4038;
	[tilespmem:$0x7D00] =	vst v63  }
.Ltmp3:
0x6e: {  	v1 =	vnsel vm1, $0x7FFFFFFF, v1;
	(ifvalue) =	ssetifvalue $0x7FFFFFFF;
	(pc) =	sbr.rel @p0 .LBB2_3-.Ltmp3, $4  }
0x6f: {  	s22 =	sadd.s32 $0x100, s21;
	(ifvalue) =	ssetifvalue $0x7FFFFFFF  }
0x70: {  	[tilespmem:s22], [sflag:$0x1] =	stream.indirect_vreg.gather [hbm4b:s3+s10], $0x1, v2, vm0, $0x4038;
	[tilespmem:$0x7D00] =	vst v63  }
0x71: {  	s18 =	sadd.s32 $0xFFFFFFF0, s18;
	s17 =	sadd.s32 $0x10, s17;
	(ifvalue) =	ssetifvalue $0x7FFFFFFF  }
0x72: {  	s22 =	sadd.s32 $0x180, s21;
	s21 =	smov.u32 s20;
	(ifvalue) =	ssetifvalue $0x7FFFFFFF  }
.Ltmp4:
0x73: {  	_ = 	snop;
	(pc) =	sbr.rel .LBB2_4-.Ltmp4, $1  }
0x74: {  	_ =	sdelay $0x3  }
.LBB2_6:
0x75: {  	_ =	sfence.sel $0x180000  }
0x76: {  	s2 =	simm.s32 $0x2;
	[bflag:$0x0] =	sbarrier.arrive $0xFFFF  }
0x77: {  	s30 =	simm.s32 $0x3;
	[sflag:s2] =	ssyncpa.u1 $0x1  }
0x78: {  	s31 =	simm.s32 $0x1;
	[sflag:s30] =	ssyncpa.u1 $0x1  }
0x79: {  	[sflag:s31] =	ssyncpa.u1 $0x1  }
0x7a: {  	p0 =	sne.s32 s0, $0x0;
	_ =	strace $0x9000004D  }
0x7b: {  	s0 =	sadd.s32 @!p0 $0x100000, s1;
	[bflag:$0x2] =	sbarrier.arrive $0xFFFF  }
0x7c: {  	[sflag:s0] =	ssyncadd.tile.s32 @!p0 $0x1;
	_ =	shalt  }
.Lfunc_end2:
_tile_overlayer_lowered:
.L_overlay_start_2:
0x7d: {  	(tag) =	ssettag $0x2  }
0x7e: {  	s0 =	rddreg [dreg:$0x0];
	s2 =	stileid.u32  }
0x7f: {  	s1 =	rddreg [dreg:$0x1];
	p0 =	sne.s32 s2, $0x0  }
0x80: {  	s3 =	rddreg [dreg:$0x2];
	[bflag:$0x3] =	sbarrier.arrive $0xFFFF;
	s2 =	simm.s32 @!p0 $0x1C01  }
0x81: {  	[timem:s3], [sflag:s2] =	dma.local @!p0 [hbm:s0], s1  }
0x82: {  	s0 =	simm.s32 @!p0 $0x1  }
0x83: {  	_ =	swait.ge @!p0 [sflag:s0], s1  }
0x84: {  	s1 =	ssub.s32 @!p0 $0x0, s1;
	[sflag:s0] =	ssyncset.done @!p0 $0x0  }
0x85: {  	[sflag:s0] =	ssyncadd.s32 @!p0 s1  }
0x86: {  	[bflag:$0x3] =	sbarrier.arrive $0xFFFF  }
0x87: {  	_ =	shalt  }

// kernel: gather_offload_async_start
scs
__scs_entry_jumppad:
0x0: {  	(pc) =	sbr.rel $0x88, $3  }
0x1: {  	(tag) =	ssettag $0x0;
	lr =	simm.s32 $0x1  }
0x2: {  	[smem:$0x3F37] =	sst lr;
	_ =	strace $0xD0000000  }
0x3: {  	_ = 	snop  }
0x4: {  	_ = 	snop  }
0x5: {  	_ = 	snop  }
0x6: {  	_ = 	snop  }
0x7: {  	_ = 	snop  }
__scs_overlays_trampoline_lowered:
0x8: {  	[smem:$0x3F46] =	sst s0  }
0x9: {  	[smem:$0x3F47] =	sst s1  }
0xa: {  	[smem:$0x3F48] =	sst s2  }
0xb: {  	[smem:$0x3F49] =	sst s3  }
0xc: {  	[smem:$0x3F4A] =	sst s4  }
0xd: {  	[smem:$0x3F4B] =	sst s5  }
0xe: {  	[smem:$0x3F4C] =	sst s6  }
0xf: {  	[smem:$0x3F4D] =	sst s7  }
0x10: {  	[smem:$0x3F4E] =	sst s8  }
0x11: {  	[smem:$0x3F4F] =	sst s9;
	s0 =	simm.s32 @!p0 $0x0  }
0x12: {  	s1 =	sld [smem:$0x3F35];
	s0 =	simm.s32 @p0 $0x1  }
0x13: {  	[smem:$0x3F50] =	sst s0;
	s0 =	simm.s32 @!p1 $0x0  }
0x14: {  	s2 =	sld [smem:$0x3F34];
	s0 =	simm.s32 @p1 $0x1  }
0x15: {  	[smem:$0x3F51] =	sst s0;
	s0 =	simm.s32 @!p2 $0x0  }
0x16: {  	s3 =	sld [smem:$0x3FDB];
	s0 =	simm.s32 @p2 $0x1  }
0x17: {  	s4 =	simm.s32 $0x1BF5;
	[smem:$0x3F53] =	sst s0  }
0x18: {  	s0 =	sld [smem:$0x3F36];
	_ =	swait.ge [sflag:s4], $0x0  }
0x19: {  	s7 =	sld [smem:$0x3F37]  }
0x1a: {  	s8 =	sadd.s32 $0xFFFFE003, lr  }
0x1b: {  	s9 =	sadd.s32 $0xFFFFFEF7, lr;
	s5 =	simm.s32 $0xFFFFFFFF;
	p2 =	slt.u32 s8, $0xFFFFF086  }
0x1c: {  	p1 =	slt.u32 s9, $0xF7A;
	s5 =	simm.s32 @!p2 $0x0  }
0x1d: {  	s5 =	simm.s32 @p1 $0x1;
	p0 =	seq.s32 s7, s2  }
0x1e: {  	s7 =	smul.u32 @!p0 $0xF7A, s2;
	p2 =	seq.s32 @!p0 s5, $0x0  }
0x1f: {  	s9 =	smul.u32 $0xF7A, s1;
	s8 =	simm.s32 @!p0 $0x1BF5;
	p2 =	por !p2, p0  }
0x20: {  	[sflag:s8] =	ssyncset.s32 @!p0 $0xFFFFF086;
	s6 =	sadd.s32 @!p0 s3, s7;
	s7 =	simm.s32 @!p0 $0x108  }
0x21: {  	s3 =	sadd.s32 s3, s9;
	s6 =	sadd.s32 @!p0 $0x88, s6;
	s7 =	simm.s32 @p2 $0x1082  }
0x22: {  	[simem:s7], [sflag:s8] =	dma.local @!p0 [hbm:s6], $0xF7A  }
0x23: {  	s9 =	sor.u32 $0xD0000000, s2;
	s6 =	simm.s32 $0x108;
	_ =	swait.ge @!p0 [sflag:s8], $0x0  }
0x24: {  	s3 =	sadd.s32 $0x88, s3;
	s6 =	simm.s32 @!p1 $0x1082;
	[sflag:s4] =	ssyncset.s32 $0xFFFFF086  }
0x25: {  	[simem:s6], [sflag:s4] =	dma.local [hbm:s3], $0xF7A  }
0x26: {  	[smem:$0x3F37] =	sst s1;
	(tag) =	ssettag s2;
	_ =	strace s9  }
0x27: {  	s1 =	sld [smem:$0x3F47]  }
0x28: {  	s2 =	sld [smem:$0x3F48]  }
0x29: {  	s4 =	sld [smem:$0x3F4A]  }
0x2a: {  	p0 =	seq.s32 s5, $0x0;
	s5 =	sld [smem:$0x3F4B]  }
0x2b: {  	s6 =	sld [smem:$0x3F4C]  }
0x2c: {  	s7 =	sld [smem:$0x3F4D]  }
0x2d: {  	s3 =	simm.s32 $0x108;
	s8 =	sld [smem:$0x3F4E]  }
0x2e: {  	s3 =	simm.s32 @!p0 $0x1082;
	s9 =	sld [smem:$0x3F4F]  }
0x2f: {  	lr =	sadd.s32 s0, s3;
	s0 =	sld [smem:$0x3F46]  }
0x30: {  	s3 =	sld [smem:$0x3F49]  }
0x31: {  	[smem:$0x3F52] =	sst s10  }
0x32: {  	s10 =	sld [smem:$0x3F50];
	_ =	sdelay $0x3  }
0x33: {  	p0 =	seq.s32 s10, $0x1;
	s10 =	sld [smem:$0x3F52];
	_ =	sdelay $0x3  }
0x34: {  	[smem:$0x3F52] =	sst s10  }
0x35: {  	s10 =	sld [smem:$0x3F51];
	_ =	sdelay $0x3  }
0x36: {  	p1 =	seq.s32 s10, $0x1;
	s10 =	sld [smem:$0x3F52];
	_ =	sdelay $0x3  }
0x37: {  	[smem:$0x3F52] =	sst s10  }
0x38: {  	s10 =	sld [smem:$0x3F53]  }
0x39: {  	_ = 	snop;
	(pc) =	sbr.ind lr, $3  }
0x3a: {  	_ = 	snop  }
0x3b: {  	_ = 	snop  }
0x3c: {  	p2 =	seq.s32 s10, $0x1;
	s10 =	sld [smem:$0x3F52]  }
0x3d: {  	_ =	shalt  }
0x3e: {  	_ =	shalt  }
0x3f: {  	_ =	shalt  }
0x40: {  	_ =	shalt  }
0x41: {  	_ =	shalt  }
0x42: {  	_ =	shalt  }
0x43: {  	_ =	shalt  }
0x44: {  	_ =	shalt  }
0x45: {  	_ =	shalt  }
0x46: {  	_ =	shalt  }
0x47: {  	_ =	shalt  }
0x48: {  	_ =	shalt  }
0x49: {  	_ =	shalt  }
0x4a: {  	_ =	shalt  }
0x4b: {  	_ =	shalt  }
0x4c: {  	_ =	shalt  }
0x4d: {  	_ =	shalt  }
0x4e: {  	_ =	shalt  }
0x4f: {  	_ =	shalt  }
0x50: {  	_ =	shalt  }
0x51: {  	_ =	shalt  }
0x52: {  	_ =	shalt  }
0x53: {  	_ =	shalt  }
0x54: {  	_ =	shalt  }
0x55: {  	_ =	shalt  }
0x56: {  	_ =	shalt  }
0x57: {  	_ =	shalt  }
0x58: {  	_ =	shalt  }
0x59: {  	_ =	shalt  }
0x5a: {  	_ =	shalt  }
0x5b: {  	_ =	shalt  }
0x5c: {  	_ =	shalt  }
0x5d: {  	_ =	shalt  }
0x5e: {  	_ =	shalt  }
0x5f: {  	_ =	shalt  }
0x60: {  	_ =	shalt  }
0x61: {  	_ =	shalt  }
0x62: {  	_ =	shalt  }
0x63: {  	_ =	shalt  }
0x64: {  	_ =	shalt  }
0x65: {  	_ =	shalt  }
0x66: {  	_ =	shalt  }
0x67: {  	_ =	shalt  }
0x68: {  	_ =	shalt  }
0x69: {  	_ =	shalt  }
0x6a: {  	_ =	shalt  }
0x6b: {  	_ =	shalt  }
0x6c: {  	_ =	shalt  }
0x6d: {  	_ =	shalt  }
0x6e: {  	_ =	shalt  }
0x6f: {  	_ =	shalt  }
0x70: {  	_ =	shalt  }
0x71: {  	_ =	shalt  }
0x72: {  	_ =	shalt  }
0x73: {  	_ =	shalt  }
0x74: {  	_ =	shalt  }
0x75: {  	_ =	shalt  }
0x76: {  	_ =	shalt  }
0x77: {  	_ =	shalt  }
0x78: {  	_ =	shalt  }
0x79: {  	_ =	shalt  }
0x7a: {  	_ =	shalt  }
0x7b: {  	_ =	shalt  }
0x7c: {  	_ =	shalt  }
0x7d: {  	_ =	shalt  }
0x7e: {  	_ =	shalt  }
0x7f: {  	_ =	shalt  }
0x80: {  	_ =	shalt  }
0x81: {  	_ =	shalt  }
0x82: {  	_ =	shalt  }
0x83: {  	_ =	shalt  }
0x84: {  	_ =	shalt  }
0x85: {  	_ =	shalt  }
0x86: {  	_ =	shalt  }
0x87: {  	_ =	shalt  }
.Lfunc_end0:
.L_simem_size_0:
called_computation_lowered:
.L_overlay_start_0:
0x88: {  	s2 =	sld [smem:$0x3FD9]  }
0x89: {  	s3 =	sld [smem:$0x3FFE];
	_ =	sdelay $0x1  }
0x8a: {  	s1 =	srdreg.scid  }
0x8b: {  	s0 =	sand.u32 $0x1, s1  }
0x8c: {  	s17 =	sshll.u32 s0, $0xA;
	s2 =	sadd.s32 s3, s2  }
0x8d: {  	s2 =	sadd.s32 s2, s17  }
0x8e: {  	[smem:$0x3F5E] =	sst s2  }
0x8f: {  	_ = 	snop  }
0x90: {  	(tm) =	ssettm $0x1  }
0x91: {  	s18 =	sld [smem:$0x3FFB];
	_ =	sdelay $0x3  }
0x92: {  	_ =	strace s18  }
0x93: {  	s2 =	sld [smem:$0x3FFC];
	_ =	sdelay $0x3  }
0x94: {  	_ =	strace s2  }
0x95: {  	s2 =	sld [smem:$0x3FFD];
	_ =	sdelay $0x3  }
0x96: {  	_ =	strace s2  }
0x97: {  	_ =	strace $0x8FFFFFFF  }
0x98: {  	s19 =	sld [smem:$0x3FDB];
	_ =	sdelay $0x1  }
0x99: {  	s20 =	simm.s32 $_scs_section_size  }
0x9a: {  	s4 =	simm.s32 $_size__tile_overlayer_lowered;
	s5 =	simm.s32 $_tile_overlayer_lowered  }
0x9b: {  	s6 =	simm.s32 $0x1BFF;
	s21 =	sshll.u32 s5, $0x1;
	s3 =	sadd.s32 s20, s19  }
0x9c: {  	s22 =	simm.s32 $0x0;
	s4 =	sshll.u32 s4, $0x1;
	s5 =	sadd.s32 s21, s3  }
0x9d: {  	[timem:s22], [sflag:s6] =	dma.local [hbm:s5], s4  }
0x9e: {  	_ =	swait.ge [sflag:s6], s4  }
0x9f: {  	s4 =	ssub.s32 $0x0, s4;
	[sflag:s6] =	ssyncset.done $0x0  }
0xa0: {  	[sflag:s6] =	ssyncadd.s32 s4;
	_ =	sdelay $0x1  }
0xa1: {  	s23 =	simm.s32 $0x1B8B  }
0xa2: {  	_ =	swait.ge [sflag:s23], $0x1  }
0xa3: {  	[sflag:s23] =	ssyncset.done $0x0  }
0xa4: {  	[sflag:s23] =	ssyncadd.s32 $0xFFFFFFFF  }
0xa5: {  	s4 =	sld [smem:$0x0]  }
0xa6: {  	s5 =	sand.u32 $0xFFFFFFFE, s1  }
0xa7: {  	p0 =	sne.s32 s1, s5  }
0xa8: {  	s5 =	sshll.u32 @p0 s5, $0xE  }
0xa9: {  	s5 =	sadd.s32 @p0 $0x11B8D, s5;
	s6 =	sshll.u32 @p0 s4, $0x11  }
0xaa: {  	s5 =	sor.u32 @p0 s6, s5  }
0xab: {  	[sflag:s5] =	ssyncadd.remote.s32 @p0 $0x1;
	_ =	sdelay $0x1  }
0xac: {  	s5 =	simm.s32 @p0 $0x1B8D  }
0xad: {  	_ =	swait.eq @p0 [sflag:s5], $0x1  }
0xae: {  	[sflag:s5] =	ssyncadd.s32 @p0 $0xFFFFFFFF  }
0xaf: {  	s6 =	sshll.u32 @!p0 s1, $0xE  }
0xb0: {  	s6 =	sor.u32 @!p0 $0x4000, s6;
	s5 =	simm.s32 @!p0 $0x1B8D  }
0xb1: {  	s4 =	sshll.u32 @!p0 s4, $0x11;
	s6 =	sadd.s32 @!p0 $0x11B8D, s6;
	_ =	swait.eq @!p0 [sflag:s5], $0x1  }
0xb2: {  	s4 =	sor.u32 @!p0 s4, s6;
	[sflag:s5] =	ssyncadd.s32 @!p0 $0xFFFFFFFF  }
0xb3: {  	s25 =	simm.s32 $0x1B8E;
	s24 =	sld [smem:$0x3FFE];
	[sflag:s4] =	ssyncadd.remote.s32 @!p0 $0x1  }
0xb4: {  	s26 =	simm.s32 $execute0_lowered;
	[smem:$0x3FD2] =	sst s25  }
0xb5: {  	s5 =	sshll.u32 s26, $0x1;
	_ =	strace $0x80000049;
	[dreg:$0x1] =	wrdreg $0xFFFFFFFF  }
0xb6: {  	s28 =	simm.s32 $_size_execute0_lowered;
	s3 =	sadd.s32 s3, s5;
	[dreg:$0x0] =	wrdreg $0x0  }
0xb7: {  	s5 =	sshll.u32 s28, $0x1;
	[dreg:$0x2] =	wrdreg s3  }
0xb8: {  	[dreg:$0x3] =	wrdreg s5  }
0xb9: {  	[dreg:$0x4] =	wrdreg $0xC0  }
0xba: {  	_ =	task [dreg:s22], $0x5FFFF  }
0xbb: {  	[dreg:$0x1] =	wrdreg $0xFFFFFFFF  }
0xbc: {  	[dreg:$0x0] =	wrdreg $0x60  }
0xbd: {  	[dreg:$0x2] =	wrdreg s24  }
0xbe: {  	[dreg:$0x3] =	wrdreg $0x9  }
0xbf: {  	_ =	task.clear_ibuf [dreg:s22], $0x4FFFF;
	_ =	strace $0x90000049  }
0xc0: {  	s29 =	simm.s32 $0x9;
	_ =	strace $0x8000004B  }
0xc1: {  	_ =	swait.ge [sflag:s29], $0x1  }
0xc2: {  	[sflag:s29] =	ssyncadd.s32 $0xFFFFFFFF  }
0xc3: {  	_ =	strace $0x9000004B  }
0xc4: {  	_ =	sfence  }
0xc5: {  	s30 =	sld [smem:$0x0];
	_ =	sdelay $0x2  }
0xc6: {  	s31 =	sshll.u32 s1, $0xD;
	s1 =	sshrl.u32 s1, $0x2  }
0xc7: {  	s4 =	sand.u32 $0x4000, s31;
	s1 =	sadd.s32 s1, s30  }
0xc8: {  	s0 =	sor.u32 s4, s0;
	s1 =	sshll.u32 s1, $0x11  }
0xc9: {  	s0 =	sor.u32 s1, s0  }
0xca: {  	s0 =	sadd.s32 $0x8F2B, s0  }
0xcb: {  	[sflag:s0] =	ssyncadd.remote.s32 $0x1  }
0xcc: {  	_ =	sfence.sel $0xFFFF  }
0xcd: {  	[dreg:$0x0] =	wrdreg $0xFFFFFFFF;
	(pc) =	sbr.abs _section_cstart, $3  }
0xce: {  	[dreg:$0x1] =	wrdreg $0xFFFFFFFF  }
0xcf: {  	_ =	task.clear_ibuf [dreg:s22], $0x2FFFF;
	_ =	strace $0x9FFFFFFF  }
0xd0: {  	(tm) =	ssettm $0x7FFFFFFF  }
0xd1: {  	_ =	shalt  }
tec
execute0_lowered:
.L_overlay_start_1:
0x0: {  	(tag) =	ssettag $0x1  }
0x1: {  	s8 =	rddreg [dreg:$0x0];
	s1 =	stileid.u32  }
0x2: {  	s2 =	srdreg.scid;
	s0 =	rddreg [dreg:$0x1]  }
0x3: {  	_ =	strace $0x8000004A;
	s5 =	simm.s32 $0x1;
	s9 =	simm.s32 $0x1  }
0x4: {  	s10 =	simm.s32 $0x3;
	s2 =	sand.u32 $0x1, s2;
	s3 =	sshll.u32 s1, $0x1  }
0x5: {  	s13 =	simm.s32 $0x0;
	s12 =	simm.s32 $0x0;
	s6 =	sor.u32 s3, s2  }
0x6: {  	[sflag:s5] =	ssyncpa.u1 $0x0;
	s2 =	sadd.s32 $0xEB200, s8;
	s4 =	smul.u32 $0x4E20, s6  }
0x7: {  	s3 =	sadd.s32 $0x103A00, s8;
	p0 =	slt.u32 s6, $0x9;
	s6 =	simm.s32 $0x9C400  }
.Ltmp0:
0x8: {  	s6 =	simm.s32 @!p0 $0x0;
	s7 =	ssub.s32 $0xC3500, s4;
	(pc) =	sbr.rel .LBB2_1-.Ltmp0, $4  }
0x9: {  	s9 =	simm.s32 @!p0 $0x0;
	p0 =	sne.s32 s7, s6;
	s7 =	simm.s32 $0x1  }
0xa: {  	s8 =	sadd.s32 $0x134C00, s8;
	s6 =	simm.s32 $0x2;
	s7 =	simm.s32 @!p0 $0x0  }
0xb: {  	s11 =	smov.u32 s4;
	[sflag:s6] =	ssyncpa.u1 $0x0;
	s7 =	sadd.s32 s9, s7  }
0xc: {  	vm0 =	vmmov $0xffff;
	[sflag:s10] =	ssyncpa.u1 $0x0;
	s10 =	simm.s32 $0x0;
	s9 =	sadd.s32 $0x1, s7  }
.LBB2_4:
0xd: {  	v2 =	vnsel vm1, $0x0, v2  }
0xe: {  	vm1 =	vgt.s32 v0, $0x0;
	v2 =	vmin.u32 v2, $0xC34FF  }
0xf: {  	v0 =	vnsel vm1, $0x0, v0  }
0x10: {  	v0 =	vmin.u32 v0, $0xC34FF  }
0x11: {  	[tilespmem:s18], [sflag:$0x1] =	stream.indirect_vreg.gather [hbm4b:s2+s10], $0x1, v1, vm0, $0x4038;
	[tilespmem:$0x13880] =	vst v63  }
0x12: {  	(ifvalue) =	ssetifvalue $0x7FFFFFFF  }
0x13: {  	[tilespmem:s15], [sflag:$0x1] =	stream.indirect_vreg.gather [hbm4b:s2+s10], $0x1, v2, vm0, $0x4038;
	[tilespmem:$0x13880] =	vst v63  }
0x14: {  	s29 =	sadd.s32 $0x10, s15;
	(ifvalue) =	ssetifvalue $0x7FFFFFFF  }
0x15: {  	[tilespmem:s29], [sflag:$0x1] =	stream.indirect_vreg.gather [hbm4b:s2+s10], $0x1, v0, vm0, $0x4038;
	[tilespmem:$0x13880] =	vst v63  }
0x16: {  	_ =	swait.ge [sflag:s5], $0x4E20  }
0x17: {  	s30 =	sshrl.u32 s13, $0x3;
	[sflag:s5] =	ssyncset.done $0x0  }
0x18: {  	s31 =	sand.u32 $0x7, s13;
	s15 =	sadd.s32 s8, s30;
	[sflag:s5] =	ssyncadd.s32 $0xFFFFB1E0  }
0x19: {  	[hbm4b:s15+s31] =	stream.linear.scatter [tilespmem:s14], [sflag:$0x3], $0x4E20, $0x38;
	[tilespmem:$0x13880] =	vst v63  }
.LBB2_5:
0x1a: {  	s15 =	sadd.s32 $0x9C400, s11  }
0x1b: {  	p1 =	sgt.s32 s15, $0xC34FF  }
0x1c: {  	s15 =	smov.u32 @p1 s4;
	p1 =	sne.s32 s12, s9  }
.Ltmp1:
0x1d: {  	p0 =	slt.u32 s12, $0x2;
	(pc) =	sbr.rel @!p1 .LBB2_6-.Ltmp1, $4  }
0x1e: {  	s14 =	simm.s32 @!p0 $0x3  }
0x1f: {  	_ =	swait.ge @!p0 [sflag:s14], $0x4E20  }
0x20: {  	s16 =	sadd.s32 $0x1, s12;
	s13 =	smov.u32 s11;
	[sflag:s14] =	ssyncset.done @!p0 $0x0  }
0x21: {  	s12 =	smov.u32 s16;
	s11 =	smov.u32 s15;
	[sflag:s14] =	ssyncadd.s32 @!p0 $0xFFFFB1E0  }
.LBB2_1:
0x22: {  	p0 =	sge.u32 s12, s7  }
0x23: {  	s14 =	sxor.u32 @!p0 $0x1, s12  }
0x24: {  	s14 =	smul.u32 @!p0 $0x13880, s14  }
0x25: {  	s31 =	sadd.s32 $0xFFFFFFFF, s12;
	s15 =	sshrl.u32 @!p0 s11, $0x3  }
0x26: {  	s16 =	sand.u32 @!p0 $0x7, s11;
	s15 =	sadd.s32 @!p0 s3, s15;
	s14 =	sshra.s32 @!p0 s14, $0x2  }
0x27: {  	[tilespmem:s14], [sflag:$0x2] =	stream.linear.gather @!p0 [hbm4b:s15+s16], $0x4E20, $0x38;
	[tilespmem:$0x13880] =	vst v63  }
0x28: {  	p0 =	sge.u32 s31, s7  }
.Ltmp2:
0x29: {  	_ = 	snop;
	(pc) =	sbr.rel @p0 .LBB2_5-.Ltmp2, $1  }
0x2a: {  	_ =	sdelay $0x3  }
0x2b: {  	s14 =	sand.u32 $0x1, s12  }
0x2c: {  	_ =	swait.ge [sflag:s6], $0x4E20;
	p0 =	seq.s32 s14, $0x1;
	s14 =	simm.s32 $0x4E20  }
0x2d: {  	[sflag:s6] =	ssyncset.done $0x0;
	s14 =	simm.s32 @!p0 $0x0  }
0x2e: {  	[sflag:s6] =	ssyncadd.s32 $0xFFFFB1E0;
	(ifvalue) =	ssetifvalue $0x7FFFFFFF;
	v0 =	vld.msk [tilespmem:s14+$0x0 ss:$0x1], $0xffff;
	_ =	sdelay $0x4  }
0x2f: {  	s15 =	sadd.s32 $0x10, s14;
	vm1 =	vgt.s32 v0, $0x0  }
0x30: {  	v2 =	vld.msk [tilespmem:s15+$0x0 ss:$0x1], $0xffff;
	v1 =	vnsel vm1, $0x0, v0  }
0x31: {  	v1 =	vmin.u32 v1, $0xC34FF;
	_ =	sdelay $0x2  }
0x32: {  	s17 =	simm.s32 $0x20;
	s14 =	sadd.s32 $0x9C40, s14;
	s16 =	sadd.s32 $0x10, s15  }
0x33: {  	s15 =	sadd.s32 $0x10, s14;
	s18 =	smov.u32 s14;
	v0 =	vld.msk [tilespmem:s16+$0x0 ss:$0x1], $0xffff;
	vm1 =	vgt.s32 v2, $0x0;
	(ifvalue) =	ssetifvalue $0x7FFFFFFF  }
.LBB2_3:
0x34: {  	[tilespmem:s18], [sflag:$0x1] =	stream.indirect_vreg.gather [hbm4b:s2+s10], $0x1, v1, vm0, $0x4038;
	[tilespmem:$0x13880] =	vst v63  }
0x35: {  	s17 =	sadd.s32 $0x10, s17  }
0x36: {  	v2 =	vnsel vm1, $0x0, v2;
	p0 =	slt.u32 s17, $0x4E10  }
.Ltmp3:
0x37: {  	s18 =	smov.u32 s15;
	v1 =	vmin.u32 v2, $0xC34FF;
	(pc) =	sbr.rel @p0 .LBB2_3-.Ltmp3, $3  }
0x38: {  	_ =	sdelay $0x1  }
0x39: {  	s16 =	sadd.s32 $0x10, s16  }
0x3a: {  	vm1 =	vgt.s32 v0, $0x0;
	s15 =	sadd.s32 $0x10, s15;
	v2 =	vmov v0;
	(ifvalue) =	ssetifvalue $0x7FFFFFFF;
	v0 =	vld.msk [tilespmem:s16+$0x0 ss:$0x1], $0xffff  }
.Ltmp4:
0x3b: {  	_ = 	snop;
	(pc) =	sbr.rel .LBB2_4-.Ltmp4, $1  }
0x3c: {  	_ =	sdelay $0x3  }
.LBB2_6:
0x3d: {  	_ =	sfence.sel $0x180000  }
0x3e: {  	s2 =	simm.s32 $0x2;
	[bflag:$0x0] =	sbarrier.arrive $0xFFFF  }
0x3f: {  	s30 =	simm.s32 $0x3;
	[sflag:s2] =	ssyncpa.u1 $0x1  }
0x40: {  	s31 =	simm.s32 $0x1;
	[sflag:s30] =	ssyncpa.u1 $0x1  }
0x41: {  	[sflag:s31] =	ssyncpa.u1 $0x1  }
0x42: {  	p0 =	sne.s32 s1, $0x0;
	_ =	strace $0x9000004A  }
0x43: {  	s0 =	sadd.s32 @!p0 $0x100000, s0;
	[bflag:$0x2] =	sbarrier.arrive $0xFFFF  }
0x44: {  	[sflag:s0] =	ssyncadd.tile.s32 @!p0 $0x1;
	_ =	shalt  }
.Lfunc_end2:
_tile_overlayer_lowered:
.L_overlay_start_2:
0x45: {  	(tag) =	ssettag $0x2  }
0x46: {  	s0 =	rddreg [dreg:$0x0];
	s2 =	stileid.u32  }
0x47: {  	s1 =	rddreg [dreg:$0x1];
	p0 =	sne.s32 s2, $0x0  }
0x48: {  	s3 =	rddreg [dreg:$0x2];
	[bflag:$0x3] =	sbarrier.arrive $0xFFFF;
	s2 =	simm.s32 @!p0 $0x1C01  }
0x49: {  	[timem:s3], [sflag:s2] =	dma.local @!p0 [hbm:s0], s1  }
0x4a: {  	s0 =	simm.s32 @!p0 $0x1  }
0x4b: {  	_ =	swait.ge @!p0 [sflag:s0], s1  }
0x4c: {  	s1 =	ssub.s32 @!p0 $0x0, s1;
	[sflag:s0] =	ssyncset.done @!p0 $0x0  }
0x4d: {  	[sflag:s0] =	ssyncadd.s32 @!p0 s1  }
0x4e: {  	[bflag:$0x3] =	sbarrier.arrive $0xFFFF  }
0x4f: {  	_ =	shalt  }

// kernel: kernel.15.cloned.1.call-start
scs
__scs_entry_jumppad:
0x0: {  	(pc) =	sbr.rel $0x88, $3  }
0x1: {  	(tag) =	ssettag $0x0;
	lr =	simm.s32 $0x1  }
0x2: {  	[smem:$0x3F37] =	sst lr;
	_ =	strace $0xD0000000  }
0x3: {  	_ = 	snop  }
0x4: {  	_ = 	snop  }
0x5: {  	_ = 	snop  }
0x6: {  	_ = 	snop  }
0x7: {  	_ = 	snop  }
__scs_overlays_trampoline_lowered:
0x8: {  	[smem:$0x3F46] =	sst s0  }
0x9: {  	[smem:$0x3F47] =	sst s1  }
0xa: {  	[smem:$0x3F48] =	sst s2  }
0xb: {  	[smem:$0x3F49] =	sst s3  }
0xc: {  	[smem:$0x3F4A] =	sst s4  }
0xd: {  	[smem:$0x3F4B] =	sst s5  }
0xe: {  	[smem:$0x3F4C] =	sst s6  }
0xf: {  	[smem:$0x3F4D] =	sst s7  }
0x10: {  	[smem:$0x3F4E] =	sst s8  }
0x11: {  	[smem:$0x3F4F] =	sst s9;
	s0 =	simm.s32 @!p0 $0x0  }
0x12: {  	s1 =	sld [smem:$0x3F35];
	s0 =	simm.s32 @p0 $0x1  }
0x13: {  	[smem:$0x3F50] =	sst s0;
	s0 =	simm.s32 @!p1 $0x0  }
0x14: {  	s2 =	sld [smem:$0x3F34];
	s0 =	simm.s32 @p1 $0x1  }
0x15: {  	[smem:$0x3F51] =	sst s0;
	s0 =	simm.s32 @!p2 $0x0  }
0x16: {  	s3 =	sld [smem:$0x3FDB];
	s0 =	simm.s32 @p2 $0x1  }
0x17: {  	s4 =	simm.s32 $0x1BF5;
	[smem:$0x3F53] =	sst s0  }
0x18: {  	s0 =	sld [smem:$0x3F36];
	_ =	swait.ge [sflag:s4], $0x0  }
0x19: {  	s7 =	sld [smem:$0x3F37]  }
0x1a: {  	s8 =	sadd.s32 $0xFFFFE003, lr  }
0x1b: {  	s9 =	sadd.s32 $0xFFFFFEF7, lr;
	s5 =	simm.s32 $0xFFFFFFFF;
	p2 =	slt.u32 s8, $0xFFFFF086  }
0x1c: {  	p1 =	slt.u32 s9, $0xF7A;
	s5 =	simm.s32 @!p2 $0x0  }
0x1d: {  	s5 =	simm.s32 @p1 $0x1;
	p0 =	seq.s32 s7, s2  }
0x1e: {  	s7 =	smul.u32 @!p0 $0xF7A, s2;
	p2 =	seq.s32 @!p0 s5, $0x0  }
0x1f: {  	s9 =	smul.u32 $0xF7A, s1;
	s8 =	simm.s32 @!p0 $0x1BF5;
	p2 =	por !p2, p0  }
0x20: {  	[sflag:s8] =	ssyncset.s32 @!p0 $0xFFFFF086;
	s6 =	sadd.s32 @!p0 s3, s7;
	s7 =	simm.s32 @!p0 $0x108  }
0x21: {  	s3 =	sadd.s32 s3, s9;
	s6 =	sadd.s32 @!p0 $0x88, s6;
	s7 =	simm.s32 @p2 $0x1082  }
0x22: {  	[simem:s7], [sflag:s8] =	dma.local @!p0 [hbm:s6], $0xF7A  }
0x23: {  	s9 =	sor.u32 $0xD0000000, s2;
	s6 =	simm.s32 $0x108;
	_ =	swait.ge @!p0 [sflag:s8], $0x0  }
0x24: {  	s3 =	sadd.s32 $0x88, s3;
	s6 =	simm.s32 @!p1 $0x1082;
	[sflag:s4] =	ssyncset.s32 $0xFFFFF086  }
0x25: {  	[simem:s6], [sflag:s4] =	dma.local [hbm:s3], $0xF7A  }
0x26: {  	[smem:$0x3F37] =	sst s1;
	(tag) =	ssettag s2;
	_ =	strace s9  }
0x27: {  	s1 =	sld [smem:$0x3F47]  }
0x28: {  	s2 =	sld [smem:$0x3F48]  }
0x29: {  	s4 =	sld [smem:$0x3F4A]  }
0x2a: {  	p0 =	seq.s32 s5, $0x0;
	s5 =	sld [smem:$0x3F4B]  }
0x2b: {  	s6 =	sld [smem:$0x3F4C]  }
0x2c: {  	s7 =	sld [smem:$0x3F4D]  }
0x2d: {  	s3 =	simm.s32 $0x108;
	s8 =	sld [smem:$0x3F4E]  }
0x2e: {  	s3 =	simm.s32 @!p0 $0x1082;
	s9 =	sld [smem:$0x3F4F]  }
0x2f: {  	lr =	sadd.s32 s0, s3;
	s0 =	sld [smem:$0x3F46]  }
0x30: {  	s3 =	sld [smem:$0x3F49]  }
0x31: {  	[smem:$0x3F52] =	sst s10  }
0x32: {  	s10 =	sld [smem:$0x3F50];
	_ =	sdelay $0x3  }
0x33: {  	p0 =	seq.s32 s10, $0x1;
	s10 =	sld [smem:$0x3F52];
	_ =	sdelay $0x3  }
0x34: {  	[smem:$0x3F52] =	sst s10  }
0x35: {  	s10 =	sld [smem:$0x3F51];
	_ =	sdelay $0x3  }
0x36: {  	p1 =	seq.s32 s10, $0x1;
	s10 =	sld [smem:$0x3F52];
	_ =	sdelay $0x3  }
0x37: {  	[smem:$0x3F52] =	sst s10  }
0x38: {  	s10 =	sld [smem:$0x3F53]  }
0x39: {  	_ = 	snop;
	(pc) =	sbr.ind lr, $3  }
0x3a: {  	_ = 	snop  }
0x3b: {  	_ = 	snop  }
0x3c: {  	p2 =	seq.s32 s10, $0x1;
	s10 =	sld [smem:$0x3F52]  }
0x3d: {  	_ =	shalt  }
0x3e: {  	_ =	shalt  }
0x3f: {  	_ =	shalt  }
0x40: {  	_ =	shalt  }
0x41: {  	_ =	shalt  }
0x42: {  	_ =	shalt  }
0x43: {  	_ =	shalt  }
0x44: {  	_ =	shalt  }
0x45: {  	_ =	shalt  }
0x46: {  	_ =	shalt  }
0x47: {  	_ =	shalt  }
0x48: {  	_ =	shalt  }
0x49: {  	_ =	shalt  }
0x4a: {  	_ =	shalt  }
0x4b: {  	_ =	shalt  }
0x4c: {  	_ =	shalt  }
0x4d: {  	_ =	shalt  }
0x4e: {  	_ =	shalt  }
0x4f: {  	_ =	shalt  }
0x50: {  	_ =	shalt  }
0x51: {  	_ =	shalt  }
0x52: {  	_ =	shalt  }
0x53: {  	_ =	shalt  }
0x54: {  	_ =	shalt  }
0x55: {  	_ =	shalt  }
0x56: {  	_ =	shalt  }
0x57: {  	_ =	shalt  }
0x58: {  	_ =	shalt  }
0x59: {  	_ =	shalt  }
0x5a: {  	_ =	shalt  }
0x5b: {  	_ =	shalt  }
0x5c: {  	_ =	shalt  }
0x5d: {  	_ =	shalt  }
0x5e: {  	_ =	shalt  }
0x5f: {  	_ =	shalt  }
0x60: {  	_ =	shalt  }
0x61: {  	_ =	shalt  }
0x62: {  	_ =	shalt  }
0x63: {  	_ =	shalt  }
0x64: {  	_ =	shalt  }
0x65: {  	_ =	shalt  }
0x66: {  	_ =	shalt  }
0x67: {  	_ =	shalt  }
0x68: {  	_ =	shalt  }
0x69: {  	_ =	shalt  }
0x6a: {  	_ =	shalt  }
0x6b: {  	_ =	shalt  }
0x6c: {  	_ =	shalt  }
0x6d: {  	_ =	shalt  }
0x6e: {  	_ =	shalt  }
0x6f: {  	_ =	shalt  }
0x70: {  	_ =	shalt  }
0x71: {  	_ =	shalt  }
0x72: {  	_ =	shalt  }
0x73: {  	_ =	shalt  }
0x74: {  	_ =	shalt  }
0x75: {  	_ =	shalt  }
0x76: {  	_ =	shalt  }
0x77: {  	_ =	shalt  }
0x78: {  	_ =	shalt  }
0x79: {  	_ =	shalt  }
0x7a: {  	_ =	shalt  }
0x7b: {  	_ =	shalt  }
0x7c: {  	_ =	shalt  }
0x7d: {  	_ =	shalt  }
0x7e: {  	_ =	shalt  }
0x7f: {  	_ =	shalt  }
0x80: {  	_ =	shalt  }
0x81: {  	_ =	shalt  }
0x82: {  	_ =	shalt  }
0x83: {  	_ =	shalt  }
0x84: {  	_ =	shalt  }
0x85: {  	_ =	shalt  }
0x86: {  	_ =	shalt  }
0x87: {  	_ =	shalt  }
.Lfunc_end0:
.L_simem_size_0:
called_computation.3_lowered:
.L_overlay_start_0:
0x88: {  	s2 =	sld [smem:$0x3FD9]  }
0x89: {  	s3 =	sld [smem:$0x3FFE];
	_ =	sdelay $0x1  }
0x8a: {  	s1 =	srdreg.scid  }
0x8b: {  	s0 =	sand.u32 $0x1, s1  }
0x8c: {  	s17 =	sshll.u32 s0, $0xA;
	s2 =	sadd.s32 s3, s2  }
0x8d: {  	s2 =	sadd.s32 s2, s17  }
0x8e: {  	[smem:$0x3F5E] =	sst s2  }
0x8f: {  	_ = 	snop  }
0x90: {  	(tm) =	ssettm $0x1  }
0x91: {  	s18 =	sld [smem:$0x3FFB];
	_ =	sdelay $0x3  }
0x92: {  	_ =	strace s18  }
0x93: {  	s2 =	sld [smem:$0x3FFC];
	_ =	sdelay $0x3  }
0x94: {  	_ =	strace s2  }
0x95: {  	s2 =	sld [smem:$0x3FFD];
	_ =	sdelay $0x3  }
0x96: {  	_ =	strace s2  }
0x97: {  	_ =	strace $0x8FFFFFFF  }
0x98: {  	s19 =	sld [smem:$0x3FDB];
	_ =	sdelay $0x1  }
0x99: {  	s20 =	simm.s32 $_scs_section_size  }
0x9a: {  	s4 =	simm.s32 $_size__tile_overlayer_lowered;
	s5 =	simm.s32 $_tile_overlayer_lowered  }
0x9b: {  	s6 =	simm.s32 $0x1BFF;
	s21 =	sshll.u32 s5, $0x1;
	s3 =	sadd.s32 s20, s19  }
0x9c: {  	s22 =	simm.s32 $0x0;
	s4 =	sshll.u32 s4, $0x1;
	s5 =	sadd.s32 s21, s3  }
0x9d: {  	[timem:s22], [sflag:s6] =	dma.local [hbm:s5], s4  }
0x9e: {  	_ =	swait.ge [sflag:s6], s4  }
0x9f: {  	s4 =	ssub.s32 $0x0, s4;
	[sflag:s6] =	ssyncset.done $0x0  }
0xa0: {  	[sflag:s6] =	ssyncadd.s32 s4;
	_ =	sdelay $0x1  }
0xa1: {  	s23 =	simm.s32 $0x1B8B  }
0xa2: {  	_ =	swait.ge [sflag:s23], $0x1  }
0xa3: {  	[sflag:s23] =	ssyncset.done $0x0  }
0xa4: {  	[sflag:s23] =	ssyncadd.s32 $0xFFFFFFFF  }
0xa5: {  	s4 =	sld [smem:$0x0]  }
0xa6: {  	s5 =	sand.u32 $0xFFFFFFFE, s1  }
0xa7: {  	p0 =	sne.s32 s1, s5  }
0xa8: {  	s5 =	sshll.u32 @p0 s5, $0xE  }
0xa9: {  	s5 =	sadd.s32 @p0 $0x11B8D, s5;
	s6 =	sshll.u32 @p0 s4, $0x11  }
0xaa: {  	s5 =	sor.u32 @p0 s6, s5  }
0xab: {  	[sflag:s5] =	ssyncadd.remote.s32 @p0 $0x1;
	_ =	sdelay $0x1  }
0xac: {  	s5 =	simm.s32 @p0 $0x1B8D  }
0xad: {  	_ =	swait.eq @p0 [sflag:s5], $0x1  }
0xae: {  	[sflag:s5] =	ssyncadd.s32 @p0 $0xFFFFFFFF  }
0xaf: {  	s6 =	sshll.u32 @!p0 s1, $0xE  }
0xb0: {  	s6 =	sor.u32 @!p0 $0x4000, s6;
	s5 =	simm.s32 @!p0 $0x1B8D  }
0xb1: {  	s4 =	sshll.u32 @!p0 s4, $0x11;
	s6 =	sadd.s32 @!p0 $0x11B8D, s6;
	_ =	swait.eq @!p0 [sflag:s5], $0x1  }
0xb2: {  	s4 =	sor.u32 @!p0 s4, s6;
	[sflag:s5] =	ssyncadd.s32 @!p0 $0xFFFFFFFF  }
0xb3: {  	s25 =	simm.s32 $0x1B8E;
	s24 =	sld [smem:$0x3FFE];
	[sflag:s4] =	ssyncadd.remote.s32 @!p0 $0x1  }
0xb4: {  	s26 =	simm.s32 $execute0_lowered;
	[smem:$0x3FD2] =	sst s25  }
0xb5: {  	s5 =	sshll.u32 s26, $0x1;
	_ =	strace $0x8000004F;
	[dreg:$0x1] =	wrdreg $0xFFFFFFFF  }
0xb6: {  	s28 =	simm.s32 $_size_execute0_lowered;
	s3 =	sadd.s32 s3, s5;
	[dreg:$0x0] =	wrdreg $0x0  }
0xb7: {  	s5 =	sshll.u32 s28, $0x1;
	[dreg:$0x2] =	wrdreg s3  }
0xb8: {  	[dreg:$0x3] =	wrdreg s5  }
0xb9: {  	[dreg:$0x4] =	wrdreg $0xC0  }
0xba: {  	_ =	task [dreg:s22], $0x5FFFF  }
0xbb: {  	[dreg:$0x1] =	wrdreg $0xFFFFFFFF  }
0xbc: {  	[dreg:$0x0] =	wrdreg $0x60  }
0xbd: {  	[dreg:$0x2] =	wrdreg s24  }
0xbe: {  	[dreg:$0x3] =	wrdreg $0xB  }
0xbf: {  	_ =	task.clear_ibuf [dreg:s22], $0x4FFFF;
	_ =	strace $0x9000004F  }
0xc0: {  	s29 =	simm.s32 $0xB;
	_ =	strace $0x80000051  }
0xc1: {  	_ =	swait.ge [sflag:s29], $0x1  }
0xc2: {  	[sflag:s29] =	ssyncadd.s32 $0xFFFFFFFF  }
0xc3: {  	_ =	strace $0x90000051  }
0xc4: {  	_ =	sfence  }
0xc5: {  	s30 =	sld [smem:$0x0];
	_ =	sdelay $0x2  }
0xc6: {  	s31 =	sshll.u32 s1, $0xD;
	s1 =	sshrl.u32 s1, $0x2  }
0xc7: {  	s4 =	sand.u32 $0x4000, s31;
	s1 =	sadd.s32 s1, s30  }
0xc8: {  	s0 =	sor.u32 s4, s0;
	s1 =	sshll.u32 s1, $0x11  }
0xc9: {  	s0 =	sor.u32 s1, s0  }
0xca: {  	s0 =	sadd.s32 $0x8F2B, s0  }
0xcb: {  	[sflag:s0] =	ssyncadd.remote.s32 $0x1  }
0xcc: {  	_ =	sfence.sel $0xFFFF  }
0xcd: {  	[dreg:$0x0] =	wrdreg $0xFFFFFFFF;
	(pc) =	sbr.abs _section_cstart, $3  }
0xce: {  	[dreg:$0x1] =	wrdreg $0xFFFFFFFF  }
0xcf: {  	_ =	task.clear_ibuf [dreg:s22], $0x2FFFF;
	_ =	strace $0x9FFFFFFF  }
0xd0: {  	(tm) =	ssettm $0x7FFFFFFF  }
0xd1: {  	_ =	shalt  }
tec
execute0_lowered:
.L_overlay_start_1:
0x0: {  	(tag) =	ssettag $0x1  }
0x1: {  	s1 =	srdreg.scid  }
0x2: {  	s0 =	stileid.u32;
	s4 =	rddreg [dreg:$0x0]  }
0x3: {  	s2 =	simm.s32 $0x0;
	s12 =	simm.s32 $0x1;
	s13 =	simm.s32 $0xA200  }
0x4: {  	s14 =	simm.s32 $0x2;
	s15 =	simm.s32 $0x3;
	s16 =	simm.s32 $0x0  }
0x5: {  	s5 =	sand.u32 $0x1, s1;
	s3 =	sshll.u32 s0, $0x1;
	s1 =	rddreg [dreg:$0x1]  }
0x6: {  	[smem:$0x7FF] =	sst s2;
	s10 =	smul.u32 $0xC4000, s0;
	s11 =	sadd.s32 $0x4BE600, s4  }
0x7: {  	s6 =	sor.u32 s5, s3;
	_ =	strace $0x80000050;
	s30 =	smul.u32 $0x62000, s5  }
0x8: {  	s3 =	sadd.s32 $0x3FA600, s4;
	s8 =	ssub.s32 $0x2, s5;
	s7 =	smul.u32 $0x6200, s6  }
0x9: {  	s6 =	smul.u32 $0x62000, s6;
	s9 =	sshrl.u32 s8, $0x1;
	s10 =	sadd.s32 s10, s11  }
0xa: {  	s8 =	ssub.s32 s8, s9;
	s31 =	sadd.s32 s30, s10;
	s9 =	simm.s32 $0x4  }
0xb: {  	s10 =	simm.s32 $0x80;
	s7 =	sshrl.u32 s7, $0x3;
	s5 =	sadd.s32 s11, s6  }
0xc: {  	s6 =	smax.u32 s8, $0x1;
	s8 =	sadd.s32 $0x1800, s31;
	s7 =	sadd.s32 s7, s4  }
0xd: {  	s11 =	simm.s32 $0x6200;
	s4 =	sadd.s32 $0x1AF000, s7;
	s7 =	sadd.s32 $0x800, s5  }
.LBB2_1:
0xe: {  	[tilespmem:s2], [sflag:$0x4] =	stream.linear.gather [hbm4b:s4+s2], $0x6200, $0x38;
	[tilespmem:$0xE200] =	vst v63  }
0xf: {  	_ =	swait.ge [sflag:s9], $0x6200  }
0x10: {  	[sflag:s9] =	ssyncset.done $0x0  }
0x11: {  	[sflag:s9] =	ssyncadd.s32 $0xFFFF9E00  }
0x12: {  	[tilespmem:s11], [sflag:$0x1] =	stream.indirect.gather [hbm4b:s3+s10], $0x80, s2, s10, $0xb8;
	[tilespmem:$0xE200] =	vst v63  }
0x13: {  	_ =	swait.ge [sflag:s12], $0x4000  }
0x14: {  	[sflag:s12] =	ssyncset.done $0x0  }
0x15: {  	[sflag:s12] =	ssyncadd.s32 $0xFFFFC000  }
0x16: {  	[hbm4b:s5+s2] =	stream.linear.scatter [tilespmem:s11], [sflag:$0x2], $0x4000, $0x38;
	[tilespmem:$0xE200] =	vst v63  }
0x17: {  	_ = 	snop  }
0x18: {  	[tilespmem:s13], [sflag:$0x1] =	stream.indirect.gather [hbm4b:s3+s10], $0x80, s10, s10, $0xb8;
	[tilespmem:$0xE200] =	vst v63  }
0x19: {  	_ =	swait.ge [sflag:s12], $0x4000  }
0x1a: {  	[sflag:s12] =	ssyncset.done $0x0  }
0x1b: {  	[sflag:s12] =	ssyncadd.s32 $0xFFFFC000  }
0x1c: {  	[hbm4b:s7+s2] =	stream.linear.scatter [tilespmem:s13], [sflag:$0x3], $0x4000, $0x38;
	[tilespmem:$0xE200] =	vst v63  }
0x1d: {  	_ =	swait.ge [sflag:s14], $0x4000  }
0x1e: {  	[sflag:s14] =	ssyncset.done $0x0  }
0x1f: {  	s17 =	simm.s32 $0x100;
	[sflag:s14] =	ssyncadd.s32 $0xFFFFC000  }
0x20: {  	[tilespmem:s11], [sflag:$0x1] =	stream.indirect.gather [hbm4b:s3+s10], $0x80, s17, s10, $0xb8;
	[tilespmem:$0xE200] =	vst v63  }
0x21: {  	_ =	swait.ge [sflag:s12], $0x4000  }
0x22: {  	[sflag:s12] =	ssyncset.done $0x0  }
0x23: {  	s30 =	sadd.s32 $0xFFFFF800, s8;
	[sflag:s12] =	ssyncadd.s32 $0xFFFFC000  }
0x24: {  	[hbm4b:s30+s2] =	stream.linear.scatter [tilespmem:s11], [sflag:$0x2], $0x4000, $0x38;
	[tilespmem:$0xE200] =	vst v63  }
0x25: {  	_ =	swait.ge [sflag:s15], $0x4000  }
0x26: {  	[sflag:s15] =	ssyncset.done $0x0  }
0x27: {  	s31 =	simm.s32 $0x180;
	[sflag:s15] =	ssyncadd.s32 $0xFFFFC000  }
0x28: {  	[tilespmem:s13], [sflag:$0x1] =	stream.indirect.gather [hbm4b:s3+s10], $0x80, s31, s10, $0xb8;
	[tilespmem:$0xE200] =	vst v63  }
0x29: {  	_ =	swait.ge [sflag:s12], $0x4000  }
0x2a: {  	s18 =	sadd.s32 $0x1000, s8;
	[sflag:s12] =	ssyncset.done $0x0  }
0x2b: {  	s19 =	smov.u32 s8;
	s17 =	simm.s32 $0x400;
	[sflag:s12] =	ssyncadd.s32 $0xFFFFC000  }
.LBB2_2:
0x2c: {  	[hbm4b:s19+s2] =	stream.linear.scatter [tilespmem:s13], [sflag:$0x3], $0x4000, $0x38;
	[tilespmem:$0xE200] =	vst v63  }
0x2d: {  	s20 =	smov.u32 s17;
	s19 =	smov.u32 s18  }
0x2e: {  	p0 =	sne.s32 s17, $0x18000;
	s17 =	sadd.s32 $0x400, s17;
	_ =	swait.ge [sflag:s14], $0x4000  }
0x2f: {  	s20 =	sshra.s32 s20, $0x2;
	[sflag:s14] =	ssyncset.done $0x0  }
0x30: {  	s21 =	sadd.s32 $0x100, s20;
	[sflag:s14] =	ssyncadd.s32 $0xFFFFC000  }
0x31: {  	[tilespmem:s11], [sflag:$0x1] =	stream.indirect.gather [hbm4b:s3+s10], $0x80, s21, s10, $0xb8;
	[tilespmem:$0xE200] =	vst v63  }
0x32: {  	_ =	swait.ge [sflag:s12], $0x4000  }
0x33: {  	[sflag:s12] =	ssyncset.done $0x0  }
0x34: {  	s21 =	sadd.s32 $0xFFFFF800, s18;
	[sflag:s12] =	ssyncadd.s32 $0xFFFFC000  }
0x35: {  	[hbm4b:s21+s2] =	stream.linear.scatter [tilespmem:s11], [sflag:$0x2], $0x4000, $0x38;
	[tilespmem:$0xE200] =	vst v63  }
0x36: {  	_ =	swait.ge [sflag:s15], $0x4000  }
0x37: {  	[sflag:s15] =	ssyncset.done $0x0  }
.Ltmp0:
0x38: {  	s20 =	sadd.s32 $0x180, s20;
	[sflag:s15] =	ssyncadd.s32 $0xFFFFC000;
	(pc) =	sbr.rel @p0 .LBB2_2-.Ltmp0, $4  }
0x39: {  	[tilespmem:s13], [sflag:$0x1] =	stream.indirect.gather [hbm4b:s3+s10], $0x80, s20, s10, $0xb8;
	[tilespmem:$0xE200] =	vst v63  }
0x3a: {  	_ =	swait.ge [sflag:s12], $0x4000  }
0x3b: {  	[sflag:s12] =	ssyncset.done $0x0  }
0x3c: {  	s18 =	sadd.s32 $0x1000, s18;
	[sflag:s12] =	ssyncadd.s32 $0xFFFFC000  }
0x3d: {  	[hbm4b:s19+s2] =	stream.linear.scatter [tilespmem:s13], [sflag:$0x3], $0x4000, $0x38;
	[tilespmem:$0xE200] =	vst v63  }
0x3e: {  	s16 =	sadd.s32 $0x1, s16  }
0x3f: {  	_ =	swait.ge [sflag:s14], $0x4000;
	p0 =	sne.s32 s16, s6  }
.Ltmp1:
0x40: {  	[sflag:s14] =	ssyncset.done $0x0;
	(pc) =	sbr.rel @p0 .LBB2_1-.Ltmp1, $4  }
0x41: {  	[sflag:s14] =	ssyncadd.s32 $0xFFFFC000  }
0x42: {  	_ =	swait.ge [sflag:s15], $0x4000  }
0x43: {  	[sflag:s15] =	ssyncset.done $0x0  }
0x44: {  	[sflag:s15] =	ssyncadd.s32 $0xFFFFC000  }
0x45: {  	_ =	sfence.sel $0x180000  }
0x46: {  	[bflag:$0x0] =	sbarrier.arrive $0xFFFF  }
0x47: {  	p0 =	sne.s32 s0, $0x0;
	_ =	strace $0x90000050  }
0x48: {  	s0 =	sadd.s32 @!p0 $0x100000, s1;
	[bflag:$0x2] =	sbarrier.arrive $0xFFFF  }
0x49: {  	[sflag:s0] =	ssyncadd.tile.s32 @!p0 $0x1;
	_ =	shalt  }
.Lfunc_end2:
_tile_overlayer_lowered:
.L_overlay_start_2:
0x4a: {  	(tag) =	ssettag $0x2  }
0x4b: {  	s0 =	rddreg [dreg:$0x0];
	s2 =	stileid.u32  }
0x4c: {  	s1 =	rddreg [dreg:$0x1];
	p0 =	sne.s32 s2, $0x0  }
0x4d: {  	s3 =	rddreg [dreg:$0x2];
	[bflag:$0x3] =	sbarrier.arrive $0xFFFF;
	s2 =	simm.s32 @!p0 $0x1C04  }
0x4e: {  	[timem:s3], [sflag:s2] =	dma.local @!p0 [hbm:s0], s1  }
0x4f: {  	s0 =	simm.s32 @!p0 $0x4  }
0x50: {  	_ =	swait.ge @!p0 [sflag:s0], s1  }
0x51: {  	s1 =	ssub.s32 @!p0 $0x0, s1;
	[sflag:s0] =	ssyncset.done @!p0 $0x0  }
0x52: {  	[sflag:s0] =	ssyncadd.s32 @!p0 s1  }
0x53: {  	[bflag:$0x3] =	sbarrier.arrive $0xFFFF  }
0x54: {  	_ =	shalt  }

// kernel: kernel.18.cloned.1.call-start
scs
__scs_entry_jumppad:
0x0: {  	(pc) =	sbr.rel $0x88, $3  }
0x1: {  	(tag) =	ssettag $0x0;
	lr =	simm.s32 $0x1  }
0x2: {  	[smem:$0x3F37] =	sst lr;
	_ =	strace $0xD0000000  }
0x3: {  	_ = 	snop  }
0x4: {  	_ = 	snop  }
0x5: {  	_ = 	snop  }
0x6: {  	_ = 	snop  }
0x7: {  	_ = 	snop  }
__scs_overlays_trampoline_lowered:
0x8: {  	[smem:$0x3F46] =	sst s0  }
0x9: {  	[smem:$0x3F47] =	sst s1  }
0xa: {  	[smem:$0x3F48] =	sst s2  }
0xb: {  	[smem:$0x3F49] =	sst s3  }
0xc: {  	[smem:$0x3F4A] =	sst s4  }
0xd: {  	[smem:$0x3F4B] =	sst s5  }
0xe: {  	[smem:$0x3F4C] =	sst s6  }
0xf: {  	[smem:$0x3F4D] =	sst s7  }
0x10: {  	[smem:$0x3F4E] =	sst s8  }
0x11: {  	[smem:$0x3F4F] =	sst s9;
	s0 =	simm.s32 @!p0 $0x0  }
0x12: {  	s1 =	sld [smem:$0x3F35];
	s0 =	simm.s32 @p0 $0x1  }
0x13: {  	[smem:$0x3F50] =	sst s0;
	s0 =	simm.s32 @!p1 $0x0  }
0x14: {  	s2 =	sld [smem:$0x3F34];
	s0 =	simm.s32 @p1 $0x1  }
0x15: {  	[smem:$0x3F51] =	sst s0;
	s0 =	simm.s32 @!p2 $0x0  }
0x16: {  	s3 =	sld [smem:$0x3FDB];
	s0 =	simm.s32 @p2 $0x1  }
0x17: {  	s4 =	simm.s32 $0x1BF5;
	[smem:$0x3F53] =	sst s0  }
0x18: {  	s0 =	sld [smem:$0x3F36];
	_ =	swait.ge [sflag:s4], $0x0  }
0x19: {  	s7 =	sld [smem:$0x3F37]  }
0x1a: {  	s8 =	sadd.s32 $0xFFFFE003, lr  }
0x1b: {  	s9 =	sadd.s32 $0xFFFFFEF7, lr;
	s5 =	simm.s32 $0xFFFFFFFF;
	p2 =	slt.u32 s8, $0xFFFFF086  }
0x1c: {  	p1 =	slt.u32 s9, $0xF7A;
	s5 =	simm.s32 @!p2 $0x0  }
0x1d: {  	s5 =	simm.s32 @p1 $0x1;
	p0 =	seq.s32 s7, s2  }
0x1e: {  	s7 =	smul.u32 @!p0 $0xF7A, s2;
	p2 =	seq.s32 @!p0 s5, $0x0  }
0x1f: {  	s9 =	smul.u32 $0xF7A, s1;
	s8 =	simm.s32 @!p0 $0x1BF5;
	p2 =	por !p2, p0  }
0x20: {  	[sflag:s8] =	ssyncset.s32 @!p0 $0xFFFFF086;
	s6 =	sadd.s32 @!p0 s3, s7;
	s7 =	simm.s32 @!p0 $0x108  }
0x21: {  	s3 =	sadd.s32 s3, s9;
	s6 =	sadd.s32 @!p0 $0x88, s6;
	s7 =	simm.s32 @p2 $0x1082  }
0x22: {  	[simem:s7], [sflag:s8] =	dma.local @!p0 [hbm:s6], $0xF7A  }
0x23: {  	s9 =	sor.u32 $0xD0000000, s2;
	s6 =	simm.s32 $0x108;
	_ =	swait.ge @!p0 [sflag:s8], $0x0  }
0x24: {  	s3 =	sadd.s32 $0x88, s3;
	s6 =	simm.s32 @!p1 $0x1082;
	[sflag:s4] =	ssyncset.s32 $0xFFFFF086  }
0x25: {  	[simem:s6], [sflag:s4] =	dma.local [hbm:s3], $0xF7A  }
0x26: {  	[smem:$0x3F37] =	sst s1;
	(tag) =	ssettag s2;
	_ =	strace s9  }
0x27: {  	s1 =	sld [smem:$0x3F47]  }
0x28: {  	s2 =	sld [smem:$0x3F48]  }
0x29: {  	s4 =	sld [smem:$0x3F4A]  }
0x2a: {  	p0 =	seq.s32 s5, $0x0;
	s5 =	sld [smem:$0x3F4B]  }
0x2b: {  	s6 =	sld [smem:$0x3F4C]  }
0x2c: {  	s7 =	sld [smem:$0x3F4D]  }
0x2d: {  	s3 =	simm.s32 $0x108;
	s8 =	sld [smem:$0x3F4E]  }
0x2e: {  	s3 =	simm.s32 @!p0 $0x1082;
	s9 =	sld [smem:$0x3F4F]  }
0x2f: {  	lr =	sadd.s32 s0, s3;
	s0 =	sld [smem:$0x3F46]  }
0x30: {  	s3 =	sld [smem:$0x3F49]  }
0x31: {  	[smem:$0x3F52] =	sst s10  }
0x32: {  	s10 =	sld [smem:$0x3F50];
	_ =	sdelay $0x3  }
0x33: {  	p0 =	seq.s32 s10, $0x1;
	s10 =	sld [smem:$0x3F52];
	_ =	sdelay $0x3  }
0x34: {  	[smem:$0x3F52] =	sst s10  }
0x35: {  	s10 =	sld [smem:$0x3F51];
	_ =	sdelay $0x3  }
0x36: {  	p1 =	seq.s32 s10, $0x1;
	s10 =	sld [smem:$0x3F52];
	_ =	sdelay $0x3  }
0x37: {  	[smem:$0x3F52] =	sst s10  }
0x38: {  	s10 =	sld [smem:$0x3F53]  }
0x39: {  	_ = 	snop;
	(pc) =	sbr.ind lr, $3  }
0x3a: {  	_ = 	snop  }
0x3b: {  	_ = 	snop  }
0x3c: {  	p2 =	seq.s32 s10, $0x1;
	s10 =	sld [smem:$0x3F52]  }
0x3d: {  	_ =	shalt  }
0x3e: {  	_ =	shalt  }
0x3f: {  	_ =	shalt  }
0x40: {  	_ =	shalt  }
0x41: {  	_ =	shalt  }
0x42: {  	_ =	shalt  }
0x43: {  	_ =	shalt  }
0x44: {  	_ =	shalt  }
0x45: {  	_ =	shalt  }
0x46: {  	_ =	shalt  }
0x47: {  	_ =	shalt  }
0x48: {  	_ =	shalt  }
0x49: {  	_ =	shalt  }
0x4a: {  	_ =	shalt  }
0x4b: {  	_ =	shalt  }
0x4c: {  	_ =	shalt  }
0x4d: {  	_ =	shalt  }
0x4e: {  	_ =	shalt  }
0x4f: {  	_ =	shalt  }
0x50: {  	_ =	shalt  }
0x51: {  	_ =	shalt  }
0x52: {  	_ =	shalt  }
0x53: {  	_ =	shalt  }
0x54: {  	_ =	shalt  }
0x55: {  	_ =	shalt  }
0x56: {  	_ =	shalt  }
0x57: {  	_ =	shalt  }
0x58: {  	_ =	shalt  }
0x59: {  	_ =	shalt  }
0x5a: {  	_ =	shalt  }
0x5b: {  	_ =	shalt  }
0x5c: {  	_ =	shalt  }
0x5d: {  	_ =	shalt  }
0x5e: {  	_ =	shalt  }
0x5f: {  	_ =	shalt  }
0x60: {  	_ =	shalt  }
0x61: {  	_ =	shalt  }
0x62: {  	_ =	shalt  }
0x63: {  	_ =	shalt  }
0x64: {  	_ =	shalt  }
0x65: {  	_ =	shalt  }
0x66: {  	_ =	shalt  }
0x67: {  	_ =	shalt  }
0x68: {  	_ =	shalt  }
0x69: {  	_ =	shalt  }
0x6a: {  	_ =	shalt  }
0x6b: {  	_ =	shalt  }
0x6c: {  	_ =	shalt  }
0x6d: {  	_ =	shalt  }
0x6e: {  	_ =	shalt  }
0x6f: {  	_ =	shalt  }
0x70: {  	_ =	shalt  }
0x71: {  	_ =	shalt  }
0x72: {  	_ =	shalt  }
0x73: {  	_ =	shalt  }
0x74: {  	_ =	shalt  }
0x75: {  	_ =	shalt  }
0x76: {  	_ =	shalt  }
0x77: {  	_ =	shalt  }
0x78: {  	_ =	shalt  }
0x79: {  	_ =	shalt  }
0x7a: {  	_ =	shalt  }
0x7b: {  	_ =	shalt  }
0x7c: {  	_ =	shalt  }
0x7d: {  	_ =	shalt  }
0x7e: {  	_ =	shalt  }
0x7f: {  	_ =	shalt  }
0x80: {  	_ =	shalt  }
0x81: {  	_ =	shalt  }
0x82: {  	_ =	shalt  }
0x83: {  	_ =	shalt  }
0x84: {  	_ =	shalt  }
0x85: {  	_ =	shalt  }
0x86: {  	_ =	shalt  }
0x87: {  	_ =	shalt  }
.Lfunc_end0:
.L_simem_size_0:
called_computation.4_lowered:
.L_overlay_start_0:
0x88: {  	s2 =	sld [smem:$0x3FD9]  }
0x89: {  	s3 =	sld [smem:$0x3FFE];
	_ =	sdelay $0x1  }
0x8a: {  	s1 =	srdreg.scid  }
0x8b: {  	s0 =	sand.u32 $0x1, s1  }
0x8c: {  	s16 =	sshll.u32 s0, $0xA;
	s2 =	sadd.s32 s3, s2  }
0x8d: {  	s2 =	sadd.s32 s2, s16  }
0x8e: {  	[smem:$0x3F5E] =	sst s2  }
0x8f: {  	_ = 	snop  }
0x90: {  	(tm) =	ssettm $0x1  }
0x91: {  	s17 =	sld [smem:$0x3FFB];
	_ =	sdelay $0x3  }
0x92: {  	_ =	strace s17  }
0x93: {  	s2 =	sld [smem:$0x3FFC];
	_ =	sdelay $0x3  }
0x94: {  	_ =	strace s2  }
0x95: {  	s2 =	sld [smem:$0x3FFD];
	_ =	sdelay $0x3  }
0x96: {  	_ =	strace s2  }
0x97: {  	_ =	strace $0x8FFFFFFF  }
0x98: {  	s18 =	sld [smem:$0x3FDB];
	_ =	sdelay $0x1  }
0x99: {  	s19 =	simm.s32 $_scs_section_size  }
0x9a: {  	s4 =	simm.s32 $_size__tile_overlayer_lowered;
	s5 =	simm.s32 $_tile_overlayer_lowered  }
0x9b: {  	s22 =	simm.s32 $0x1BFF;
	s21 =	sshll.u32 s5, $0x1;
	s2 =	sadd.s32 s19, s18  }
0x9c: {  	s6 =	simm.s32 $0x0;
	s20 =	sshll.u32 s4, $0x1;
	s4 =	sadd.s32 s21, s2  }
0x9d: {  	[timem:s6], [sflag:s22] =	dma.local [hbm:s4], s20  }
0x9e: {  	_ =	swait.ge [sflag:s22], s20  }
0x9f: {  	s3 =	ssub.s32 $0x0, s20;
	[sflag:s22] =	ssyncset.done $0x0  }
0xa0: {  	[sflag:s22] =	ssyncadd.s32 s3;
	_ =	sdelay $0x1  }
0xa1: {  	s23 =	simm.s32 $0x1B8B  }
0xa2: {  	_ =	swait.ge [sflag:s23], $0x1  }
0xa3: {  	[sflag:s23] =	ssyncset.done $0x0  }
0xa4: {  	s25 =	simm.s32 $0x1B8E;
	s24 =	sld [smem:$0x3FFE];
	[sflag:s23] =	ssyncadd.s32 $0xFFFFFFFF  }
0xa5: {  	s26 =	simm.s32 $execute0_lowered;
	[smem:$0x3FD2] =	sst s25  }
0xa6: {  	s4 =	sshll.u32 s26, $0x1;
	_ =	strace $0x80000052;
	[dreg:$0x1] =	wrdreg $0xFFFFFFFF  }
0xa7: {  	s28 =	simm.s32 $_size_execute0_lowered;
	s2 =	sadd.s32 s2, s4;
	[dreg:$0x0] =	wrdreg $0x0  }
0xa8: {  	s4 =	sshll.u32 s28, $0x1;
	[dreg:$0x2] =	wrdreg s2  }
0xa9: {  	[dreg:$0x3] =	wrdreg s4  }
0xaa: {  	[dreg:$0x4] =	wrdreg $0xC0  }
0xab: {  	_ =	task [dreg:s6], $0x5FFFF  }
0xac: {  	[dreg:$0x1] =	wrdreg $0xFFFFFFFF  }
0xad: {  	[dreg:$0x0] =	wrdreg $0x60  }
0xae: {  	[dreg:$0x2] =	wrdreg s24  }
0xaf: {  	[dreg:$0x3] =	wrdreg $0x9  }
0xb0: {  	_ =	task.clear_ibuf [dreg:s6], $0x4FFFF;
	_ =	strace $0x90000052  }
0xb1: {  	s29 =	simm.s32 $0x9;
	_ =	strace $0x80000054  }
0xb2: {  	_ =	swait.ge [sflag:s29], $0x1  }
0xb3: {  	[sflag:s29] =	ssyncadd.s32 $0xFFFFFFFF  }
0xb4: {  	_ =	strace $0x90000054  }
0xb5: {  	_ =	sfence  }
0xb6: {  	s30 =	sld [smem:$0x0];
	_ =	sdelay $0x2  }
0xb7: {  	s31 =	sshll.u32 s1, $0xD;
	s1 =	sshrl.u32 s1, $0x2  }
0xb8: {  	s3 =	sand.u32 $0x4000, s31;
	s1 =	sadd.s32 s1, s30  }
0xb9: {  	s0 =	sor.u32 s3, s0;
	s1 =	sshll.u32 s1, $0x11  }
0xba: {  	s0 =	sor.u32 s1, s0  }
0xbb: {  	s0 =	sadd.s32 $0x8F2B, s0  }
0xbc: {  	[sflag:s0] =	ssyncadd.remote.s32 $0x1  }
0xbd: {  	_ =	sfence.sel $0xFFFF  }
0xbe: {  	[dreg:$0x0] =	wrdreg $0xFFFFFFFF;
	(pc) =	sbr.abs _section_cstart, $3  }
0xbf: {  	[dreg:$0x1] =	wrdreg $0xFFFFFFFF  }
0xc0: {  	_ =	task.clear_ibuf [dreg:s6], $0x2FFFF;
	_ =	strace $0x9FFFFFFF  }
0xc1: {  	(tm) =	ssettm $0x7FFFFFFF  }
tec
execute0_lowered:
.L_overlay_start_1:
0x0: {  	(tag) =	ssettag $0x1  }
0x1: {  	s1 =	srdreg.scid  }
0x2: {  	s0 =	stileid.u32;
	s4 =	rddreg [dreg:$0x0]  }
0x3: {  	s2 =	simm.s32 $0x0;
	s12 =	simm.s32 $0x1;
	s13 =	simm.s32 $0xA200  }
0x4: {  	s14 =	simm.s32 $0x2;
	s15 =	simm.s32 $0x3;
	s16 =	simm.s32 $0x0  }
0x5: {  	s5 =	sand.u32 $0x1, s1;
	s3 =	sshll.u32 s0, $0x1;
	s1 =	rddreg [dreg:$0x1]  }
0x6: {  	[smem:$0x7FF] =	sst s2;
	s10 =	smul.u32 $0xC4000, s0;
	s11 =	sadd.s32 $0x3FA600, s4  }
0x7: {  	s6 =	sor.u32 s5, s3;
	_ =	strace $0x80000053;
	s30 =	smul.u32 $0x62000, s5  }
0x8: {  	s3 =	sadd.s32 $0x336600, s4;
	s8 =	ssub.s32 $0x2, s5;
	s7 =	smul.u32 $0x6200, s6  }
0x9: {  	s6 =	smul.u32 $0x62000, s6;
	s9 =	sshrl.u32 s8, $0x1;
	s10 =	sadd.s32 s10, s11  }
0xa: {  	s8 =	ssub.s32 s8, s9;
	s31 =	sadd.s32 s30, s10;
	s9 =	simm.s32 $0x4  }
0xb: {  	s10 =	simm.s32 $0x80;
	s7 =	sshrl.u32 s7, $0x3;
	s5 =	sadd.s32 s11, s6  }
0xc: {  	s6 =	smax.u32 s8, $0x1;
	s8 =	sadd.s32 $0x1800, s31;
	s7 =	sadd.s32 s7, s4  }
0xd: {  	s11 =	simm.s32 $0x6200;
	s4 =	sadd.s32 $0x1AF000, s7;
	s7 =	sadd.s32 $0x800, s5  }
.LBB2_1:
0xe: {  	[tilespmem:s2], [sflag:$0x4] =	stream.linear.gather [hbm4b:s4+s2], $0x6200, $0x38;
	[tilespmem:$0xE200] =	vst v63  }
0xf: {  	_ =	swait.ge [sflag:s9], $0x6200  }
0x10: {  	[sflag:s9] =	ssyncset.done $0x0  }
0x11: {  	[sflag:s9] =	ssyncadd.s32 $0xFFFF9E00  }
0x12: {  	[tilespmem:s11], [sflag:$0x1] =	stream.indirect.gather [hbm4b:s3+s10], $0x80, s2, s10, $0xb8;
	[tilespmem:$0xE200] =	vst v63  }
0x13: {  	_ =	swait.ge [sflag:s12], $0x4000  }
0x14: {  	[sflag:s12] =	ssyncset.done $0x0  }
0x15: {  	[sflag:s12] =	ssyncadd.s32 $0xFFFFC000  }
0x16: {  	[hbm4b:s5+s2] =	stream.linear.scatter [tilespmem:s11], [sflag:$0x2], $0x4000, $0x38;
	[tilespmem:$0xE200] =	vst v63  }
0x17: {  	_ = 	snop  }
0x18: {  	[tilespmem:s13], [sflag:$0x1] =	stream.indirect.gather [hbm4b:s3+s10], $0x80, s10, s10, $0xb8;
	[tilespmem:$0xE200] =	vst v63  }
0x19: {  	_ =	swait.ge [sflag:s12], $0x4000  }
0x1a: {  	[sflag:s12] =	ssyncset.done $0x0  }
0x1b: {  	[sflag:s12] =	ssyncadd.s32 $0xFFFFC000  }
0x1c: {  	[hbm4b:s7+s2] =	stream.linear.scatter [tilespmem:s13], [sflag:$0x3], $0x4000, $0x38;
	[tilespmem:$0xE200] =	vst v63  }
0x1d: {  	_ =	swait.ge [sflag:s14], $0x4000  }
0x1e: {  	[sflag:s14] =	ssyncset.done $0x0  }
0x1f: {  	s17 =	simm.s32 $0x100;
	[sflag:s14] =	ssyncadd.s32 $0xFFFFC000  }
0x20: {  	[tilespmem:s11], [sflag:$0x1] =	stream.indirect.gather [hbm4b:s3+s10], $0x80, s17, s10, $0xb8;
	[tilespmem:$0xE200] =	vst v63  }
0x21: {  	_ =	swait.ge [sflag:s12], $0x4000  }
0x22: {  	[sflag:s12] =	ssyncset.done $0x0  }
0x23: {  	s30 =	sadd.s32 $0xFFFFF800, s8;
	[sflag:s12] =	ssyncadd.s32 $0xFFFFC000  }
0x24: {  	[hbm4b:s30+s2] =	stream.linear.scatter [tilespmem:s11], [sflag:$0x2], $0x4000, $0x38;
	[tilespmem:$0xE200] =	vst v63  }
0x25: {  	_ =	swait.ge [sflag:s15], $0x4000  }
0x26: {  	[sflag:s15] =	ssyncset.done $0x0  }
0x27: {  	s31 =	simm.s32 $0x180;
	[sflag:s15] =	ssyncadd.s32 $0xFFFFC000  }
0x28: {  	[tilespmem:s13], [sflag:$0x1] =	stream.indirect.gather [hbm4b:s3+s10], $0x80, s31, s10, $0xb8;
	[tilespmem:$0xE200] =	vst v63  }
0x29: {  	_ =	swait.ge [sflag:s12], $0x4000  }
0x2a: {  	s18 =	sadd.s32 $0x1000, s8;
	[sflag:s12] =	ssyncset.done $0x0  }
0x2b: {  	s19 =	smov.u32 s8;
	s17 =	simm.s32 $0x400;
	[sflag:s12] =	ssyncadd.s32 $0xFFFFC000  }
.LBB2_2:
0x2c: {  	[hbm4b:s19+s2] =	stream.linear.scatter [tilespmem:s13], [sflag:$0x3], $0x4000, $0x38;
	[tilespmem:$0xE200] =	vst v63  }
0x2d: {  	s20 =	smov.u32 s17;
	s19 =	smov.u32 s18  }
0x2e: {  	p0 =	sne.s32 s17, $0x18000;
	s17 =	sadd.s32 $0x400, s17;
	_ =	swait.ge [sflag:s14], $0x4000  }
0x2f: {  	s20 =	sshra.s32 s20, $0x2;
	[sflag:s14] =	ssyncset.done $0x0  }
0x30: {  	s21 =	sadd.s32 $0x100, s20;
	[sflag:s14] =	ssyncadd.s32 $0xFFFFC000  }
0x31: {  	[tilespmem:s11], [sflag:$0x1] =	stream.indirect.gather [hbm4b:s3+s10], $0x80, s21, s10, $0xb8;
	[tilespmem:$0xE200] =	vst v63  }
0x32: {  	_ =	swait.ge [sflag:s12], $0x4000  }
0x33: {  	[sflag:s12] =	ssyncset.done $0x0  }
0x34: {  	s21 =	sadd.s32 $0xFFFFF800, s18;
	[sflag:s12] =	ssyncadd.s32 $0xFFFFC000  }
0x35: {  	[hbm4b:s21+s2] =	stream.linear.scatter [tilespmem:s11], [sflag:$0x2], $0x4000, $0x38;
	[tilespmem:$0xE200] =	vst v63  }
0x36: {  	_ =	swait.ge [sflag:s15], $0x4000  }
0x37: {  	[sflag:s15] =	ssyncset.done $0x0  }
.Ltmp0:
0x38: {  	s20 =	sadd.s32 $0x180, s20;
	[sflag:s15] =	ssyncadd.s32 $0xFFFFC000;
	(pc) =	sbr.rel @p0 .LBB2_2-.Ltmp0, $4  }
0x39: {  	[tilespmem:s13], [sflag:$0x1] =	stream.indirect.gather [hbm4b:s3+s10], $0x80, s20, s10, $0xb8;
	[tilespmem:$0xE200] =	vst v63  }
0x3a: {  	_ =	swait.ge [sflag:s12], $0x4000  }
0x3b: {  	[sflag:s12] =	ssyncset.done $0x0  }
0x3c: {  	s18 =	sadd.s32 $0x1000, s18;
	[sflag:s12] =	ssyncadd.s32 $0xFFFFC000  }
0x3d: {  	[hbm4b:s19+s2] =	stream.linear.scatter [tilespmem:s13], [sflag:$0x3], $0x4000, $0x38;
	[tilespmem:$0xE200] =	vst v63  }
0x3e: {  	s16 =	sadd.s32 $0x1, s16  }
0x3f: {  	_ =	swait.ge [sflag:s14], $0x4000;
	p0 =	sne.s32 s16, s6  }
.Ltmp1:
0x40: {  	[sflag:s14] =	ssyncset.done $0x0;
	(pc) =	sbr.rel @p0 .LBB2_1-.Ltmp1, $4  }
0x41: {  	[sflag:s14] =	ssyncadd.s32 $0xFFFFC000  }
0x42: {  	_ =	swait.ge [sflag:s15], $0x4000  }
0x43: {  	[sflag:s15] =	ssyncset.done $0x0  }
0x44: {  	[sflag:s15] =	ssyncadd.s32 $0xFFFFC000  }
0x45: {  	_ =	sfence.sel $0x180000  }
0x46: {  	[bflag:$0x0] =	sbarrier.arrive $0xFFFF  }
0x47: {  	p0 =	sne.s32 s0, $0x0;
	_ =	strace $0x90000053  }
0x48: {  	s0 =	sadd.s32 @!p0 $0x100000, s1;
	[bflag:$0x2] =	sbarrier.arrive $0xFFFF  }
0x49: {  	[sflag:s0] =	ssyncadd.tile.s32 @!p0 $0x1;
	_ =	shalt  }
.Lfunc_end2:
_tile_overlayer_lowered:
.L_overlay_start_2:
0x4a: {  	(tag) =	ssettag $0x2  }
0x4b: {  	s0 =	rddreg [dreg:$0x0];
	s2 =	stileid.u32  }
0x4c: {  	s1 =	rddreg [dreg:$0x1];
	p0 =	sne.s32 s2, $0x0  }
0x4d: {  	s3 =	rddreg [dreg:$0x2];
	[bflag:$0x3] =	sbarrier.arrive $0xFFFF;
	s2 =	simm.s32 @!p0 $0x1C04  }
0x4e: {  	[timem:s3], [sflag:s2] =	dma.local @!p0 [hbm:s0], s1  }
0x4f: {  	s0 =	simm.s32 @!p0 $0x4  }
0x50: {  	_ =	swait.ge @!p0 [sflag:s0], s1  }
0x51: {  	s1 =	ssub.s32 @!p0 $0x0, s1;
	[sflag:s0] =	ssyncset.done @!p0 $0x0  }
0x52: {  	[sflag:s0] =	ssyncadd.s32 @!p0 s1  }
0x53: {  	[bflag:$0x3] =	sbarrier.arrive $0xFFFF  }
0x54: {  	_ =	shalt  }

// kernel: kernel.21.cloned.1.call-start
scs
__scs_entry_jumppad:
0x0: {  	(pc) =	sbr.rel $0x88, $3  }
0x1: {  	(tag) =	ssettag $0x0;
	lr =	simm.s32 $0x1  }
0x2: {  	[smem:$0x3F37] =	sst lr;
	_ =	strace $0xD0000000  }
0x3: {  	_ = 	snop  }
0x4: {  	_ = 	snop  }
0x5: {  	_ = 	snop  }
0x6: {  	_ = 	snop  }
0x7: {  	_ = 	snop  }
__scs_overlays_trampoline_lowered:
0x8: {  	[smem:$0x3F46] =	sst s0  }
0x9: {  	[smem:$0x3F47] =	sst s1  }
0xa: {  	[smem:$0x3F48] =	sst s2  }
0xb: {  	[smem:$0x3F49] =	sst s3  }
0xc: {  	[smem:$0x3F4A] =	sst s4  }
0xd: {  	[smem:$0x3F4B] =	sst s5  }
0xe: {  	[smem:$0x3F4C] =	sst s6  }
0xf: {  	[smem:$0x3F4D] =	sst s7  }
0x10: {  	[smem:$0x3F4E] =	sst s8  }
0x11: {  	[smem:$0x3F4F] =	sst s9;
	s0 =	simm.s32 @!p0 $0x0  }
0x12: {  	s1 =	sld [smem:$0x3F35];
	s0 =	simm.s32 @p0 $0x1  }
0x13: {  	[smem:$0x3F50] =	sst s0;
	s0 =	simm.s32 @!p1 $0x0  }
0x14: {  	s2 =	sld [smem:$0x3F34];
	s0 =	simm.s32 @p1 $0x1  }
0x15: {  	[smem:$0x3F51] =	sst s0;
	s0 =	simm.s32 @!p2 $0x0  }
0x16: {  	s3 =	sld [smem:$0x3FDB];
	s0 =	simm.s32 @p2 $0x1  }
0x17: {  	s4 =	simm.s32 $0x1BF5;
	[smem:$0x3F53] =	sst s0  }
0x18: {  	s0 =	sld [smem:$0x3F36];
	_ =	swait.ge [sflag:s4], $0x0  }
0x19: {  	s7 =	sld [smem:$0x3F37]  }
0x1a: {  	s8 =	sadd.s32 $0xFFFFE003, lr  }
0x1b: {  	s9 =	sadd.s32 $0xFFFFFEF7, lr;
	s5 =	simm.s32 $0xFFFFFFFF;
	p2 =	slt.u32 s8, $0xFFFFF086  }
0x1c: {  	p1 =	slt.u32 s9, $0xF7A;
	s5 =	simm.s32 @!p2 $0x0  }
0x1d: {  	s5 =	simm.s32 @p1 $0x1;
	p0 =	seq.s32 s7, s2  }
0x1e: {  	s7 =	smul.u32 @!p0 $0xF7A, s2;
	p2 =	seq.s32 @!p0 s5, $0x0  }
0x1f: {  	s9 =	smul.u32 $0xF7A, s1;
	s8 =	simm.s32 @!p0 $0x1BF5;
	p2 =	por !p2, p0  }
0x20: {  	[sflag:s8] =	ssyncset.s32 @!p0 $0xFFFFF086;
	s6 =	sadd.s32 @!p0 s3, s7;
	s7 =	simm.s32 @!p0 $0x108  }
0x21: {  	s3 =	sadd.s32 s3, s9;
	s6 =	sadd.s32 @!p0 $0x88, s6;
	s7 =	simm.s32 @p2 $0x1082  }
0x22: {  	[simem:s7], [sflag:s8] =	dma.local @!p0 [hbm:s6], $0xF7A  }
0x23: {  	s9 =	sor.u32 $0xD0000000, s2;
	s6 =	simm.s32 $0x108;
	_ =	swait.ge @!p0 [sflag:s8], $0x0  }
0x24: {  	s3 =	sadd.s32 $0x88, s3;
	s6 =	simm.s32 @!p1 $0x1082;
	[sflag:s4] =	ssyncset.s32 $0xFFFFF086  }
0x25: {  	[simem:s6], [sflag:s4] =	dma.local [hbm:s3], $0xF7A  }
0x26: {  	[smem:$0x3F37] =	sst s1;
	(tag) =	ssettag s2;
	_ =	strace s9  }
0x27: {  	s1 =	sld [smem:$0x3F47]  }
0x28: {  	s2 =	sld [smem:$0x3F48]  }
0x29: {  	s4 =	sld [smem:$0x3F4A]  }
0x2a: {  	p0 =	seq.s32 s5, $0x0;
	s5 =	sld [smem:$0x3F4B]  }
0x2b: {  	s6 =	sld [smem:$0x3F4C]  }
0x2c: {  	s7 =	sld [smem:$0x3F4D]  }
0x2d: {  	s3 =	simm.s32 $0x108;
	s8 =	sld [smem:$0x3F4E]  }
0x2e: {  	s3 =	simm.s32 @!p0 $0x1082;
	s9 =	sld [smem:$0x3F4F]  }
0x2f: {  	lr =	sadd.s32 s0, s3;
	s0 =	sld [smem:$0x3F46]  }
0x30: {  	s3 =	sld [smem:$0x3F49]  }
0x31: {  	[smem:$0x3F52] =	sst s10  }
0x32: {  	s10 =	sld [smem:$0x3F50];
	_ =	sdelay $0x3  }
0x33: {  	p0 =	seq.s32 s10, $0x1;
	s10 =	sld [smem:$0x3F52];
	_ =	sdelay $0x3  }
0x34: {  	[smem:$0x3F52] =	sst s10  }
0x35: {  	s10 =	sld [smem:$0x3F51];
	_ =	sdelay $0x3  }
0x36: {  	p1 =	seq.s32 s10, $0x1;
	s10 =	sld [smem:$0x3F52];
	_ =	sdelay $0x3  }
0x37: {  	[smem:$0x3F52] =	sst s10  }
0x38: {  	s10 =	sld [smem:$0x3F53]  }
0x39: {  	_ = 	snop;
	(pc) =	sbr.ind lr, $3  }
0x3a: {  	_ = 	snop  }
0x3b: {  	_ = 	snop  }
0x3c: {  	p2 =	seq.s32 s10, $0x1;
	s10 =	sld [smem:$0x3F52]  }
0x3d: {  	_ =	shalt  }
0x3e: {  	_ =	shalt  }
0x3f: {  	_ =	shalt  }
0x40: {  	_ =	shalt  }
0x41: {  	_ =	shalt  }
0x42: {  	_ =	shalt  }
0x43: {  	_ =	shalt  }
0x44: {  	_ =	shalt  }
0x45: {  	_ =	shalt  }
0x46: {  	_ =	shalt  }
0x47: {  	_ =	shalt  }
0x48: {  	_ =	shalt  }
0x49: {  	_ =	shalt  }
0x4a: {  	_ =	shalt  }
0x4b: {  	_ =	shalt  }
0x4c: {  	_ =	shalt  }
0x4d: {  	_ =	shalt  }
0x4e: {  	_ =	shalt  }
0x4f: {  	_ =	shalt  }
0x50: {  	_ =	shalt  }
0x51: {  	_ =	shalt  }
0x52: {  	_ =	shalt  }
0x53: {  	_ =	shalt  }
0x54: {  	_ =	shalt  }
0x55: {  	_ =	shalt  }
0x56: {  	_ =	shalt  }
0x57: {  	_ =	shalt  }
0x58: {  	_ =	shalt  }
0x59: {  	_ =	shalt  }
0x5a: {  	_ =	shalt  }
0x5b: {  	_ =	shalt  }
0x5c: {  	_ =	shalt  }
0x5d: {  	_ =	shalt  }
0x5e: {  	_ =	shalt  }
0x5f: {  	_ =	shalt  }
0x60: {  	_ =	shalt  }
0x61: {  	_ =	shalt  }
0x62: {  	_ =	shalt  }
0x63: {  	_ =	shalt  }
0x64: {  	_ =	shalt  }
0x65: {  	_ =	shalt  }
0x66: {  	_ =	shalt  }
0x67: {  	_ =	shalt  }
0x68: {  	_ =	shalt  }
0x69: {  	_ =	shalt  }
0x6a: {  	_ =	shalt  }
0x6b: {  	_ =	shalt  }
0x6c: {  	_ =	shalt  }
0x6d: {  	_ =	shalt  }
0x6e: {  	_ =	shalt  }
0x6f: {  	_ =	shalt  }
0x70: {  	_ =	shalt  }
0x71: {  	_ =	shalt  }
0x72: {  	_ =	shalt  }
0x73: {  	_ =	shalt  }
0x74: {  	_ =	shalt  }
0x75: {  	_ =	shalt  }
0x76: {  	_ =	shalt  }
0x77: {  	_ =	shalt  }
0x78: {  	_ =	shalt  }
0x79: {  	_ =	shalt  }
0x7a: {  	_ =	shalt  }
0x7b: {  	_ =	shalt  }
0x7c: {  	_ =	shalt  }
0x7d: {  	_ =	shalt  }
0x7e: {  	_ =	shalt  }
0x7f: {  	_ =	shalt  }
0x80: {  	_ =	shalt  }
0x81: {  	_ =	shalt  }
0x82: {  	_ =	shalt  }
0x83: {  	_ =	shalt  }
0x84: {  	_ =	shalt  }
0x85: {  	_ =	shalt  }
0x86: {  	_ =	shalt  }
0x87: {  	_ =	shalt  }
.Lfunc_end0:
.L_simem_size_0:
called_computation.5_lowered:
.L_overlay_start_0:
0x88: {  	s2 =	sld [smem:$0x3FD9]  }
0x89: {  	s3 =	sld [smem:$0x3FFE];
	_ =	sdelay $0x1  }
0x8a: {  	s1 =	srdreg.scid  }
0x8b: {  	s0 =	sand.u32 $0x1, s1  }
0x8c: {  	s16 =	sshll.u32 s0, $0xA;
	s2 =	sadd.s32 s3, s2  }
0x8d: {  	s2 =	sadd.s32 s2, s16  }
0x8e: {  	[smem:$0x3F5E] =	sst s2  }
0x8f: {  	_ = 	snop  }
0x90: {  	(tm) =	ssettm $0x1  }
0x91: {  	s17 =	sld [smem:$0x3FFB];
	_ =	sdelay $0x3  }
0x92: {  	_ =	strace s17  }
0x93: {  	s2 =	sld [smem:$0x3FFC];
	_ =	sdelay $0x3  }
0x94: {  	_ =	strace s2  }
0x95: {  	s2 =	sld [smem:$0x3FFD];
	_ =	sdelay $0x3  }
0x96: {  	_ =	strace s2  }
0x97: {  	_ =	strace $0x8FFFFFFF  }
0x98: {  	s18 =	sld [smem:$0x3FDB];
	_ =	sdelay $0x1  }
0x99: {  	s19 =	simm.s32 $_scs_section_size  }
0x9a: {  	s4 =	simm.s32 $_size__tile_overlayer_lowered;
	s5 =	simm.s32 $_tile_overlayer_lowered  }
0x9b: {  	s22 =	simm.s32 $0x1BFF;
	s21 =	sshll.u32 s5, $0x1;
	s2 =	sadd.s32 s19, s18  }
0x9c: {  	s6 =	simm.s32 $0x0;
	s20 =	sshll.u32 s4, $0x1;
	s4 =	sadd.s32 s21, s2  }
0x9d: {  	[timem:s6], [sflag:s22] =	dma.local [hbm:s4], s20  }
0x9e: {  	_ =	swait.ge [sflag:s22], s20  }
0x9f: {  	s3 =	ssub.s32 $0x0, s20;
	[sflag:s22] =	ssyncset.done $0x0  }
0xa0: {  	[sflag:s22] =	ssyncadd.s32 s3;
	_ =	sdelay $0x1  }
0xa1: {  	s23 =	simm.s32 $0x1B8B  }
0xa2: {  	_ =	swait.ge [sflag:s23], $0x1  }
0xa3: {  	[sflag:s23] =	ssyncset.done $0x0  }
0xa4: {  	s25 =	simm.s32 $0x1B8E;
	s24 =	sld [smem:$0x3FFE];
	[sflag:s23] =	ssyncadd.s32 $0xFFFFFFFF  }
0xa5: {  	s26 =	simm.s32 $execute0_lowered;
	[smem:$0x3FD2] =	sst s25  }
0xa6: {  	s4 =	sshll.u32 s26, $0x1;
	_ =	strace $0x80000055;
	[dreg:$0x1] =	wrdreg $0xFFFFFFFF  }
0xa7: {  	s28 =	simm.s32 $_size_execute0_lowered;
	s2 =	sadd.s32 s2, s4;
	[dreg:$0x0] =	wrdreg $0x0  }
0xa8: {  	s4 =	sshll.u32 s28, $0x1;
	[dreg:$0x2] =	wrdreg s2  }
0xa9: {  	[dreg:$0x3] =	wrdreg s4  }
0xaa: {  	[dreg:$0x4] =	wrdreg $0xC0  }
0xab: {  	_ =	task [dreg:s6], $0x5FFFF  }
0xac: {  	[dreg:$0x1] =	wrdreg $0xFFFFFFFF  }
0xad: {  	[dreg:$0x0] =	wrdreg $0x60  }
0xae: {  	[dreg:$0x2] =	wrdreg s24  }
0xaf: {  	[dreg:$0x3] =	wrdreg $0x9  }
0xb0: {  	_ =	task.clear_ibuf [dreg:s6], $0x4FFFF;
	_ =	strace $0x90000055  }
0xb1: {  	s29 =	simm.s32 $0x9;
	_ =	strace $0x80000057  }
0xb2: {  	_ =	swait.ge [sflag:s29], $0x1  }
0xb3: {  	[sflag:s29] =	ssyncadd.s32 $0xFFFFFFFF  }
0xb4: {  	_ =	strace $0x90000057  }
0xb5: {  	_ =	sfence  }
0xb6: {  	s30 =	sld [smem:$0x0];
	_ =	sdelay $0x2  }
0xb7: {  	s31 =	sshll.u32 s1, $0xD;
	s1 =	sshrl.u32 s1, $0x2  }
0xb8: {  	s3 =	sand.u32 $0x4000, s31;
	s1 =	sadd.s32 s1, s30  }
0xb9: {  	s0 =	sor.u32 s3, s0;
	s1 =	sshll.u32 s1, $0x11  }
0xba: {  	s0 =	sor.u32 s1, s0  }
0xbb: {  	s0 =	sadd.s32 $0x8F2B, s0  }
0xbc: {  	[sflag:s0] =	ssyncadd.remote.s32 $0x1  }
0xbd: {  	_ =	sfence.sel $0xFFFF  }
0xbe: {  	[dreg:$0x0] =	wrdreg $0xFFFFFFFF;
	(pc) =	sbr.abs _section_cstart, $3  }
0xbf: {  	[dreg:$0x1] =	wrdreg $0xFFFFFFFF  }
0xc0: {  	_ =	task.clear_ibuf [dreg:s6], $0x2FFFF;
	_ =	strace $0x9FFFFFFF  }
0xc1: {  	(tm) =	ssettm $0x7FFFFFFF  }
tec
execute0_lowered:
.L_overlay_start_1:
0x0: {  	(tag) =	ssettag $0x1  }
0x1: {  	s1 =	srdreg.scid  }
0x2: {  	s0 =	stileid.u32;
	s4 =	rddreg [dreg:$0x0]  }
0x3: {  	s2 =	simm.s32 $0x0;
	s12 =	simm.s32 $0x1;
	s13 =	simm.s32 $0xA200  }
0x4: {  	s14 =	simm.s32 $0x2;
	s15 =	simm.s32 $0x3;
	s16 =	simm.s32 $0x0  }
0x5: {  	s5 =	sand.u32 $0x1, s1;
	s3 =	sshll.u32 s0, $0x1;
	s1 =	rddreg [dreg:$0x1]  }
0x6: {  	[smem:$0x7FF] =	sst s2;
	s10 =	smul.u32 $0xC4000, s0;
	s11 =	sadd.s32 $0x1D3E600, s4  }
0x7: {  	s6 =	sor.u32 s5, s3;
	_ =	strace $0x80000056;
	s30 =	smul.u32 $0x62000, s5  }
0x8: {  	s3 =	sadd.s32 $0x103A600, s4;
	s8 =	ssub.s32 $0x2, s5;
	s7 =	smul.u32 $0x6200, s6  }
0x9: {  	s6 =	smul.u32 $0x62000, s6;
	s9 =	sshrl.u32 s8, $0x1;
	s10 =	sadd.s32 s10, s11  }
0xa: {  	s8 =	ssub.s32 s8, s9;
	s31 =	sadd.s32 s30, s10;
	s9 =	simm.s32 $0x4  }
0xb: {  	s10 =	simm.s32 $0x80;
	s7 =	sshrl.u32 s7, $0x3;
	s5 =	sadd.s32 s11, s6  }
0xc: {  	s6 =	smax.u32 s8, $0x1;
	s8 =	sadd.s32 $0x1800, s31;
	s7 =	sadd.s32 s7, s4  }
0xd: {  	s11 =	simm.s32 $0x6200;
	s4 =	sadd.s32 $0x1AF000, s7;
	s7 =	sadd.s32 $0x800, s5  }
.LBB2_1:
0xe: {  	[tilespmem:s2], [sflag:$0x4] =	stream.linear.gather [hbm4b:s4+s2], $0x6200, $0x38;
	[tilespmem:$0xE200] =	vst v63  }
0xf: {  	_ =	swait.ge [sflag:s9], $0x6200  }
0x10: {  	[sflag:s9] =	ssyncset.done $0x0  }
0x11: {  	[sflag:s9] =	ssyncadd.s32 $0xFFFF9E00  }
0x12: {  	[tilespmem:s11], [sflag:$0x1] =	stream.indirect.gather [hbm4b:s3+s10], $0x80, s2, s10, $0xb8;
	[tilespmem:$0xE200] =	vst v63  }
0x13: {  	_ =	swait.ge [sflag:s12], $0x4000  }
0x14: {  	[sflag:s12] =	ssyncset.done $0x0  }
0x15: {  	[sflag:s12] =	ssyncadd.s32 $0xFFFFC000  }
0x16: {  	[hbm4b:s5+s2] =	stream.linear.scatter [tilespmem:s11], [sflag:$0x2], $0x4000, $0x38;
	[tilespmem:$0xE200] =	vst v63  }
0x17: {  	_ = 	snop  }
0x18: {  	[tilespmem:s13], [sflag:$0x1] =	stream.indirect.gather [hbm4b:s3+s10], $0x80, s10, s10, $0xb8;
	[tilespmem:$0xE200] =	vst v63  }
0x19: {  	_ =	swait.ge [sflag:s12], $0x4000  }
0x1a: {  	[sflag:s12] =	ssyncset.done $0x0  }
0x1b: {  	[sflag:s12] =	ssyncadd.s32 $0xFFFFC000  }
0x1c: {  	[hbm4b:s7+s2] =	stream.linear.scatter [tilespmem:s13], [sflag:$0x3], $0x4000, $0x38;
	[tilespmem:$0xE200] =	vst v63  }
0x1d: {  	_ =	swait.ge [sflag:s14], $0x4000  }
0x1e: {  	[sflag:s14] =	ssyncset.done $0x0  }
0x1f: {  	s17 =	simm.s32 $0x100;
	[sflag:s14] =	ssyncadd.s32 $0xFFFFC000  }
0x20: {  	[tilespmem:s11], [sflag:$0x1] =	stream.indirect.gather [hbm4b:s3+s10], $0x80, s17, s10, $0xb8;
	[tilespmem:$0xE200] =	vst v63  }
0x21: {  	_ =	swait.ge [sflag:s12], $0x4000  }
0x22: {  	[sflag:s12] =	ssyncset.done $0x0  }
0x23: {  	s30 =	sadd.s32 $0xFFFFF800, s8;
	[sflag:s12] =	ssyncadd.s32 $0xFFFFC000  }
0x24: {  	[hbm4b:s30+s2] =	stream.linear.scatter [tilespmem:s11], [sflag:$0x2], $0x4000, $0x38;
	[tilespmem:$0xE200] =	vst v63  }
0x25: {  	_ =	swait.ge [sflag:s15], $0x4000  }
0x26: {  	[sflag:s15] =	ssyncset.done $0x0  }
0x27: {  	s31 =	simm.s32 $0x180;
	[sflag:s15] =	ssyncadd.s32 $0xFFFFC000  }
0x28: {  	[tilespmem:s13], [sflag:$0x1] =	stream.indirect.gather [hbm4b:s3+s10], $0x80, s31, s10, $0xb8;
	[tilespmem:$0xE200] =	vst v63  }
0x29: {  	_ =	swait.ge [sflag:s12], $0x4000  }
0x2a: {  	s18 =	sadd.s32 $0x1000, s8;
	[sflag:s12] =	ssyncset.done $0x0  }
0x2b: {  	s19 =	smov.u32 s8;
	s17 =	simm.s32 $0x400;
	[sflag:s12] =	ssyncadd.s32 $0xFFFFC000  }
.LBB2_2:
0x2c: {  	[hbm4b:s19+s2] =	stream.linear.scatter [tilespmem:s13], [sflag:$0x3], $0x4000, $0x38;
	[tilespmem:$0xE200] =	vst v63  }
0x2d: {  	s20 =	smov.u32 s17;
	s19 =	smov.u32 s18  }
0x2e: {  	p0 =	sne.s32 s17, $0x18000;
	s17 =	sadd.s32 $0x400, s17;
	_ =	swait.ge [sflag:s14], $0x4000  }
0x2f: {  	s20 =	sshra.s32 s20, $0x2;
	[sflag:s14] =	ssyncset.done $0x0  }
0x30: {  	s21 =	sadd.s32 $0x100, s20;
	[sflag:s14] =	ssyncadd.s32 $0xFFFFC000  }
0x31: {  	[tilespmem:s11], [sflag:$0x1] =	stream.indirect.gather [hbm4b:s3+s10], $0x80, s21, s10, $0xb8;
	[tilespmem:$0xE200] =	vst v63  }
0x32: {  	_ =	swait.ge [sflag:s12], $0x4000  }
0x33: {  	[sflag:s12] =	ssyncset.done $0x0  }
0x34: {  	s21 =	sadd.s32 $0xFFFFF800, s18;
	[sflag:s12] =	ssyncadd.s32 $0xFFFFC000  }
0x35: {  	[hbm4b:s21+s2] =	stream.linear.scatter [tilespmem:s11], [sflag:$0x2], $0x4000, $0x38;
	[tilespmem:$0xE200] =	vst v63  }
0x36: {  	_ =	swait.ge [sflag:s15], $0x4000  }
0x37: {  	[sflag:s15] =	ssyncset.done $0x0  }
.Ltmp0:
0x38: {  	s20 =	sadd.s32 $0x180, s20;
	[sflag:s15] =	ssyncadd.s32 $0xFFFFC000;
	(pc) =	sbr.rel @p0 .LBB2_2-.Ltmp0, $4  }
0x39: {  	[tilespmem:s13], [sflag:$0x1] =	stream.indirect.gather [hbm4b:s3+s10], $0x80, s20, s10, $0xb8;
	[tilespmem:$0xE200] =	vst v63  }
0x3a: {  	_ =	swait.ge [sflag:s12], $0x4000  }
0x3b: {  	[sflag:s12] =	ssyncset.done $0x0  }
0x3c: {  	s18 =	sadd.s32 $0x1000, s18;
	[sflag:s12] =	ssyncadd.s32 $0xFFFFC000  }
0x3d: {  	[hbm4b:s19+s2] =	stream.linear.scatter [tilespmem:s13], [sflag:$0x3], $0x4000, $0x38;
	[tilespmem:$0xE200] =	vst v63  }
0x3e: {  	s16 =	sadd.s32 $0x1, s16  }
0x3f: {  	_ =	swait.ge [sflag:s14], $0x4000;
	p0 =	sne.s32 s16, s6  }
.Ltmp1:
0x40: {  	[sflag:s14] =	ssyncset.done $0x0;
	(pc) =	sbr.rel @p0 .LBB2_1-.Ltmp1, $4  }
0x41: {  	[sflag:s14] =	ssyncadd.s32 $0xFFFFC000  }
0x42: {  	_ =	swait.ge [sflag:s15], $0x4000  }
0x43: {  	[sflag:s15] =	ssyncset.done $0x0  }
0x44: {  	[sflag:s15] =	ssyncadd.s32 $0xFFFFC000  }
0x45: {  	_ =	sfence.sel $0x180000  }
0x46: {  	[bflag:$0x0] =	sbarrier.arrive $0xFFFF  }
0x47: {  	p0 =	sne.s32 s0, $0x0;
	_ =	strace $0x90000056  }
0x48: {  	s0 =	sadd.s32 @!p0 $0x100000, s1;
	[bflag:$0x2] =	sbarrier.arrive $0xFFFF  }
0x49: {  	[sflag:s0] =	ssyncadd.tile.s32 @!p0 $0x1;
	_ =	shalt  }
.Lfunc_end2:
_tile_overlayer_lowered:
.L_overlay_start_2:
0x4a: {  	(tag) =	ssettag $0x2  }
0x4b: {  	s0 =	rddreg [dreg:$0x0];
	s2 =	stileid.u32  }
0x4c: {  	s1 =	rddreg [dreg:$0x1];
	p0 =	sne.s32 s2, $0x0  }
0x4d: {  	s3 =	rddreg [dreg:$0x2];
	[bflag:$0x3] =	sbarrier.arrive $0xFFFF;
	s2 =	simm.s32 @!p0 $0x1C04  }
0x4e: {  	[timem:s3], [sflag:s2] =	dma.local @!p0 [hbm:s0], s1  }
0x4f: {  	s0 =	simm.s32 @!p0 $0x4  }
0x50: {  	_ =	swait.ge @!p0 [sflag:s0], s1  }
0x51: {  	s1 =	ssub.s32 @!p0 $0x0, s1;
	[sflag:s0] =	ssyncset.done @!p0 $0x0  }
0x52: {  	[sflag:s0] =	ssyncadd.s32 @!p0 s1  }
0x53: {  	[bflag:$0x3] =	sbarrier.arrive $0xFFFF  }
0x54: {  	_ =	shalt  }

// kernel: kernel.24.cloned.1.call-start
scs
__scs_entry_jumppad:
0x0: {  	(pc) =	sbr.rel $0x88, $3  }
0x1: {  	(tag) =	ssettag $0x0;
	lr =	simm.s32 $0x1  }
0x2: {  	[smem:$0x3F37] =	sst lr;
	_ =	strace $0xD0000000  }
0x3: {  	_ = 	snop  }
0x4: {  	_ = 	snop  }
0x5: {  	_ = 	snop  }
0x6: {  	_ = 	snop  }
0x7: {  	_ = 	snop  }
__scs_overlays_trampoline_lowered:
0x8: {  	[smem:$0x3F46] =	sst s0  }
0x9: {  	[smem:$0x3F47] =	sst s1  }
0xa: {  	[smem:$0x3F48] =	sst s2  }
0xb: {  	[smem:$0x3F49] =	sst s3  }
0xc: {  	[smem:$0x3F4A] =	sst s4  }
0xd: {  	[smem:$0x3F4B] =	sst s5  }
0xe: {  	[smem:$0x3F4C] =	sst s6  }
0xf: {  	[smem:$0x3F4D] =	sst s7  }
0x10: {  	[smem:$0x3F4E] =	sst s8  }
0x11: {  	[smem:$0x3F4F] =	sst s9;
	s0 =	simm.s32 @!p0 $0x0  }
0x12: {  	s1 =	sld [smem:$0x3F35];
	s0 =	simm.s32 @p0 $0x1  }
0x13: {  	[smem:$0x3F50] =	sst s0;
	s0 =	simm.s32 @!p1 $0x0  }
0x14: {  	s2 =	sld [smem:$0x3F34];
	s0 =	simm.s32 @p1 $0x1  }
0x15: {  	[smem:$0x3F51] =	sst s0;
	s0 =	simm.s32 @!p2 $0x0  }
0x16: {  	s3 =	sld [smem:$0x3FDB];
	s0 =	simm.s32 @p2 $0x1  }
0x17: {  	s4 =	simm.s32 $0x1BF5;
	[smem:$0x3F53] =	sst s0  }
0x18: {  	s0 =	sld [smem:$0x3F36];
	_ =	swait.ge [sflag:s4], $0x0  }
0x19: {  	s7 =	sld [smem:$0x3F37]  }
0x1a: {  	s8 =	sadd.s32 $0xFFFFE003, lr  }
0x1b: {  	s9 =	sadd.s32 $0xFFFFFEF7, lr;
	s5 =	simm.s32 $0xFFFFFFFF;
	p2 =	slt.u32 s8, $0xFFFFF086  }
0x1c: {  	p1 =	slt.u32 s9, $0xF7A;
	s5 =	simm.s32 @!p2 $0x0  }
0x1d: {  	s5 =	simm.s32 @p1 $0x1;
	p0 =	seq.s32 s7, s2  }
0x1e: {  	s7 =	smul.u32 @!p0 $0xF7A, s2;
	p2 =	seq.s32 @!p0 s5, $0x0  }
0x1f: {  	s9 =	smul.u32 $0xF7A, s1;
	s8 =	simm.s32 @!p0 $0x1BF5;
	p2 =	por !p2, p0  }
0x20: {  	[sflag:s8] =	ssyncset.s32 @!p0 $0xFFFFF086;
	s6 =	sadd.s32 @!p0 s3, s7;
	s7 =	simm.s32 @!p0 $0x108  }
0x21: {  	s3 =	sadd.s32 s3, s9;
	s6 =	sadd.s32 @!p0 $0x88, s6;
	s7 =	simm.s32 @p2 $0x1082  }
0x22: {  	[simem:s7], [sflag:s8] =	dma.local @!p0 [hbm:s6], $0xF7A  }
0x23: {  	s9 =	sor.u32 $0xD0000000, s2;
	s6 =	simm.s32 $0x108;
	_ =	swait.ge @!p0 [sflag:s8], $0x0  }
0x24: {  	s3 =	sadd.s32 $0x88, s3;
	s6 =	simm.s32 @!p1 $0x1082;
	[sflag:s4] =	ssyncset.s32 $0xFFFFF086  }
0x25: {  	[simem:s6], [sflag:s4] =	dma.local [hbm:s3], $0xF7A  }
0x26: {  	[smem:$0x3F37] =	sst s1;
	(tag) =	ssettag s2;
	_ =	strace s9  }
0x27: {  	s1 =	sld [smem:$0x3F47]  }
0x28: {  	s2 =	sld [smem:$0x3F48]  }
0x29: {  	s4 =	sld [smem:$0x3F4A]  }
0x2a: {  	p0 =	seq.s32 s5, $0x0;
	s5 =	sld [smem:$0x3F4B]  }
0x2b: {  	s6 =	sld [smem:$0x3F4C]  }
0x2c: {  	s7 =	sld [smem:$0x3F4D]  }
0x2d: {  	s3 =	simm.s32 $0x108;
	s8 =	sld [smem:$0x3F4E]  }
0x2e: {  	s3 =	simm.s32 @!p0 $0x1082;
	s9 =	sld [smem:$0x3F4F]  }
0x2f: {  	lr =	sadd.s32 s0, s3;
	s0 =	sld [smem:$0x3F46]  }
0x30: {  	s3 =	sld [smem:$0x3F49]  }
0x31: {  	[smem:$0x3F52] =	sst s10  }
0x32: {  	s10 =	sld [smem:$0x3F50];
	_ =	sdelay $0x3  }
0x33: {  	p0 =	seq.s32 s10, $0x1;
	s10 =	sld [smem:$0x3F52];
	_ =	sdelay $0x3  }
0x34: {  	[smem:$0x3F52] =	sst s10  }
0x35: {  	s10 =	sld [smem:$0x3F51];
	_ =	sdelay $0x3  }
0x36: {  	p1 =	seq.s32 s10, $0x1;
	s10 =	sld [smem:$0x3F52];
	_ =	sdelay $0x3  }
0x37: {  	[smem:$0x3F52] =	sst s10  }
0x38: {  	s10 =	sld [smem:$0x3F53]  }
0x39: {  	_ = 	snop;
	(pc) =	sbr.ind lr, $3  }
0x3a: {  	_ = 	snop  }
0x3b: {  	_ = 	snop  }
0x3c: {  	p2 =	seq.s32 s10, $0x1;
	s10 =	sld [smem:$0x3F52]  }
0x3d: {  	_ =	shalt  }
0x3e: {  	_ =	shalt  }
0x3f: {  	_ =	shalt  }
0x40: {  	_ =	shalt  }
0x41: {  	_ =	shalt  }
0x42: {  	_ =	shalt  }
0x43: {  	_ =	shalt  }
0x44: {  	_ =	shalt  }
0x45: {  	_ =	shalt  }
0x46: {  	_ =	shalt  }
0x47: {  	_ =	shalt  }
0x48: {  	_ =	shalt  }
0x49: {  	_ =	shalt  }
0x4a: {  	_ =	shalt  }
0x4b: {  	_ =	shalt  }
0x4c: {  	_ =	shalt  }
0x4d: {  	_ =	shalt  }
0x4e: {  	_ =	shalt  }
0x4f: {  	_ =	shalt  }
0x50: {  	_ =	shalt  }
0x51: {  	_ =	shalt  }
0x52: {  	_ =	shalt  }
0x53: {  	_ =	shalt  }
0x54: {  	_ =	shalt  }
0x55: {  	_ =	shalt  }
0x56: {  	_ =	shalt  }
0x57: {  	_ =	shalt  }
0x58: {  	_ =	shalt  }
0x59: {  	_ =	shalt  }
0x5a: {  	_ =	shalt  }
0x5b: {  	_ =	shalt  }
0x5c: {  	_ =	shalt  }
0x5d: {  	_ =	shalt  }
0x5e: {  	_ =	shalt  }
0x5f: {  	_ =	shalt  }
0x60: {  	_ =	shalt  }
0x61: {  	_ =	shalt  }
0x62: {  	_ =	shalt  }
0x63: {  	_ =	shalt  }
0x64: {  	_ =	shalt  }
0x65: {  	_ =	shalt  }
0x66: {  	_ =	shalt  }
0x67: {  	_ =	shalt  }
0x68: {  	_ =	shalt  }
0x69: {  	_ =	shalt  }
0x6a: {  	_ =	shalt  }
0x6b: {  	_ =	shalt  }
0x6c: {  	_ =	shalt  }
0x6d: {  	_ =	shalt  }
0x6e: {  	_ =	shalt  }
0x6f: {  	_ =	shalt  }
0x70: {  	_ =	shalt  }
0x71: {  	_ =	shalt  }
0x72: {  	_ =	shalt  }
0x73: {  	_ =	shalt  }
0x74: {  	_ =	shalt  }
0x75: {  	_ =	shalt  }
0x76: {  	_ =	shalt  }
0x77: {  	_ =	shalt  }
0x78: {  	_ =	shalt  }
0x79: {  	_ =	shalt  }
0x7a: {  	_ =	shalt  }
0x7b: {  	_ =	shalt  }
0x7c: {  	_ =	shalt  }
0x7d: {  	_ =	shalt  }
0x7e: {  	_ =	shalt  }
0x7f: {  	_ =	shalt  }
0x80: {  	_ =	shalt  }
0x81: {  	_ =	shalt  }
0x82: {  	_ =	shalt  }
0x83: {  	_ =	shalt  }
0x84: {  	_ =	shalt  }
0x85: {  	_ =	shalt  }
0x86: {  	_ =	shalt  }
0x87: {  	_ =	shalt  }
.Lfunc_end0:
.L_simem_size_0:
called_computation.6_lowered:
.L_overlay_start_0:
0x88: {  	s2 =	sld [smem:$0x3FD9]  }
0x89: {  	s3 =	sld [smem:$0x3FFE];
	_ =	sdelay $0x1  }
0x8a: {  	s1 =	srdreg.scid  }
0x8b: {  	s0 =	sand.u32 $0x1, s1  }
0x8c: {  	s16 =	sshll.u32 s0, $0xA;
	s2 =	sadd.s32 s3, s2  }
0x8d: {  	s2 =	sadd.s32 s2, s16  }
0x8e: {  	[smem:$0x3F5E] =	sst s2  }
0x8f: {  	_ = 	snop  }
0x90: {  	(tm) =	ssettm $0x1  }
0x91: {  	s17 =	sld [smem:$0x3FFB];
	_ =	sdelay $0x3  }
0x92: {  	_ =	strace s17  }
0x93: {  	s2 =	sld [smem:$0x3FFC];
	_ =	sdelay $0x3  }
0x94: {  	_ =	strace s2  }
0x95: {  	s2 =	sld [smem:$0x3FFD];
	_ =	sdelay $0x3  }
0x96: {  	_ =	strace s2  }
0x97: {  	_ =	strace $0x8FFFFFFF  }
0x98: {  	s18 =	sld [smem:$0x3FDB];
	_ =	sdelay $0x1  }
0x99: {  	s19 =	simm.s32 $_scs_section_size  }
0x9a: {  	s4 =	simm.s32 $_size__tile_overlayer_lowered;
	s5 =	simm.s32 $_tile_overlayer_lowered  }
0x9b: {  	s22 =	simm.s32 $0x1BFF;
	s21 =	sshll.u32 s5, $0x1;
	s2 =	sadd.s32 s19, s18  }
0x9c: {  	s6 =	simm.s32 $0x0;
	s20 =	sshll.u32 s4, $0x1;
	s4 =	sadd.s32 s21, s2  }
0x9d: {  	[timem:s6], [sflag:s22] =	dma.local [hbm:s4], s20  }
0x9e: {  	_ =	swait.ge [sflag:s22], s20  }
0x9f: {  	s3 =	ssub.s32 $0x0, s20;
	[sflag:s22] =	ssyncset.done $0x0  }
0xa0: {  	[sflag:s22] =	ssyncadd.s32 s3;
	_ =	sdelay $0x1  }
0xa1: {  	s23 =	simm.s32 $0x1B8B  }
0xa2: {  	_ =	swait.ge [sflag:s23], $0x1  }
0xa3: {  	[sflag:s23] =	ssyncset.done $0x0  }
0xa4: {  	s25 =	simm.s32 $0x1B8E;
	s24 =	sld [smem:$0x3FFE];
	[sflag:s23] =	ssyncadd.s32 $0xFFFFFFFF  }
0xa5: {  	s26 =	simm.s32 $execute0_lowered;
	[smem:$0x3FD2] =	sst s25  }
0xa6: {  	s4 =	sshll.u32 s26, $0x1;
	_ =	strace $0x80000058;
	[dreg:$0x1] =	wrdreg $0xFFFFFFFF  }
0xa7: {  	s28 =	simm.s32 $_size_execute0_lowered;
	s2 =	sadd.s32 s2, s4;
	[dreg:$0x0] =	wrdreg $0x0  }
0xa8: {  	s4 =	sshll.u32 s28, $0x1;
	[dreg:$0x2] =	wrdreg s2  }
0xa9: {  	[dreg:$0x3] =	wrdreg s4  }
0xaa: {  	[dreg:$0x4] =	wrdreg $0xC0  }
0xab: {  	_ =	task [dreg:s6], $0x5FFFF  }
0xac: {  	[dreg:$0x1] =	wrdreg $0xFFFFFFFF  }
0xad: {  	[dreg:$0x0] =	wrdreg $0x60  }
0xae: {  	[dreg:$0x2] =	wrdreg s24  }
0xaf: {  	[dreg:$0x3] =	wrdreg $0x9  }
0xb0: {  	_ =	task.clear_ibuf [dreg:s6], $0x4FFFF;
	_ =	strace $0x90000058  }
0xb1: {  	s29 =	simm.s32 $0x9;
	_ =	strace $0x8000005A  }
0xb2: {  	_ =	swait.ge [sflag:s29], $0x1  }
0xb3: {  	[sflag:s29] =	ssyncadd.s32 $0xFFFFFFFF  }
0xb4: {  	_ =	strace $0x9000005A  }
0xb5: {  	_ =	sfence  }
0xb6: {  	s30 =	sld [smem:$0x0];
	_ =	sdelay $0x2  }
0xb7: {  	s31 =	sshll.u32 s1, $0xD;
	s1 =	sshrl.u32 s1, $0x2  }
0xb8: {  	s3 =	sand.u32 $0x4000, s31;
	s1 =	sadd.s32 s1, s30  }
0xb9: {  	s0 =	sor.u32 s3, s0;
	s1 =	sshll.u32 s1, $0x11  }
0xba: {  	s0 =	sor.u32 s1, s0  }
0xbb: {  	s0 =	sadd.s32 $0x8F2B, s0  }
0xbc: {  	[sflag:s0] =	ssyncadd.remote.s32 $0x1  }
0xbd: {  	_ =	sfence.sel $0xFFFF  }
0xbe: {  	[dreg:$0x0] =	wrdreg $0xFFFFFFFF;
	(pc) =	sbr.abs _section_cstart, $3  }
0xbf: {  	[dreg:$0x1] =	wrdreg $0xFFFFFFFF  }
0xc0: {  	_ =	task.clear_ibuf [dreg:s6], $0x2FFFF;
	_ =	strace $0x9FFFFFFF  }
0xc1: {  	(tm) =	ssettm $0x7FFFFFFF  }
tec
execute0_lowered:
.L_overlay_start_1:
0x0: {  	(tag) =	ssettag $0x1  }
0x1: {  	s1 =	srdreg.scid  }
0x2: {  	s0 =	stileid.u32;
	s4 =	rddreg [dreg:$0x0]  }
0x3: {  	s2 =	simm.s32 $0x0;
	s12 =	simm.s32 $0x1;
	s13 =	simm.s32 $0xA200  }
0x4: {  	s14 =	simm.s32 $0x2;
	s15 =	simm.s32 $0x3;
	s16 =	simm.s32 $0x0  }
0x5: {  	s5 =	sand.u32 $0x1, s1;
	s3 =	sshll.u32 s0, $0x1;
	s1 =	rddreg [dreg:$0x1]  }
0x6: {  	[smem:$0x7FF] =	sst s2;
	s10 =	smul.u32 $0xC4000, s0;
	s11 =	sadd.s32 $0x1D3E600, s4  }
0x7: {  	s6 =	sor.u32 s5, s3;
	_ =	strace $0x80000059;
	s30 =	smul.u32 $0x62000, s5  }
0x8: {  	s3 =	sadd.s32 $0xF200, s4;
	s8 =	ssub.s32 $0x2, s5;
	s7 =	smul.u32 $0x6200, s6  }
0x9: {  	s6 =	smul.u32 $0x62000, s6;
	s9 =	sshrl.u32 s8, $0x1;
	s10 =	sadd.s32 s10, s11  }
0xa: {  	s8 =	ssub.s32 s8, s9;
	s31 =	sadd.s32 s30, s10;
	s9 =	simm.s32 $0x4  }
0xb: {  	s10 =	simm.s32 $0x80;
	s7 =	sshrl.u32 s7, $0x3;
	s5 =	sadd.s32 s11, s6  }
0xc: {  	s6 =	smax.u32 s8, $0x1;
	s8 =	sadd.s32 $0x1800, s31;
	s7 =	sadd.s32 s7, s4  }
0xd: {  	s11 =	simm.s32 $0x6200;
	s4 =	sadd.s32 $0x1AF000, s7;
	s7 =	sadd.s32 $0x800, s5  }
.LBB2_1:
0xe: {  	[tilespmem:s2], [sflag:$0x4] =	stream.linear.gather [hbm4b:s4+s2], $0x6200, $0x38;
	[tilespmem:$0xE200] =	vst v63  }
0xf: {  	_ =	swait.ge [sflag:s9], $0x6200  }
0x10: {  	[sflag:s9] =	ssyncset.done $0x0  }
0x11: {  	[sflag:s9] =	ssyncadd.s32 $0xFFFF9E00  }
0x12: {  	[tilespmem:s11], [sflag:$0x1] =	stream.indirect.gather [hbm4b:s3+s10], $0x80, s2, s10, $0xb8;
	[tilespmem:$0xE200] =	vst v63  }
0x13: {  	_ =	swait.ge [sflag:s12], $0x4000  }
0x14: {  	[sflag:s12] =	ssyncset.done $0x0  }
0x15: {  	[sflag:s12] =	ssyncadd.s32 $0xFFFFC000  }
0x16: {  	[hbm4b:s5+s2] =	stream.linear.scatter [tilespmem:s11], [sflag:$0x2], $0x4000, $0x38;
	[tilespmem:$0xE200] =	vst v63  }
0x17: {  	_ = 	snop  }
0x18: {  	[tilespmem:s13], [sflag:$0x1] =	stream.indirect.gather [hbm4b:s3+s10], $0x80, s10, s10, $0xb8;
	[tilespmem:$0xE200] =	vst v63  }
0x19: {  	_ =	swait.ge [sflag:s12], $0x4000  }
0x1a: {  	[sflag:s12] =	ssyncset.done $0x0  }
0x1b: {  	[sflag:s12] =	ssyncadd.s32 $0xFFFFC000  }
0x1c: {  	[hbm4b:s7+s2] =	stream.linear.scatter [tilespmem:s13], [sflag:$0x3], $0x4000, $0x38;
	[tilespmem:$0xE200] =	vst v63  }
0x1d: {  	_ =	swait.ge [sflag:s14], $0x4000  }
0x1e: {  	[sflag:s14] =	ssyncset.done $0x0  }
0x1f: {  	s17 =	simm.s32 $0x100;
	[sflag:s14] =	ssyncadd.s32 $0xFFFFC000  }
0x20: {  	[tilespmem:s11], [sflag:$0x1] =	stream.indirect.gather [hbm4b:s3+s10], $0x80, s17, s10, $0xb8;
	[tilespmem:$0xE200] =	vst v63  }
0x21: {  	_ =	swait.ge [sflag:s12], $0x4000  }
0x22: {  	[sflag:s12] =	ssyncset.done $0x0  }
0x23: {  	s30 =	sadd.s32 $0xFFFFF800, s8;
	[sflag:s12] =	ssyncadd.s32 $0xFFFFC000  }
0x24: {  	[hbm4b:s30+s2] =	stream.linear.scatter [tilespmem:s11], [sflag:$0x2], $0x4000, $0x38;
	[tilespmem:$0xE200] =	vst v63  }
0x25: {  	_ =	swait.ge [sflag:s15], $0x4000  }
0x26: {  	[sflag:s15] =	ssyncset.done $0x0  }
0x27: {  	s31 =	simm.s32 $0x180;
	[sflag:s15] =	ssyncadd.s32 $0xFFFFC000  }
0x28: {  	[tilespmem:s13], [sflag:$0x1] =	stream.indirect.gather [hbm4b:s3+s10], $0x80, s31, s10, $0xb8;
	[tilespmem:$0xE200] =	vst v63  }
0x29: {  	_ =	swait.ge [sflag:s12], $0x4000  }
0x2a: {  	s18 =	sadd.s32 $0x1000, s8;
	[sflag:s12] =	ssyncset.done $0x0  }
0x2b: {  	s19 =	smov.u32 s8;
	s17 =	simm.s32 $0x400;
	[sflag:s12] =	ssyncadd.s32 $0xFFFFC000  }
.LBB2_2:
0x2c: {  	[hbm4b:s19+s2] =	stream.linear.scatter [tilespmem:s13], [sflag:$0x3], $0x4000, $0x38;
	[tilespmem:$0xE200] =	vst v63  }
0x2d: {  	s20 =	smov.u32 s17;
	s19 =	smov.u32 s18  }
0x2e: {  	p0 =	sne.s32 s17, $0x18000;
	s17 =	sadd.s32 $0x400, s17;
	_ =	swait.ge [sflag:s14], $0x4000  }
0x2f: {  	s20 =	sshra.s32 s20, $0x2;
	[sflag:s14] =	ssyncset.done $0x0  }
0x30: {  	s21 =	sadd.s32 $0x100, s20;
	[sflag:s14] =	ssyncadd.s32 $0xFFFFC000  }
0x31: {  	[tilespmem:s11], [sflag:$0x1] =	stream.indirect.gather [hbm4b:s3+s10], $0x80, s21, s10, $0xb8;
	[tilespmem:$0xE200] =	vst v63  }
0x32: {  	_ =	swait.ge [sflag:s12], $0x4000  }
0x33: {  	[sflag:s12] =	ssyncset.done $0x0  }
0x34: {  	s21 =	sadd.s32 $0xFFFFF800, s18;
	[sflag:s12] =	ssyncadd.s32 $0xFFFFC000  }
0x35: {  	[hbm4b:s21+s2] =	stream.linear.scatter [tilespmem:s11], [sflag:$0x2], $0x4000, $0x38;
	[tilespmem:$0xE200] =	vst v63  }
0x36: {  	_ =	swait.ge [sflag:s15], $0x4000  }
0x37: {  	[sflag:s15] =	ssyncset.done $0x0  }
.Ltmp0:
0x38: {  	s20 =	sadd.s32 $0x180, s20;
	[sflag:s15] =	ssyncadd.s32 $0xFFFFC000;
	(pc) =	sbr.rel @p0 .LBB2_2-.Ltmp0, $4  }
0x39: {  	[tilespmem:s13], [sflag:$0x1] =	stream.indirect.gather [hbm4b:s3+s10], $0x80, s20, s10, $0xb8;
	[tilespmem:$0xE200] =	vst v63  }
0x3a: {  	_ =	swait.ge [sflag:s12], $0x4000  }
0x3b: {  	[sflag:s12] =	ssyncset.done $0x0  }
0x3c: {  	s18 =	sadd.s32 $0x1000, s18;
	[sflag:s12] =	ssyncadd.s32 $0xFFFFC000  }
0x3d: {  	[hbm4b:s19+s2] =	stream.linear.scatter [tilespmem:s13], [sflag:$0x3], $0x4000, $0x38;
	[tilespmem:$0xE200] =	vst v63  }
0x3e: {  	s16 =	sadd.s32 $0x1, s16  }
0x3f: {  	_ =	swait.ge [sflag:s14], $0x4000;
	p0 =	sne.s32 s16, s6  }
.Ltmp1:
0x40: {  	[sflag:s14] =	ssyncset.done $0x0;
	(pc) =	sbr.rel @p0 .LBB2_1-.Ltmp1, $4  }
0x41: {  	[sflag:s14] =	ssyncadd.s32 $0xFFFFC000  }
0x42: {  	_ =	swait.ge [sflag:s15], $0x4000  }
0x43: {  	[sflag:s15] =	ssyncset.done $0x0  }
0x44: {  	[sflag:s15] =	ssyncadd.s32 $0xFFFFC000  }
0x45: {  	_ =	sfence.sel $0x180000  }
0x46: {  	[bflag:$0x0] =	sbarrier.arrive $0xFFFF  }
0x47: {  	p0 =	sne.s32 s0, $0x0;
	_ =	strace $0x90000059  }
0x48: {  	s0 =	sadd.s32 @!p0 $0x100000, s1;
	[bflag:$0x2] =	sbarrier.arrive $0xFFFF  }
0x49: {  	[sflag:s0] =	ssyncadd.tile.s32 @!p0 $0x1;
	_ =	shalt  }
.Lfunc_end2:
_tile_overlayer_lowered:
.L_overlay_start_2:
0x4a: {  	(tag) =	ssettag $0x2  }
0x4b: {  	s0 =	rddreg [dreg:$0x0];
	s2 =	stileid.u32  }
0x4c: {  	s1 =	rddreg [dreg:$0x1];
	p0 =	sne.s32 s2, $0x0  }
0x4d: {  	s3 =	rddreg [dreg:$0x2];
	[bflag:$0x3] =	sbarrier.arrive $0xFFFF;
	s2 =	simm.s32 @!p0 $0x1C04  }
0x4e: {  	[timem:s3], [sflag:s2] =	dma.local @!p0 [hbm:s0], s1  }
0x4f: {  	s0 =	simm.s32 @!p0 $0x4  }
0x50: {  	_ =	swait.ge @!p0 [sflag:s0], s1  }
0x51: {  	s1 =	ssub.s32 @!p0 $0x0, s1;
	[sflag:s0] =	ssyncset.done @!p0 $0x0  }
0x52: {  	[sflag:s0] =	ssyncadd.s32 @!p0 s1  }
0x53: {  	[bflag:$0x3] =	sbarrier.arrive $0xFFFF  }
0x54: {  	_ =	shalt  }

// kernel: kernel.27.cloned.1.call-start
scs
__scs_entry_jumppad:
0x0: {  	(pc) =	sbr.rel $0x88, $3  }
0x1: {  	(tag) =	ssettag $0x0;
	lr =	simm.s32 $0x1  }
0x2: {  	[smem:$0x3F37] =	sst lr;
	_ =	strace $0xD0000000  }
0x3: {  	_ = 	snop  }
0x4: {  	_ = 	snop  }
0x5: {  	_ = 	snop  }
0x6: {  	_ = 	snop  }
0x7: {  	_ = 	snop  }
__scs_overlays_trampoline_lowered:
0x8: {  	[smem:$0x3F46] =	sst s0  }
0x9: {  	[smem:$0x3F47] =	sst s1  }
0xa: {  	[smem:$0x3F48] =	sst s2  }
0xb: {  	[smem:$0x3F49] =	sst s3  }
0xc: {  	[smem:$0x3F4A] =	sst s4  }
0xd: {  	[smem:$0x3F4B] =	sst s5  }
0xe: {  	[smem:$0x3F4C] =	sst s6  }
0xf: {  	[smem:$0x3F4D] =	sst s7  }
0x10: {  	[smem:$0x3F4E] =	sst s8  }
0x11: {  	[smem:$0x3F4F] =	sst s9;
	s0 =	simm.s32 @!p0 $0x0  }
0x12: {  	s1 =	sld [smem:$0x3F35];
	s0 =	simm.s32 @p0 $0x1  }
0x13: {  	[smem:$0x3F50] =	sst s0;
	s0 =	simm.s32 @!p1 $0x0  }
0x14: {  	s2 =	sld [smem:$0x3F34];
	s0 =	simm.s32 @p1 $0x1  }
0x15: {  	[smem:$0x3F51] =	sst s0;
	s0 =	simm.s32 @!p2 $0x0  }
0x16: {  	s3 =	sld [smem:$0x3FDB];
	s0 =	simm.s32 @p2 $0x1  }
0x17: {  	s4 =	simm.s32 $0x1BF5;
	[smem:$0x3F53] =	sst s0  }
0x18: {  	s0 =	sld [smem:$0x3F36];
	_ =	swait.ge [sflag:s4], $0x0  }
0x19: {  	s7 =	sld [smem:$0x3F37]  }
0x1a: {  	s8 =	sadd.s32 $0xFFFFE003, lr  }
0x1b: {  	s9 =	sadd.s32 $0xFFFFFEF7, lr;
	s5 =	simm.s32 $0xFFFFFFFF;
	p2 =	slt.u32 s8, $0xFFFFF086  }
0x1c: {  	p1 =	slt.u32 s9, $0xF7A;
	s5 =	simm.s32 @!p2 $0x0  }
0x1d: {  	s5 =	simm.s32 @p1 $0x1;
	p0 =	seq.s32 s7, s2  }
0x1e: {  	s7 =	smul.u32 @!p0 $0xF7A, s2;
	p2 =	seq.s32 @!p0 s5, $0x0  }
0x1f: {  	s9 =	smul.u32 $0xF7A, s1;
	s8 =	simm.s32 @!p0 $0x1BF5;
	p2 =	por !p2, p0  }
0x20: {  	[sflag:s8] =	ssyncset.s32 @!p0 $0xFFFFF086;
	s6 =	sadd.s32 @!p0 s3, s7;
	s7 =	simm.s32 @!p0 $0x108  }
0x21: {  	s3 =	sadd.s32 s3, s9;
	s6 =	sadd.s32 @!p0 $0x88, s6;
	s7 =	simm.s32 @p2 $0x1082  }
0x22: {  	[simem:s7], [sflag:s8] =	dma.local @!p0 [hbm:s6], $0xF7A  }
0x23: {  	s9 =	sor.u32 $0xD0000000, s2;
	s6 =	simm.s32 $0x108;
	_ =	swait.ge @!p0 [sflag:s8], $0x0  }
0x24: {  	s3 =	sadd.s32 $0x88, s3;
	s6 =	simm.s32 @!p1 $0x1082;
	[sflag:s4] =	ssyncset.s32 $0xFFFFF086  }
0x25: {  	[simem:s6], [sflag:s4] =	dma.local [hbm:s3], $0xF7A  }
0x26: {  	[smem:$0x3F37] =	sst s1;
	(tag) =	ssettag s2;
	_ =	strace s9  }
0x27: {  	s1 =	sld [smem:$0x3F47]  }
0x28: {  	s2 =	sld [smem:$0x3F48]  }
0x29: {  	s4 =	sld [smem:$0x3F4A]  }
0x2a: {  	p0 =	seq.s32 s5, $0x0;
	s5 =	sld [smem:$0x3F4B]  }
0x2b: {  	s6 =	sld [smem:$0x3F4C]  }
0x2c: {  	s7 =	sld [smem:$0x3F4D]  }
0x2d: {  	s3 =	simm.s32 $0x108;
	s8 =	sld [smem:$0x3F4E]  }
0x2e: {  	s3 =	simm.s32 @!p0 $0x1082;
	s9 =	sld [smem:$0x3F4F]  }
0x2f: {  	lr =	sadd.s32 s0, s3;
	s0 =	sld [smem:$0x3F46]  }
0x30: {  	s3 =	sld [smem:$0x3F49]  }
0x31: {  	[smem:$0x3F52] =	sst s10  }
0x32: {  	s10 =	sld [smem:$0x3F50];
	_ =	sdelay $0x3  }
0x33: {  	p0 =	seq.s32 s10, $0x1;
	s10 =	sld [smem:$0x3F52];
	_ =	sdelay $0x3  }
0x34: {  	[smem:$0x3F52] =	sst s10  }
0x35: {  	s10 =	sld [smem:$0x3F51];
	_ =	sdelay $0x3  }
0x36: {  	p1 =	seq.s32 s10, $0x1;
	s10 =	sld [smem:$0x3F52];
	_ =	sdelay $0x3  }
0x37: {  	[smem:$0x3F52] =	sst s10  }
0x38: {  	s10 =	sld [smem:$0x3F53]  }
0x39: {  	_ = 	snop;
	(pc) =	sbr.ind lr, $3  }
0x3a: {  	_ = 	snop  }
0x3b: {  	_ = 	snop  }
0x3c: {  	p2 =	seq.s32 s10, $0x1;
	s10 =	sld [smem:$0x3F52]  }
0x3d: {  	_ =	shalt  }
0x3e: {  	_ =	shalt  }
0x3f: {  	_ =	shalt  }
0x40: {  	_ =	shalt  }
0x41: {  	_ =	shalt  }
0x42: {  	_ =	shalt  }
0x43: {  	_ =	shalt  }
0x44: {  	_ =	shalt  }
0x45: {  	_ =	shalt  }
0x46: {  	_ =	shalt  }
0x47: {  	_ =	shalt  }
0x48: {  	_ =	shalt  }
0x49: {  	_ =	shalt  }
0x4a: {  	_ =	shalt  }
0x4b: {  	_ =	shalt  }
0x4c: {  	_ =	shalt  }
0x4d: {  	_ =	shalt  }
0x4e: {  	_ =	shalt  }
0x4f: {  	_ =	shalt  }
0x50: {  	_ =	shalt  }
0x51: {  	_ =	shalt  }
0x52: {  	_ =	shalt  }
0x53: {  	_ =	shalt  }
0x54: {  	_ =	shalt  }
0x55: {  	_ =	shalt  }
0x56: {  	_ =	shalt  }
0x57: {  	_ =	shalt  }
0x58: {  	_ =	shalt  }
0x59: {  	_ =	shalt  }
0x5a: {  	_ =	shalt  }
0x5b: {  	_ =	shalt  }
0x5c: {  	_ =	shalt  }
0x5d: {  	_ =	shalt  }
0x5e: {  	_ =	shalt  }
0x5f: {  	_ =	shalt  }
0x60: {  	_ =	shalt  }
0x61: {  	_ =	shalt  }
0x62: {  	_ =	shalt  }
0x63: {  	_ =	shalt  }
0x64: {  	_ =	shalt  }
0x65: {  	_ =	shalt  }
0x66: {  	_ =	shalt  }
0x67: {  	_ =	shalt  }
0x68: {  	_ =	shalt  }
0x69: {  	_ =	shalt  }
0x6a: {  	_ =	shalt  }
0x6b: {  	_ =	shalt  }
0x6c: {  	_ =	shalt  }
0x6d: {  	_ =	shalt  }
0x6e: {  	_ =	shalt  }
0x6f: {  	_ =	shalt  }
0x70: {  	_ =	shalt  }
0x71: {  	_ =	shalt  }
0x72: {  	_ =	shalt  }
0x73: {  	_ =	shalt  }
0x74: {  	_ =	shalt  }
0x75: {  	_ =	shalt  }
0x76: {  	_ =	shalt  }
0x77: {  	_ =	shalt  }
0x78: {  	_ =	shalt  }
0x79: {  	_ =	shalt  }
0x7a: {  	_ =	shalt  }
0x7b: {  	_ =	shalt  }
0x7c: {  	_ =	shalt  }
0x7d: {  	_ =	shalt  }
0x7e: {  	_ =	shalt  }
0x7f: {  	_ =	shalt  }
0x80: {  	_ =	shalt  }
0x81: {  	_ =	shalt  }
0x82: {  	_ =	shalt  }
0x83: {  	_ =	shalt  }
0x84: {  	_ =	shalt  }
0x85: {  	_ =	shalt  }
0x86: {  	_ =	shalt  }
0x87: {  	_ =	shalt  }
.Lfunc_end0:
.L_simem_size_0:
called_computation.7_lowered:
.L_overlay_start_0:
0x88: {  	s2 =	sld [smem:$0x3FD9]  }
0x89: {  	s3 =	sld [smem:$0x3FFE];
	_ =	sdelay $0x1  }
0x8a: {  	s1 =	srdreg.scid  }
0x8b: {  	s0 =	sand.u32 $0x1, s1  }
0x8c: {  	s16 =	sshll.u32 s0, $0xA;
	s2 =	sadd.s32 s3, s2  }
0x8d: {  	s2 =	sadd.s32 s2, s16  }
0x8e: {  	[smem:$0x3F5E] =	sst s2  }
0x8f: {  	_ = 	snop  }
0x90: {  	(tm) =	ssettm $0x1  }
0x91: {  	s17 =	sld [smem:$0x3FFB];
	_ =	sdelay $0x3  }
0x92: {  	_ =	strace s17  }
0x93: {  	s2 =	sld [smem:$0x3FFC];
	_ =	sdelay $0x3  }
0x94: {  	_ =	strace s2  }
0x95: {  	s2 =	sld [smem:$0x3FFD];
	_ =	sdelay $0x3  }
0x96: {  	_ =	strace s2  }
0x97: {  	_ =	strace $0x8FFFFFFF  }
0x98: {  	s18 =	sld [smem:$0x3FDB];
	_ =	sdelay $0x1  }
0x99: {  	s19 =	simm.s32 $_scs_section_size  }
0x9a: {  	s4 =	simm.s32 $_size__tile_overlayer_lowered;
	s5 =	simm.s32 $_tile_overlayer_lowered  }
0x9b: {  	s22 =	simm.s32 $0x1BFF;
	s21 =	sshll.u32 s5, $0x1;
	s2 =	sadd.s32 s19, s18  }
0x9c: {  	s6 =	simm.s32 $0x0;
	s20 =	sshll.u32 s4, $0x1;
	s4 =	sadd.s32 s21, s2  }
0x9d: {  	[timem:s6], [sflag:s22] =	dma.local [hbm:s4], s20  }
0x9e: {  	_ =	swait.ge [sflag:s22], s20  }
0x9f: {  	s3 =	ssub.s32 $0x0, s20;
	[sflag:s22] =	ssyncset.done $0x0  }
0xa0: {  	[sflag:s22] =	ssyncadd.s32 s3;
	_ =	sdelay $0x1  }
0xa1: {  	s23 =	simm.s32 $0x1B8B  }
0xa2: {  	_ =	swait.ge [sflag:s23], $0x1  }
0xa3: {  	[sflag:s23] =	ssyncset.done $0x0  }
0xa4: {  	s25 =	simm.s32 $0x1B8E;
	s24 =	sld [smem:$0x3FFE];
	[sflag:s23] =	ssyncadd.s32 $0xFFFFFFFF  }
0xa5: {  	s26 =	simm.s32 $execute0_lowered;
	[smem:$0x3FD2] =	sst s25  }
0xa6: {  	s4 =	sshll.u32 s26, $0x1;
	_ =	strace $0x8000005B;
	[dreg:$0x1] =	wrdreg $0xFFFFFFFF  }
0xa7: {  	s28 =	simm.s32 $_size_execute0_lowered;
	s2 =	sadd.s32 s2, s4;
	[dreg:$0x0] =	wrdreg $0x0  }
0xa8: {  	s4 =	sshll.u32 s28, $0x1;
	[dreg:$0x2] =	wrdreg s2  }
0xa9: {  	[dreg:$0x3] =	wrdreg s4  }
0xaa: {  	[dreg:$0x4] =	wrdreg $0xC0  }
0xab: {  	_ =	task [dreg:s6], $0x5FFFF  }
0xac: {  	[dreg:$0x1] =	wrdreg $0xFFFFFFFF  }
0xad: {  	[dreg:$0x0] =	wrdreg $0x60  }
0xae: {  	[dreg:$0x2] =	wrdreg s24  }
0xaf: {  	[dreg:$0x3] =	wrdreg $0x9  }
0xb0: {  	_ =	task.clear_ibuf [dreg:s6], $0x4FFFF;
	_ =	strace $0x9000005B  }
0xb1: {  	s29 =	simm.s32 $0x9;
	_ =	strace $0x8000005D  }
0xb2: {  	_ =	swait.ge [sflag:s29], $0x1  }
0xb3: {  	[sflag:s29] =	ssyncadd.s32 $0xFFFFFFFF  }
0xb4: {  	_ =	strace $0x9000005D  }
0xb5: {  	_ =	sfence  }
0xb6: {  	s30 =	sld [smem:$0x0];
	_ =	sdelay $0x2  }
0xb7: {  	s31 =	sshll.u32 s1, $0xD;
	s1 =	sshrl.u32 s1, $0x2  }
0xb8: {  	s3 =	sand.u32 $0x4000, s31;
	s1 =	sadd.s32 s1, s30  }
0xb9: {  	s0 =	sor.u32 s3, s0;
	s1 =	sshll.u32 s1, $0x11  }
0xba: {  	s0 =	sor.u32 s1, s0  }
0xbb: {  	s0 =	sadd.s32 $0x8F2B, s0  }
0xbc: {  	[sflag:s0] =	ssyncadd.remote.s32 $0x1  }
0xbd: {  	_ =	sfence.sel $0xFFFF  }
0xbe: {  	[dreg:$0x0] =	wrdreg $0xFFFFFFFF;
	(pc) =	sbr.abs _section_cstart, $3  }
0xbf: {  	[dreg:$0x1] =	wrdreg $0xFFFFFFFF  }
0xc0: {  	_ =	task.clear_ibuf [dreg:s6], $0x2FFFF;
	_ =	strace $0x9FFFFFFF  }
0xc1: {  	(tm) =	ssettm $0x7FFFFFFF  }
tec
execute0_lowered:
.L_overlay_start_1:
0x0: {  	(tag) =	ssettag $0x1  }
0x1: {  	s1 =	srdreg.scid  }
0x2: {  	s0 =	stileid.u32;
	s4 =	rddreg [dreg:$0x0]  }
0x3: {  	s2 =	simm.s32 $0x0;
	s12 =	simm.s32 $0x1;
	s13 =	simm.s32 $0xA200  }
0x4: {  	s14 =	simm.s32 $0x2;
	s15 =	simm.s32 $0x3;
	s16 =	simm.s32 $0x0  }
0x5: {  	s5 =	sand.u32 $0x1, s1;
	s3 =	sshll.u32 s0, $0x1;
	s1 =	rddreg [dreg:$0x1]  }
0x6: {  	[smem:$0x7FF] =	sst s2;
	s10 =	smul.u32 $0xC4000, s0;
	s11 =	sadd.s32 $0x336600, s4  }
0x7: {  	s6 =	sor.u32 s5, s3;
	_ =	strace $0x8000005C;
	s30 =	smul.u32 $0x62000, s5  }
0x8: {  	s3 =	sadd.s32 $0xF76600, s4;
	s8 =	ssub.s32 $0x2, s5;
	s7 =	smul.u32 $0x6200, s6  }
0x9: {  	s6 =	smul.u32 $0x62000, s6;
	s9 =	sshrl.u32 s8, $0x1;
	s10 =	sadd.s32 s10, s11  }
0xa: {  	s8 =	ssub.s32 s8, s9;
	s31 =	sadd.s32 s30, s10;
	s9 =	simm.s32 $0x4  }
0xb: {  	s10 =	simm.s32 $0x80;
	s7 =	sshrl.u32 s7, $0x3;
	s5 =	sadd.s32 s11, s6  }
0xc: {  	s6 =	smax.u32 s8, $0x1;
	s8 =	sadd.s32 $0x1800, s31;
	s7 =	sadd.s32 s7, s4  }
0xd: {  	s11 =	simm.s32 $0x6200;
	s4 =	sadd.s32 $0x1AF000, s7;
	s7 =	sadd.s32 $0x800, s5  }
.LBB2_1:
0xe: {  	[tilespmem:s2], [sflag:$0x4] =	stream.linear.gather [hbm4b:s4+s2], $0x6200, $0x38;
	[tilespmem:$0xE200] =	vst v63  }
0xf: {  	_ =	swait.ge [sflag:s9], $0x6200  }
0x10: {  	[sflag:s9] =	ssyncset.done $0x0  }
0x11: {  	[sflag:s9] =	ssyncadd.s32 $0xFFFF9E00  }
0x12: {  	[tilespmem:s11], [sflag:$0x1] =	stream.indirect.gather [hbm4b:s3+s10], $0x80, s2, s10, $0xb8;
	[tilespmem:$0xE200] =	vst v63  }
0x13: {  	_ =	swait.ge [sflag:s12], $0x4000  }
0x14: {  	[sflag:s12] =	ssyncset.done $0x0  }
0x15: {  	[sflag:s12] =	ssyncadd.s32 $0xFFFFC000  }
0x16: {  	[hbm4b:s5+s2] =	stream.linear.scatter [tilespmem:s11], [sflag:$0x2], $0x4000, $0x38;
	[tilespmem:$0xE200] =	vst v63  }
0x17: {  	_ = 	snop  }
0x18: {  	[tilespmem:s13], [sflag:$0x1] =	stream.indirect.gather [hbm4b:s3+s10], $0x80, s10, s10, $0xb8;
	[tilespmem:$0xE200] =	vst v63  }
0x19: {  	_ =	swait.ge [sflag:s12], $0x4000  }
0x1a: {  	[sflag:s12] =	ssyncset.done $0x0  }
0x1b: {  	[sflag:s12] =	ssyncadd.s32 $0xFFFFC000  }
0x1c: {  	[hbm4b:s7+s2] =	stream.linear.scatter [tilespmem:s13], [sflag:$0x3], $0x4000, $0x38;
	[tilespmem:$0xE200] =	vst v63  }
0x1d: {  	_ =	swait.ge [sflag:s14], $0x4000  }
0x1e: {  	[sflag:s14] =	ssyncset.done $0x0  }
0x1f: {  	s17 =	simm.s32 $0x100;
	[sflag:s14] =	ssyncadd.s32 $0xFFFFC000  }
0x20: {  	[tilespmem:s11], [sflag:$0x1] =	stream.indirect.gather [hbm4b:s3+s10], $0x80, s17, s10, $0xb8;
	[tilespmem:$0xE200] =	vst v63  }
0x21: {  	_ =	swait.ge [sflag:s12], $0x4000  }
0x22: {  	[sflag:s12] =	ssyncset.done $0x0  }
0x23: {  	s30 =	sadd.s32 $0xFFFFF800, s8;
	[sflag:s12] =	ssyncadd.s32 $0xFFFFC000  }
0x24: {  	[hbm4b:s30+s2] =	stream.linear.scatter [tilespmem:s11], [sflag:$0x2], $0x4000, $0x38;
	[tilespmem:$0xE200] =	vst v63  }
0x25: {  	_ =	swait.ge [sflag:s15], $0x4000  }
0x26: {  	[sflag:s15] =	ssyncset.done $0x0  }
0x27: {  	s31 =	simm.s32 $0x180;
	[sflag:s15] =	ssyncadd.s32 $0xFFFFC000  }
0x28: {  	[tilespmem:s13], [sflag:$0x1] =	stream.indirect.gather [hbm4b:s3+s10], $0x80, s31, s10, $0xb8;
	[tilespmem:$0xE200] =	vst v63  }
0x29: {  	_ =	swait.ge [sflag:s12], $0x4000  }
0x2a: {  	s18 =	sadd.s32 $0x1000, s8;
	[sflag:s12] =	ssyncset.done $0x0  }
0x2b: {  	s19 =	smov.u32 s8;
	s17 =	simm.s32 $0x400;
	[sflag:s12] =	ssyncadd.s32 $0xFFFFC000  }
.LBB2_2:
0x2c: {  	[hbm4b:s19+s2] =	stream.linear.scatter [tilespmem:s13], [sflag:$0x3], $0x4000, $0x38;
	[tilespmem:$0xE200] =	vst v63  }
0x2d: {  	s20 =	smov.u32 s17;
	s19 =	smov.u32 s18  }
0x2e: {  	p0 =	sne.s32 s17, $0x18000;
	s17 =	sadd.s32 $0x400, s17;
	_ =	swait.ge [sflag:s14], $0x4000  }
0x2f: {  	s20 =	sshra.s32 s20, $0x2;
	[sflag:s14] =	ssyncset.done $0x0  }
0x30: {  	s21 =	sadd.s32 $0x100, s20;
	[sflag:s14] =	ssyncadd.s32 $0xFFFFC000  }
0x31: {  	[tilespmem:s11], [sflag:$0x1] =	stream.indirect.gather [hbm4b:s3+s10], $0x80, s21, s10, $0xb8;
	[tilespmem:$0xE200] =	vst v63  }
0x32: {  	_ =	swait.ge [sflag:s12], $0x4000  }
0x33: {  	[sflag:s12] =	ssyncset.done $0x0  }
0x34: {  	s21 =	sadd.s32 $0xFFFFF800, s18;
	[sflag:s12] =	ssyncadd.s32 $0xFFFFC000  }
0x35: {  	[hbm4b:s21+s2] =	stream.linear.scatter [tilespmem:s11], [sflag:$0x2], $0x4000, $0x38;
	[tilespmem:$0xE200] =	vst v63  }
0x36: {  	_ =	swait.ge [sflag:s15], $0x4000  }
0x37: {  	[sflag:s15] =	ssyncset.done $0x0  }
.Ltmp0:
0x38: {  	s20 =	sadd.s32 $0x180, s20;
	[sflag:s15] =	ssyncadd.s32 $0xFFFFC000;
	(pc) =	sbr.rel @p0 .LBB2_2-.Ltmp0, $4  }
0x39: {  	[tilespmem:s13], [sflag:$0x1] =	stream.indirect.gather [hbm4b:s3+s10], $0x80, s20, s10, $0xb8;
	[tilespmem:$0xE200] =	vst v63  }
0x3a: {  	_ =	swait.ge [sflag:s12], $0x4000  }
0x3b: {  	[sflag:s12] =	ssyncset.done $0x0  }
0x3c: {  	s18 =	sadd.s32 $0x1000, s18;
	[sflag:s12] =	ssyncadd.s32 $0xFFFFC000  }
0x3d: {  	[hbm4b:s19+s2] =	stream.linear.scatter [tilespmem:s13], [sflag:$0x3], $0x4000, $0x38;
	[tilespmem:$0xE200] =	vst v63  }
0x3e: {  	s16 =	sadd.s32 $0x1, s16  }
0x3f: {  	_ =	swait.ge [sflag:s14], $0x4000;
	p0 =	sne.s32 s16, s6  }
.Ltmp1:
0x40: {  	[sflag:s14] =	ssyncset.done $0x0;
	(pc) =	sbr.rel @p0 .LBB2_1-.Ltmp1, $4  }
0x41: {  	[sflag:s14] =	ssyncadd.s32 $0xFFFFC000  }
0x42: {  	_ =	swait.ge [sflag:s15], $0x4000  }
0x43: {  	[sflag:s15] =	ssyncset.done $0x0  }
0x44: {  	[sflag:s15] =	ssyncadd.s32 $0xFFFFC000  }
0x45: {  	_ =	sfence.sel $0x180000  }
0x46: {  	[bflag:$0x0] =	sbarrier.arrive $0xFFFF  }
0x47: {  	p0 =	sne.s32 s0, $0x0;
	_ =	strace $0x9000005C  }
0x48: {  	s0 =	sadd.s32 @!p0 $0x100000, s1;
	[bflag:$0x2] =	sbarrier.arrive $0xFFFF  }
0x49: {  	[sflag:s0] =	ssyncadd.tile.s32 @!p0 $0x1;
	_ =	shalt  }
.Lfunc_end2:
_tile_overlayer_lowered:
.L_overlay_start_2:
0x4a: {  	(tag) =	ssettag $0x2  }
0x4b: {  	s0 =	rddreg [dreg:$0x0];
	s2 =	stileid.u32  }
0x4c: {  	s1 =	rddreg [dreg:$0x1];
	p0 =	sne.s32 s2, $0x0  }
0x4d: {  	s3 =	rddreg [dreg:$0x2];
	[bflag:$0x3] =	sbarrier.arrive $0xFFFF;
	s2 =	simm.s32 @!p0 $0x1C04  }
0x4e: {  	[timem:s3], [sflag:s2] =	dma.local @!p0 [hbm:s0], s1  }
0x4f: {  	s0 =	simm.s32 @!p0 $0x4  }
0x50: {  	_ =	swait.ge @!p0 [sflag:s0], s1  }
0x51: {  	s1 =	ssub.s32 @!p0 $0x0, s1;
	[sflag:s0] =	ssyncset.done @!p0 $0x0  }
0x52: {  	[sflag:s0] =	ssyncadd.s32 @!p0 s1  }
0x53: {  	[bflag:$0x3] =	sbarrier.arrive $0xFFFF  }
0x54: {  	_ =	shalt  }

</sc_bundles>
